<compile_context>
chip_gen: v7x
topology: tpu7x:2x2x1
jax: 0.10.2.dev20260603
libtpu: 0.0.44.dev20260713+nightly
codegen_flags: <defaults>
</compile_context>

<pallas_src>
import jax
import jax.numpy as jnp
from jax import lax
from jax.experimental import pallas as pl
from jax.experimental.pallas import tpu as pltpu
from jax.experimental.pallas import tpu_sc as plsc

B = 16384
K = 26
N_OPS = 38461
D = 32
N = B * K
TOTAL = K * N_OPS
NC, NS = 2, 16
NW = NC * NS
RPW = N // NW
STEP = 128
S = RPW // STEP
GROUP = 8
NG = S // GROUP
GR = GROUP * STEP

MLP_TB = 16384
QB = MLP_TB // 8
NBLK = pl.cdiv(TOTAL, MLP_TB)
T4 = NBLK * MLP_TB



def _mlp_body(x_ref, w1_ref, b1_ref, w2_ref, b2_ref, o_ref):
    x = x_ref[...]
    x256 = jnp.concatenate([x[:, c * QB:(c + 1) * QB] for c in range(8)], axis=0)
    h = jnp.dot(w1_ref[...], x256, preferred_element_type=jnp.float32) + b1_ref[...]
    h = 0.5 * h * (1.0 + lax.erf(h * 0.7071067811865476))
    y = jnp.dot(w2_ref[...], h, preferred_element_type=jnp.float32) + b2_ref[...]
    o_ref[...] = jnp.concatenate([y[:128, :].T, y[128:, :].T], axis=0)


def _tc_mlp_table(table_t, w1bd, b1bd, w2bd, b2bd):
    return pl.pallas_call(
        _mlp_body,
        grid=(NBLK,),
        in_specs=[
            pl.BlockSpec((D, MLP_TB), lambda i: (0, i)),
            pl.BlockSpec((256, 256), lambda i: (0, 0)),
            pl.BlockSpec((256, 1), lambda i: (0, 0)),
            pl.BlockSpec((256, 256), lambda i: (0, 0)),
            pl.BlockSpec((256, 1), lambda i: (0, 0)),
        ],
        out_specs=pl.BlockSpec((2 * QB, 128), lambda i: (i, 0)),
        out_shape=jax.ShapeDtypeStruct((NBLK * 2 * QB, 128), jnp.float32),
    )(table_t, w1bd, b1bd, w2bd, b2bd)



def _sc_gather_body(idx_hbm, table_hbm, out_hbm,
                    idx_v, buf_a, buf_b, rows_t, sga, sgb):
    c = lax.axis_index("c")
    s = lax.axis_index("s")
    wid = s * NC + c
    base = wid * RPW
    pltpu.sync_copy(idx_hbm.at[wid], idx_v)

    lane = lax.iota(jnp.int32, 16)
    lane16 = lane + 16
    fpart0 = (lane >> 3) * 8192 + (lane & 7) * 128
    fpart1 = (lane16 >> 3) * 8192 + (lane16 & 7) * 128

    def fire(g, buf, sem):
        for i in range(GROUP):
            pltpu.async_copy(
                table_hbm.at[idx_v.at[g * GROUP + i]],
                buf.at[pl.ds(i * STEP, STEP)],
                sem)

    def drain(g, buf, sem):
        for i in range(GROUP):
            pltpu.make_async_copy(
                table_hbm.at[idx_v.at[g * GROUP + i]],
                buf.at[pl.ds(i * STEP, STEP)],
                sem).wait()

    def transpose_wb(g, buf):
        def tr(tc, carry):
            t0 = tc * 16
            tpart0 = ((t0 >> 7) << 10) + (t0 & 127)
            base0 = fpart0 + tpart0
            base1 = fpart1 + tpart0
            row0 = jnp.zeros((16,), jnp.int32) + t0
            for s in range(16):
                w = (lane + s) & 15
                rows = row0 + w
                v0 = plsc.load_gather(buf, [rows, lane])
                plsc.store_scatter(rows_t, [base0 + w], v0)
                v1 = plsc.load_gather(buf, [rows, lane16])
                plsc.store_scatter(rows_t, [base1 + w], v1)
            return carry

        lax.fori_loop(0, GR // 16, tr, 0)
        n0 = base + g * GR
        k = n0 // B
        w0 = (n0 % B) * 8
        for jt in range(4):
            pltpu.sync_copy(rows_t.at[pl.ds(jt * 8192, 8192)],
                            out_hbm.at[k, pl.ds(jt * 131072 + w0, 8192)])

    fire(0, buf_a, sga)

    def pair(u, carry):
        ga = 2 * u
        fire(ga + 1, buf_b, sgb)
        drain(ga, buf_a, sga)
        transpose_wb(ga, buf_a)
        fire(ga + 2, buf_a, sga)
        drain(ga + 1, buf_b, sgb)
        transpose_wb(ga + 1, buf_b)
        return carry

    lax.fori_loop(0, (NG - 1) // 2, pair, 0)
    drain(NG - 1, buf_a, sga)
    transpose_wb(NG - 1, buf_a)


def _sc_gather(idx3, table4):
    mesh = plsc.VectorSubcoreMesh(
        core_axis_name="c", subcore_axis_name="s", num_cores=NC, num_subcores=NS)
    return pl.kernel(
        _sc_gather_body,
        out_type=jax.ShapeDtypeStruct((K, D * B), jnp.float32),
        mesh=mesh,
        scratch_types=[
            pltpu.VMEM((S, STEP), jnp.int32),
            pltpu.VMEM((GR, D), jnp.float32),
            pltpu.VMEM((GR, D), jnp.float32),
            pltpu.VMEM((D * GR,), jnp.float32),
            pltpu.SemaphoreType.DMA,
            pltpu.SemaphoreType.DMA,
        ],
        compiler_params=pltpu.CompilerParams(
            use_tc_tiling_on_sc=False, needs_layout_passes=False,
            disable_bounds_checks=True),
    )(idx3, table4)



def kernel(attrs, attr_shift, unknown_index, table, W1, b1, W2, b2):
    attrs_t = attrs.T.astype(jnp.int32)
    unk = unknown_index.astype(jnp.int32)[:, None]
    r = jnp.where(attrs_t < 0, unk, attrs_t) + attr_shift.astype(jnp.int32).T
    rho = ((r >> 13) << 13) + ((r & 2047) << 2) + ((r >> 11) & 3)
    idx3 = rho.reshape(NW, S, STEP)

    eye8 = jnp.eye(8, dtype=jnp.float32)
    w1bd = jnp.kron(eye8, W1.T)
    w2bd = jnp.kron(eye8, W2.T)
    b1bd = jnp.tile(b1, 8).reshape(256, 1)
    b2bd = jnp.tile(b2, 8).reshape(256, 1)

    table2 = _tc_mlp_table(table.T, w1bd, b1bd, w2bd, b2bd)
    table4 = table2.reshape(T4, D)

    out2 = _sc_gather(idx3, table4)
    out5 = out2.reshape(K, 4, B // 128, 8, 128)
    return out5.transpose(2, 4, 0, 1, 3).reshape(B, K, D)

# --- scband reference (transcript-rebuilt; emitter-appended) ---
"""Pipeline reference for scband-attribute-encoder-73280732004857 (READ-ONLY COPY).

The authoritative reference and input builder live on the scoring server;
editing this copy changes nothing except your own understanding.
"""

import jax, jax.numpy as jnp
import numpy as np

B = 16384
K = 26
N_OPS = 38461
D = 32
TOTAL = K * N_OPS


def setup_inputs(seed: int = 0) -> dict:
    key = jax.random.key(seed)
    k1, k2, k3, k4, k5, k6 = jax.random.split(key, 6)
    attrs = jax.random.randint(k1, (B, K), 0, N_OPS, dtype=jnp.int64)
    # cumulative shift per attribute: [0, N, 2N, ...]
    shift = np.cumsum([N_OPS] * K)
    shift = np.insert(shift, 0, 0)[:-1]
    attr_shift = jnp.asarray(shift, dtype=jnp.int64).reshape(1, K)
    unknown_index = jnp.full((K,), N_OPS - 1, dtype=jnp.int64)
    # embedding table (nn.Embedding default init N(0,1))
    table = jax.random.normal(k2, (TOTAL, D), dtype=jnp.float32)
    # out_proj: Linear(D,D) -> GELU -> Linear(D,D)
    lim = 1.0 / np.sqrt(D)
    W1 = jax.random.uniform(k3, (D, D), jnp.float32, -lim, lim)
    b1 = jax.random.uniform(k4, (D,), jnp.float32, -lim, lim)
    W2 = jax.random.uniform(k5, (D, D), jnp.float32, -lim, lim)
    b2 = jax.random.uniform(k6, (D,), jnp.float32, -lim, lim)
    return {"attrs": attrs, "attr_shift": attr_shift, "unknown_index": unknown_index,
            "table": table, "W1": W1, "b1": b1, "W2": W2, "b2": b2}


def reference(attrs, attr_shift, unknown_index, table, W1, b1, W2, b2):
    attrs = attrs.astype(jnp.int64)
    # replace negative (unknown) indices with per-attribute unknown index
    unk = jnp.broadcast_to(unknown_index[None, :], attrs.shape)
    attrs = jnp.where(attrs < 0, unk, attrs)
    # shifted heterogeneous embedding lookup -> (B, K, D)
    emb = jnp.take(table, attrs + attr_shift, axis=0)
    # out_proj MLP (torch GELU default is exact erf form)
    h = jax.nn.gelu(emb @ W1 + b1, approximate=False)
    out = h @ W2 + b2
    return out

if __name__ == "__main__":
    import jax
    _d = setup_inputs()
    print(jax.jit(kernel)(*tuple(_d.values())))

</pallas_src>

<mosaic_0001>
#map = affine_map<(d0, d1) -> (0, 0, 0)>
#map1 = affine_map<(d0, d1) -> (0, 0)>
module attributes {stable_mosaic.version = 14 : i64} {
  func.func @_sc_gather_body(%arg0: i32, %arg1: i32, %arg2: memref<32x104x128xi32, #tpu.memory_space<hbm>>, %arg3: memref<1015808x32xf32, #tpu.memory_space<hbm>>, %arg4: memref<26x524288xf32, #tpu.memory_space<hbm>>, %arg5: memref<104x128xi32, #tpu.memory_space<vmem>>, %arg6: memref<1024x32xf32, #tpu.memory_space<vmem>>, %arg7: memref<1024x32xf32, #tpu.memory_space<vmem>>, %arg8: memref<32768xf32, #tpu.memory_space<vmem>>, %arg9: memref<!tpu.dma_semaphore, #tpu.memory_space<semaphore_mem>>, %arg10: memref<!tpu.dma_semaphore, #tpu.memory_space<semaphore_mem>>) attributes {dimension_semantics = [#tpu.dimension_semantics<core_parallel>, #tpu.dimension_semantics<subcore_parallel>], iteration_bounds = array<i64: 2, 16>, scalar_prefetch = 0 : i64, scratch_operands = 6 : i64, tpu.core_type = #tpu.core_type<sc_vector_subcore>, window_params = [{transform_indices = #map}, {transform_indices = #map1}, {transform_indices = #map1}]} {
    %mul3A = arith.constant 2 : i32
    %mul3A_0 = arith.muli %arg1, %mul3A : i32
    %add3A = arith.addi %mul3A_0, %arg0 : i32
    %mul3A_1 = arith.constant 13312 : i32
    %mul3A_2 = arith.muli %add3A, %mul3A_1 : i32
    "tpu.region"() ({
      %run_scoped3A = tpu.sem_alloc : memref<!tpu.dma_semaphore, #tpu.memory_space<semaphore_mem>>
      %dma_start3A_242 = arith.constant 0 : i32
      %dma_start3A_243 = arith.constant 0 : i32
      %dma_start3A_244 = tpu.memref_slice %arg2[%add3A, %dma_start3A_242, %dma_start3A_243] : memref<32x104x128xi32, #tpu.memory_space<hbm>> -> memref<1x104x128xi32, #tpu.memory_space<hbm>>
      %dma_start3A_245 = tpu.memref_squeeze %dma_start3A_244 : memref<1x104x128xi32, #tpu.memory_space<hbm>> -> memref<104x128xi32, #tpu.memory_space<hbm>>
      %dma_start3A_246 = arith.constant 0 : i32
      %dma_start3A_247 = arith.constant 0 : i32
      %dma_start3A_248 = tpu.memref_slice %arg2[%add3A, %dma_start3A_246, %dma_start3A_247] : memref<32x104x128xi32, #tpu.memory_space<hbm>> -> memref<1x104x128xi32, #tpu.memory_space<hbm>>
      %dma_start3A_249 = tpu.memref_squeeze %dma_start3A_248 : memref<1x104x128xi32, #tpu.memory_space<hbm>> -> memref<104x128xi32, #tpu.memory_space<hbm>>
      tpu.enqueue_dma source(%dma_start3A_249 : memref<104x128xi32, #tpu.memory_space<hbm>>) target(%arg5 : memref<104x128xi32, #tpu.memory_space<vmem>>) target_semaphore(%run_scoped3A : memref<!tpu.dma_semaphore, #tpu.memory_space<semaphore_mem>>)
      %dma_wait3A_250 = arith.constant 0 : i32
      %dma_wait3A_251 = arith.constant 0 : i32
      %dma_wait3A_252 = tpu.memref_slice %arg2[%add3A, %dma_wait3A_250, %dma_wait3A_251] : memref<32x104x128xi32, #tpu.memory_space<hbm>> -> memref<1x104x128xi32, #tpu.memory_space<hbm>>
      %dma_wait3A_253 = tpu.memref_squeeze %dma_wait3A_252 : memref<1x104x128xi32, #tpu.memory_space<hbm>> -> memref<104x128xi32, #tpu.memory_space<hbm>>
      %dma_wait3A_254 = arith.constant 0 : i32
      %dma_wait3A_255 = arith.constant 0 : i32
      %dma_wait3A_256 = tpu.memref_slice %arg2[%add3A, %dma_wait3A_254, %dma_wait3A_255] : memref<32x104x128xi32, #tpu.memory_space<hbm>> -> memref<1x104x128xi32, #tpu.memory_space<hbm>>
      %dma_wait3A_257 = tpu.memref_squeeze %dma_wait3A_256 : memref<1x104x128xi32, #tpu.memory_space<hbm>> -> memref<104x128xi32, #tpu.memory_space<hbm>>
      tpu.wait_dma2 semaphore(%run_scoped3A : memref<!tpu.dma_semaphore, #tpu.memory_space<semaphore_mem>>) src(%dma_wait3A_257 : memref<104x128xi32, #tpu.memory_space<hbm>>) dst(%arg5 : memref<104x128xi32, #tpu.memory_space<vmem>>)
      tpu.yield
    }) : () -> ()
    %iota3A = tpu.iota {dimensions = array<i32: 0>} : vector<16xi32>
    %add3A_3 = arith.constant 16 : i32
    %add3A_4 = vector.broadcast %add3A_3 : i32 to vector<16xi32>
    %add3A_5 = arith.addi %iota3A, %add3A_4 : vector<16xi32>
    %shift_right_arithmetic3A = arith.constant 3 : i32
    %shift_right_arithmetic3A_6 = vector.broadcast %shift_right_arithmetic3A : i32 to vector<16xi32>
    %shift_right_arithmetic3A_7 = arith.shrsi %iota3A, %shift_right_arithmetic3A_6 : vector<16xi32>
    %mul3A_8 = arith.constant 8192 : i32
    %mul3A_9 = vector.broadcast %mul3A_8 : i32 to vector<16xi32>
    %mul3A_10 = arith.muli %shift_right_arithmetic3A_7, %mul3A_9 : vector<16xi32>
    %and3A = arith.constant 7 : i32
    %and3A_11 = vector.broadcast %and3A : i32 to vector<16xi32>
    %and3A_12 = arith.andi %iota3A, %and3A_11 : vector<16xi32>
    %mul3A_13 = arith.constant 128 : i32
    %mul3A_14 = vector.broadcast %mul3A_13 : i32 to vector<16xi32>
    %mul3A_15 = arith.muli %and3A_12, %mul3A_14 : vector<16xi32>
    %add3A_16 = arith.addi %mul3A_10, %mul3A_15 : vector<16xi32>
    %shift_right_arithmetic3A_17 = arith.constant 3 : i32
    %shift_right_arithmetic3A_18 = vector.broadcast %shift_right_arithmetic3A_17 : i32 to vector<16xi32>
    %shift_right_arithmetic3A_19 = arith.shrsi %add3A_5, %shift_right_arithmetic3A_18 : vector<16xi32>
    %mul3A_20 = arith.constant 8192 : i32
    %mul3A_21 = vector.broadcast %mul3A_20 : i32 to vector<16xi32>
    %mul3A_22 = arith.muli %shift_right_arithmetic3A_19, %mul3A_21 : vector<16xi32>
    %and3A_23 = arith.constant 7 : i32
    %and3A_24 = vector.broadcast %and3A_23 : i32 to vector<16xi32>
    %and3A_25 = arith.andi %add3A_5, %and3A_24 : vector<16xi32>
    %mul3A_26 = arith.constant 128 : i32
    %mul3A_27 = vector.broadcast %mul3A_26 : i32 to vector<16xi32>
    %mul3A_28 = arith.muli %and3A_25, %mul3A_27 : vector<16xi32>
    %add3A_29 = arith.addi %mul3A_22, %mul3A_28 : vector<16xi32>
    %dma_start3A = arith.constant 0 : i32
    %dma_start3A_30 = arith.constant 0 : i32
    %dma_start3A_31 = arith.constant 0 : i32
    %dma_start3A_32 = tpu.memref_slice %arg6[%dma_start3A_30, %dma_start3A_31] : memref<1024x32xf32, #tpu.memory_space<vmem>> -> memref<128x32xf32, #tpu.memory_space<vmem>>
    %dma_start3A_33 = arith.constant 0 : i32
    %dma_start3A_34 = tpu.memref_slice %arg5[%dma_start3A, %dma_start3A_33] : memref<104x128xi32, #tpu.memory_space<vmem>> -> memref<1x128xi32, #tpu.memory_space<vmem>>
    %dma_start3A_35 = tpu.memref_squeeze %dma_start3A_34 : memref<1x128xi32, #tpu.memory_space<vmem>> -> memref<128xi32, #tpu.memory_space<vmem>>
    %dma_start3A_36 = arith.constant 0 : i32
    %dma_start3A_37 = arith.constant 0 : i32
    %dma_start3A_38 = tpu.memref_slice %arg3[%dma_start3A_36, %dma_start3A_37] : memref<1015808x32xf32, #tpu.memory_space<hbm>> -> memref<1015808x32xf32, #tpu.memory_space<hbm>>
    tpu.enqueue_indirect_dma source(%dma_start3A_38 : memref<1015808x32xf32, #tpu.memory_space<hbm>>) target(%dma_start3A_32 : memref<128x32xf32, #tpu.memory_space<vmem>>) offsets(%dma_start3A_35 : memref<128xi32, #tpu.memory_space<vmem>>) semaphore(%arg9 : memref<!tpu.dma_semaphore, #tpu.memory_space<semaphore_mem>>)
    %dma_start3A_39 = arith.constant 1 : i32
    %dma_start3A_40 = arith.constant 128 : i32
    %dma_start3A_41 = arith.constant 0 : i32
    %dma_start3A_42 = tpu.memref_slice %arg6[%dma_start3A_40, %dma_start3A_41] : memref<1024x32xf32, #tpu.memory_space<vmem>> -> memref<128x32xf32, #tpu.memory_space<vmem>>
    %dma_start3A_43 = arith.constant 0 : i32
    %dma_start3A_44 = tpu.memref_slice %arg5[%dma_start3A_39, %dma_start3A_43] : memref<104x128xi32, #tpu.memory_space<vmem>> -> memref<1x128xi32, #tpu.memory_space<vmem>>
    %dma_start3A_45 = tpu.memref_squeeze %dma_start3A_44 : memref<1x128xi32, #tpu.memory_space<vmem>> -> memref<128xi32, #tpu.memory_space<vmem>>
    %dma_start3A_46 = arith.constant 0 : i32
    %dma_start3A_47 = arith.constant 0 : i32
    %dma_start3A_48 = tpu.memref_slice %arg3[%dma_start3A_46, %dma_start3A_47] : memref<1015808x32xf32, #tpu.memory_space<hbm>> -> memref<1015808x32xf32, #tpu.memory_space<hbm>>
    tpu.enqueue_indirect_dma source(%dma_start3A_48 : memref<1015808x32xf32, #tpu.memory_space<hbm>>) target(%dma_start3A_42 : memref<128x32xf32, #tpu.memory_space<vmem>>) offsets(%dma_start3A_45 : memref<128xi32, #tpu.memory_space<vmem>>) semaphore(%arg9 : memref<!tpu.dma_semaphore, #tpu.memory_space<semaphore_mem>>)
    %dma_start3A_49 = arith.constant 2 : i32
    %dma_start3A_50 = arith.constant 256 : i32
    %dma_start3A_51 = arith.constant 0 : i32
    %dma_start3A_52 = tpu.memref_slice %arg6[%dma_start3A_50, %dma_start3A_51] : memref<1024x32xf32, #tpu.memory_space<vmem>> -> memref<128x32xf32, #tpu.memory_space<vmem>>
    %dma_start3A_53 = arith.constant 0 : i32
    %dma_start3A_54 = tpu.memref_slice %arg5[%dma_start3A_49, %dma_start3A_53] : memref<104x128xi32, #tpu.memory_space<vmem>> -> memref<1x128xi32, #tpu.memory_space<vmem>>
    %dma_start3A_55 = tpu.memref_squeeze %dma_start3A_54 : memref<1x128xi32, #tpu.memory_space<vmem>> -> memref<128xi32, #tpu.memory_space<vmem>>
    %dma_start3A_56 = arith.constant 0 : i32
    %dma_start3A_57 = arith.constant 0 : i32
    %dma_start3A_58 = tpu.memref_slice %arg3[%dma_start3A_56, %dma_start3A_57] : memref<1015808x32xf32, #tpu.memory_space<hbm>> -> memref<1015808x32xf32, #tpu.memory_space<hbm>>
    tpu.enqueue_indirect_dma source(%dma_start3A_58 : memref<1015808x32xf32, #tpu.memory_space<hbm>>) target(%dma_start3A_52 : memref<128x32xf32, #tpu.memory_space<vmem>>) offsets(%dma_start3A_55 : memref<128xi32, #tpu.memory_space<vmem>>) semaphore(%arg9 : memref<!tpu.dma_semaphore, #tpu.memory_space<semaphore_mem>>)
    %dma_start3A_59 = arith.constant 3 : i32
    %dma_start3A_60 = arith.constant 384 : i32
    %dma_start3A_61 = arith.constant 0 : i32
    %dma_start3A_62 = tpu.memref_slice %arg6[%dma_start3A_60, %dma_start3A_61] : memref<1024x32xf32, #tpu.memory_space<vmem>> -> memref<128x32xf32, #tpu.memory_space<vmem>>
    %dma_start3A_63 = arith.constant 0 : i32
    %dma_start3A_64 = tpu.memref_slice %arg5[%dma_start3A_59, %dma_start3A_63] : memref<104x128xi32, #tpu.memory_space<vmem>> -> memref<1x128xi32, #tpu.memory_space<vmem>>
    %dma_start3A_65 = tpu.memref_squeeze %dma_start3A_64 : memref<1x128xi32, #tpu.memory_space<vmem>> -> memref<128xi32, #tpu.memory_space<vmem>>
    %dma_start3A_66 = arith.constant 0 : i32
    %dma_start3A_67 = arith.constant 0 : i32
    %dma_start3A_68 = tpu.memref_slice %arg3[%dma_start3A_66, %dma_start3A_67] : memref<1015808x32xf32, #tpu.memory_space<hbm>> -> memref<1015808x32xf32, #tpu.memory_space<hbm>>
    tpu.enqueue_indirect_dma source(%dma_start3A_68 : memref<1015808x32xf32, #tpu.memory_space<hbm>>) target(%dma_start3A_62 : memref<128x32xf32, #tpu.memory_space<vmem>>) offsets(%dma_start3A_65 : memref<128xi32, #tpu.memory_space<vmem>>) semaphore(%arg9 : memref<!tpu.dma_semaphore, #tpu.memory_space<semaphore_mem>>)
    %dma_start3A_69 = arith.constant 4 : i32
    %dma_start3A_70 = arith.constant 512 : i32
    %dma_start3A_71 = arith.constant 0 : i32
    %dma_start3A_72 = tpu.memref_slice %arg6[%dma_start3A_70, %dma_start3A_71] : memref<1024x32xf32, #tpu.memory_space<vmem>> -> memref<128x32xf32, #tpu.memory_space<vmem>>
    %dma_start3A_73 = arith.constant 0 : i32
    %dma_start3A_74 = tpu.memref_slice %arg5[%dma_start3A_69, %dma_start3A_73] : memref<104x128xi32, #tpu.memory_space<vmem>> -> memref<1x128xi32, #tpu.memory_space<vmem>>
    %dma_start3A_75 = tpu.memref_squeeze %dma_start3A_74 : memref<1x128xi32, #tpu.memory_space<vmem>> -> memref<128xi32, #tpu.memory_space<vmem>>
    %dma_start3A_76 = arith.constant 0 : i32
    %dma_start3A_77 = arith.constant 0 : i32
    %dma_start3A_78 = tpu.memref_slice %arg3[%dma_start3A_76, %dma_start3A_77] : memref<1015808x32xf32, #tpu.memory_space<hbm>> -> memref<1015808x32xf32, #tpu.memory_space<hbm>>
    tpu.enqueue_indirect_dma source(%dma_start3A_78 : memref<1015808x32xf32, #tpu.memory_space<hbm>>) target(%dma_start3A_72 : memref<128x32xf32, #tpu.memory_space<vmem>>) offsets(%dma_start3A_75 : memref<128xi32, #tpu.memory_space<vmem>>) semaphore(%arg9 : memref<!tpu.dma_semaphore, #tpu.memory_space<semaphore_mem>>)
    %dma_start3A_79 = arith.constant 5 : i32
    %dma_start3A_80 = arith.constant 640 : i32
    %dma_start3A_81 = arith.constant 0 : i32
    %dma_start3A_82 = tpu.memref_slice %arg6[%dma_start3A_80, %dma_start3A_81] : memref<1024x32xf32, #tpu.memory_space<vmem>> -> memref<128x32xf32, #tpu.memory_space<vmem>>
    %dma_start3A_83 = arith.constant 0 : i32
    %dma_start3A_84 = tpu.memref_slice %arg5[%dma_start3A_79, %dma_start3A_83] : memref<104x128xi32, #tpu.memory_space<vmem>> -> memref<1x128xi32, #tpu.memory_space<vmem>>
    %dma_start3A_85 = tpu.memref_squeeze %dma_start3A_84 : memref<1x128xi32, #tpu.memory_space<vmem>> -> memref<128xi32, #tpu.memory_space<vmem>>
    %dma_start3A_86 = arith.constant 0 : i32
    %dma_start3A_87 = arith.constant 0 : i32
    %dma_start3A_88 = tpu.memref_slice %arg3[%dma_start3A_86, %dma_start3A_87] : memref<1015808x32xf32, #tpu.memory_space<hbm>> -> memref<1015808x32xf32, #tpu.memory_space<hbm>>
    tpu.enqueue_indirect_dma source(%dma_start3A_88 : memref<1015808x32xf32, #tpu.memory_space<hbm>>) target(%dma_start3A_82 : memref<128x32xf32, #tpu.memory_space<vmem>>) offsets(%dma_start3A_85 : memref<128xi32, #tpu.memory_space<vmem>>) semaphore(%arg9 : memref<!tpu.dma_semaphore, #tpu.memory_space<semaphore_mem>>)
    %dma_start3A_89 = arith.constant 6 : i32
    %dma_start3A_90 = arith.constant 768 : i32
    %dma_start3A_91 = arith.constant 0 : i32
    %dma_start3A_92 = tpu.memref_slice %arg6[%dma_start3A_90, %dma_start3A_91] : memref<1024x32xf32, #tpu.memory_space<vmem>> -> memref<128x32xf32, #tpu.memory_space<vmem>>
    %dma_start3A_93 = arith.constant 0 : i32
    %dma_start3A_94 = tpu.memref_slice %arg5[%dma_start3A_89, %dma_start3A_93] : memref<104x128xi32, #tpu.memory_space<vmem>> -> memref<1x128xi32, #tpu.memory_space<vmem>>
    %dma_start3A_95 = tpu.memref_squeeze %dma_start3A_94 : memref<1x128xi32, #tpu.memory_space<vmem>> -> memref<128xi32, #tpu.memory_space<vmem>>
    %dma_start3A_96 = arith.constant 0 : i32
    %dma_start3A_97 = arith.constant 0 : i32
    %dma_start3A_98 = tpu.memref_slice %arg3[%dma_start3A_96, %dma_start3A_97] : memref<1015808x32xf32, #tpu.memory_space<hbm>> -> memref<1015808x32xf32, #tpu.memory_space<hbm>>
    tpu.enqueue_indirect_dma source(%dma_start3A_98 : memref<1015808x32xf32, #tpu.memory_space<hbm>>) target(%dma_start3A_92 : memref<128x32xf32, #tpu.memory_space<vmem>>) offsets(%dma_start3A_95 : memref<128xi32, #tpu.memory_space<vmem>>) semaphore(%arg9 : memref<!tpu.dma_semaphore, #tpu.memory_space<semaphore_mem>>)
    %dma_start3A_99 = arith.constant 7 : i32
    %dma_start3A_100 = arith.constant 896 : i32
    %dma_start3A_101 = arith.constant 0 : i32
    %dma_start3A_102 = tpu.memref_slice %arg6[%dma_start3A_100, %dma_start3A_101] : memref<1024x32xf32, #tpu.memory_space<vmem>> -> memref<128x32xf32, #tpu.memory_space<vmem>>
    %dma_start3A_103 = arith.constant 0 : i32
    %dma_start3A_104 = tpu.memref_slice %arg5[%dma_start3A_99, %dma_start3A_103] : memref<104x128xi32, #tpu.memory_space<vmem>> -> memref<1x128xi32, #tpu.memory_space<vmem>>
    %dma_start3A_105 = tpu.memref_squeeze %dma_start3A_104 : memref<1x128xi32, #tpu.memory_space<vmem>> -> memref<128xi32, #tpu.memory_space<vmem>>
    %dma_start3A_106 = arith.constant 0 : i32
    %dma_start3A_107 = arith.constant 0 : i32
    %dma_start3A_108 = tpu.memref_slice %arg3[%dma_start3A_106, %dma_start3A_107] : memref<1015808x32xf32, #tpu.memory_space<hbm>> -> memref<1015808x32xf32, #tpu.memory_space<hbm>>
    tpu.enqueue_indirect_dma source(%dma_start3A_108 : memref<1015808x32xf32, #tpu.memory_space<hbm>>) target(%dma_start3A_102 : memref<128x32xf32, #tpu.memory_space<vmem>>) offsets(%dma_start3A_105 : memref<128xi32, #tpu.memory_space<vmem>>) semaphore(%arg9 : memref<!tpu.dma_semaphore, #tpu.memory_space<semaphore_mem>>)
    %scan3A = arith.constant 0 : i32
    %scan3A_109 = arith.constant 0 : i32
    %scan3A_110 = arith.constant 6 : i32
    %scan3A_111 = arith.addi %scan3A_109, %scan3A_110 : i32
    %scan3A_112 = arith.constant 1 : i32
    scf.for %scan3A_242 = %scan3A_109 to %scan3A_111 step %scan3A_112  : i32 {
      %mul3A_243 = arith.constant 2 : i32
      %mul3A_244 = arith.muli %mul3A_243, %scan3A_242 : i32
      %add3A_245 = arith.constant 1 : i32
      %add3A_246 = arith.addi %mul3A_244, %add3A_245 : i32
      %mul3A_247 = arith.constant 8 : i32
      %mul3A_248 = arith.muli %add3A_246, %mul3A_247 : i32
      %add3A_249 = arith.constant 0 : i32
      %add3A_250 = arith.addi %mul3A_248, %add3A_249 : i32
      %dma_start3A_251 = arith.constant 0 : i32
      %dma_start3A_252 = arith.constant 0 : i32
      %dma_start3A_253 = tpu.memref_slice %arg7[%dma_start3A_251, %dma_start3A_252] : memref<1024x32xf32, #tpu.memory_space<vmem>> -> memref<128x32xf32, #tpu.memory_space<vmem>>
      %dma_start3A_254 = arith.constant 0 : i32
      %dma_start3A_255 = tpu.memref_slice %arg5[%add3A_250, %dma_start3A_254] : memref<104x128xi32, #tpu.memory_space<vmem>> -> memref<1x128xi32, #tpu.memory_space<vmem>>
      %dma_start3A_256 = tpu.memref_squeeze %dma_start3A_255 : memref<1x128xi32, #tpu.memory_space<vmem>> -> memref<128xi32, #tpu.memory_space<vmem>>
      %dma_start3A_257 = arith.constant 0 : i32
      %dma_start3A_258 = arith.constant 0 : i32
      %dma_start3A_259 = tpu.memref_slice %arg3[%dma_start3A_257, %dma_start3A_258] : memref<1015808x32xf32, #tpu.memory_space<hbm>> -> memref<1015808x32xf32, #tpu.memory_space<hbm>>
      tpu.enqueue_indirect_dma source(%dma_start3A_259 : memref<1015808x32xf32, #tpu.memory_space<hbm>>) target(%dma_start3A_253 : memref<128x32xf32, #tpu.memory_space<vmem>>) offsets(%dma_start3A_256 : memref<128xi32, #tpu.memory_space<vmem>>) semaphore(%arg10 : memref<!tpu.dma_semaphore, #tpu.memory_space<semaphore_mem>>)
      %mul3A_260 = arith.constant 8 : i32
      %mul3A_261 = arith.muli %add3A_246, %mul3A_260 : i32
      %add3A_262 = arith.constant 1 : i32
      %add3A_263 = arith.addi %mul3A_261, %add3A_262 : i32
      %dma_start3A_264 = arith.constant 128 : i32
      %dma_start3A_265 = arith.constant 0 : i32
      %dma_start3A_266 = tpu.memref_slice %arg7[%dma_start3A_264, %dma_start3A_265] : memref<1024x32xf32, #tpu.memory_space<vmem>> -> memref<128x32xf32, #tpu.memory_space<vmem>>
      %dma_start3A_267 = arith.constant 0 : i32
      %dma_start3A_268 = tpu.memref_slice %arg5[%add3A_263, %dma_start3A_267] : memref<104x128xi32, #tpu.memory_space<vmem>> -> memref<1x128xi32, #tpu.memory_space<vmem>>
      %dma_start3A_269 = tpu.memref_squeeze %dma_start3A_268 : memref<1x128xi32, #tpu.memory_space<vmem>> -> memref<128xi32, #tpu.memory_space<vmem>>
      %dma_start3A_270 = arith.constant 0 : i32
      %dma_start3A_271 = arith.constant 0 : i32
      %dma_start3A_272 = tpu.memref_slice %arg3[%dma_start3A_270, %dma_start3A_271] : memref<1015808x32xf32, #tpu.memory_space<hbm>> -> memref<1015808x32xf32, #tpu.memory_space<hbm>>
      tpu.enqueue_indirect_dma source(%dma_start3A_272 : memref<1015808x32xf32, #tpu.memory_space<hbm>>) target(%dma_start3A_266 : memref<128x32xf32, #tpu.memory_space<vmem>>) offsets(%dma_start3A_269 : memref<128xi32, #tpu.memory_space<vmem>>) semaphore(%arg10 : memref<!tpu.dma_semaphore, #tpu.memory_space<semaphore_mem>>)
      %mul3A_273 = arith.constant 8 : i32
      %mul3A_274 = arith.muli %add3A_246, %mul3A_273 : i32
      %add3A_275 = arith.constant 2 : i32
      %add3A_276 = arith.addi %mul3A_274, %add3A_275 : i32
      %dma_start3A_277 = arith.constant 256 : i32
      %dma_start3A_278 = arith.constant 0 : i32
      %dma_start3A_279 = tpu.memref_slice %arg7[%dma_start3A_277, %dma_start3A_278] : memref<1024x32xf32, #tpu.memory_space<vmem>> -> memref<128x32xf32, #tpu.memory_space<vmem>>
      %dma_start3A_280 = arith.constant 0 : i32
      %dma_start3A_281 = tpu.memref_slice %arg5[%add3A_276, %dma_start3A_280] : memref<104x128xi32, #tpu.memory_space<vmem>> -> memref<1x128xi32, #tpu.memory_space<vmem>>
      %dma_start3A_282 = tpu.memref_squeeze %dma_start3A_281 : memref<1x128xi32, #tpu.memory_space<vmem>> -> memref<128xi32, #tpu.memory_space<vmem>>
      %dma_start3A_283 = arith.constant 0 : i32
      %dma_start3A_284 = arith.constant 0 : i32
      %dma_start3A_285 = tpu.memref_slice %arg3[%dma_start3A_283, %dma_start3A_284] : memref<1015808x32xf32, #tpu.memory_space<hbm>> -> memref<1015808x32xf32, #tpu.memory_space<hbm>>
      tpu.enqueue_indirect_dma source(%dma_start3A_285 : memref<1015808x32xf32, #tpu.memory_space<hbm>>) target(%dma_start3A_279 : memref<128x32xf32, #tpu.memory_space<vmem>>) offsets(%dma_start3A_282 : memref<128xi32, #tpu.memory_space<vmem>>) semaphore(%arg10 : memref<!tpu.dma_semaphore, #tpu.memory_space<semaphore_mem>>)
      %mul3A_286 = arith.constant 8 : i32
      %mul3A_287 = arith.muli %add3A_246, %mul3A_286 : i32
      %add3A_288 = arith.constant 3 : i32
      %add3A_289 = arith.addi %mul3A_287, %add3A_288 : i32
      %dma_start3A_290 = arith.constant 384 : i32
      %dma_start3A_291 = arith.constant 0 : i32
      %dma_start3A_292 = tpu.memref_slice %arg7[%dma_start3A_290, %dma_start3A_291] : memref<1024x32xf32, #tpu.memory_space<vmem>> -> memref<128x32xf32, #tpu.memory_space<vmem>>
      %dma_start3A_293 = arith.constant 0 : i32
      %dma_start3A_294 = tpu.memref_slice %arg5[%add3A_289, %dma_start3A_293] : memref<104x128xi32, #tpu.memory_space<vmem>> -> memref<1x128xi32, #tpu.memory_space<vmem>>
      %dma_start3A_295 = tpu.memref_squeeze %dma_start3A_294 : memref<1x128xi32, #tpu.memory_space<vmem>> -> memref<128xi32, #tpu.memory_space<vmem>>
      %dma_start3A_296 = arith.constant 0 : i32
      %dma_start3A_297 = arith.constant 0 : i32
      %dma_start3A_298 = tpu.memref_slice %arg3[%dma_start3A_296, %dma_start3A_297] : memref<1015808x32xf32, #tpu.memory_space<hbm>> -> memref<1015808x32xf32, #tpu.memory_space<hbm>>
      tpu.enqueue_indirect_dma source(%dma_start3A_298 : memref<1015808x32xf32, #tpu.memory_space<hbm>>) target(%dma_start3A_292 : memref<128x32xf32, #tpu.memory_space<vmem>>) offsets(%dma_start3A_295 : memref<128xi32, #tpu.memory_space<vmem>>) semaphore(%arg10 : memref<!tpu.dma_semaphore, #tpu.memory_space<semaphore_mem>>)
      %mul3A_299 = arith.constant 8 : i32
      %mul3A_300 = arith.muli %add3A_246, %mul3A_299 : i32
      %add3A_301 = arith.constant 4 : i32
      %add3A_302 = arith.addi %mul3A_300, %add3A_301 : i32
      %dma_start3A_303 = arith.constant 512 : i32
      %dma_start3A_304 = arith.constant 0 : i32
      %dma_start3A_305 = tpu.memref_slice %arg7[%dma_start3A_303, %dma_start3A_304] : memref<1024x32xf32, #tpu.memory_space<vmem>> -> memref<128x32xf32, #tpu.memory_space<vmem>>
      %dma_start3A_306 = arith.constant 0 : i32
      %dma_start3A_307 = tpu.memref_slice %arg5[%add3A_302, %dma_start3A_306] : memref<104x128xi32, #tpu.memory_space<vmem>> -> memref<1x128xi32, #tpu.memory_space<vmem>>
      %dma_start3A_308 = tpu.memref_squeeze %dma_start3A_307 : memref<1x128xi32, #tpu.memory_space<vmem>> -> memref<128xi32, #tpu.memory_space<vmem>>
      %dma_start3A_309 = arith.constant 0 : i32
      %dma_start3A_310 = arith.constant 0 : i32
      %dma_start3A_311 = tpu.memref_slice %arg3[%dma_start3A_309, %dma_start3A_310] : memref<1015808x32xf32, #tpu.memory_space<hbm>> -> memref<1015808x32xf32, #tpu.memory_space<hbm>>
      tpu.enqueue_indirect_dma source(%dma_start3A_311 : memref<1015808x32xf32, #tpu.memory_space<hbm>>) target(%dma_start3A_305 : memref<128x32xf32, #tpu.memory_space<vmem>>) offsets(%dma_start3A_308 : memref<128xi32, #tpu.memory_space<vmem>>) semaphore(%arg10 : memref<!tpu.dma_semaphore, #tpu.memory_space<semaphore_mem>>)
      %mul3A_312 = arith.constant 8 : i32
      %mul3A_313 = arith.muli %add3A_246, %mul3A_312 : i32
      %add3A_314 = arith.constant 5 : i32
      %add3A_315 = arith.addi %mul3A_313, %add3A_314 : i32
      %dma_start3A_316 = arith.constant 640 : i32
      %dma_start3A_317 = arith.constant 0 : i32
      %dma_start3A_318 = tpu.memref_slice %arg7[%dma_start3A_316, %dma_start3A_317] : memref<1024x32xf32, #tpu.memory_space<vmem>> -> memref<128x32xf32, #tpu.memory_space<vmem>>
      %dma_start3A_319 = arith.constant 0 : i32
      %dma_start3A_320 = tpu.memref_slice %arg5[%add3A_315, %dma_start3A_319] : memref<104x128xi32, #tpu.memory_space<vmem>> -> memref<1x128xi32, #tpu.memory_space<vmem>>
      %dma_start3A_321 = tpu.memref_squeeze %dma_start3A_320 : memref<1x128xi32, #tpu.memory_space<vmem>> -> memref<128xi32, #tpu.memory_space<vmem>>
      %dma_start3A_322 = arith.constant 0 : i32
      %dma_start3A_323 = arith.constant 0 : i32
      %dma_start3A_324 = tpu.memref_slice %arg3[%dma_start3A_322, %dma_start3A_323] : memref<1015808x32xf32, #tpu.memory_space<hbm>> -> memref<1015808x32xf32, #tpu.memory_space<hbm>>
      tpu.enqueue_indirect_dma source(%dma_start3A_324 : memref<1015808x32xf32, #tpu.memory_space<hbm>>) target(%dma_start3A_318 : memref<128x32xf32, #tpu.memory_space<vmem>>) offsets(%dma_start3A_321 : memref<128xi32, #tpu.memory_space<vmem>>) semaphore(%arg10 : memref<!tpu.dma_semaphore, #tpu.memory_space<semaphore_mem>>)
      %mul3A_325 = arith.constant 8 : i32
      %mul3A_326 = arith.muli %add3A_246, %mul3A_325 : i32
      %add3A_327 = arith.constant 6 : i32
      %add3A_328 = arith.addi %mul3A_326, %add3A_327 : i32
      %dma_start3A_329 = arith.constant 768 : i32
      %dma_start3A_330 = arith.constant 0 : i32
      %dma_start3A_331 = tpu.memref_slice %arg7[%dma_start3A_329, %dma_start3A_330] : memref<1024x32xf32, #tpu.memory_space<vmem>> -> memref<128x32xf32, #tpu.memory_space<vmem>>
      %dma_start3A_332 = arith.constant 0 : i32
      %dma_start3A_333 = tpu.memref_slice %arg5[%add3A_328, %dma_start3A_332] : memref<104x128xi32, #tpu.memory_space<vmem>> -> memref<1x128xi32, #tpu.memory_space<vmem>>
      %dma_start3A_334 = tpu.memref_squeeze %dma_start3A_333 : memref<1x128xi32, #tpu.memory_space<vmem>> -> memref<128xi32, #tpu.memory_space<vmem>>
      %dma_start3A_335 = arith.constant 0 : i32
      %dma_start3A_336 = arith.constant 0 : i32
      %dma_start3A_337 = tpu.memref_slice %arg3[%dma_start3A_335, %dma_start3A_336] : memref<1015808x32xf32, #tpu.memory_space<hbm>> -> memref<1015808x32xf32, #tpu.memory_space<hbm>>
      tpu.enqueue_indirect_dma source(%dma_start3A_337 : memref<1015808x32xf32, #tpu.memory_space<hbm>>) target(%dma_start3A_331 : memref<128x32xf32, #tpu.memory_space<vmem>>) offsets(%dma_start3A_334 : memref<128xi32, #tpu.memory_space<vmem>>) semaphore(%arg10 : memref<!tpu.dma_semaphore, #tpu.memory_space<semaphore_mem>>)
      %mul3A_338 = arith.constant 8 : i32
      %mul3A_339 = arith.muli %add3A_246, %mul3A_338 : i32
      %add3A_340 = arith.constant 7 : i32
      %add3A_341 = arith.addi %mul3A_339, %add3A_340 : i32
      %dma_start3A_342 = arith.constant 896 : i32
      %dma_start3A_343 = arith.constant 0 : i32
      %dma_start3A_344 = tpu.memref_slice %arg7[%dma_start3A_342, %dma_start3A_343] : memref<1024x32xf32, #tpu.memory_space<vmem>> -> memref<128x32xf32, #tpu.memory_space<vmem>>
      %dma_start3A_345 = arith.constant 0 : i32
      %dma_start3A_346 = tpu.memref_slice %arg5[%add3A_341, %dma_start3A_345] : memref<104x128xi32, #tpu.memory_space<vmem>> -> memref<1x128xi32, #tpu.memory_space<vmem>>
      %dma_start3A_347 = tpu.memref_squeeze %dma_start3A_346 : memref<1x128xi32, #tpu.memory_space<vmem>> -> memref<128xi32, #tpu.memory_space<vmem>>
      %dma_start3A_348 = arith.constant 0 : i32
      %dma_start3A_349 = arith.constant 0 : i32
      %dma_start3A_350 = tpu.memref_slice %arg3[%dma_start3A_348, %dma_start3A_349] : memref<1015808x32xf32, #tpu.memory_space<hbm>> -> memref<1015808x32xf32, #tpu.memory_space<hbm>>
      tpu.enqueue_indirect_dma source(%dma_start3A_350 : memref<1015808x32xf32, #tpu.memory_space<hbm>>) target(%dma_start3A_344 : memref<128x32xf32, #tpu.memory_space<vmem>>) offsets(%dma_start3A_347 : memref<128xi32, #tpu.memory_space<vmem>>) semaphore(%arg10 : memref<!tpu.dma_semaphore, #tpu.memory_space<semaphore_mem>>)
      %mul3A_351 = arith.constant 8 : i32
      %mul3A_352 = arith.muli %mul3A_244, %mul3A_351 : i32
      %add3A_353 = arith.constant 0 : i32
      %add3A_354 = arith.addi %mul3A_352, %add3A_353 : i32
      %dma_wait3A_355 = arith.constant 0 : i32
      %dma_wait3A_356 = arith.constant 0 : i32
      %dma_wait3A_357 = tpu.memref_slice %arg6[%dma_wait3A_355, %dma_wait3A_356] : memref<1024x32xf32, #tpu.memory_space<vmem>> -> memref<128x32xf32, #tpu.memory_space<vmem>>
      %dma_wait3A_358 = arith.constant 0 : i32
      %dma_wait3A_359 = tpu.memref_slice %arg5[%add3A_354, %dma_wait3A_358] : memref<104x128xi32, #tpu.memory_space<vmem>> -> memref<1x128xi32, #tpu.memory_space<vmem>>
      %dma_wait3A_360 = tpu.memref_squeeze %dma_wait3A_359 : memref<1x128xi32, #tpu.memory_space<vmem>> -> memref<128xi32, #tpu.memory_space<vmem>>
      %dma_wait3A_361 = arith.constant 0 : i32
      %dma_wait3A_362 = arith.constant 0 : i32
      %dma_wait3A_363 = tpu.memref_slice %arg3[%dma_wait3A_361, %dma_wait3A_362] : memref<1015808x32xf32, #tpu.memory_space<hbm>> -> memref<1015808x32xf32, #tpu.memory_space<hbm>>
      tpu.wait_indirect_dma semaphore(%arg9 : memref<!tpu.dma_semaphore, #tpu.memory_space<semaphore_mem>>) src(%dma_wait3A_363 : memref<1015808x32xf32, #tpu.memory_space<hbm>>) dst(%dma_wait3A_357 : memref<128x32xf32, #tpu.memory_space<vmem>>)
      %mul3A_364 = arith.constant 8 : i32
      %mul3A_365 = arith.muli %mul3A_244, %mul3A_364 : i32
      %add3A_366 = arith.constant 1 : i32
      %add3A_367 = arith.addi %mul3A_365, %add3A_366 : i32
      %dma_wait3A_368 = arith.constant 128 : i32
      %dma_wait3A_369 = arith.constant 0 : i32
      %dma_wait3A_370 = tpu.memref_slice %arg6[%dma_wait3A_368, %dma_wait3A_369] : memref<1024x32xf32, #tpu.memory_space<vmem>> -> memref<128x32xf32, #tpu.memory_space<vmem>>
      %dma_wait3A_371 = arith.constant 0 : i32
      %dma_wait3A_372 = tpu.memref_slice %arg5[%add3A_367, %dma_wait3A_371] : memref<104x128xi32, #tpu.memory_space<vmem>> -> memref<1x128xi32, #tpu.memory_space<vmem>>
      %dma_wait3A_373 = tpu.memref_squeeze %dma_wait3A_372 : memref<1x128xi32, #tpu.memory_space<vmem>> -> memref<128xi32, #tpu.memory_space<vmem>>
      %dma_wait3A_374 = arith.constant 0 : i32
      %dma_wait3A_375 = arith.constant 0 : i32
      %dma_wait3A_376 = tpu.memref_slice %arg3[%dma_wait3A_374, %dma_wait3A_375] : memref<1015808x32xf32, #tpu.memory_space<hbm>> -> memref<1015808x32xf32, #tpu.memory_space<hbm>>
      tpu.wait_indirect_dma semaphore(%arg9 : memref<!tpu.dma_semaphore, #tpu.memory_space<semaphore_mem>>) src(%dma_wait3A_376 : memref<1015808x32xf32, #tpu.memory_space<hbm>>) dst(%dma_wait3A_370 : memref<128x32xf32, #tpu.memory_space<vmem>>)
      %mul3A_377 = arith.constant 8 : i32
      %mul3A_378 = arith.muli %mul3A_244, %mul3A_377 : i32
      %add3A_379 = arith.constant 2 : i32
      %add3A_380 = arith.addi %mul3A_378, %add3A_379 : i32
      %dma_wait3A_381 = arith.constant 256 : i32
      %dma_wait3A_382 = arith.constant 0 : i32
      %dma_wait3A_383 = tpu.memref_slice %arg6[%dma_wait3A_381, %dma_wait3A_382] : memref<1024x32xf32, #tpu.memory_space<vmem>> -> memref<128x32xf32, #tpu.memory_space<vmem>>
      %dma_wait3A_384 = arith.constant 0 : i32
      %dma_wait3A_385 = tpu.memref_slice %arg5[%add3A_380, %dma_wait3A_384] : memref<104x128xi32, #tpu.memory_space<vmem>> -> memref<1x128xi32, #tpu.memory_space<vmem>>
      %dma_wait3A_386 = tpu.memref_squeeze %dma_wait3A_385 : memref<1x128xi32, #tpu.memory_space<vmem>> -> memref<128xi32, #tpu.memory_space<vmem>>
      %dma_wait3A_387 = arith.constant 0 : i32
      %dma_wait3A_388 = arith.constant 0 : i32
      %dma_wait3A_389 = tpu.memref_slice %arg3[%dma_wait3A_387, %dma_wait3A_388] : memref<1015808x32xf32, #tpu.memory_space<hbm>> -> memref<1015808x32xf32, #tpu.memory_space<hbm>>
      tpu.wait_indirect_dma semaphore(%arg9 : memref<!tpu.dma_semaphore, #tpu.memory_space<semaphore_mem>>) src(%dma_wait3A_389 : memref<1015808x32xf32, #tpu.memory_space<hbm>>) dst(%dma_wait3A_383 : memref<128x32xf32, #tpu.memory_space<vmem>>)
      %mul3A_390 = arith.constant 8 : i32
      %mul3A_391 = arith.muli %mul3A_244, %mul3A_390 : i32
      %add3A_392 = arith.constant 3 : i32
      %add3A_393 = arith.addi %mul3A_391, %add3A_392 : i32
      %dma_wait3A_394 = arith.constant 384 : i32
      %dma_wait3A_395 = arith.constant 0 : i32
      %dma_wait3A_396 = tpu.memref_slice %arg6[%dma_wait3A_394, %dma_wait3A_395] : memref<1024x32xf32, #tpu.memory_space<vmem>> -> memref<128x32xf32, #tpu.memory_space<vmem>>
      %dma_wait3A_397 = arith.constant 0 : i32
      %dma_wait3A_398 = tpu.memref_slice %arg5[%add3A_393, %dma_wait3A_397] : memref<104x128xi32, #tpu.memory_space<vmem>> -> memref<1x128xi32, #tpu.memory_space<vmem>>
      %dma_wait3A_399 = tpu.memref_squeeze %dma_wait3A_398 : memref<1x128xi32, #tpu.memory_space<vmem>> -> memref<128xi32, #tpu.memory_space<vmem>>
      %dma_wait3A_400 = arith.constant 0 : i32
      %dma_wait3A_401 = arith.constant 0 : i32
      %dma_wait3A_402 = tpu.memref_slice %arg3[%dma_wait3A_400, %dma_wait3A_401] : memref<1015808x32xf32, #tpu.memory_space<hbm>> -> memref<1015808x32xf32, #tpu.memory_space<hbm>>
      tpu.wait_indirect_dma semaphore(%arg9 : memref<!tpu.dma_semaphore, #tpu.memory_space<semaphore_mem>>) src(%dma_wait3A_402 : memref<1015808x32xf32, #tpu.memory_space<hbm>>) dst(%dma_wait3A_396 : memref<128x32xf32, #tpu.memory_space<vmem>>)
      %mul3A_403 = arith.constant 8 : i32
      %mul3A_404 = arith.muli %mul3A_244, %mul3A_403 : i32
      %add3A_405 = arith.constant 4 : i32
      %add3A_406 = arith.addi %mul3A_404, %add3A_405 : i32
      %dma_wait3A_407 = arith.constant 512 : i32
      %dma_wait3A_408 = arith.constant 0 : i32
      %dma_wait3A_409 = tpu.memref_slice %arg6[%dma_wait3A_407, %dma_wait3A_408] : memref<1024x32xf32, #tpu.memory_space<vmem>> -> memref<128x32xf32, #tpu.memory_space<vmem>>
      %dma_wait3A_410 = arith.constant 0 : i32
      %dma_wait3A_411 = tpu.memref_slice %arg5[%add3A_406, %dma_wait3A_410] : memref<104x128xi32, #tpu.memory_space<vmem>> -> memref<1x128xi32, #tpu.memory_space<vmem>>
      %dma_wait3A_412 = tpu.memref_squeeze %dma_wait3A_411 : memref<1x128xi32, #tpu.memory_space<vmem>> -> memref<128xi32, #tpu.memory_space<vmem>>
      %dma_wait3A_413 = arith.constant 0 : i32
      %dma_wait3A_414 = arith.constant 0 : i32
      %dma_wait3A_415 = tpu.memref_slice %arg3[%dma_wait3A_413, %dma_wait3A_414] : memref<1015808x32xf32, #tpu.memory_space<hbm>> -> memref<1015808x32xf32, #tpu.memory_space<hbm>>
      tpu.wait_indirect_dma semaphore(%arg9 : memref<!tpu.dma_semaphore, #tpu.memory_space<semaphore_mem>>) src(%dma_wait3A_415 : memref<1015808x32xf32, #tpu.memory_space<hbm>>) dst(%dma_wait3A_409 : memref<128x32xf32, #tpu.memory_space<vmem>>)
      %mul3A_416 = arith.constant 8 : i32
      %mul3A_417 = arith.muli %mul3A_244, %mul3A_416 : i32
      %add3A_418 = arith.constant 5 : i32
      %add3A_419 = arith.addi %mul3A_417, %add3A_418 : i32
      %dma_wait3A_420 = arith.constant 640 : i32
      %dma_wait3A_421 = arith.constant 0 : i32
      %dma_wait3A_422 = tpu.memref_slice %arg6[%dma_wait3A_420, %dma_wait3A_421] : memref<1024x32xf32, #tpu.memory_space<vmem>> -> memref<128x32xf32, #tpu.memory_space<vmem>>
      %dma_wait3A_423 = arith.constant 0 : i32
      %dma_wait3A_424 = tpu.memref_slice %arg5[%add3A_419, %dma_wait3A_423] : memref<104x128xi32, #tpu.memory_space<vmem>> -> memref<1x128xi32, #tpu.memory_space<vmem>>
      %dma_wait3A_425 = tpu.memref_squeeze %dma_wait3A_424 : memref<1x128xi32, #tpu.memory_space<vmem>> -> memref<128xi32, #tpu.memory_space<vmem>>
      %dma_wait3A_426 = arith.constant 0 : i32
      %dma_wait3A_427 = arith.constant 0 : i32
      %dma_wait3A_428 = tpu.memref_slice %arg3[%dma_wait3A_426, %dma_wait3A_427] : memref<1015808x32xf32, #tpu.memory_space<hbm>> -> memref<1015808x32xf32, #tpu.memory_space<hbm>>
      tpu.wait_indirect_dma semaphore(%arg9 : memref<!tpu.dma_semaphore, #tpu.memory_space<semaphore_mem>>) src(%dma_wait3A_428 : memref<1015808x32xf32, #tpu.memory_space<hbm>>) dst(%dma_wait3A_422 : memref<128x32xf32, #tpu.memory_space<vmem>>)
      %mul3A_429 = arith.constant 8 : i32
      %mul3A_430 = arith.muli %mul3A_244, %mul3A_429 : i32
      %add3A_431 = arith.constant 6 : i32
      %add3A_432 = arith.addi %mul3A_430, %add3A_431 : i32
      %dma_wait3A_433 = arith.constant 768 : i32
      %dma_wait3A_434 = arith.constant 0 : i32
      %dma_wait3A_435 = tpu.memref_slice %arg6[%dma_wait3A_433, %dma_wait3A_434] : memref<1024x32xf32, #tpu.memory_space<vmem>> -> memref<128x32xf32, #tpu.memory_space<vmem>>
      %dma_wait3A_436 = arith.constant 0 : i32
      %dma_wait3A_437 = tpu.memref_slice %arg5[%add3A_432, %dma_wait3A_436] : memref<104x128xi32, #tpu.memory_space<vmem>> -> memref<1x128xi32, #tpu.memory_space<vmem>>
      %dma_wait3A_438 = tpu.memref_squeeze %dma_wait3A_437 : memref<1x128xi32, #tpu.memory_space<vmem>> -> memref<128xi32, #tpu.memory_space<vmem>>
      %dma_wait3A_439 = arith.constant 0 : i32
      %dma_wait3A_440 = arith.constant 0 : i32
      %dma_wait3A_441 = tpu.memref_slice %arg3[%dma_wait3A_439, %dma_wait3A_440] : memref<1015808x32xf32, #tpu.memory_space<hbm>> -> memref<1015808x32xf32, #tpu.memory_space<hbm>>
      tpu.wait_indirect_dma semaphore(%arg9 : memref<!tpu.dma_semaphore, #tpu.memory_space<semaphore_mem>>) src(%dma_wait3A_441 : memref<1015808x32xf32, #tpu.memory_space<hbm>>) dst(%dma_wait3A_435 : memref<128x32xf32, #tpu.memory_space<vmem>>)
      %mul3A_442 = arith.constant 8 : i32
      %mul3A_443 = arith.muli %mul3A_244, %mul3A_442 : i32
      %add3A_444 = arith.constant 7 : i32
      %add3A_445 = arith.addi %mul3A_443, %add3A_444 : i32
      %dma_wait3A_446 = arith.constant 896 : i32
      %dma_wait3A_447 = arith.constant 0 : i32
      %dma_wait3A_448 = tpu.memref_slice %arg6[%dma_wait3A_446, %dma_wait3A_447] : memref<1024x32xf32, #tpu.memory_space<vmem>> -> memref<128x32xf32, #tpu.memory_space<vmem>>
      %dma_wait3A_449 = arith.constant 0 : i32
      %dma_wait3A_450 = tpu.memref_slice %arg5[%add3A_445, %dma_wait3A_449] : memref<104x128xi32, #tpu.memory_space<vmem>> -> memref<1x128xi32, #tpu.memory_space<vmem>>
      %dma_wait3A_451 = tpu.memref_squeeze %dma_wait3A_450 : memref<1x128xi32, #tpu.memory_space<vmem>> -> memref<128xi32, #tpu.memory_space<vmem>>
      %dma_wait3A_452 = arith.constant 0 : i32
      %dma_wait3A_453 = arith.constant 0 : i32
      %dma_wait3A_454 = tpu.memref_slice %arg3[%dma_wait3A_452, %dma_wait3A_453] : memref<1015808x32xf32, #tpu.memory_space<hbm>> -> memref<1015808x32xf32, #tpu.memory_space<hbm>>
      tpu.wait_indirect_dma semaphore(%arg9 : memref<!tpu.dma_semaphore, #tpu.memory_space<semaphore_mem>>) src(%dma_wait3A_454 : memref<1015808x32xf32, #tpu.memory_space<hbm>>) dst(%dma_wait3A_448 : memref<128x32xf32, #tpu.memory_space<vmem>>)
      %scan3A_455 = arith.constant 0 : i32
      %scan3A_456 = arith.constant 0 : i32
      %scan3A_457 = arith.constant 64 : i32
      %scan3A_458 = arith.addi %scan3A_456, %scan3A_457 : i32
      %scan3A_459 = arith.constant 1 : i32
      scf.for %scan3A_787 = %scan3A_456 to %scan3A_458 step %scan3A_459  : i32 {
        %mul3A_788 = arith.constant 16 : i32
        %mul3A_789 = arith.muli %scan3A_787, %mul3A_788 : i32
        %shift_right_arithmetic3A_790 = arith.constant 7 : i32
        %shift_right_arithmetic3A_791 = arith.shrsi %mul3A_789, %shift_right_arithmetic3A_790 : i32
        %shift_left3A = arith.constant 10 : i32
        %shift_left3A_792 = arith.shli %shift_right_arithmetic3A_791, %shift_left3A : i32
        %and3A_793 = arith.constant 127 : i32
        %and3A_794 = arith.andi %mul3A_789, %and3A_793 : i32
        %add3A_795 = arith.addi %shift_left3A_792, %and3A_794 : i32
        %add3A_796 = vector.broadcast %add3A_795 : i32 to vector<16xi32>
        %add3A_797 = arith.addi %add3A_16, %add3A_796 : vector<16xi32>
        %add3A_798 = vector.broadcast %add3A_795 : i32 to vector<16xi32>
        %add3A_799 = arith.addi %add3A_29, %add3A_798 : vector<16xi32>
        %broadcast_in_dim3A = arith.constant 0 : i32
        %broadcast_in_dim3A_800 = vector.broadcast %broadcast_in_dim3A : i32 to vector<16xi32>
        %add3A_801 = vector.broadcast %mul3A_789 : i32 to vector<16xi32>
        %add3A_802 = arith.addi %broadcast_in_dim3A_800, %add3A_801 : vector<16xi32>
        %add3A_803 = arith.constant 0 : i32
        %add3A_804 = vector.broadcast %add3A_803 : i32 to vector<16xi32>
        %add3A_805 = arith.addi %iota3A, %add3A_804 : vector<16xi32>
        %and3A_806 = arith.constant 15 : i32
        %and3A_807 = vector.broadcast %and3A_806 : i32 to vector<16xi32>
        %and3A_808 = arith.andi %add3A_805, %and3A_807 : vector<16xi32>
        %add3A_809 = arith.addi %add3A_802, %and3A_808 : vector<16xi32>
        %gather3A = tpu.vector_load_idx %arg6[%add3A_809, %iota3A] : memref<1024x32xf32, #tpu.memory_space<vmem>>[vector<16xi32>, vector<16xi32>], vector<16xf32>,
        %add3A_810 = arith.addi %add3A_797, %and3A_808 : vector<16xi32>
        tpu.vector_store_idx %arg8[%add3A_810], %gather3A : memref<32768xf32, #tpu.memory_space<vmem>>[vector<16xi32>], vector<16xf32>,
        %gather3A_811 = tpu.vector_load_idx %arg6[%add3A_809, %add3A_5] : memref<1024x32xf32, #tpu.memory_space<vmem>>[vector<16xi32>, vector<16xi32>], vector<16xf32>,
        %add3A_812 = arith.addi %add3A_799, %and3A_808 : vector<16xi32>
        tpu.vector_store_idx %arg8[%add3A_812], %gather3A_811 : memref<32768xf32, #tpu.memory_space<vmem>>[vector<16xi32>], vector<16xf32>,
        %add3A_813 = arith.constant 1 : i32
        %add3A_814 = vector.broadcast %add3A_813 : i32 to vector<16xi32>
        %add3A_815 = arith.addi %iota3A, %add3A_814 : vector<16xi32>
        %and3A_816 = arith.constant 15 : i32
        %and3A_817 = vector.broadcast %and3A_816 : i32 to vector<16xi32>
        %and3A_818 = arith.andi %add3A_815, %and3A_817 : vector<16xi32>
        %add3A_819 = arith.addi %add3A_802, %and3A_818 : vector<16xi32>
        %gather3A_820 = tpu.vector_load_idx %arg6[%add3A_819, %iota3A] : memref<1024x32xf32, #tpu.memory_space<vmem>>[vector<16xi32>, vector<16xi32>], vector<16xf32>,
        %add3A_821 = arith.addi %add3A_797, %and3A_818 : vector<16xi32>
        tpu.vector_store_idx %arg8[%add3A_821], %gather3A_820 : memref<32768xf32, #tpu.memory_space<vmem>>[vector<16xi32>], vector<16xf32>,
        %gather3A_822 = tpu.vector_load_idx %arg6[%add3A_819, %add3A_5] : memref<1024x32xf32, #tpu.memory_space<vmem>>[vector<16xi32>, vector<16xi32>], vector<16xf32>,
        %add3A_823 = arith.addi %add3A_799, %and3A_818 : vector<16xi32>
        tpu.vector_store_idx %arg8[%add3A_823], %gather3A_822 : memref<32768xf32, #tpu.memory_space<vmem>>[vector<16xi32>], vector<16xf32>,
        %add3A_824 = arith.constant 2 : i32
        %add3A_825 = vector.broadcast %add3A_824 : i32 to vector<16xi32>
        %add3A_826 = arith.addi %iota3A, %add3A_825 : vector<16xi32>
        %and3A_827 = arith.constant 15 : i32
        %and3A_828 = vector.broadcast %and3A_827 : i32 to vector<16xi32>
        %and3A_829 = arith.andi %add3A_826, %and3A_828 : vector<16xi32>
        %add3A_830 = arith.addi %add3A_802, %and3A_829 : vector<16xi32>
        %gather3A_831 = tpu.vector_load_idx %arg6[%add3A_830, %iota3A] : memref<1024x32xf32, #tpu.memory_space<vmem>>[vector<16xi32>, vector<16xi32>], vector<16xf32>,
        %add3A_832 = arith.addi %add3A_797, %and3A_829 : vector<16xi32>
        tpu.vector_store_idx %arg8[%add3A_832], %gather3A_831 : memref<32768xf32, #tpu.memory_space<vmem>>[vector<16xi32>], vector<16xf32>,
        %gather3A_833 = tpu.vector_load_idx %arg6[%add3A_830, %add3A_5] : memref<1024x32xf32, #tpu.memory_space<vmem>>[vector<16xi32>, vector<16xi32>], vector<16xf32>,
        %add3A_834 = arith.addi %add3A_799, %and3A_829 : vector<16xi32>
        tpu.vector_store_idx %arg8[%add3A_834], %gather3A_833 : memref<32768xf32, #tpu.memory_space<vmem>>[vector<16xi32>], vector<16xf32>,
        %add3A_835 = arith.constant 3 : i32
        %add3A_836 = vector.broadcast %add3A_835 : i32 to vector<16xi32>
        %add3A_837 = arith.addi %iota3A, %add3A_836 : vector<16xi32>
        %and3A_838 = arith.constant 15 : i32
        %and3A_839 = vector.broadcast %and3A_838 : i32 to vector<16xi32>
        %and3A_840 = arith.andi %add3A_837, %and3A_839 : vector<16xi32>
        %add3A_841 = arith.addi %add3A_802, %and3A_840 : vector<16xi32>
        %gather3A_842 = tpu.vector_load_idx %arg6[%add3A_841, %iota3A] : memref<1024x32xf32, #tpu.memory_space<vmem>>[vector<16xi32>, vector<16xi32>], vector<16xf32>,
        %add3A_843 = arith.addi %add3A_797, %and3A_840 : vector<16xi32>
        tpu.vector_store_idx %arg8[%add3A_843], %gather3A_842 : memref<32768xf32, #tpu.memory_space<vmem>>[vector<16xi32>], vector<16xf32>,
        %gather3A_844 = tpu.vector_load_idx %arg6[%add3A_841, %add3A_5] : memref<1024x32xf32, #tpu.memory_space<vmem>>[vector<16xi32>, vector<16xi32>], vector<16xf32>,
        %add3A_845 = arith.addi %add3A_799, %and3A_840 : vector<16xi32>
        tpu.vector_store_idx %arg8[%add3A_845], %gather3A_844 : memref<32768xf32, #tpu.memory_space<vmem>>[vector<16xi32>], vector<16xf32>,
        %add3A_846 = arith.constant 4 : i32
        %add3A_847 = vector.broadcast %add3A_846 : i32 to vector<16xi32>
        %add3A_848 = arith.addi %iota3A, %add3A_847 : vector<16xi32>
        %and3A_849 = arith.constant 15 : i32
        %and3A_850 = vector.broadcast %and3A_849 : i32 to vector<16xi32>
        %and3A_851 = arith.andi %add3A_848, %and3A_850 : vector<16xi32>
        %add3A_852 = arith.addi %add3A_802, %and3A_851 : vector<16xi32>
        %gather3A_853 = tpu.vector_load_idx %arg6[%add3A_852, %iota3A] : memref<1024x32xf32, #tpu.memory_space<vmem>>[vector<16xi32>, vector<16xi32>], vector<16xf32>,
        %add3A_854 = arith.addi %add3A_797, %and3A_851 : vector<16xi32>
        tpu.vector_store_idx %arg8[%add3A_854], %gather3A_853 : memref<32768xf32, #tpu.memory_space<vmem>>[vector<16xi32>], vector<16xf32>,
        %gather3A_855 = tpu.vector_load_idx %arg6[%add3A_852, %add3A_5] : memref<1024x32xf32, #tpu.memory_space<vmem>>[vector<16xi32>, vector<16xi32>], vector<16xf32>,
        %add3A_856 = arith.addi %add3A_799, %and3A_851 : vector<16xi32>
        tpu.vector_store_idx %arg8[%add3A_856], %gather3A_855 : memref<32768xf32, #tpu.memory_space<vmem>>[vector<16xi32>], vector<16xf32>,
        %add3A_857 = arith.constant 5 : i32
        %add3A_858 = vector.broadcast %add3A_857 : i32 to vector<16xi32>
        %add3A_859 = arith.addi %iota3A, %add3A_858 : vector<16xi32>
        %and3A_860 = arith.constant 15 : i32
        %and3A_861 = vector.broadcast %and3A_860 : i32 to vector<16xi32>
        %and3A_862 = arith.andi %add3A_859, %and3A_861 : vector<16xi32>
        %add3A_863 = arith.addi %add3A_802, %and3A_862 : vector<16xi32>
        %gather3A_864 = tpu.vector_load_idx %arg6[%add3A_863, %iota3A] : memref<1024x32xf32, #tpu.memory_space<vmem>>[vector<16xi32>, vector<16xi32>], vector<16xf32>,
        %add3A_865 = arith.addi %add3A_797, %and3A_862 : vector<16xi32>
        tpu.vector_store_idx %arg8[%add3A_865], %gather3A_864 : memref<32768xf32, #tpu.memory_space<vmem>>[vector<16xi32>], vector<16xf32>,
        %gather3A_866 = tpu.vector_load_idx %arg6[%add3A_863, %add3A_5] : memref<1024x32xf32, #tpu.memory_space<vmem>>[vector<16xi32>, vector<16xi32>], vector<16xf32>,
        %add3A_867 = arith.addi %add3A_799, %and3A_862 : vector<16xi32>
        tpu.vector_store_idx %arg8[%add3A_867], %gather3A_866 : memref<32768xf32, #tpu.memory_space<vmem>>[vector<16xi32>], vector<16xf32>,
        %add3A_868 = arith.constant 6 : i32
        %add3A_869 = vector.broadcast %add3A_868 : i32 to vector<16xi32>
        %add3A_870 = arith.addi %iota3A, %add3A_869 : vector<16xi32>
        %and3A_871 = arith.constant 15 : i32
        %and3A_872 = vector.broadcast %and3A_871 : i32 to vector<16xi32>
        %and3A_873 = arith.andi %add3A_870, %and3A_872 : vector<16xi32>
        %add3A_874 = arith.addi %add3A_802, %and3A_873 : vector<16xi32>
        %gather3A_875 = tpu.vector_load_idx %arg6[%add3A_874, %iota3A] : memref<1024x32xf32, #tpu.memory_space<vmem>>[vector<16xi32>, vector<16xi32>], vector<16xf32>,
        %add3A_876 = arith.addi %add3A_797, %and3A_873 : vector<16xi32>
        tpu.vector_store_idx %arg8[%add3A_876], %gather3A_875 : memref<32768xf32, #tpu.memory_space<vmem>>[vector<16xi32>], vector<16xf32>,
        %gather3A_877 = tpu.vector_load_idx %arg6[%add3A_874, %add3A_5] : memref<1024x32xf32, #tpu.memory_space<vmem>>[vector<16xi32>, vector<16xi32>], vector<16xf32>,
        %add3A_878 = arith.addi %add3A_799, %and3A_873 : vector<16xi32>
        tpu.vector_store_idx %arg8[%add3A_878], %gather3A_877 : memref<32768xf32, #tpu.memory_space<vmem>>[vector<16xi32>], vector<16xf32>,
        %add3A_879 = arith.constant 7 : i32
        %add3A_880 = vector.broadcast %add3A_879 : i32 to vector<16xi32>
        %add3A_881 = arith.addi %iota3A, %add3A_880 : vector<16xi32>
        %and3A_882 = arith.constant 15 : i32
        %and3A_883 = vector.broadcast %and3A_882 : i32 to vector<16xi32>
        %and3A_884 = arith.andi %add3A_881, %and3A_883 : vector<16xi32>
        %add3A_885 = arith.addi %add3A_802, %and3A_884 : vector<16xi32>
        %gather3A_886 = tpu.vector_load_idx %arg6[%add3A_885, %iota3A] : memref<1024x32xf32, #tpu.memory_space<vmem>>[vector<16xi32>, vector<16xi32>], vector<16xf32>,
        %add3A_887 = arith.addi %add3A_797, %and3A_884 : vector<16xi32>
        tpu.vector_store_idx %arg8[%add3A_887], %gather3A_886 : memref<32768xf32, #tpu.memory_space<vmem>>[vector<16xi32>], vector<16xf32>,
        %gather3A_888 = tpu.vector_load_idx %arg6[%add3A_885, %add3A_5] : memref<1024x32xf32, #tpu.memory_space<vmem>>[vector<16xi32>, vector<16xi32>], vector<16xf32>,
        %add3A_889 = arith.addi %add3A_799, %and3A_884 : vector<16xi32>
        tpu.vector_store_idx %arg8[%add3A_889], %gather3A_888 : memref<32768xf32, #tpu.memory_space<vmem>>[vector<16xi32>], vector<16xf32>,
        %add3A_890 = arith.constant 8 : i32
        %add3A_891 = vector.broadcast %add3A_890 : i32 to vector<16xi32>
        %add3A_892 = arith.addi %iota3A, %add3A_891 : vector<16xi32>
        %and3A_893 = arith.constant 15 : i32
        %and3A_894 = vector.broadcast %and3A_893 : i32 to vector<16xi32>
        %and3A_895 = arith.andi %add3A_892, %and3A_894 : vector<16xi32>
        %add3A_896 = arith.addi %add3A_802, %and3A_895 : vector<16xi32>
        %gather3A_897 = tpu.vector_load_idx %arg6[%add3A_896, %iota3A] : memref<1024x32xf32, #tpu.memory_space<vmem>>[vector<16xi32>, vector<16xi32>], vector<16xf32>,
        %add3A_898 = arith.addi %add3A_797, %and3A_895 : vector<16xi32>
        tpu.vector_store_idx %arg8[%add3A_898], %gather3A_897 : memref<32768xf32, #tpu.memory_space<vmem>>[vector<16xi32>], vector<16xf32>,
        %gather3A_899 = tpu.vector_load_idx %arg6[%add3A_896, %add3A_5] : memref<1024x32xf32, #tpu.memory_space<vmem>>[vector<16xi32>, vector<16xi32>], vector<16xf32>,
        %add3A_900 = arith.addi %add3A_799, %and3A_895 : vector<16xi32>
        tpu.vector_store_idx %arg8[%add3A_900], %gather3A_899 : memref<32768xf32, #tpu.memory_space<vmem>>[vector<16xi32>], vector<16xf32>,
        %add3A_901 = arith.constant 9 : i32
        %add3A_902 = vector.broadcast %add3A_901 : i32 to vector<16xi32>
        %add3A_903 = arith.addi %iota3A, %add3A_902 : vector<16xi32>
        %and3A_904 = arith.constant 15 : i32
        %and3A_905 = vector.broadcast %and3A_904 : i32 to vector<16xi32>
        %and3A_906 = arith.andi %add3A_903, %and3A_905 : vector<16xi32>
        %add3A_907 = arith.addi %add3A_802, %and3A_906 : vector<16xi32>
        %gather3A_908 = tpu.vector_load_idx %arg6[%add3A_907, %iota3A] : memref<1024x32xf32, #tpu.memory_space<vmem>>[vector<16xi32>, vector<16xi32>], vector<16xf32>,
        %add3A_909 = arith.addi %add3A_797, %and3A_906 : vector<16xi32>
        tpu.vector_store_idx %arg8[%add3A_909], %gather3A_908 : memref<32768xf32, #tpu.memory_space<vmem>>[vector<16xi32>], vector<16xf32>,
        %gather3A_910 = tpu.vector_load_idx %arg6[%add3A_907, %add3A_5] : memref<1024x32xf32, #tpu.memory_space<vmem>>[vector<16xi32>, vector<16xi32>], vector<16xf32>,
        %add3A_911 = arith.addi %add3A_799, %and3A_906 : vector<16xi32>
        tpu.vector_store_idx %arg8[%add3A_911], %gather3A_910 : memref<32768xf32, #tpu.memory_space<vmem>>[vector<16xi32>], vector<16xf32>,
        %add3A_912 = arith.constant 10 : i32
        %add3A_913 = vector.broadcast %add3A_912 : i32 to vector<16xi32>
        %add3A_914 = arith.addi %iota3A, %add3A_913 : vector<16xi32>
        %and3A_915 = arith.constant 15 : i32
        %and3A_916 = vector.broadcast %and3A_915 : i32 to vector<16xi32>
        %and3A_917 = arith.andi %add3A_914, %and3A_916 : vector<16xi32>
        %add3A_918 = arith.addi %add3A_802, %and3A_917 : vector<16xi32>
        %gather3A_919 = tpu.vector_load_idx %arg6[%add3A_918, %iota3A] : memref<1024x32xf32, #tpu.memory_space<vmem>>[vector<16xi32>, vector<16xi32>], vector<16xf32>,
        %add3A_920 = arith.addi %add3A_797, %and3A_917 : vector<16xi32>
        tpu.vector_store_idx %arg8[%add3A_920], %gather3A_919 : memref<32768xf32, #tpu.memory_space<vmem>>[vector<16xi32>], vector<16xf32>,
        %gather3A_921 = tpu.vector_load_idx %arg6[%add3A_918, %add3A_5] : memref<1024x32xf32, #tpu.memory_space<vmem>>[vector<16xi32>, vector<16xi32>], vector<16xf32>,
        %add3A_922 = arith.addi %add3A_799, %and3A_917 : vector<16xi32>
        tpu.vector_store_idx %arg8[%add3A_922], %gather3A_921 : memref<32768xf32, #tpu.memory_space<vmem>>[vector<16xi32>], vector<16xf32>,
        %add3A_923 = arith.constant 11 : i32
        %add3A_924 = vector.broadcast %add3A_923 : i32 to vector<16xi32>
        %add3A_925 = arith.addi %iota3A, %add3A_924 : vector<16xi32>
        %and3A_926 = arith.constant 15 : i32
        %and3A_927 = vector.broadcast %and3A_926 : i32 to vector<16xi32>
        %and3A_928 = arith.andi %add3A_925, %and3A_927 : vector<16xi32>
        %add3A_929 = arith.addi %add3A_802, %and3A_928 : vector<16xi32>
        %gather3A_930 = tpu.vector_load_idx %arg6[%add3A_929, %iota3A] : memref<1024x32xf32, #tpu.memory_space<vmem>>[vector<16xi32>, vector<16xi32>], vector<16xf32>,
        %add3A_931 = arith.addi %add3A_797, %and3A_928 : vector<16xi32>
        tpu.vector_store_idx %arg8[%add3A_931], %gather3A_930 : memref<32768xf32, #tpu.memory_space<vmem>>[vector<16xi32>], vector<16xf32>,
        %gather3A_932 = tpu.vector_load_idx %arg6[%add3A_929, %add3A_5] : memref<1024x32xf32, #tpu.memory_space<vmem>>[vector<16xi32>, vector<16xi32>], vector<16xf32>,
        %add3A_933 = arith.addi %add3A_799, %and3A_928 : vector<16xi32>
        tpu.vector_store_idx %arg8[%add3A_933], %gather3A_932 : memref<32768xf32, #tpu.memory_space<vmem>>[vector<16xi32>], vector<16xf32>,
        %add3A_934 = arith.constant 12 : i32
        %add3A_935 = vector.broadcast %add3A_934 : i32 to vector<16xi32>
        %add3A_936 = arith.addi %iota3A, %add3A_935 : vector<16xi32>
        %and3A_937 = arith.constant 15 : i32
        %and3A_938 = vector.broadcast %and3A_937 : i32 to vector<16xi32>
        %and3A_939 = arith.andi %add3A_936, %and3A_938 : vector<16xi32>
        %add3A_940 = arith.addi %add3A_802, %and3A_939 : vector<16xi32>
        %gather3A_941 = tpu.vector_load_idx %arg6[%add3A_940, %iota3A] : memref<1024x32xf32, #tpu.memory_space<vmem>>[vector<16xi32>, vector<16xi32>], vector<16xf32>,
        %add3A_942 = arith.addi %add3A_797, %and3A_939 : vector<16xi32>
        tpu.vector_store_idx %arg8[%add3A_942], %gather3A_941 : memref<32768xf32, #tpu.memory_space<vmem>>[vector<16xi32>], vector<16xf32>,
        %gather3A_943 = tpu.vector_load_idx %arg6[%add3A_940, %add3A_5] : memref<1024x32xf32, #tpu.memory_space<vmem>>[vector<16xi32>, vector<16xi32>], vector<16xf32>,
        %add3A_944 = arith.addi %add3A_799, %and3A_939 : vector<16xi32>
        tpu.vector_store_idx %arg8[%add3A_944], %gather3A_943 : memref<32768xf32, #tpu.memory_space<vmem>>[vector<16xi32>], vector<16xf32>,
        %add3A_945 = arith.constant 13 : i32
        %add3A_946 = vector.broadcast %add3A_945 : i32 to vector<16xi32>
        %add3A_947 = arith.addi %iota3A, %add3A_946 : vector<16xi32>
        %and3A_948 = arith.constant 15 : i32
        %and3A_949 = vector.broadcast %and3A_948 : i32 to vector<16xi32>
        %and3A_950 = arith.andi %add3A_947, %and3A_949 : vector<16xi32>
        %add3A_951 = arith.addi %add3A_802, %and3A_950 : vector<16xi32>
        %gather3A_952 = tpu.vector_load_idx %arg6[%add3A_951, %iota3A] : memref<1024x32xf32, #tpu.memory_space<vmem>>[vector<16xi32>, vector<16xi32>], vector<16xf32>,
        %add3A_953 = arith.addi %add3A_797, %and3A_950 : vector<16xi32>
        tpu.vector_store_idx %arg8[%add3A_953], %gather3A_952 : memref<32768xf32, #tpu.memory_space<vmem>>[vector<16xi32>], vector<16xf32>,
        %gather3A_954 = tpu.vector_load_idx %arg6[%add3A_951, %add3A_5] : memref<1024x32xf32, #tpu.memory_space<vmem>>[vector<16xi32>, vector<16xi32>], vector<16xf32>,
        %add3A_955 = arith.addi %add3A_799, %and3A_950 : vector<16xi32>
        tpu.vector_store_idx %arg8[%add3A_955], %gather3A_954 : memref<32768xf32, #tpu.memory_space<vmem>>[vector<16xi32>], vector<16xf32>,
        %add3A_956 = arith.constant 14 : i32
        %add3A_957 = vector.broadcast %add3A_956 : i32 to vector<16xi32>
        %add3A_958 = arith.addi %iota3A, %add3A_957 : vector<16xi32>
        %and3A_959 = arith.constant 15 : i32
        %and3A_960 = vector.broadcast %and3A_959 : i32 to vector<16xi32>
        %and3A_961 = arith.andi %add3A_958, %and3A_960 : vector<16xi32>
        %add3A_962 = arith.addi %add3A_802, %and3A_961 : vector<16xi32>
        %gather3A_963 = tpu.vector_load_idx %arg6[%add3A_962, %iota3A] : memref<1024x32xf32, #tpu.memory_space<vmem>>[vector<16xi32>, vector<16xi32>], vector<16xf32>,
        %add3A_964 = arith.addi %add3A_797, %and3A_961 : vector<16xi32>
        tpu.vector_store_idx %arg8[%add3A_964], %gather3A_963 : memref<32768xf32, #tpu.memory_space<vmem>>[vector<16xi32>], vector<16xf32>,
        %gather3A_965 = tpu.vector_load_idx %arg6[%add3A_962, %add3A_5] : memref<1024x32xf32, #tpu.memory_space<vmem>>[vector<16xi32>, vector<16xi32>], vector<16xf32>,
        %add3A_966 = arith.addi %add3A_799, %and3A_961 : vector<16xi32>
        tpu.vector_store_idx %arg8[%add3A_966], %gather3A_965 : memref<32768xf32, #tpu.memory_space<vmem>>[vector<16xi32>], vector<16xf32>,
        %add3A_967 = arith.constant 15 : i32
        %add3A_968 = vector.broadcast %add3A_967 : i32 to vector<16xi32>
        %add3A_969 = arith.addi %iota3A, %add3A_968 : vector<16xi32>
        %and3A_970 = arith.constant 15 : i32
        %and3A_971 = vector.broadcast %and3A_970 : i32 to vector<16xi32>
        %and3A_972 = arith.andi %add3A_969, %and3A_971 : vector<16xi32>
        %add3A_973 = arith.addi %add3A_802, %and3A_972 : vector<16xi32>
        %gather3A_974 = tpu.vector_load_idx %arg6[%add3A_973, %iota3A] : memref<1024x32xf32, #tpu.memory_space<vmem>>[vector<16xi32>, vector<16xi32>], vector<16xf32>,
        %add3A_975 = arith.addi %add3A_797, %and3A_972 : vector<16xi32>
        tpu.vector_store_idx %arg8[%add3A_975], %gather3A_974 : memref<32768xf32, #tpu.memory_space<vmem>>[vector<16xi32>], vector<16xf32>,
        %gather3A_976 = tpu.vector_load_idx %arg6[%add3A_973, %add3A_5] : memref<1024x32xf32, #tpu.memory_space<vmem>>[vector<16xi32>, vector<16xi32>], vector<16xf32>,
        %add3A_977 = arith.addi %add3A_799, %and3A_972 : vector<16xi32>
        tpu.vector_store_idx %arg8[%add3A_977], %gather3A_976 : memref<32768xf32, #tpu.memory_space<vmem>>[vector<16xi32>], vector<16xf32>,
      }
      %scan3A_460 = arith.constant 64 : i32
      %mul3A_461 = arith.constant 1024 : i32
      %mul3A_462 = arith.muli %mul3A_244, %mul3A_461 : i32
      %add3A_463 = arith.addi %mul3A_2, %mul3A_462 : i32
      %jit3A_464 = arith.constant 16384 : i32
      %div3A_465 = arith.divsi %add3A_463, %jit3A_464 : i32
      %sign3A_466 = arith.constant 0 : i32
      %sign3A_467 = arith.cmpi sgt, %add3A_463, %sign3A_466 : i32
      %sign3A_468 = arith.extui %sign3A_467 : i1 to i32
      %sign3A_469 = arith.constant 0 : i32
      %sign3A_470 = arith.cmpi slt, %add3A_463, %sign3A_469 : i32
      %sign3A_471 = arith.extui %sign3A_470 : i1 to i32
      %sign3A_472 = arith.subi %sign3A_468, %sign3A_471 : i32
      %sign3A_473 = arith.constant 0 : i32
      %sign3A_474 = arith.cmpi sgt, %jit3A_464, %sign3A_473 : i32
      %sign3A_475 = arith.extui %sign3A_474 : i1 to i32
      %sign3A_476 = arith.constant 0 : i32
      %sign3A_477 = arith.cmpi slt, %jit3A_464, %sign3A_476 : i32
      %sign3A_478 = arith.extui %sign3A_477 : i1 to i32
      %sign3A_479 = arith.subi %sign3A_475, %sign3A_478 : i32
      %ne3A_480 = arith.cmpi ne, %sign3A_472, %sign3A_479 : i32
      %rem3A_481 = arith.remsi %add3A_463, %jit3A_464 : i32
      %ne3A_482 = arith.constant 0 : i32
      %ne3A_483 = arith.cmpi ne, %rem3A_481, %ne3A_482 : i32
      %and3A_484 = arith.andi %ne3A_480, %ne3A_483 : i1
      %sub3A_485 = arith.constant 1 : i32
      %sub3A_486 = arith.subi %div3A_465, %sub3A_485 : i32
      %select_n3A_487 = arith.select %and3A_484, %sub3A_486, %div3A_465 : i32
      %jit3A_488 = arith.constant 16384 : i32
      %eq3A_489 = arith.constant 0 : i32
      %eq3A_490 = arith.cmpi eq, %jit3A_488, %eq3A_489 : i32
      %jit3A_491 = arith.constant 1 : i32
      %select_n3A_492 = arith.select %eq3A_490, %jit3A_491, %jit3A_488 : i32
      %rem3A_493 = arith.remsi %add3A_463, %select_n3A_492 : i32
      %ne3A_494 = arith.constant 0 : i32
      %ne3A_495 = arith.cmpi ne, %rem3A_493, %ne3A_494 : i32
      %lt3A_496 = arith.constant 0 : i32
      %lt3A_497 = arith.cmpi slt, %rem3A_493, %lt3A_496 : i32
      %lt3A_498 = arith.constant 0 : i32
      %lt3A_499 = arith.cmpi slt, %select_n3A_492, %lt3A_498 : i32
      %ne3A_500 = arith.xori %lt3A_497, %lt3A_499 : i1
      %and3A_501 = arith.andi %ne3A_500, %ne3A_495 : i1
      %add3A_502 = arith.addi %rem3A_493, %select_n3A_492 : i32
      %select_n3A_503 = arith.select %and3A_501, %add3A_502, %rem3A_493 : i32
      %mul3A_504 = arith.constant 8 : i32
      %mul3A_505 = arith.muli %select_n3A_503, %mul3A_504 : i32
      %add3A_506 = arith.constant 0 : i32
      %add3A_507 = arith.addi %add3A_506, %mul3A_505 : i32
      "tpu.region"() ({
        %run_scoped3A = tpu.sem_alloc : memref<!tpu.dma_semaphore, #tpu.memory_space<semaphore_mem>>
        %dma_start3A_787 = arith.constant 0 : i32
        %dma_start3A_788 = tpu.memref_slice %arg8[%dma_start3A_787] : memref<32768xf32, #tpu.memory_space<vmem>> -> memref<8192xf32, #tpu.memory_space<vmem>>
        %dma_start3A_789 = tpu.memref_slice %arg4[%select_n3A_487, %add3A_507] : memref<26x524288xf32, #tpu.memory_space<hbm>> -> memref<1x8192xf32, #tpu.memory_space<hbm>>
        %dma_start3A_790 = tpu.memref_squeeze %dma_start3A_789 : memref<1x8192xf32, #tpu.memory_space<hbm>> -> memref<8192xf32, #tpu.memory_space<hbm>>
        %dma_start3A_791 = tpu.memref_slice %arg4[%select_n3A_487, %add3A_507] : memref<26x524288xf32, #tpu.memory_space<hbm>> -> memref<1x8192xf32, #tpu.memory_space<hbm>>
        %dma_start3A_792 = tpu.memref_squeeze %dma_start3A_791 : memref<1x8192xf32, #tpu.memory_space<hbm>> -> memref<8192xf32, #tpu.memory_space<hbm>>
        %dma_start3A_793 = arith.constant 0 : i32
        %dma_start3A_794 = tpu.memref_slice %arg8[%dma_start3A_793] : memref<32768xf32, #tpu.memory_space<vmem>> -> memref<8192xf32, #tpu.memory_space<vmem>>
        tpu.enqueue_dma source(%dma_start3A_794 : memref<8192xf32, #tpu.memory_space<vmem>>) target(%dma_start3A_792 : memref<8192xf32, #tpu.memory_space<hbm>>) target_semaphore(%run_scoped3A : memref<!tpu.dma_semaphore, #tpu.memory_space<semaphore_mem>>)
        %dma_wait3A_795 = arith.constant 0 : i32
        %dma_wait3A_796 = tpu.memref_slice %arg8[%dma_wait3A_795] : memref<32768xf32, #tpu.memory_space<vmem>> -> memref<8192xf32, #tpu.memory_space<vmem>>
        %dma_wait3A_797 = tpu.memref_slice %arg4[%select_n3A_487, %add3A_507] : memref<26x524288xf32, #tpu.memory_space<hbm>> -> memref<1x8192xf32, #tpu.memory_space<hbm>>
        %dma_wait3A_798 = tpu.memref_squeeze %dma_wait3A_797 : memref<1x8192xf32, #tpu.memory_space<hbm>> -> memref<8192xf32, #tpu.memory_space<hbm>>
        %dma_wait3A_799 = tpu.memref_slice %arg4[%select_n3A_487, %add3A_507] : memref<26x524288xf32, #tpu.memory_space<hbm>> -> memref<1x8192xf32, #tpu.memory_space<hbm>>
        %dma_wait3A_800 = tpu.memref_squeeze %dma_wait3A_799 : memref<1x8192xf32, #tpu.memory_space<hbm>> -> memref<8192xf32, #tpu.memory_space<hbm>>
        %dma_wait3A_801 = arith.constant 0 : i32
        %dma_wait3A_802 = tpu.memref_slice %arg8[%dma_wait3A_801] : memref<32768xf32, #tpu.memory_space<vmem>> -> memref<8192xf32, #tpu.memory_space<vmem>>
        tpu.wait_dma2 semaphore(%run_scoped3A : memref<!tpu.dma_semaphore, #tpu.memory_space<semaphore_mem>>) src(%dma_wait3A_802 : memref<8192xf32, #tpu.memory_space<vmem>>) dst(%dma_wait3A_800 : memref<8192xf32, #tpu.memory_space<hbm>>)
        tpu.yield
      }) : () -> ()
      %add3A_508 = arith.constant 131072 : i32
      %add3A_509 = arith.addi %add3A_508, %mul3A_505 : i32
      "tpu.region"() ({
        %run_scoped3A = tpu.sem_alloc : memref<!tpu.dma_semaphore, #tpu.memory_space<semaphore_mem>>
        %dma_start3A_787 = arith.constant 8192 : i32
        %dma_start3A_788 = tpu.memref_slice %arg8[%dma_start3A_787] : memref<32768xf32, #tpu.memory_space<vmem>> -> memref<8192xf32, #tpu.memory_space<vmem>>
        %dma_start3A_789 = tpu.memref_slice %arg4[%select_n3A_487, %add3A_509] : memref<26x524288xf32, #tpu.memory_space<hbm>> -> memref<1x8192xf32, #tpu.memory_space<hbm>>
        %dma_start3A_790 = tpu.memref_squeeze %dma_start3A_789 : memref<1x8192xf32, #tpu.memory_space<hbm>> -> memref<8192xf32, #tpu.memory_space<hbm>>
        %dma_start3A_791 = tpu.memref_slice %arg4[%select_n3A_487, %add3A_509] : memref<26x524288xf32, #tpu.memory_space<hbm>> -> memref<1x8192xf32, #tpu.memory_space<hbm>>
        %dma_start3A_792 = tpu.memref_squeeze %dma_start3A_791 : memref<1x8192xf32, #tpu.memory_space<hbm>> -> memref<8192xf32, #tpu.memory_space<hbm>>
        %dma_start3A_793 = arith.constant 8192 : i32
        %dma_start3A_794 = tpu.memref_slice %arg8[%dma_start3A_793] : memref<32768xf32, #tpu.memory_space<vmem>> -> memref<8192xf32, #tpu.memory_space<vmem>>
        tpu.enqueue_dma source(%dma_start3A_794 : memref<8192xf32, #tpu.memory_space<vmem>>) target(%dma_start3A_792 : memref<8192xf32, #tpu.memory_space<hbm>>) target_semaphore(%run_scoped3A : memref<!tpu.dma_semaphore, #tpu.memory_space<semaphore_mem>>)
        %dma_wait3A_795 = arith.constant 8192 : i32
        %dma_wait3A_796 = tpu.memref_slice %arg8[%dma_wait3A_795] : memref<32768xf32, #tpu.memory_space<vmem>> -> memref<8192xf32, #tpu.memory_space<vmem>>
        %dma_wait3A_797 = tpu.memref_slice %arg4[%select_n3A_487, %add3A_509] : memref<26x524288xf32, #tpu.memory_space<hbm>> -> memref<1x8192xf32, #tpu.memory_space<hbm>>
        %dma_wait3A_798 = tpu.memref_squeeze %dma_wait3A_797 : memref<1x8192xf32, #tpu.memory_space<hbm>> -> memref<8192xf32, #tpu.memory_space<hbm>>
        %dma_wait3A_799 = tpu.memref_slice %arg4[%select_n3A_487, %add3A_509] : memref<26x524288xf32, #tpu.memory_space<hbm>> -> memref<1x8192xf32, #tpu.memory_space<hbm>>
        %dma_wait3A_800 = tpu.memref_squeeze %dma_wait3A_799 : memref<1x8192xf32, #tpu.memory_space<hbm>> -> memref<8192xf32, #tpu.memory_space<hbm>>
        %dma_wait3A_801 = arith.constant 8192 : i32
        %dma_wait3A_802 = tpu.memref_slice %arg8[%dma_wait3A_801] : memref<32768xf32, #tpu.memory_space<vmem>> -> memref<8192xf32, #tpu.memory_space<vmem>>
        tpu.wait_dma2 semaphore(%run_scoped3A : memref<!tpu.dma_semaphore, #tpu.memory_space<semaphore_mem>>) src(%dma_wait3A_802 : memref<8192xf32, #tpu.memory_space<vmem>>) dst(%dma_wait3A_800 : memref<8192xf32, #tpu.memory_space<hbm>>)
        tpu.yield
      }) : () -> ()
      %add3A_510 = arith.constant 262144 : i32
      %add3A_511 = arith.addi %add3A_510, %mul3A_505 : i32
      "tpu.region"() ({
        %run_scoped3A = tpu.sem_alloc : memref<!tpu.dma_semaphore, #tpu.memory_space<semaphore_mem>>
        %dma_start3A_787 = arith.constant 16384 : i32
        %dma_start3A_788 = tpu.memref_slice %arg8[%dma_start3A_787] : memref<32768xf32, #tpu.memory_space<vmem>> -> memref<8192xf32, #tpu.memory_space<vmem>>
        %dma_start3A_789 = tpu.memref_slice %arg4[%select_n3A_487, %add3A_511] : memref<26x524288xf32, #tpu.memory_space<hbm>> -> memref<1x8192xf32, #tpu.memory_space<hbm>>
        %dma_start3A_790 = tpu.memref_squeeze %dma_start3A_789 : memref<1x8192xf32, #tpu.memory_space<hbm>> -> memref<8192xf32, #tpu.memory_space<hbm>>
        %dma_start3A_791 = tpu.memref_slice %arg4[%select_n3A_487, %add3A_511] : memref<26x524288xf32, #tpu.memory_space<hbm>> -> memref<1x8192xf32, #tpu.memory_space<hbm>>
        %dma_start3A_792 = tpu.memref_squeeze %dma_start3A_791 : memref<1x8192xf32, #tpu.memory_space<hbm>> -> memref<8192xf32, #tpu.memory_space<hbm>>
        %dma_start3A_793 = arith.constant 16384 : i32
        %dma_start3A_794 = tpu.memref_slice %arg8[%dma_start3A_793] : memref<32768xf32, #tpu.memory_space<vmem>> -> memref<8192xf32, #tpu.memory_space<vmem>>
        tpu.enqueue_dma source(%dma_start3A_794 : memref<8192xf32, #tpu.memory_space<vmem>>) target(%dma_start3A_792 : memref<8192xf32, #tpu.memory_space<hbm>>) target_semaphore(%run_scoped3A : memref<!tpu.dma_semaphore, #tpu.memory_space<semaphore_mem>>)
        %dma_wait3A_795 = arith.constant 16384 : i32
        %dma_wait3A_796 = tpu.memref_slice %arg8[%dma_wait3A_795] : memref<32768xf32, #tpu.memory_space<vmem>> -> memref<8192xf32, #tpu.memory_space<vmem>>
        %dma_wait3A_797 = tpu.memref_slice %arg4[%select_n3A_487, %add3A_511] : memref<26x524288xf32, #tpu.memory_space<hbm>> -> memref<1x8192xf32, #tpu.memory_space<hbm>>
        %dma_wait3A_798 = tpu.memref_squeeze %dma_wait3A_797 : memref<1x8192xf32, #tpu.memory_space<hbm>> -> memref<8192xf32, #tpu.memory_space<hbm>>
        %dma_wait3A_799 = tpu.memref_slice %arg4[%select_n3A_487, %add3A_511] : memref<26x524288xf32, #tpu.memory_space<hbm>> -> memref<1x8192xf32, #tpu.memory_space<hbm>>
        %dma_wait3A_800 = tpu.memref_squeeze %dma_wait3A_799 : memref<1x8192xf32, #tpu.memory_space<hbm>> -> memref<8192xf32, #tpu.memory_space<hbm>>
        %dma_wait3A_801 = arith.constant 16384 : i32
        %dma_wait3A_802 = tpu.memref_slice %arg8[%dma_wait3A_801] : memref<32768xf32, #tpu.memory_space<vmem>> -> memref<8192xf32, #tpu.memory_space<vmem>>
        tpu.wait_dma2 semaphore(%run_scoped3A : memref<!tpu.dma_semaphore, #tpu.memory_space<semaphore_mem>>) src(%dma_wait3A_802 : memref<8192xf32, #tpu.memory_space<vmem>>) dst(%dma_wait3A_800 : memref<8192xf32, #tpu.memory_space<hbm>>)
        tpu.yield
      }) : () -> ()
      %add3A_512 = arith.constant 393216 : i32
      %add3A_513 = arith.addi %add3A_512, %mul3A_505 : i32
      "tpu.region"() ({
        %run_scoped3A = tpu.sem_alloc : memref<!tpu.dma_semaphore, #tpu.memory_space<semaphore_mem>>
        %dma_start3A_787 = arith.constant 24576 : i32
        %dma_start3A_788 = tpu.memref_slice %arg8[%dma_start3A_787] : memref<32768xf32, #tpu.memory_space<vmem>> -> memref<8192xf32, #tpu.memory_space<vmem>>
        %dma_start3A_789 = tpu.memref_slice %arg4[%select_n3A_487, %add3A_513] : memref<26x524288xf32, #tpu.memory_space<hbm>> -> memref<1x8192xf32, #tpu.memory_space<hbm>>
        %dma_start3A_790 = tpu.memref_squeeze %dma_start3A_789 : memref<1x8192xf32, #tpu.memory_space<hbm>> -> memref<8192xf32, #tpu.memory_space<hbm>>
        %dma_start3A_791 = tpu.memref_slice %arg4[%select_n3A_487, %add3A_513] : memref<26x524288xf32, #tpu.memory_space<hbm>> -> memref<1x8192xf32, #tpu.memory_space<hbm>>
        %dma_start3A_792 = tpu.memref_squeeze %dma_start3A_791 : memref<1x8192xf32, #tpu.memory_space<hbm>> -> memref<8192xf32, #tpu.memory_space<hbm>>
        %dma_start3A_793 = arith.constant 24576 : i32
        %dma_start3A_794 = tpu.memref_slice %arg8[%dma_start3A_793] : memref<32768xf32, #tpu.memory_space<vmem>> -> memref<8192xf32, #tpu.memory_space<vmem>>
        tpu.enqueue_dma source(%dma_start3A_794 : memref<8192xf32, #tpu.memory_space<vmem>>) target(%dma_start3A_792 : memref<8192xf32, #tpu.memory_space<hbm>>) target_semaphore(%run_scoped3A : memref<!tpu.dma_semaphore, #tpu.memory_space<semaphore_mem>>)
        %dma_wait3A_795 = arith.constant 24576 : i32
        %dma_wait3A_796 = tpu.memref_slice %arg8[%dma_wait3A_795] : memref<32768xf32, #tpu.memory_space<vmem>> -> memref<8192xf32, #tpu.memory_space<vmem>>
        %dma_wait3A_797 = tpu.memref_slice %arg4[%select_n3A_487, %add3A_513] : memref<26x524288xf32, #tpu.memory_space<hbm>> -> memref<1x8192xf32, #tpu.memory_space<hbm>>
        %dma_wait3A_798 = tpu.memref_squeeze %dma_wait3A_797 : memref<1x8192xf32, #tpu.memory_space<hbm>> -> memref<8192xf32, #tpu.memory_space<hbm>>
        %dma_wait3A_799 = tpu.memref_slice %arg4[%select_n3A_487, %add3A_513] : memref<26x524288xf32, #tpu.memory_space<hbm>> -> memref<1x8192xf32, #tpu.memory_space<hbm>>
        %dma_wait3A_800 = tpu.memref_squeeze %dma_wait3A_799 : memref<1x8192xf32, #tpu.memory_space<hbm>> -> memref<8192xf32, #tpu.memory_space<hbm>>
        %dma_wait3A_801 = arith.constant 24576 : i32
        %dma_wait3A_802 = tpu.memref_slice %arg8[%dma_wait3A_801] : memref<32768xf32, #tpu.memory_space<vmem>> -> memref<8192xf32, #tpu.memory_space<vmem>>
        tpu.wait_dma2 semaphore(%run_scoped3A : memref<!tpu.dma_semaphore, #tpu.memory_space<semaphore_mem>>) src(%dma_wait3A_802 : memref<8192xf32, #tpu.memory_space<vmem>>) dst(%dma_wait3A_800 : memref<8192xf32, #tpu.memory_space<hbm>>)
        tpu.yield
      }) : () -> ()
      %add3A_514 = arith.constant 2 : i32
      %add3A_515 = arith.addi %mul3A_244, %add3A_514 : i32
      %mul3A_516 = arith.constant 8 : i32
      %mul3A_517 = arith.muli %add3A_515, %mul3A_516 : i32
      %add3A_518 = arith.constant 0 : i32
      %add3A_519 = arith.addi %mul3A_517, %add3A_518 : i32
      %dma_start3A_520 = arith.constant 0 : i32
      %dma_start3A_521 = arith.constant 0 : i32
      %dma_start3A_522 = tpu.memref_slice %arg6[%dma_start3A_520, %dma_start3A_521] : memref<1024x32xf32, #tpu.memory_space<vmem>> -> memref<128x32xf32, #tpu.memory_space<vmem>>
      %dma_start3A_523 = arith.constant 0 : i32
      %dma_start3A_524 = tpu.memref_slice %arg5[%add3A_519, %dma_start3A_523] : memref<104x128xi32, #tpu.memory_space<vmem>> -> memref<1x128xi32, #tpu.memory_space<vmem>>
      %dma_start3A_525 = tpu.memref_squeeze %dma_start3A_524 : memref<1x128xi32, #tpu.memory_space<vmem>> -> memref<128xi32, #tpu.memory_space<vmem>>
      %dma_start3A_526 = arith.constant 0 : i32
      %dma_start3A_527 = arith.constant 0 : i32
      %dma_start3A_528 = tpu.memref_slice %arg3[%dma_start3A_526, %dma_start3A_527] : memref<1015808x32xf32, #tpu.memory_space<hbm>> -> memref<1015808x32xf32, #tpu.memory_space<hbm>>
      tpu.enqueue_indirect_dma source(%dma_start3A_528 : memref<1015808x32xf32, #tpu.memory_space<hbm>>) target(%dma_start3A_522 : memref<128x32xf32, #tpu.memory_space<vmem>>) offsets(%dma_start3A_525 : memref<128xi32, #tpu.memory_space<vmem>>) semaphore(%arg9 : memref<!tpu.dma_semaphore, #tpu.memory_space<semaphore_mem>>)
      %mul3A_529 = arith.constant 8 : i32
      %mul3A_530 = arith.muli %add3A_515, %mul3A_529 : i32
      %add3A_531 = arith.constant 1 : i32
      %add3A_532 = arith.addi %mul3A_530, %add3A_531 : i32
      %dma_start3A_533 = arith.constant 128 : i32
      %dma_start3A_534 = arith.constant 0 : i32
      %dma_start3A_535 = tpu.memref_slice %arg6[%dma_start3A_533, %dma_start3A_534] : memref<1024x32xf32, #tpu.memory_space<vmem>> -> memref<128x32xf32, #tpu.memory_space<vmem>>
      %dma_start3A_536 = arith.constant 0 : i32
      %dma_start3A_537 = tpu.memref_slice %arg5[%add3A_532, %dma_start3A_536] : memref<104x128xi32, #tpu.memory_space<vmem>> -> memref<1x128xi32, #tpu.memory_space<vmem>>
      %dma_start3A_538 = tpu.memref_squeeze %dma_start3A_537 : memref<1x128xi32, #tpu.memory_space<vmem>> -> memref<128xi32, #tpu.memory_space<vmem>>
      %dma_start3A_539 = arith.constant 0 : i32
      %dma_start3A_540 = arith.constant 0 : i32
      %dma_start3A_541 = tpu.memref_slice %arg3[%dma_start3A_539, %dma_start3A_540] : memref<1015808x32xf32, #tpu.memory_space<hbm>> -> memref<1015808x32xf32, #tpu.memory_space<hbm>>
      tpu.enqueue_indirect_dma source(%dma_start3A_541 : memref<1015808x32xf32, #tpu.memory_space<hbm>>) target(%dma_start3A_535 : memref<128x32xf32, #tpu.memory_space<vmem>>) offsets(%dma_start3A_538 : memref<128xi32, #tpu.memory_space<vmem>>) semaphore(%arg9 : memref<!tpu.dma_semaphore, #tpu.memory_space<semaphore_mem>>)
      %mul3A_542 = arith.constant 8 : i32
      %mul3A_543 = arith.muli %add3A_515, %mul3A_542 : i32
      %add3A_544 = arith.constant 2 : i32
      %add3A_545 = arith.addi %mul3A_543, %add3A_544 : i32
      %dma_start3A_546 = arith.constant 256 : i32
      %dma_start3A_547 = arith.constant 0 : i32
      %dma_start3A_548 = tpu.memref_slice %arg6[%dma_start3A_546, %dma_start3A_547] : memref<1024x32xf32, #tpu.memory_space<vmem>> -> memref<128x32xf32, #tpu.memory_space<vmem>>
      %dma_start3A_549 = arith.constant 0 : i32
      %dma_start3A_550 = tpu.memref_slice %arg5[%add3A_545, %dma_start3A_549] : memref<104x128xi32, #tpu.memory_space<vmem>> -> memref<1x128xi32, #tpu.memory_space<vmem>>
      %dma_start3A_551 = tpu.memref_squeeze %dma_start3A_550 : memref<1x128xi32, #tpu.memory_space<vmem>> -> memref<128xi32, #tpu.memory_space<vmem>>
      %dma_start3A_552 = arith.constant 0 : i32
      %dma_start3A_553 = arith.constant 0 : i32
      %dma_start3A_554 = tpu.memref_slice %arg3[%dma_start3A_552, %dma_start3A_553] : memref<1015808x32xf32, #tpu.memory_space<hbm>> -> memref<1015808x32xf32, #tpu.memory_space<hbm>>
      tpu.enqueue_indirect_dma source(%dma_start3A_554 : memref<1015808x32xf32, #tpu.memory_space<hbm>>) target(%dma_start3A_548 : memref<128x32xf32, #tpu.memory_space<vmem>>) offsets(%dma_start3A_551 : memref<128xi32, #tpu.memory_space<vmem>>) semaphore(%arg9 : memref<!tpu.dma_semaphore, #tpu.memory_space<semaphore_mem>>)
      %mul3A_555 = arith.constant 8 : i32
      %mul3A_556 = arith.muli %add3A_515, %mul3A_555 : i32
      %add3A_557 = arith.constant 3 : i32
      %add3A_558 = arith.addi %mul3A_556, %add3A_557 : i32
      %dma_start3A_559 = arith.constant 384 : i32
      %dma_start3A_560 = arith.constant 0 : i32
      %dma_start3A_561 = tpu.memref_slice %arg6[%dma_start3A_559, %dma_start3A_560] : memref<1024x32xf32, #tpu.memory_space<vmem>> -> memref<128x32xf32, #tpu.memory_space<vmem>>
      %dma_start3A_562 = arith.constant 0 : i32
      %dma_start3A_563 = tpu.memref_slice %arg5[%add3A_558, %dma_start3A_562] : memref<104x128xi32, #tpu.memory_space<vmem>> -> memref<1x128xi32, #tpu.memory_space<vmem>>
      %dma_start3A_564 = tpu.memref_squeeze %dma_start3A_563 : memref<1x128xi32, #tpu.memory_space<vmem>> -> memref<128xi32, #tpu.memory_space<vmem>>
      %dma_start3A_565 = arith.constant 0 : i32
      %dma_start3A_566 = arith.constant 0 : i32
      %dma_start3A_567 = tpu.memref_slice %arg3[%dma_start3A_565, %dma_start3A_566] : memref<1015808x32xf32, #tpu.memory_space<hbm>> -> memref<1015808x32xf32, #tpu.memory_space<hbm>>
      tpu.enqueue_indirect_dma source(%dma_start3A_567 : memref<1015808x32xf32, #tpu.memory_space<hbm>>) target(%dma_start3A_561 : memref<128x32xf32, #tpu.memory_space<vmem>>) offsets(%dma_start3A_564 : memref<128xi32, #tpu.memory_space<vmem>>) semaphore(%arg9 : memref<!tpu.dma_semaphore, #tpu.memory_space<semaphore_mem>>)
      %mul3A_568 = arith.constant 8 : i32
      %mul3A_569 = arith.muli %add3A_515, %mul3A_568 : i32
      %add3A_570 = arith.constant 4 : i32
      %add3A_571 = arith.addi %mul3A_569, %add3A_570 : i32
      %dma_start3A_572 = arith.constant 512 : i32
      %dma_start3A_573 = arith.constant 0 : i32
      %dma_start3A_574 = tpu.memref_slice %arg6[%dma_start3A_572, %dma_start3A_573] : memref<1024x32xf32, #tpu.memory_space<vmem>> -> memref<128x32xf32, #tpu.memory_space<vmem>>
      %dma_start3A_575 = arith.constant 0 : i32
      %dma_start3A_576 = tpu.memref_slice %arg5[%add3A_571, %dma_start3A_575] : memref<104x128xi32, #tpu.memory_space<vmem>> -> memref<1x128xi32, #tpu.memory_space<vmem>>
      %dma_start3A_577 = tpu.memref_squeeze %dma_start3A_576 : memref<1x128xi32, #tpu.memory_space<vmem>> -> memref<128xi32, #tpu.memory_space<vmem>>
      %dma_start3A_578 = arith.constant 0 : i32
      %dma_start3A_579 = arith.constant 0 : i32
      %dma_start3A_580 = tpu.memref_slice %arg3[%dma_start3A_578, %dma_start3A_579] : memref<1015808x32xf32, #tpu.memory_space<hbm>> -> memref<1015808x32xf32, #tpu.memory_space<hbm>>
      tpu.enqueue_indirect_dma source(%dma_start3A_580 : memref<1015808x32xf32, #tpu.memory_space<hbm>>) target(%dma_start3A_574 : memref<128x32xf32, #tpu.memory_space<vmem>>) offsets(%dma_start3A_577 : memref<128xi32, #tpu.memory_space<vmem>>) semaphore(%arg9 : memref<!tpu.dma_semaphore, #tpu.memory_space<semaphore_mem>>)
      %mul3A_581 = arith.constant 8 : i32
      %mul3A_582 = arith.muli %add3A_515, %mul3A_581 : i32
      %add3A_583 = arith.constant 5 : i32
      %add3A_584 = arith.addi %mul3A_582, %add3A_583 : i32
      %dma_start3A_585 = arith.constant 640 : i32
      %dma_start3A_586 = arith.constant 0 : i32
      %dma_start3A_587 = tpu.memref_slice %arg6[%dma_start3A_585, %dma_start3A_586] : memref<1024x32xf32, #tpu.memory_space<vmem>> -> memref<128x32xf32, #tpu.memory_space<vmem>>
      %dma_start3A_588 = arith.constant 0 : i32
      %dma_start3A_589 = tpu.memref_slice %arg5[%add3A_584, %dma_start3A_588] : memref<104x128xi32, #tpu.memory_space<vmem>> -> memref<1x128xi32, #tpu.memory_space<vmem>>
      %dma_start3A_590 = tpu.memref_squeeze %dma_start3A_589 : memref<1x128xi32, #tpu.memory_space<vmem>> -> memref<128xi32, #tpu.memory_space<vmem>>
      %dma_start3A_591 = arith.constant 0 : i32
      %dma_start3A_592 = arith.constant 0 : i32
      %dma_start3A_593 = tpu.memref_slice %arg3[%dma_start3A_591, %dma_start3A_592] : memref<1015808x32xf32, #tpu.memory_space<hbm>> -> memref<1015808x32xf32, #tpu.memory_space<hbm>>
      tpu.enqueue_indirect_dma source(%dma_start3A_593 : memref<1015808x32xf32, #tpu.memory_space<hbm>>) target(%dma_start3A_587 : memref<128x32xf32, #tpu.memory_space<vmem>>) offsets(%dma_start3A_590 : memref<128xi32, #tpu.memory_space<vmem>>) semaphore(%arg9 : memref<!tpu.dma_semaphore, #tpu.memory_space<semaphore_mem>>)
      %mul3A_594 = arith.constant 8 : i32
      %mul3A_595 = arith.muli %add3A_515, %mul3A_594 : i32
      %add3A_596 = arith.constant 6 : i32
      %add3A_597 = arith.addi %mul3A_595, %add3A_596 : i32
      %dma_start3A_598 = arith.constant 768 : i32
      %dma_start3A_599 = arith.constant 0 : i32
      %dma_start3A_600 = tpu.memref_slice %arg6[%dma_start3A_598, %dma_start3A_599] : memref<1024x32xf32, #tpu.memory_space<vmem>> -> memref<128x32xf32, #tpu.memory_space<vmem>>
      %dma_start3A_601 = arith.constant 0 : i32
      %dma_start3A_602 = tpu.memref_slice %arg5[%add3A_597, %dma_start3A_601] : memref<104x128xi32, #tpu.memory_space<vmem>> -> memref<1x128xi32, #tpu.memory_space<vmem>>
      %dma_start3A_603 = tpu.memref_squeeze %dma_start3A_602 : memref<1x128xi32, #tpu.memory_space<vmem>> -> memref<128xi32, #tpu.memory_space<vmem>>
      %dma_start3A_604 = arith.constant 0 : i32
      %dma_start3A_605 = arith.constant 0 : i32
      %dma_start3A_606 = tpu.memref_slice %arg3[%dma_start3A_604, %dma_start3A_605] : memref<1015808x32xf32, #tpu.memory_space<hbm>> -> memref<1015808x32xf32, #tpu.memory_space<hbm>>
      tpu.enqueue_indirect_dma source(%dma_start3A_606 : memref<1015808x32xf32, #tpu.memory_space<hbm>>) target(%dma_start3A_600 : memref<128x32xf32, #tpu.memory_space<vmem>>) offsets(%dma_start3A_603 : memref<128xi32, #tpu.memory_space<vmem>>) semaphore(%arg9 : memref<!tpu.dma_semaphore, #tpu.memory_space<semaphore_mem>>)
      %mul3A_607 = arith.constant 8 : i32
      %mul3A_608 = arith.muli %add3A_515, %mul3A_607 : i32
      %add3A_609 = arith.constant 7 : i32
      %add3A_610 = arith.addi %mul3A_608, %add3A_609 : i32
      %dma_start3A_611 = arith.constant 896 : i32
      %dma_start3A_612 = arith.constant 0 : i32
      %dma_start3A_613 = tpu.memref_slice %arg6[%dma_start3A_611, %dma_start3A_612] : memref<1024x32xf32, #tpu.memory_space<vmem>> -> memref<128x32xf32, #tpu.memory_space<vmem>>
      %dma_start3A_614 = arith.constant 0 : i32
      %dma_start3A_615 = tpu.memref_slice %arg5[%add3A_610, %dma_start3A_614] : memref<104x128xi32, #tpu.memory_space<vmem>> -> memref<1x128xi32, #tpu.memory_space<vmem>>
      %dma_start3A_616 = tpu.memref_squeeze %dma_start3A_615 : memref<1x128xi32, #tpu.memory_space<vmem>> -> memref<128xi32, #tpu.memory_space<vmem>>
      %dma_start3A_617 = arith.constant 0 : i32
      %dma_start3A_618 = arith.constant 0 : i32
      %dma_start3A_619 = tpu.memref_slice %arg3[%dma_start3A_617, %dma_start3A_618] : memref<1015808x32xf32, #tpu.memory_space<hbm>> -> memref<1015808x32xf32, #tpu.memory_space<hbm>>
      tpu.enqueue_indirect_dma source(%dma_start3A_619 : memref<1015808x32xf32, #tpu.memory_space<hbm>>) target(%dma_start3A_613 : memref<128x32xf32, #tpu.memory_space<vmem>>) offsets(%dma_start3A_616 : memref<128xi32, #tpu.memory_space<vmem>>) semaphore(%arg9 : memref<!tpu.dma_semaphore, #tpu.memory_space<semaphore_mem>>)
      %add3A_620 = arith.constant 1 : i32
      %add3A_621 = arith.addi %mul3A_244, %add3A_620 : i32
      %mul3A_622 = arith.constant 8 : i32
      %mul3A_623 = arith.muli %add3A_621, %mul3A_622 : i32
      %add3A_624 = arith.constant 0 : i32
      %add3A_625 = arith.addi %mul3A_623, %add3A_624 : i32
      %dma_wait3A_626 = arith.constant 0 : i32
      %dma_wait3A_627 = arith.constant 0 : i32
      %dma_wait3A_628 = tpu.memref_slice %arg7[%dma_wait3A_626, %dma_wait3A_627] : memref<1024x32xf32, #tpu.memory_space<vmem>> -> memref<128x32xf32, #tpu.memory_space<vmem>>
      %dma_wait3A_629 = arith.constant 0 : i32
      %dma_wait3A_630 = tpu.memref_slice %arg5[%add3A_625, %dma_wait3A_629] : memref<104x128xi32, #tpu.memory_space<vmem>> -> memref<1x128xi32, #tpu.memory_space<vmem>>
      %dma_wait3A_631 = tpu.memref_squeeze %dma_wait3A_630 : memref<1x128xi32, #tpu.memory_space<vmem>> -> memref<128xi32, #tpu.memory_space<vmem>>
      %dma_wait3A_632 = arith.constant 0 : i32
      %dma_wait3A_633 = arith.constant 0 : i32
      %dma_wait3A_634 = tpu.memref_slice %arg3[%dma_wait3A_632, %dma_wait3A_633] : memref<1015808x32xf32, #tpu.memory_space<hbm>> -> memref<1015808x32xf32, #tpu.memory_space<hbm>>
      tpu.wait_indirect_dma semaphore(%arg10 : memref<!tpu.dma_semaphore, #tpu.memory_space<semaphore_mem>>) src(%dma_wait3A_634 : memref<1015808x32xf32, #tpu.memory_space<hbm>>) dst(%dma_wait3A_628 : memref<128x32xf32, #tpu.memory_space<vmem>>)
      %mul3A_635 = arith.constant 8 : i32
      %mul3A_636 = arith.muli %add3A_621, %mul3A_635 : i32
      %add3A_637 = arith.constant 1 : i32
      %add3A_638 = arith.addi %mul3A_636, %add3A_637 : i32
      %dma_wait3A_639 = arith.constant 128 : i32
      %dma_wait3A_640 = arith.constant 0 : i32
      %dma_wait3A_641 = tpu.memref_slice %arg7[%dma_wait3A_639, %dma_wait3A_640] : memref<1024x32xf32, #tpu.memory_space<vmem>> -> memref<128x32xf32, #tpu.memory_space<vmem>>
      %dma_wait3A_642 = arith.constant 0 : i32
      %dma_wait3A_643 = tpu.memref_slice %arg5[%add3A_638, %dma_wait3A_642] : memref<104x128xi32, #tpu.memory_space<vmem>> -> memref<1x128xi32, #tpu.memory_space<vmem>>
      %dma_wait3A_644 = tpu.memref_squeeze %dma_wait3A_643 : memref<1x128xi32, #tpu.memory_space<vmem>> -> memref<128xi32, #tpu.memory_space<vmem>>
      %dma_wait3A_645 = arith.constant 0 : i32
      %dma_wait3A_646 = arith.constant 0 : i32
      %dma_wait3A_647 = tpu.memref_slice %arg3[%dma_wait3A_645, %dma_wait3A_646] : memref<1015808x32xf32, #tpu.memory_space<hbm>> -> memref<1015808x32xf32, #tpu.memory_space<hbm>>
      tpu.wait_indirect_dma semaphore(%arg10 : memref<!tpu.dma_semaphore, #tpu.memory_space<semaphore_mem>>) src(%dma_wait3A_647 : memref<1015808x32xf32, #tpu.memory_space<hbm>>) dst(%dma_wait3A_641 : memref<128x32xf32, #tpu.memory_space<vmem>>)
      %mul3A_648 = arith.constant 8 : i32
      %mul3A_649 = arith.muli %add3A_621, %mul3A_648 : i32
      %add3A_650 = arith.constant 2 : i32
      %add3A_651 = arith.addi %mul3A_649, %add3A_650 : i32
      %dma_wait3A_652 = arith.constant 256 : i32
      %dma_wait3A_653 = arith.constant 0 : i32
      %dma_wait3A_654 = tpu.memref_slice %arg7[%dma_wait3A_652, %dma_wait3A_653] : memref<1024x32xf32, #tpu.memory_space<vmem>> -> memref<128x32xf32, #tpu.memory_space<vmem>>
      %dma_wait3A_655 = arith.constant 0 : i32
      %dma_wait3A_656 = tpu.memref_slice %arg5[%add3A_651, %dma_wait3A_655] : memref<104x128xi32, #tpu.memory_space<vmem>> -> memref<1x128xi32, #tpu.memory_space<vmem>>
      %dma_wait3A_657 = tpu.memref_squeeze %dma_wait3A_656 : memref<1x128xi32, #tpu.memory_space<vmem>> -> memref<128xi32, #tpu.memory_space<vmem>>
      %dma_wait3A_658 = arith.constant 0 : i32
      %dma_wait3A_659 = arith.constant 0 : i32
      %dma_wait3A_660 = tpu.memref_slice %arg3[%dma_wait3A_658, %dma_wait3A_659] : memref<1015808x32xf32, #tpu.memory_space<hbm>> -> memref<1015808x32xf32, #tpu.memory_space<hbm>>
      tpu.wait_indirect_dma semaphore(%arg10 : memref<!tpu.dma_semaphore, #tpu.memory_space<semaphore_mem>>) src(%dma_wait3A_660 : memref<1015808x32xf32, #tpu.memory_space<hbm>>) dst(%dma_wait3A_654 : memref<128x32xf32, #tpu.memory_space<vmem>>)
      %mul3A_661 = arith.constant 8 : i32
      %mul3A_662 = arith.muli %add3A_621, %mul3A_661 : i32
      %add3A_663 = arith.constant 3 : i32
      %add3A_664 = arith.addi %mul3A_662, %add3A_663 : i32
      %dma_wait3A_665 = arith.constant 384 : i32
      %dma_wait3A_666 = arith.constant 0 : i32
      %dma_wait3A_667 = tpu.memref_slice %arg7[%dma_wait3A_665, %dma_wait3A_666] : memref<1024x32xf32, #tpu.memory_space<vmem>> -> memref<128x32xf32, #tpu.memory_space<vmem>>
      %dma_wait3A_668 = arith.constant 0 : i32
      %dma_wait3A_669 = tpu.memref_slice %arg5[%add3A_664, %dma_wait3A_668] : memref<104x128xi32, #tpu.memory_space<vmem>> -> memref<1x128xi32, #tpu.memory_space<vmem>>
      %dma_wait3A_670 = tpu.memref_squeeze %dma_wait3A_669 : memref<1x128xi32, #tpu.memory_space<vmem>> -> memref<128xi32, #tpu.memory_space<vmem>>
      %dma_wait3A_671 = arith.constant 0 : i32
      %dma_wait3A_672 = arith.constant 0 : i32
      %dma_wait3A_673 = tpu.memref_slice %arg3[%dma_wait3A_671, %dma_wait3A_672] : memref<1015808x32xf32, #tpu.memory_space<hbm>> -> memref<1015808x32xf32, #tpu.memory_space<hbm>>
      tpu.wait_indirect_dma semaphore(%arg10 : memref<!tpu.dma_semaphore, #tpu.memory_space<semaphore_mem>>) src(%dma_wait3A_673 : memref<1015808x32xf32, #tpu.memory_space<hbm>>) dst(%dma_wait3A_667 : memref<128x32xf32, #tpu.memory_space<vmem>>)
      %mul3A_674 = arith.constant 8 : i32
      %mul3A_675 = arith.muli %add3A_621, %mul3A_674 : i32
      %add3A_676 = arith.constant 4 : i32
      %add3A_677 = arith.addi %mul3A_675, %add3A_676 : i32
      %dma_wait3A_678 = arith.constant 512 : i32
      %dma_wait3A_679 = arith.constant 0 : i32
      %dma_wait3A_680 = tpu.memref_slice %arg7[%dma_wait3A_678, %dma_wait3A_679] : memref<1024x32xf32, #tpu.memory_space<vmem>> -> memref<128x32xf32, #tpu.memory_space<vmem>>
      %dma_wait3A_681 = arith.constant 0 : i32
      %dma_wait3A_682 = tpu.memref_slice %arg5[%add3A_677, %dma_wait3A_681] : memref<104x128xi32, #tpu.memory_space<vmem>> -> memref<1x128xi32, #tpu.memory_space<vmem>>
      %dma_wait3A_683 = tpu.memref_squeeze %dma_wait3A_682 : memref<1x128xi32, #tpu.memory_space<vmem>> -> memref<128xi32, #tpu.memory_space<vmem>>
      %dma_wait3A_684 = arith.constant 0 : i32
      %dma_wait3A_685 = arith.constant 0 : i32
      %dma_wait3A_686 = tpu.memref_slice %arg3[%dma_wait3A_684, %dma_wait3A_685] : memref<1015808x32xf32, #tpu.memory_space<hbm>> -> memref<1015808x32xf32, #tpu.memory_space<hbm>>
      tpu.wait_indirect_dma semaphore(%arg10 : memref<!tpu.dma_semaphore, #tpu.memory_space<semaphore_mem>>) src(%dma_wait3A_686 : memref<1015808x32xf32, #tpu.memory_space<hbm>>) dst(%dma_wait3A_680 : memref<128x32xf32, #tpu.memory_space<vmem>>)
      %mul3A_687 = arith.constant 8 : i32
      %mul3A_688 = arith.muli %add3A_621, %mul3A_687 : i32
      %add3A_689 = arith.constant 5 : i32
      %add3A_690 = arith.addi %mul3A_688, %add3A_689 : i32
      %dma_wait3A_691 = arith.constant 640 : i32
      %dma_wait3A_692 = arith.constant 0 : i32
      %dma_wait3A_693 = tpu.memref_slice %arg7[%dma_wait3A_691, %dma_wait3A_692] : memref<1024x32xf32, #tpu.memory_space<vmem>> -> memref<128x32xf32, #tpu.memory_space<vmem>>
      %dma_wait3A_694 = arith.constant 0 : i32
      %dma_wait3A_695 = tpu.memref_slice %arg5[%add3A_690, %dma_wait3A_694] : memref<104x128xi32, #tpu.memory_space<vmem>> -> memref<1x128xi32, #tpu.memory_space<vmem>>
      %dma_wait3A_696 = tpu.memref_squeeze %dma_wait3A_695 : memref<1x128xi32, #tpu.memory_space<vmem>> -> memref<128xi32, #tpu.memory_space<vmem>>
      %dma_wait3A_697 = arith.constant 0 : i32
      %dma_wait3A_698 = arith.constant 0 : i32
      %dma_wait3A_699 = tpu.memref_slice %arg3[%dma_wait3A_697, %dma_wait3A_698] : memref<1015808x32xf32, #tpu.memory_space<hbm>> -> memref<1015808x32xf32, #tpu.memory_space<hbm>>
      tpu.wait_indirect_dma semaphore(%arg10 : memref<!tpu.dma_semaphore, #tpu.memory_space<semaphore_mem>>) src(%dma_wait3A_699 : memref<1015808x32xf32, #tpu.memory_space<hbm>>) dst(%dma_wait3A_693 : memref<128x32xf32, #tpu.memory_space<vmem>>)
      %mul3A_700 = arith.constant 8 : i32
      %mul3A_701 = arith.muli %add3A_621, %mul3A_700 : i32
      %add3A_702 = arith.constant 6 : i32
      %add3A_703 = arith.addi %mul3A_701, %add3A_702 : i32
      %dma_wait3A_704 = arith.constant 768 : i32
      %dma_wait3A_705 = arith.constant 0 : i32
      %dma_wait3A_706 = tpu.memref_slice %arg7[%dma_wait3A_704, %dma_wait3A_705] : memref<1024x32xf32, #tpu.memory_space<vmem>> -> memref<128x32xf32, #tpu.memory_space<vmem>>
      %dma_wait3A_707 = arith.constant 0 : i32
      %dma_wait3A_708 = tpu.memref_slice %arg5[%add3A_703, %dma_wait3A_707] : memref<104x128xi32, #tpu.memory_space<vmem>> -> memref<1x128xi32, #tpu.memory_space<vmem>>
      %dma_wait3A_709 = tpu.memref_squeeze %dma_wait3A_708 : memref<1x128xi32, #tpu.memory_space<vmem>> -> memref<128xi32, #tpu.memory_space<vmem>>
      %dma_wait3A_710 = arith.constant 0 : i32
      %dma_wait3A_711 = arith.constant 0 : i32
      %dma_wait3A_712 = tpu.memref_slice %arg3[%dma_wait3A_710, %dma_wait3A_711] : memref<1015808x32xf32, #tpu.memory_space<hbm>> -> memref<1015808x32xf32, #tpu.memory_space<hbm>>
      tpu.wait_indirect_dma semaphore(%arg10 : memref<!tpu.dma_semaphore, #tpu.memory_space<semaphore_mem>>) src(%dma_wait3A_712 : memref<1015808x32xf32, #tpu.memory_space<hbm>>) dst(%dma_wait3A_706 : memref<128x32xf32, #tpu.memory_space<vmem>>)
      %mul3A_713 = arith.constant 8 : i32
      %mul3A_714 = arith.muli %add3A_621, %mul3A_713 : i32
      %add3A_715 = arith.constant 7 : i32
      %add3A_716 = arith.addi %mul3A_714, %add3A_715 : i32
      %dma_wait3A_717 = arith.constant 896 : i32
      %dma_wait3A_718 = arith.constant 0 : i32
      %dma_wait3A_719 = tpu.memref_slice %arg7[%dma_wait3A_717, %dma_wait3A_718] : memref<1024x32xf32, #tpu.memory_space<vmem>> -> memref<128x32xf32, #tpu.memory_space<vmem>>
      %dma_wait3A_720 = arith.constant 0 : i32
      %dma_wait3A_721 = tpu.memref_slice %arg5[%add3A_716, %dma_wait3A_720] : memref<104x128xi32, #tpu.memory_space<vmem>> -> memref<1x128xi32, #tpu.memory_space<vmem>>
      %dma_wait3A_722 = tpu.memref_squeeze %dma_wait3A_721 : memref<1x128xi32, #tpu.memory_space<vmem>> -> memref<128xi32, #tpu.memory_space<vmem>>
      %dma_wait3A_723 = arith.constant 0 : i32
      %dma_wait3A_724 = arith.constant 0 : i32
      %dma_wait3A_725 = tpu.memref_slice %arg3[%dma_wait3A_723, %dma_wait3A_724] : memref<1015808x32xf32, #tpu.memory_space<hbm>> -> memref<1015808x32xf32, #tpu.memory_space<hbm>>
      tpu.wait_indirect_dma semaphore(%arg10 : memref<!tpu.dma_semaphore, #tpu.memory_space<semaphore_mem>>) src(%dma_wait3A_725 : memref<1015808x32xf32, #tpu.memory_space<hbm>>) dst(%dma_wait3A_719 : memref<128x32xf32, #tpu.memory_space<vmem>>)
      %add3A_726 = arith.constant 1 : i32
      %add3A_727 = arith.addi %mul3A_244, %add3A_726 : i32
      %scan3A_728 = arith.constant 0 : i32
      %scan3A_729 = arith.constant 0 : i32
      %scan3A_730 = arith.constant 64 : i32
      %scan3A_731 = arith.addi %scan3A_729, %scan3A_730 : i32
      %scan3A_732 = arith.constant 1 : i32
      scf.for %scan3A_787 = %scan3A_729 to %scan3A_731 step %scan3A_732  : i32 {
        %mul3A_788 = arith.constant 16 : i32
        %mul3A_789 = arith.muli %scan3A_787, %mul3A_788 : i32
        %shift_right_arithmetic3A_790 = arith.constant 7 : i32
        %shift_right_arithmetic3A_791 = arith.shrsi %mul3A_789, %shift_right_arithmetic3A_790 : i32
        %shift_left3A = arith.constant 10 : i32
        %shift_left3A_792 = arith.shli %shift_right_arithmetic3A_791, %shift_left3A : i32
        %and3A_793 = arith.constant 127 : i32
        %and3A_794 = arith.andi %mul3A_789, %and3A_793 : i32
        %add3A_795 = arith.addi %shift_left3A_792, %and3A_794 : i32
        %add3A_796 = vector.broadcast %add3A_795 : i32 to vector<16xi32>
        %add3A_797 = arith.addi %add3A_16, %add3A_796 : vector<16xi32>
        %add3A_798 = vector.broadcast %add3A_795 : i32 to vector<16xi32>
        %add3A_799 = arith.addi %add3A_29, %add3A_798 : vector<16xi32>
        %broadcast_in_dim3A = arith.constant 0 : i32
        %broadcast_in_dim3A_800 = vector.broadcast %broadcast_in_dim3A : i32 to vector<16xi32>
        %add3A_801 = vector.broadcast %mul3A_789 : i32 to vector<16xi32>
        %add3A_802 = arith.addi %broadcast_in_dim3A_800, %add3A_801 : vector<16xi32>
        %add3A_803 = arith.constant 0 : i32
        %add3A_804 = vector.broadcast %add3A_803 : i32 to vector<16xi32>
        %add3A_805 = arith.addi %iota3A, %add3A_804 : vector<16xi32>
        %and3A_806 = arith.constant 15 : i32
        %and3A_807 = vector.broadcast %and3A_806 : i32 to vector<16xi32>
        %and3A_808 = arith.andi %add3A_805, %and3A_807 : vector<16xi32>
        %add3A_809 = arith.addi %add3A_802, %and3A_808 : vector<16xi32>
        %gather3A = tpu.vector_load_idx %arg7[%add3A_809, %iota3A] : memref<1024x32xf32, #tpu.memory_space<vmem>>[vector<16xi32>, vector<16xi32>], vector<16xf32>,
        %add3A_810 = arith.addi %add3A_797, %and3A_808 : vector<16xi32>
        tpu.vector_store_idx %arg8[%add3A_810], %gather3A : memref<32768xf32, #tpu.memory_space<vmem>>[vector<16xi32>], vector<16xf32>,
        %gather3A_811 = tpu.vector_load_idx %arg7[%add3A_809, %add3A_5] : memref<1024x32xf32, #tpu.memory_space<vmem>>[vector<16xi32>, vector<16xi32>], vector<16xf32>,
        %add3A_812 = arith.addi %add3A_799, %and3A_808 : vector<16xi32>
        tpu.vector_store_idx %arg8[%add3A_812], %gather3A_811 : memref<32768xf32, #tpu.memory_space<vmem>>[vector<16xi32>], vector<16xf32>,
        %add3A_813 = arith.constant 1 : i32
        %add3A_814 = vector.broadcast %add3A_813 : i32 to vector<16xi32>
        %add3A_815 = arith.addi %iota3A, %add3A_814 : vector<16xi32>
        %and3A_816 = arith.constant 15 : i32
        %and3A_817 = vector.broadcast %and3A_816 : i32 to vector<16xi32>
        %and3A_818 = arith.andi %add3A_815, %and3A_817 : vector<16xi32>
        %add3A_819 = arith.addi %add3A_802, %and3A_818 : vector<16xi32>
        %gather3A_820 = tpu.vector_load_idx %arg7[%add3A_819, %iota3A] : memref<1024x32xf32, #tpu.memory_space<vmem>>[vector<16xi32>, vector<16xi32>], vector<16xf32>,
        %add3A_821 = arith.addi %add3A_797, %and3A_818 : vector<16xi32>
        tpu.vector_store_idx %arg8[%add3A_821], %gather3A_820 : memref<32768xf32, #tpu.memory_space<vmem>>[vector<16xi32>], vector<16xf32>,
        %gather3A_822 = tpu.vector_load_idx %arg7[%add3A_819, %add3A_5] : memref<1024x32xf32, #tpu.memory_space<vmem>>[vector<16xi32>, vector<16xi32>], vector<16xf32>,
        %add3A_823 = arith.addi %add3A_799, %and3A_818 : vector<16xi32>
        tpu.vector_store_idx %arg8[%add3A_823], %gather3A_822 : memref<32768xf32, #tpu.memory_space<vmem>>[vector<16xi32>], vector<16xf32>,
        %add3A_824 = arith.constant 2 : i32
        %add3A_825 = vector.broadcast %add3A_824 : i32 to vector<16xi32>
        %add3A_826 = arith.addi %iota3A, %add3A_825 : vector<16xi32>
        %and3A_827 = arith.constant 15 : i32
        %and3A_828 = vector.broadcast %and3A_827 : i32 to vector<16xi32>
        %and3A_829 = arith.andi %add3A_826, %and3A_828 : vector<16xi32>
        %add3A_830 = arith.addi %add3A_802, %and3A_829 : vector<16xi32>
        %gather3A_831 = tpu.vector_load_idx %arg7[%add3A_830, %iota3A] : memref<1024x32xf32, #tpu.memory_space<vmem>>[vector<16xi32>, vector<16xi32>], vector<16xf32>,
        %add3A_832 = arith.addi %add3A_797, %and3A_829 : vector<16xi32>
        tpu.vector_store_idx %arg8[%add3A_832], %gather3A_831 : memref<32768xf32, #tpu.memory_space<vmem>>[vector<16xi32>], vector<16xf32>,
        %gather3A_833 = tpu.vector_load_idx %arg7[%add3A_830, %add3A_5] : memref<1024x32xf32, #tpu.memory_space<vmem>>[vector<16xi32>, vector<16xi32>], vector<16xf32>,
        %add3A_834 = arith.addi %add3A_799, %and3A_829 : vector<16xi32>
        tpu.vector_store_idx %arg8[%add3A_834], %gather3A_833 : memref<32768xf32, #tpu.memory_space<vmem>>[vector<16xi32>], vector<16xf32>,
        %add3A_835 = arith.constant 3 : i32
        %add3A_836 = vector.broadcast %add3A_835 : i32 to vector<16xi32>
        %add3A_837 = arith.addi %iota3A, %add3A_836 : vector<16xi32>
        %and3A_838 = arith.constant 15 : i32
        %and3A_839 = vector.broadcast %and3A_838 : i32 to vector<16xi32>
        %and3A_840 = arith.andi %add3A_837, %and3A_839 : vector<16xi32>
        %add3A_841 = arith.addi %add3A_802, %and3A_840 : vector<16xi32>
        %gather3A_842 = tpu.vector_load_idx %arg7[%add3A_841, %iota3A] : memref<1024x32xf32, #tpu.memory_space<vmem>>[vector<16xi32>, vector<16xi32>], vector<16xf32>,
        %add3A_843 = arith.addi %add3A_797, %and3A_840 : vector<16xi32>
        tpu.vector_store_idx %arg8[%add3A_843], %gather3A_842 : memref<32768xf32, #tpu.memory_space<vmem>>[vector<16xi32>], vector<16xf32>,
        %gather3A_844 = tpu.vector_load_idx %arg7[%add3A_841, %add3A_5] : memref<1024x32xf32, #tpu.memory_space<vmem>>[vector<16xi32>, vector<16xi32>], vector<16xf32>,
        %add3A_845 = arith.addi %add3A_799, %and3A_840 : vector<16xi32>
        tpu.vector_store_idx %arg8[%add3A_845], %gather3A_844 : memref<32768xf32, #tpu.memory_space<vmem>>[vector<16xi32>], vector<16xf32>,
        %add3A_846 = arith.constant 4 : i32
        %add3A_847 = vector.broadcast %add3A_846 : i32 to vector<16xi32>
        %add3A_848 = arith.addi %iota3A, %add3A_847 : vector<16xi32>
        %and3A_849 = arith.constant 15 : i32
        %and3A_850 = vector.broadcast %and3A_849 : i32 to vector<16xi32>
        %and3A_851 = arith.andi %add3A_848, %and3A_850 : vector<16xi32>
        %add3A_852 = arith.addi %add3A_802, %and3A_851 : vector<16xi32>
        %gather3A_853 = tpu.vector_load_idx %arg7[%add3A_852, %iota3A] : memref<1024x32xf32, #tpu.memory_space<vmem>>[vector<16xi32>, vector<16xi32>], vector<16xf32>,
        %add3A_854 = arith.addi %add3A_797, %and3A_851 : vector<16xi32>
        tpu.vector_store_idx %arg8[%add3A_854], %gather3A_853 : memref<32768xf32, #tpu.memory_space<vmem>>[vector<16xi32>], vector<16xf32>,
        %gather3A_855 = tpu.vector_load_idx %arg7[%add3A_852, %add3A_5] : memref<1024x32xf32, #tpu.memory_space<vmem>>[vector<16xi32>, vector<16xi32>], vector<16xf32>,
        %add3A_856 = arith.addi %add3A_799, %and3A_851 : vector<16xi32>
        tpu.vector_store_idx %arg8[%add3A_856], %gather3A_855 : memref<32768xf32, #tpu.memory_space<vmem>>[vector<16xi32>], vector<16xf32>,
        %add3A_857 = arith.constant 5 : i32
        %add3A_858 = vector.broadcast %add3A_857 : i32 to vector<16xi32>
        %add3A_859 = arith.addi %iota3A, %add3A_858 : vector<16xi32>
        %and3A_860 = arith.constant 15 : i32
        %and3A_861 = vector.broadcast %and3A_860 : i32 to vector<16xi32>
        %and3A_862 = arith.andi %add3A_859, %and3A_861 : vector<16xi32>
        %add3A_863 = arith.addi %add3A_802, %and3A_862 : vector<16xi32>
        %gather3A_864 = tpu.vector_load_idx %arg7[%add3A_863, %iota3A] : memref<1024x32xf32, #tpu.memory_space<vmem>>[vector<16xi32>, vector<16xi32>], vector<16xf32>,
        %add3A_865 = arith.addi %add3A_797, %and3A_862 : vector<16xi32>
        tpu.vector_store_idx %arg8[%add3A_865], %gather3A_864 : memref<32768xf32, #tpu.memory_space<vmem>>[vector<16xi32>], vector<16xf32>,
        %gather3A_866 = tpu.vector_load_idx %arg7[%add3A_863, %add3A_5] : memref<1024x32xf32, #tpu.memory_space<vmem>>[vector<16xi32>, vector<16xi32>], vector<16xf32>,
        %add3A_867 = arith.addi %add3A_799, %and3A_862 : vector<16xi32>
        tpu.vector_store_idx %arg8[%add3A_867], %gather3A_866 : memref<32768xf32, #tpu.memory_space<vmem>>[vector<16xi32>], vector<16xf32>,
        %add3A_868 = arith.constant 6 : i32
        %add3A_869 = vector.broadcast %add3A_868 : i32 to vector<16xi32>
        %add3A_870 = arith.addi %iota3A, %add3A_869 : vector<16xi32>
        %and3A_871 = arith.constant 15 : i32
        %and3A_872 = vector.broadcast %and3A_871 : i32 to vector<16xi32>
        %and3A_873 = arith.andi %add3A_870, %and3A_872 : vector<16xi32>
        %add3A_874 = arith.addi %add3A_802, %and3A_873 : vector<16xi32>
        %gather3A_875 = tpu.vector_load_idx %arg7[%add3A_874, %iota3A] : memref<1024x32xf32, #tpu.memory_space<vmem>>[vector<16xi32>, vector<16xi32>], vector<16xf32>,
        %add3A_876 = arith.addi %add3A_797, %and3A_873 : vector<16xi32>
        tpu.vector_store_idx %arg8[%add3A_876], %gather3A_875 : memref<32768xf32, #tpu.memory_space<vmem>>[vector<16xi32>], vector<16xf32>,
        %gather3A_877 = tpu.vector_load_idx %arg7[%add3A_874, %add3A_5] : memref<1024x32xf32, #tpu.memory_space<vmem>>[vector<16xi32>, vector<16xi32>], vector<16xf32>,
        %add3A_878 = arith.addi %add3A_799, %and3A_873 : vector<16xi32>
        tpu.vector_store_idx %arg8[%add3A_878], %gather3A_877 : memref<32768xf32, #tpu.memory_space<vmem>>[vector<16xi32>], vector<16xf32>,
        %add3A_879 = arith.constant 7 : i32
        %add3A_880 = vector.broadcast %add3A_879 : i32 to vector<16xi32>
        %add3A_881 = arith.addi %iota3A, %add3A_880 : vector<16xi32>
        %and3A_882 = arith.constant 15 : i32
        %and3A_883 = vector.broadcast %and3A_882 : i32 to vector<16xi32>
        %and3A_884 = arith.andi %add3A_881, %and3A_883 : vector<16xi32>
        %add3A_885 = arith.addi %add3A_802, %and3A_884 : vector<16xi32>
        %gather3A_886 = tpu.vector_load_idx %arg7[%add3A_885, %iota3A] : memref<1024x32xf32, #tpu.memory_space<vmem>>[vector<16xi32>, vector<16xi32>], vector<16xf32>,
        %add3A_887 = arith.addi %add3A_797, %and3A_884 : vector<16xi32>
        tpu.vector_store_idx %arg8[%add3A_887], %gather3A_886 : memref<32768xf32, #tpu.memory_space<vmem>>[vector<16xi32>], vector<16xf32>,
        %gather3A_888 = tpu.vector_load_idx %arg7[%add3A_885, %add3A_5] : memref<1024x32xf32, #tpu.memory_space<vmem>>[vector<16xi32>, vector<16xi32>], vector<16xf32>,
        %add3A_889 = arith.addi %add3A_799, %and3A_884 : vector<16xi32>
        tpu.vector_store_idx %arg8[%add3A_889], %gather3A_888 : memref<32768xf32, #tpu.memory_space<vmem>>[vector<16xi32>], vector<16xf32>,
        %add3A_890 = arith.constant 8 : i32
        %add3A_891 = vector.broadcast %add3A_890 : i32 to vector<16xi32>
        %add3A_892 = arith.addi %iota3A, %add3A_891 : vector<16xi32>
        %and3A_893 = arith.constant 15 : i32
        %and3A_894 = vector.broadcast %and3A_893 : i32 to vector<16xi32>
        %and3A_895 = arith.andi %add3A_892, %and3A_894 : vector<16xi32>
        %add3A_896 = arith.addi %add3A_802, %and3A_895 : vector<16xi32>
        %gather3A_897 = tpu.vector_load_idx %arg7[%add3A_896, %iota3A] : memref<1024x32xf32, #tpu.memory_space<vmem>>[vector<16xi32>, vector<16xi32>], vector<16xf32>,
        %add3A_898 = arith.addi %add3A_797, %and3A_895 : vector<16xi32>
        tpu.vector_store_idx %arg8[%add3A_898], %gather3A_897 : memref<32768xf32, #tpu.memory_space<vmem>>[vector<16xi32>], vector<16xf32>,
        %gather3A_899 = tpu.vector_load_idx %arg7[%add3A_896, %add3A_5] : memref<1024x32xf32, #tpu.memory_space<vmem>>[vector<16xi32>, vector<16xi32>], vector<16xf32>,
        %add3A_900 = arith.addi %add3A_799, %and3A_895 : vector<16xi32>
        tpu.vector_store_idx %arg8[%add3A_900], %gather3A_899 : memref<32768xf32, #tpu.memory_space<vmem>>[vector<16xi32>], vector<16xf32>,
        %add3A_901 = arith.constant 9 : i32
        %add3A_902 = vector.broadcast %add3A_901 : i32 to vector<16xi32>
        %add3A_903 = arith.addi %iota3A, %add3A_902 : vector<16xi32>
        %and3A_904 = arith.constant 15 : i32
        %and3A_905 = vector.broadcast %and3A_904 : i32 to vector<16xi32>
        %and3A_906 = arith.andi %add3A_903, %and3A_905 : vector<16xi32>
        %add3A_907 = arith.addi %add3A_802, %and3A_906 : vector<16xi32>
        %gather3A_908 = tpu.vector_load_idx %arg7[%add3A_907, %iota3A] : memref<1024x32xf32, #tpu.memory_space<vmem>>[vector<16xi32>, vector<16xi32>], vector<16xf32>,
        %add3A_909 = arith.addi %add3A_797, %and3A_906 : vector<16xi32>
        tpu.vector_store_idx %arg8[%add3A_909], %gather3A_908 : memref<32768xf32, #tpu.memory_space<vmem>>[vector<16xi32>], vector<16xf32>,
        %gather3A_910 = tpu.vector_load_idx %arg7[%add3A_907, %add3A_5] : memref<1024x32xf32, #tpu.memory_space<vmem>>[vector<16xi32>, vector<16xi32>], vector<16xf32>,
        %add3A_911 = arith.addi %add3A_799, %and3A_906 : vector<16xi32>
        tpu.vector_store_idx %arg8[%add3A_911], %gather3A_910 : memref<32768xf32, #tpu.memory_space<vmem>>[vector<16xi32>], vector<16xf32>,
        %add3A_912 = arith.constant 10 : i32
        %add3A_913 = vector.broadcast %add3A_912 : i32 to vector<16xi32>
        %add3A_914 = arith.addi %iota3A, %add3A_913 : vector<16xi32>
        %and3A_915 = arith.constant 15 : i32
        %and3A_916 = vector.broadcast %and3A_915 : i32 to vector<16xi32>
        %and3A_917 = arith.andi %add3A_914, %and3A_916 : vector<16xi32>
        %add3A_918 = arith.addi %add3A_802, %and3A_917 : vector<16xi32>
        %gather3A_919 = tpu.vector_load_idx %arg7[%add3A_918, %iota3A] : memref<1024x32xf32, #tpu.memory_space<vmem>>[vector<16xi32>, vector<16xi32>], vector<16xf32>,
        %add3A_920 = arith.addi %add3A_797, %and3A_917 : vector<16xi32>
        tpu.vector_store_idx %arg8[%add3A_920], %gather3A_919 : memref<32768xf32, #tpu.memory_space<vmem>>[vector<16xi32>], vector<16xf32>,
        %gather3A_921 = tpu.vector_load_idx %arg7[%add3A_918, %add3A_5] : memref<1024x32xf32, #tpu.memory_space<vmem>>[vector<16xi32>, vector<16xi32>], vector<16xf32>,
        %add3A_922 = arith.addi %add3A_799, %and3A_917 : vector<16xi32>
        tpu.vector_store_idx %arg8[%add3A_922], %gather3A_921 : memref<32768xf32, #tpu.memory_space<vmem>>[vector<16xi32>], vector<16xf32>,
        %add3A_923 = arith.constant 11 : i32
        %add3A_924 = vector.broadcast %add3A_923 : i32 to vector<16xi32>
        %add3A_925 = arith.addi %iota3A, %add3A_924 : vector<16xi32>
        %and3A_926 = arith.constant 15 : i32
        %and3A_927 = vector.broadcast %and3A_926 : i32 to vector<16xi32>
        %and3A_928 = arith.andi %add3A_925, %and3A_927 : vector<16xi32>
        %add3A_929 = arith.addi %add3A_802, %and3A_928 : vector<16xi32>
        %gather3A_930 = tpu.vector_load_idx %arg7[%add3A_929, %iota3A] : memref<1024x32xf32, #tpu.memory_space<vmem>>[vector<16xi32>, vector<16xi32>], vector<16xf32>,
        %add3A_931 = arith.addi %add3A_797, %and3A_928 : vector<16xi32>
        tpu.vector_store_idx %arg8[%add3A_931], %gather3A_930 : memref<32768xf32, #tpu.memory_space<vmem>>[vector<16xi32>], vector<16xf32>,
        %gather3A_932 = tpu.vector_load_idx %arg7[%add3A_929, %add3A_5] : memref<1024x32xf32, #tpu.memory_space<vmem>>[vector<16xi32>, vector<16xi32>], vector<16xf32>,
        %add3A_933 = arith.addi %add3A_799, %and3A_928 : vector<16xi32>
        tpu.vector_store_idx %arg8[%add3A_933], %gather3A_932 : memref<32768xf32, #tpu.memory_space<vmem>>[vector<16xi32>], vector<16xf32>,
        %add3A_934 = arith.constant 12 : i32
        %add3A_935 = vector.broadcast %add3A_934 : i32 to vector<16xi32>
        %add3A_936 = arith.addi %iota3A, %add3A_935 : vector<16xi32>
        %and3A_937 = arith.constant 15 : i32
        %and3A_938 = vector.broadcast %and3A_937 : i32 to vector<16xi32>
        %and3A_939 = arith.andi %add3A_936, %and3A_938 : vector<16xi32>
        %add3A_940 = arith.addi %add3A_802, %and3A_939 : vector<16xi32>
        %gather3A_941 = tpu.vector_load_idx %arg7[%add3A_940, %iota3A] : memref<1024x32xf32, #tpu.memory_space<vmem>>[vector<16xi32>, vector<16xi32>], vector<16xf32>,
        %add3A_942 = arith.addi %add3A_797, %and3A_939 : vector<16xi32>
        tpu.vector_store_idx %arg8[%add3A_942], %gather3A_941 : memref<32768xf32, #tpu.memory_space<vmem>>[vector<16xi32>], vector<16xf32>,
        %gather3A_943 = tpu.vector_load_idx %arg7[%add3A_940, %add3A_5] : memref<1024x32xf32, #tpu.memory_space<vmem>>[vector<16xi32>, vector<16xi32>], vector<16xf32>,
        %add3A_944 = arith.addi %add3A_799, %and3A_939 : vector<16xi32>
        tpu.vector_store_idx %arg8[%add3A_944], %gather3A_943 : memref<32768xf32, #tpu.memory_space<vmem>>[vector<16xi32>], vector<16xf32>,
        %add3A_945 = arith.constant 13 : i32
        %add3A_946 = vector.broadcast %add3A_945 : i32 to vector<16xi32>
        %add3A_947 = arith.addi %iota3A, %add3A_946 : vector<16xi32>
        %and3A_948 = arith.constant 15 : i32
        %and3A_949 = vector.broadcast %and3A_948 : i32 to vector<16xi32>
        %and3A_950 = arith.andi %add3A_947, %and3A_949 : vector<16xi32>
        %add3A_951 = arith.addi %add3A_802, %and3A_950 : vector<16xi32>
        %gather3A_952 = tpu.vector_load_idx %arg7[%add3A_951, %iota3A] : memref<1024x32xf32, #tpu.memory_space<vmem>>[vector<16xi32>, vector<16xi32>], vector<16xf32>,
        %add3A_953 = arith.addi %add3A_797, %and3A_950 : vector<16xi32>
        tpu.vector_store_idx %arg8[%add3A_953], %gather3A_952 : memref<32768xf32, #tpu.memory_space<vmem>>[vector<16xi32>], vector<16xf32>,
        %gather3A_954 = tpu.vector_load_idx %arg7[%add3A_951, %add3A_5] : memref<1024x32xf32, #tpu.memory_space<vmem>>[vector<16xi32>, vector<16xi32>], vector<16xf32>,
        %add3A_955 = arith.addi %add3A_799, %and3A_950 : vector<16xi32>
        tpu.vector_store_idx %arg8[%add3A_955], %gather3A_954 : memref<32768xf32, #tpu.memory_space<vmem>>[vector<16xi32>], vector<16xf32>,
        %add3A_956 = arith.constant 14 : i32
        %add3A_957 = vector.broadcast %add3A_956 : i32 to vector<16xi32>
        %add3A_958 = arith.addi %iota3A, %add3A_957 : vector<16xi32>
        %and3A_959 = arith.constant 15 : i32
        %and3A_960 = vector.broadcast %and3A_959 : i32 to vector<16xi32>
        %and3A_961 = arith.andi %add3A_958, %and3A_960 : vector<16xi32>
        %add3A_962 = arith.addi %add3A_802, %and3A_961 : vector<16xi32>
        %gather3A_963 = tpu.vector_load_idx %arg7[%add3A_962, %iota3A] : memref<1024x32xf32, #tpu.memory_space<vmem>>[vector<16xi32>, vector<16xi32>], vector<16xf32>,
        %add3A_964 = arith.addi %add3A_797, %and3A_961 : vector<16xi32>
        tpu.vector_store_idx %arg8[%add3A_964], %gather3A_963 : memref<32768xf32, #tpu.memory_space<vmem>>[vector<16xi32>], vector<16xf32>,
        %gather3A_965 = tpu.vector_load_idx %arg7[%add3A_962, %add3A_5] : memref<1024x32xf32, #tpu.memory_space<vmem>>[vector<16xi32>, vector<16xi32>], vector<16xf32>,
        %add3A_966 = arith.addi %add3A_799, %and3A_961 : vector<16xi32>
        tpu.vector_store_idx %arg8[%add3A_966], %gather3A_965 : memref<32768xf32, #tpu.memory_space<vmem>>[vector<16xi32>], vector<16xf32>,
        %add3A_967 = arith.constant 15 : i32
        %add3A_968 = vector.broadcast %add3A_967 : i32 to vector<16xi32>
        %add3A_969 = arith.addi %iota3A, %add3A_968 : vector<16xi32>
        %and3A_970 = arith.constant 15 : i32
        %and3A_971 = vector.broadcast %and3A_970 : i32 to vector<16xi32>
        %and3A_972 = arith.andi %add3A_969, %and3A_971 : vector<16xi32>
        %add3A_973 = arith.addi %add3A_802, %and3A_972 : vector<16xi32>
        %gather3A_974 = tpu.vector_load_idx %arg7[%add3A_973, %iota3A] : memref<1024x32xf32, #tpu.memory_space<vmem>>[vector<16xi32>, vector<16xi32>], vector<16xf32>,
        %add3A_975 = arith.addi %add3A_797, %and3A_972 : vector<16xi32>
        tpu.vector_store_idx %arg8[%add3A_975], %gather3A_974 : memref<32768xf32, #tpu.memory_space<vmem>>[vector<16xi32>], vector<16xf32>,
        %gather3A_976 = tpu.vector_load_idx %arg7[%add3A_973, %add3A_5] : memref<1024x32xf32, #tpu.memory_space<vmem>>[vector<16xi32>, vector<16xi32>], vector<16xf32>,
        %add3A_977 = arith.addi %add3A_799, %and3A_972 : vector<16xi32>
        tpu.vector_store_idx %arg8[%add3A_977], %gather3A_976 : memref<32768xf32, #tpu.memory_space<vmem>>[vector<16xi32>], vector<16xf32>,
      }
      %scan3A_733 = arith.constant 64 : i32
      %mul3A_734 = arith.constant 1024 : i32
      %mul3A_735 = arith.muli %add3A_727, %mul3A_734 : i32
      %add3A_736 = arith.addi %mul3A_2, %mul3A_735 : i32
      %jit3A_737 = arith.constant 16384 : i32
      %div3A_738 = arith.divsi %add3A_736, %jit3A_737 : i32
      %sign3A_739 = arith.constant 0 : i32
      %sign3A_740 = arith.cmpi sgt, %add3A_736, %sign3A_739 : i32
      %sign3A_741 = arith.extui %sign3A_740 : i1 to i32
      %sign3A_742 = arith.constant 0 : i32
      %sign3A_743 = arith.cmpi slt, %add3A_736, %sign3A_742 : i32
      %sign3A_744 = arith.extui %sign3A_743 : i1 to i32
      %sign3A_745 = arith.subi %sign3A_741, %sign3A_744 : i32
      %sign3A_746 = arith.constant 0 : i32
      %sign3A_747 = arith.cmpi sgt, %jit3A_737, %sign3A_746 : i32
      %sign3A_748 = arith.extui %sign3A_747 : i1 to i32
      %sign3A_749 = arith.constant 0 : i32
      %sign3A_750 = arith.cmpi slt, %jit3A_737, %sign3A_749 : i32
      %sign3A_751 = arith.extui %sign3A_750 : i1 to i32
      %sign3A_752 = arith.subi %sign3A_748, %sign3A_751 : i32
      %ne3A_753 = arith.cmpi ne, %sign3A_745, %sign3A_752 : i32
      %rem3A_754 = arith.remsi %add3A_736, %jit3A_737 : i32
      %ne3A_755 = arith.constant 0 : i32
      %ne3A_756 = arith.cmpi ne, %rem3A_754, %ne3A_755 : i32
      %and3A_757 = arith.andi %ne3A_753, %ne3A_756 : i1
      %sub3A_758 = arith.constant 1 : i32
      %sub3A_759 = arith.subi %div3A_738, %sub3A_758 : i32
      %select_n3A_760 = arith.select %and3A_757, %sub3A_759, %div3A_738 : i32
      %jit3A_761 = arith.constant 16384 : i32
      %eq3A_762 = arith.constant 0 : i32
      %eq3A_763 = arith.cmpi eq, %jit3A_761, %eq3A_762 : i32
      %jit3A_764 = arith.constant 1 : i32
      %select_n3A_765 = arith.select %eq3A_763, %jit3A_764, %jit3A_761 : i32
      %rem3A_766 = arith.remsi %add3A_736, %select_n3A_765 : i32
      %ne3A_767 = arith.constant 0 : i32
      %ne3A_768 = arith.cmpi ne, %rem3A_766, %ne3A_767 : i32
      %lt3A_769 = arith.constant 0 : i32
      %lt3A_770 = arith.cmpi slt, %rem3A_766, %lt3A_769 : i32
      %lt3A_771 = arith.constant 0 : i32
      %lt3A_772 = arith.cmpi slt, %select_n3A_765, %lt3A_771 : i32
      %ne3A_773 = arith.xori %lt3A_770, %lt3A_772 : i1
      %and3A_774 = arith.andi %ne3A_773, %ne3A_768 : i1
      %add3A_775 = arith.addi %rem3A_766, %select_n3A_765 : i32
      %select_n3A_776 = arith.select %and3A_774, %add3A_775, %rem3A_766 : i32
      %mul3A_777 = arith.constant 8 : i32
      %mul3A_778 = arith.muli %select_n3A_776, %mul3A_777 : i32
      %add3A_779 = arith.constant 0 : i32
      %add3A_780 = arith.addi %add3A_779, %mul3A_778 : i32
      "tpu.region"() ({
        %run_scoped3A = tpu.sem_alloc : memref<!tpu.dma_semaphore, #tpu.memory_space<semaphore_mem>>
        %dma_start3A_787 = arith.constant 0 : i32
        %dma_start3A_788 = tpu.memref_slice %arg8[%dma_start3A_787] : memref<32768xf32, #tpu.memory_space<vmem>> -> memref<8192xf32, #tpu.memory_space<vmem>>
        %dma_start3A_789 = tpu.memref_slice %arg4[%select_n3A_760, %add3A_780] : memref<26x524288xf32, #tpu.memory_space<hbm>> -> memref<1x8192xf32, #tpu.memory_space<hbm>>
        %dma_start3A_790 = tpu.memref_squeeze %dma_start3A_789 : memref<1x8192xf32, #tpu.memory_space<hbm>> -> memref<8192xf32, #tpu.memory_space<hbm>>
        %dma_start3A_791 = tpu.memref_slice %arg4[%select_n3A_760, %add3A_780] : memref<26x524288xf32, #tpu.memory_space<hbm>> -> memref<1x8192xf32, #tpu.memory_space<hbm>>
        %dma_start3A_792 = tpu.memref_squeeze %dma_start3A_791 : memref<1x8192xf32, #tpu.memory_space<hbm>> -> memref<8192xf32, #tpu.memory_space<hbm>>
        %dma_start3A_793 = arith.constant 0 : i32
        %dma_start3A_794 = tpu.memref_slice %arg8[%dma_start3A_793] : memref<32768xf32, #tpu.memory_space<vmem>> -> memref<8192xf32, #tpu.memory_space<vmem>>
        tpu.enqueue_dma source(%dma_start3A_794 : memref<8192xf32, #tpu.memory_space<vmem>>) target(%dma_start3A_792 : memref<8192xf32, #tpu.memory_space<hbm>>) target_semaphore(%run_scoped3A : memref<!tpu.dma_semaphore, #tpu.memory_space<semaphore_mem>>)
        %dma_wait3A_795 = arith.constant 0 : i32
        %dma_wait3A_796 = tpu.memref_slice %arg8[%dma_wait3A_795] : memref<32768xf32, #tpu.memory_space<vmem>> -> memref<8192xf32, #tpu.memory_space<vmem>>
        %dma_wait3A_797 = tpu.memref_slice %arg4[%select_n3A_760, %add3A_780] : memref<26x524288xf32, #tpu.memory_space<hbm>> -> memref<1x8192xf32, #tpu.memory_space<hbm>>
        %dma_wait3A_798 = tpu.memref_squeeze %dma_wait3A_797 : memref<1x8192xf32, #tpu.memory_space<hbm>> -> memref<8192xf32, #tpu.memory_space<hbm>>
        %dma_wait3A_799 = tpu.memref_slice %arg4[%select_n3A_760, %add3A_780] : memref<26x524288xf32, #tpu.memory_space<hbm>> -> memref<1x8192xf32, #tpu.memory_space<hbm>>
        %dma_wait3A_800 = tpu.memref_squeeze %dma_wait3A_799 : memref<1x8192xf32, #tpu.memory_space<hbm>> -> memref<8192xf32, #tpu.memory_space<hbm>>
        %dma_wait3A_801 = arith.constant 0 : i32
        %dma_wait3A_802 = tpu.memref_slice %arg8[%dma_wait3A_801] : memref<32768xf32, #tpu.memory_space<vmem>> -> memref<8192xf32, #tpu.memory_space<vmem>>
        tpu.wait_dma2 semaphore(%run_scoped3A : memref<!tpu.dma_semaphore, #tpu.memory_space<semaphore_mem>>) src(%dma_wait3A_802 : memref<8192xf32, #tpu.memory_space<vmem>>) dst(%dma_wait3A_800 : memref<8192xf32, #tpu.memory_space<hbm>>)
        tpu.yield
      }) : () -> ()
      %add3A_781 = arith.constant 131072 : i32
      %add3A_782 = arith.addi %add3A_781, %mul3A_778 : i32
      "tpu.region"() ({
        %run_scoped3A = tpu.sem_alloc : memref<!tpu.dma_semaphore, #tpu.memory_space<semaphore_mem>>
        %dma_start3A_787 = arith.constant 8192 : i32
        %dma_start3A_788 = tpu.memref_slice %arg8[%dma_start3A_787] : memref<32768xf32, #tpu.memory_space<vmem>> -> memref<8192xf32, #tpu.memory_space<vmem>>
        %dma_start3A_789 = tpu.memref_slice %arg4[%select_n3A_760, %add3A_782] : memref<26x524288xf32, #tpu.memory_space<hbm>> -> memref<1x8192xf32, #tpu.memory_space<hbm>>
        %dma_start3A_790 = tpu.memref_squeeze %dma_start3A_789 : memref<1x8192xf32, #tpu.memory_space<hbm>> -> memref<8192xf32, #tpu.memory_space<hbm>>
        %dma_start3A_791 = tpu.memref_slice %arg4[%select_n3A_760, %add3A_782] : memref<26x524288xf32, #tpu.memory_space<hbm>> -> memref<1x8192xf32, #tpu.memory_space<hbm>>
        %dma_start3A_792 = tpu.memref_squeeze %dma_start3A_791 : memref<1x8192xf32, #tpu.memory_space<hbm>> -> memref<8192xf32, #tpu.memory_space<hbm>>
        %dma_start3A_793 = arith.constant 8192 : i32
        %dma_start3A_794 = tpu.memref_slice %arg8[%dma_start3A_793] : memref<32768xf32, #tpu.memory_space<vmem>> -> memref<8192xf32, #tpu.memory_space<vmem>>
        tpu.enqueue_dma source(%dma_start3A_794 : memref<8192xf32, #tpu.memory_space<vmem>>) target(%dma_start3A_792 : memref<8192xf32, #tpu.memory_space<hbm>>) target_semaphore(%run_scoped3A : memref<!tpu.dma_semaphore, #tpu.memory_space<semaphore_mem>>)
        %dma_wait3A_795 = arith.constant 8192 : i32
        %dma_wait3A_796 = tpu.memref_slice %arg8[%dma_wait3A_795] : memref<32768xf32, #tpu.memory_space<vmem>> -> memref<8192xf32, #tpu.memory_space<vmem>>
        %dma_wait3A_797 = tpu.memref_slice %arg4[%select_n3A_760, %add3A_782] : memref<26x524288xf32, #tpu.memory_space<hbm>> -> memref<1x8192xf32, #tpu.memory_space<hbm>>
        %dma_wait3A_798 = tpu.memref_squeeze %dma_wait3A_797 : memref<1x8192xf32, #tpu.memory_space<hbm>> -> memref<8192xf32, #tpu.memory_space<hbm>>
        %dma_wait3A_799 = tpu.memref_slice %arg4[%select_n3A_760, %add3A_782] : memref<26x524288xf32, #tpu.memory_space<hbm>> -> memref<1x8192xf32, #tpu.memory_space<hbm>>
        %dma_wait3A_800 = tpu.memref_squeeze %dma_wait3A_799 : memref<1x8192xf32, #tpu.memory_space<hbm>> -> memref<8192xf32, #tpu.memory_space<hbm>>
        %dma_wait3A_801 = arith.constant 8192 : i32
        %dma_wait3A_802 = tpu.memref_slice %arg8[%dma_wait3A_801] : memref<32768xf32, #tpu.memory_space<vmem>> -> memref<8192xf32, #tpu.memory_space<vmem>>
        tpu.wait_dma2 semaphore(%run_scoped3A : memref<!tpu.dma_semaphore, #tpu.memory_space<semaphore_mem>>) src(%dma_wait3A_802 : memref<8192xf32, #tpu.memory_space<vmem>>) dst(%dma_wait3A_800 : memref<8192xf32, #tpu.memory_space<hbm>>)
        tpu.yield
      }) : () -> ()
      %add3A_783 = arith.constant 262144 : i32
      %add3A_784 = arith.addi %add3A_783, %mul3A_778 : i32
      "tpu.region"() ({
        %run_scoped3A = tpu.sem_alloc : memref<!tpu.dma_semaphore, #tpu.memory_space<semaphore_mem>>
        %dma_start3A_787 = arith.constant 16384 : i32
        %dma_start3A_788 = tpu.memref_slice %arg8[%dma_start3A_787] : memref<32768xf32, #tpu.memory_space<vmem>> -> memref<8192xf32, #tpu.memory_space<vmem>>
        %dma_start3A_789 = tpu.memref_slice %arg4[%select_n3A_760, %add3A_784] : memref<26x524288xf32, #tpu.memory_space<hbm>> -> memref<1x8192xf32, #tpu.memory_space<hbm>>
        %dma_start3A_790 = tpu.memref_squeeze %dma_start3A_789 : memref<1x8192xf32, #tpu.memory_space<hbm>> -> memref<8192xf32, #tpu.memory_space<hbm>>
        %dma_start3A_791 = tpu.memref_slice %arg4[%select_n3A_760, %add3A_784] : memref<26x524288xf32, #tpu.memory_space<hbm>> -> memref<1x8192xf32, #tpu.memory_space<hbm>>
        %dma_start3A_792 = tpu.memref_squeeze %dma_start3A_791 : memref<1x8192xf32, #tpu.memory_space<hbm>> -> memref<8192xf32, #tpu.memory_space<hbm>>
        %dma_start3A_793 = arith.constant 16384 : i32
        %dma_start3A_794 = tpu.memref_slice %arg8[%dma_start3A_793] : memref<32768xf32, #tpu.memory_space<vmem>> -> memref<8192xf32, #tpu.memory_space<vmem>>
        tpu.enqueue_dma source(%dma_start3A_794 : memref<8192xf32, #tpu.memory_space<vmem>>) target(%dma_start3A_792 : memref<8192xf32, #tpu.memory_space<hbm>>) target_semaphore(%run_scoped3A : memref<!tpu.dma_semaphore, #tpu.memory_space<semaphore_mem>>)
        %dma_wait3A_795 = arith.constant 16384 : i32
        %dma_wait3A_796 = tpu.memref_slice %arg8[%dma_wait3A_795] : memref<32768xf32, #tpu.memory_space<vmem>> -> memref<8192xf32, #tpu.memory_space<vmem>>
        %dma_wait3A_797 = tpu.memref_slice %arg4[%select_n3A_760, %add3A_784] : memref<26x524288xf32, #tpu.memory_space<hbm>> -> memref<1x8192xf32, #tpu.memory_space<hbm>>
        %dma_wait3A_798 = tpu.memref_squeeze %dma_wait3A_797 : memref<1x8192xf32, #tpu.memory_space<hbm>> -> memref<8192xf32, #tpu.memory_space<hbm>>
        %dma_wait3A_799 = tpu.memref_slice %arg4[%select_n3A_760, %add3A_784] : memref<26x524288xf32, #tpu.memory_space<hbm>> -> memref<1x8192xf32, #tpu.memory_space<hbm>>
        %dma_wait3A_800 = tpu.memref_squeeze %dma_wait3A_799 : memref<1x8192xf32, #tpu.memory_space<hbm>> -> memref<8192xf32, #tpu.memory_space<hbm>>
        %dma_wait3A_801 = arith.constant 16384 : i32
        %dma_wait3A_802 = tpu.memref_slice %arg8[%dma_wait3A_801] : memref<32768xf32, #tpu.memory_space<vmem>> -> memref<8192xf32, #tpu.memory_space<vmem>>
        tpu.wait_dma2 semaphore(%run_scoped3A : memref<!tpu.dma_semaphore, #tpu.memory_space<semaphore_mem>>) src(%dma_wait3A_802 : memref<8192xf32, #tpu.memory_space<vmem>>) dst(%dma_wait3A_800 : memref<8192xf32, #tpu.memory_space<hbm>>)
        tpu.yield
      }) : () -> ()
      %add3A_785 = arith.constant 393216 : i32
      %add3A_786 = arith.addi %add3A_785, %mul3A_778 : i32
      "tpu.region"() ({
        %run_scoped3A = tpu.sem_alloc : memref<!tpu.dma_semaphore, #tpu.memory_space<semaphore_mem>>
        %dma_start3A_787 = arith.constant 24576 : i32
        %dma_start3A_788 = tpu.memref_slice %arg8[%dma_start3A_787] : memref<32768xf32, #tpu.memory_space<vmem>> -> memref<8192xf32, #tpu.memory_space<vmem>>
        %dma_start3A_789 = tpu.memref_slice %arg4[%select_n3A_760, %add3A_786] : memref<26x524288xf32, #tpu.memory_space<hbm>> -> memref<1x8192xf32, #tpu.memory_space<hbm>>
        %dma_start3A_790 = tpu.memref_squeeze %dma_start3A_789 : memref<1x8192xf32, #tpu.memory_space<hbm>> -> memref<8192xf32, #tpu.memory_space<hbm>>
        %dma_start3A_791 = tpu.memref_slice %arg4[%select_n3A_760, %add3A_786] : memref<26x524288xf32, #tpu.memory_space<hbm>> -> memref<1x8192xf32, #tpu.memory_space<hbm>>
        %dma_start3A_792 = tpu.memref_squeeze %dma_start3A_791 : memref<1x8192xf32, #tpu.memory_space<hbm>> -> memref<8192xf32, #tpu.memory_space<hbm>>
        %dma_start3A_793 = arith.constant 24576 : i32
        %dma_start3A_794 = tpu.memref_slice %arg8[%dma_start3A_793] : memref<32768xf32, #tpu.memory_space<vmem>> -> memref<8192xf32, #tpu.memory_space<vmem>>
        tpu.enqueue_dma source(%dma_start3A_794 : memref<8192xf32, #tpu.memory_space<vmem>>) target(%dma_start3A_792 : memref<8192xf32, #tpu.memory_space<hbm>>) target_semaphore(%run_scoped3A : memref<!tpu.dma_semaphore, #tpu.memory_space<semaphore_mem>>)
        %dma_wait3A_795 = arith.constant 24576 : i32
        %dma_wait3A_796 = tpu.memref_slice %arg8[%dma_wait3A_795] : memref<32768xf32, #tpu.memory_space<vmem>> -> memref<8192xf32, #tpu.memory_space<vmem>>
        %dma_wait3A_797 = tpu.memref_slice %arg4[%select_n3A_760, %add3A_786] : memref<26x524288xf32, #tpu.memory_space<hbm>> -> memref<1x8192xf32, #tpu.memory_space<hbm>>
        %dma_wait3A_798 = tpu.memref_squeeze %dma_wait3A_797 : memref<1x8192xf32, #tpu.memory_space<hbm>> -> memref<8192xf32, #tpu.memory_space<hbm>>
        %dma_wait3A_799 = tpu.memref_slice %arg4[%select_n3A_760, %add3A_786] : memref<26x524288xf32, #tpu.memory_space<hbm>> -> memref<1x8192xf32, #tpu.memory_space<hbm>>
        %dma_wait3A_800 = tpu.memref_squeeze %dma_wait3A_799 : memref<1x8192xf32, #tpu.memory_space<hbm>> -> memref<8192xf32, #tpu.memory_space<hbm>>
        %dma_wait3A_801 = arith.constant 24576 : i32
        %dma_wait3A_802 = tpu.memref_slice %arg8[%dma_wait3A_801] : memref<32768xf32, #tpu.memory_space<vmem>> -> memref<8192xf32, #tpu.memory_space<vmem>>
        tpu.wait_dma2 semaphore(%run_scoped3A : memref<!tpu.dma_semaphore, #tpu.memory_space<semaphore_mem>>) src(%dma_wait3A_802 : memref<8192xf32, #tpu.memory_space<vmem>>) dst(%dma_wait3A_800 : memref<8192xf32, #tpu.memory_space<hbm>>)
        tpu.yield
      }) : () -> ()
    }
    %scan3A_113 = arith.constant 6 : i32
    %dma_wait3A = arith.constant 96 : i32
    %dma_wait3A_114 = arith.constant 0 : i32
    %dma_wait3A_115 = arith.constant 0 : i32
    %dma_wait3A_116 = tpu.memref_slice %arg6[%dma_wait3A_114, %dma_wait3A_115] : memref<1024x32xf32, #tpu.memory_space<vmem>> -> memref<128x32xf32, #tpu.memory_space<vmem>>
    %dma_wait3A_117 = arith.constant 0 : i32
    %dma_wait3A_118 = tpu.memref_slice %arg5[%dma_wait3A, %dma_wait3A_117] : memref<104x128xi32, #tpu.memory_space<vmem>> -> memref<1x128xi32, #tpu.memory_space<vmem>>
    %dma_wait3A_119 = tpu.memref_squeeze %dma_wait3A_118 : memref<1x128xi32, #tpu.memory_space<vmem>> -> memref<128xi32, #tpu.memory_space<vmem>>
    %dma_wait3A_120 = arith.constant 0 : i32
    %dma_wait3A_121 = arith.constant 0 : i32
    %dma_wait3A_122 = tpu.memref_slice %arg3[%dma_wait3A_120, %dma_wait3A_121] : memref<1015808x32xf32, #tpu.memory_space<hbm>> -> memref<1015808x32xf32, #tpu.memory_space<hbm>>
    tpu.wait_indirect_dma semaphore(%arg9 : memref<!tpu.dma_semaphore, #tpu.memory_space<semaphore_mem>>) src(%dma_wait3A_122 : memref<1015808x32xf32, #tpu.memory_space<hbm>>) dst(%dma_wait3A_116 : memref<128x32xf32, #tpu.memory_space<vmem>>)
    %dma_wait3A_123 = arith.constant 97 : i32
    %dma_wait3A_124 = arith.constant 128 : i32
    %dma_wait3A_125 = arith.constant 0 : i32
    %dma_wait3A_126 = tpu.memref_slice %arg6[%dma_wait3A_124, %dma_wait3A_125] : memref<1024x32xf32, #tpu.memory_space<vmem>> -> memref<128x32xf32, #tpu.memory_space<vmem>>
    %dma_wait3A_127 = arith.constant 0 : i32
    %dma_wait3A_128 = tpu.memref_slice %arg5[%dma_wait3A_123, %dma_wait3A_127] : memref<104x128xi32, #tpu.memory_space<vmem>> -> memref<1x128xi32, #tpu.memory_space<vmem>>
    %dma_wait3A_129 = tpu.memref_squeeze %dma_wait3A_128 : memref<1x128xi32, #tpu.memory_space<vmem>> -> memref<128xi32, #tpu.memory_space<vmem>>
    %dma_wait3A_130 = arith.constant 0 : i32
    %dma_wait3A_131 = arith.constant 0 : i32
    %dma_wait3A_132 = tpu.memref_slice %arg3[%dma_wait3A_130, %dma_wait3A_131] : memref<1015808x32xf32, #tpu.memory_space<hbm>> -> memref<1015808x32xf32, #tpu.memory_space<hbm>>
    tpu.wait_indirect_dma semaphore(%arg9 : memref<!tpu.dma_semaphore, #tpu.memory_space<semaphore_mem>>) src(%dma_wait3A_132 : memref<1015808x32xf32, #tpu.memory_space<hbm>>) dst(%dma_wait3A_126 : memref<128x32xf32, #tpu.memory_space<vmem>>)
    %dma_wait3A_133 = arith.constant 98 : i32
    %dma_wait3A_134 = arith.constant 256 : i32
    %dma_wait3A_135 = arith.constant 0 : i32
    %dma_wait3A_136 = tpu.memref_slice %arg6[%dma_wait3A_134, %dma_wait3A_135] : memref<1024x32xf32, #tpu.memory_space<vmem>> -> memref<128x32xf32, #tpu.memory_space<vmem>>
    %dma_wait3A_137 = arith.constant 0 : i32
    %dma_wait3A_138 = tpu.memref_slice %arg5[%dma_wait3A_133, %dma_wait3A_137] : memref<104x128xi32, #tpu.memory_space<vmem>> -> memref<1x128xi32, #tpu.memory_space<vmem>>
    %dma_wait3A_139 = tpu.memref_squeeze %dma_wait3A_138 : memref<1x128xi32, #tpu.memory_space<vmem>> -> memref<128xi32, #tpu.memory_space<vmem>>
    %dma_wait3A_140 = arith.constant 0 : i32
    %dma_wait3A_141 = arith.constant 0 : i32
    %dma_wait3A_142 = tpu.memref_slice %arg3[%dma_wait3A_140, %dma_wait3A_141] : memref<1015808x32xf32, #tpu.memory_space<hbm>> -> memref<1015808x32xf32, #tpu.memory_space<hbm>>
    tpu.wait_indirect_dma semaphore(%arg9 : memref<!tpu.dma_semaphore, #tpu.memory_space<semaphore_mem>>) src(%dma_wait3A_142 : memref<1015808x32xf32, #tpu.memory_space<hbm>>) dst(%dma_wait3A_136 : memref<128x32xf32, #tpu.memory_space<vmem>>)
    %dma_wait3A_143 = arith.constant 99 : i32
    %dma_wait3A_144 = arith.constant 384 : i32
    %dma_wait3A_145 = arith.constant 0 : i32
    %dma_wait3A_146 = tpu.memref_slice %arg6[%dma_wait3A_144, %dma_wait3A_145] : memref<1024x32xf32, #tpu.memory_space<vmem>> -> memref<128x32xf32, #tpu.memory_space<vmem>>
    %dma_wait3A_147 = arith.constant 0 : i32
    %dma_wait3A_148 = tpu.memref_slice %arg5[%dma_wait3A_143, %dma_wait3A_147] : memref<104x128xi32, #tpu.memory_space<vmem>> -> memref<1x128xi32, #tpu.memory_space<vmem>>
    %dma_wait3A_149 = tpu.memref_squeeze %dma_wait3A_148 : memref<1x128xi32, #tpu.memory_space<vmem>> -> memref<128xi32, #tpu.memory_space<vmem>>
    %dma_wait3A_150 = arith.constant 0 : i32
    %dma_wait3A_151 = arith.constant 0 : i32
    %dma_wait3A_152 = tpu.memref_slice %arg3[%dma_wait3A_150, %dma_wait3A_151] : memref<1015808x32xf32, #tpu.memory_space<hbm>> -> memref<1015808x32xf32, #tpu.memory_space<hbm>>
    tpu.wait_indirect_dma semaphore(%arg9 : memref<!tpu.dma_semaphore, #tpu.memory_space<semaphore_mem>>) src(%dma_wait3A_152 : memref<1015808x32xf32, #tpu.memory_space<hbm>>) dst(%dma_wait3A_146 : memref<128x32xf32, #tpu.memory_space<vmem>>)
    %dma_wait3A_153 = arith.constant 100 : i32
    %dma_wait3A_154 = arith.constant 512 : i32
    %dma_wait3A_155 = arith.constant 0 : i32
    %dma_wait3A_156 = tpu.memref_slice %arg6[%dma_wait3A_154, %dma_wait3A_155] : memref<1024x32xf32, #tpu.memory_space<vmem>> -> memref<128x32xf32, #tpu.memory_space<vmem>>
    %dma_wait3A_157 = arith.constant 0 : i32
    %dma_wait3A_158 = tpu.memref_slice %arg5[%dma_wait3A_153, %dma_wait3A_157] : memref<104x128xi32, #tpu.memory_space<vmem>> -> memref<1x128xi32, #tpu.memory_space<vmem>>
    %dma_wait3A_159 = tpu.memref_squeeze %dma_wait3A_158 : memref<1x128xi32, #tpu.memory_space<vmem>> -> memref<128xi32, #tpu.memory_space<vmem>>
    %dma_wait3A_160 = arith.constant 0 : i32
    %dma_wait3A_161 = arith.constant 0 : i32
    %dma_wait3A_162 = tpu.memref_slice %arg3[%dma_wait3A_160, %dma_wait3A_161] : memref<1015808x32xf32, #tpu.memory_space<hbm>> -> memref<1015808x32xf32, #tpu.memory_space<hbm>>
    tpu.wait_indirect_dma semaphore(%arg9 : memref<!tpu.dma_semaphore, #tpu.memory_space<semaphore_mem>>) src(%dma_wait3A_162 : memref<1015808x32xf32, #tpu.memory_space<hbm>>) dst(%dma_wait3A_156 : memref<128x32xf32, #tpu.memory_space<vmem>>)
    %dma_wait3A_163 = arith.constant 101 : i32
    %dma_wait3A_164 = arith.constant 640 : i32
    %dma_wait3A_165 = arith.constant 0 : i32
    %dma_wait3A_166 = tpu.memref_slice %arg6[%dma_wait3A_164, %dma_wait3A_165] : memref<1024x32xf32, #tpu.memory_space<vmem>> -> memref<128x32xf32, #tpu.memory_space<vmem>>
    %dma_wait3A_167 = arith.constant 0 : i32
    %dma_wait3A_168 = tpu.memref_slice %arg5[%dma_wait3A_163, %dma_wait3A_167] : memref<104x128xi32, #tpu.memory_space<vmem>> -> memref<1x128xi32, #tpu.memory_space<vmem>>
    %dma_wait3A_169 = tpu.memref_squeeze %dma_wait3A_168 : memref<1x128xi32, #tpu.memory_space<vmem>> -> memref<128xi32, #tpu.memory_space<vmem>>
    %dma_wait3A_170 = arith.constant 0 : i32
    %dma_wait3A_171 = arith.constant 0 : i32
    %dma_wait3A_172 = tpu.memref_slice %arg3[%dma_wait3A_170, %dma_wait3A_171] : memref<1015808x32xf32, #tpu.memory_space<hbm>> -> memref<1015808x32xf32, #tpu.memory_space<hbm>>
    tpu.wait_indirect_dma semaphore(%arg9 : memref<!tpu.dma_semaphore, #tpu.memory_space<semaphore_mem>>) src(%dma_wait3A_172 : memref<1015808x32xf32, #tpu.memory_space<hbm>>) dst(%dma_wait3A_166 : memref<128x32xf32, #tpu.memory_space<vmem>>)
    %dma_wait3A_173 = arith.constant 102 : i32
    %dma_wait3A_174 = arith.constant 768 : i32
    %dma_wait3A_175 = arith.constant 0 : i32
    %dma_wait3A_176 = tpu.memref_slice %arg6[%dma_wait3A_174, %dma_wait3A_175] : memref<1024x32xf32, #tpu.memory_space<vmem>> -> memref<128x32xf32, #tpu.memory_space<vmem>>
    %dma_wait3A_177 = arith.constant 0 : i32
    %dma_wait3A_178 = tpu.memref_slice %arg5[%dma_wait3A_173, %dma_wait3A_177] : memref<104x128xi32, #tpu.memory_space<vmem>> -> memref<1x128xi32, #tpu.memory_space<vmem>>
    %dma_wait3A_179 = tpu.memref_squeeze %dma_wait3A_178 : memref<1x128xi32, #tpu.memory_space<vmem>> -> memref<128xi32, #tpu.memory_space<vmem>>
    %dma_wait3A_180 = arith.constant 0 : i32
    %dma_wait3A_181 = arith.constant 0 : i32
    %dma_wait3A_182 = tpu.memref_slice %arg3[%dma_wait3A_180, %dma_wait3A_181] : memref<1015808x32xf32, #tpu.memory_space<hbm>> -> memref<1015808x32xf32, #tpu.memory_space<hbm>>
    tpu.wait_indirect_dma semaphore(%arg9 : memref<!tpu.dma_semaphore, #tpu.memory_space<semaphore_mem>>) src(%dma_wait3A_182 : memref<1015808x32xf32, #tpu.memory_space<hbm>>) dst(%dma_wait3A_176 : memref<128x32xf32, #tpu.memory_space<vmem>>)
    %dma_wait3A_183 = arith.constant 103 : i32
    %dma_wait3A_184 = arith.constant 896 : i32
    %dma_wait3A_185 = arith.constant 0 : i32
    %dma_wait3A_186 = tpu.memref_slice %arg6[%dma_wait3A_184, %dma_wait3A_185] : memref<1024x32xf32, #tpu.memory_space<vmem>> -> memref<128x32xf32, #tpu.memory_space<vmem>>
    %dma_wait3A_187 = arith.constant 0 : i32
    %dma_wait3A_188 = tpu.memref_slice %arg5[%dma_wait3A_183, %dma_wait3A_187] : memref<104x128xi32, #tpu.memory_space<vmem>> -> memref<1x128xi32, #tpu.memory_space<vmem>>
    %dma_wait3A_189 = tpu.memref_squeeze %dma_wait3A_188 : memref<1x128xi32, #tpu.memory_space<vmem>> -> memref<128xi32, #tpu.memory_space<vmem>>
    %dma_wait3A_190 = arith.constant 0 : i32
    %dma_wait3A_191 = arith.constant 0 : i32
    %dma_wait3A_192 = tpu.memref_slice %arg3[%dma_wait3A_190, %dma_wait3A_191] : memref<1015808x32xf32, #tpu.memory_space<hbm>> -> memref<1015808x32xf32, #tpu.memory_space<hbm>>
    tpu.wait_indirect_dma semaphore(%arg9 : memref<!tpu.dma_semaphore, #tpu.memory_space<semaphore_mem>>) src(%dma_wait3A_192 : memref<1015808x32xf32, #tpu.memory_space<hbm>>) dst(%dma_wait3A_186 : memref<128x32xf32, #tpu.memory_space<vmem>>)
    %scan3A_193 = arith.constant 0 : i32
    %scan3A_194 = arith.constant 0 : i32
    %scan3A_195 = arith.constant 64 : i32
    %scan3A_196 = arith.addi %scan3A_194, %scan3A_195 : i32
    %scan3A_197 = arith.constant 1 : i32
    scf.for %scan3A_242 = %scan3A_194 to %scan3A_196 step %scan3A_197  : i32 {
      %mul3A_243 = arith.constant 16 : i32
      %mul3A_244 = arith.muli %scan3A_242, %mul3A_243 : i32
      %shift_right_arithmetic3A_245 = arith.constant 7 : i32
      %shift_right_arithmetic3A_246 = arith.shrsi %mul3A_244, %shift_right_arithmetic3A_245 : i32
      %shift_left3A = arith.constant 10 : i32
      %shift_left3A_247 = arith.shli %shift_right_arithmetic3A_246, %shift_left3A : i32
      %and3A_248 = arith.constant 127 : i32
      %and3A_249 = arith.andi %mul3A_244, %and3A_248 : i32
      %add3A_250 = arith.addi %shift_left3A_247, %and3A_249 : i32
      %add3A_251 = vector.broadcast %add3A_250 : i32 to vector<16xi32>
      %add3A_252 = arith.addi %add3A_16, %add3A_251 : vector<16xi32>
      %add3A_253 = vector.broadcast %add3A_250 : i32 to vector<16xi32>
      %add3A_254 = arith.addi %add3A_29, %add3A_253 : vector<16xi32>
      %broadcast_in_dim3A = arith.constant 0 : i32
      %broadcast_in_dim3A_255 = vector.broadcast %broadcast_in_dim3A : i32 to vector<16xi32>
      %add3A_256 = vector.broadcast %mul3A_244 : i32 to vector<16xi32>
      %add3A_257 = arith.addi %broadcast_in_dim3A_255, %add3A_256 : vector<16xi32>
      %add3A_258 = arith.constant 0 : i32
      %add3A_259 = vector.broadcast %add3A_258 : i32 to vector<16xi32>
      %add3A_260 = arith.addi %iota3A, %add3A_259 : vector<16xi32>
      %and3A_261 = arith.constant 15 : i32
      %and3A_262 = vector.broadcast %and3A_261 : i32 to vector<16xi32>
      %and3A_263 = arith.andi %add3A_260, %and3A_262 : vector<16xi32>
      %add3A_264 = arith.addi %add3A_257, %and3A_263 : vector<16xi32>
      %gather3A = tpu.vector_load_idx %arg6[%add3A_264, %iota3A] : memref<1024x32xf32, #tpu.memory_space<vmem>>[vector<16xi32>, vector<16xi32>], vector<16xf32>,
      %add3A_265 = arith.addi %add3A_252, %and3A_263 : vector<16xi32>
      tpu.vector_store_idx %arg8[%add3A_265], %gather3A : memref<32768xf32, #tpu.memory_space<vmem>>[vector<16xi32>], vector<16xf32>,
      %gather3A_266 = tpu.vector_load_idx %arg6[%add3A_264, %add3A_5] : memref<1024x32xf32, #tpu.memory_space<vmem>>[vector<16xi32>, vector<16xi32>], vector<16xf32>,
      %add3A_267 = arith.addi %add3A_254, %and3A_263 : vector<16xi32>
      tpu.vector_store_idx %arg8[%add3A_267], %gather3A_266 : memref<32768xf32, #tpu.memory_space<vmem>>[vector<16xi32>], vector<16xf32>,
      %add3A_268 = arith.constant 1 : i32
      %add3A_269 = vector.broadcast %add3A_268 : i32 to vector<16xi32>
      %add3A_270 = arith.addi %iota3A, %add3A_269 : vector<16xi32>
      %and3A_271 = arith.constant 15 : i32
      %and3A_272 = vector.broadcast %and3A_271 : i32 to vector<16xi32>
      %and3A_273 = arith.andi %add3A_270, %and3A_272 : vector<16xi32>
      %add3A_274 = arith.addi %add3A_257, %and3A_273 : vector<16xi32>
      %gather3A_275 = tpu.vector_load_idx %arg6[%add3A_274, %iota3A] : memref<1024x32xf32, #tpu.memory_space<vmem>>[vector<16xi32>, vector<16xi32>], vector<16xf32>,
      %add3A_276 = arith.addi %add3A_252, %and3A_273 : vector<16xi32>
      tpu.vector_store_idx %arg8[%add3A_276], %gather3A_275 : memref<32768xf32, #tpu.memory_space<vmem>>[vector<16xi32>], vector<16xf32>,
      %gather3A_277 = tpu.vector_load_idx %arg6[%add3A_274, %add3A_5] : memref<1024x32xf32, #tpu.memory_space<vmem>>[vector<16xi32>, vector<16xi32>], vector<16xf32>,
      %add3A_278 = arith.addi %add3A_254, %and3A_273 : vector<16xi32>
      tpu.vector_store_idx %arg8[%add3A_278], %gather3A_277 : memref<32768xf32, #tpu.memory_space<vmem>>[vector<16xi32>], vector<16xf32>,
      %add3A_279 = arith.constant 2 : i32
      %add3A_280 = vector.broadcast %add3A_279 : i32 to vector<16xi32>
      %add3A_281 = arith.addi %iota3A, %add3A_280 : vector<16xi32>
      %and3A_282 = arith.constant 15 : i32
      %and3A_283 = vector.broadcast %and3A_282 : i32 to vector<16xi32>
      %and3A_284 = arith.andi %add3A_281, %and3A_283 : vector<16xi32>
      %add3A_285 = arith.addi %add3A_257, %and3A_284 : vector<16xi32>
      %gather3A_286 = tpu.vector_load_idx %arg6[%add3A_285, %iota3A] : memref<1024x32xf32, #tpu.memory_space<vmem>>[vector<16xi32>, vector<16xi32>], vector<16xf32>,
      %add3A_287 = arith.addi %add3A_252, %and3A_284 : vector<16xi32>
      tpu.vector_store_idx %arg8[%add3A_287], %gather3A_286 : memref<32768xf32, #tpu.memory_space<vmem>>[vector<16xi32>], vector<16xf32>,
      %gather3A_288 = tpu.vector_load_idx %arg6[%add3A_285, %add3A_5] : memref<1024x32xf32, #tpu.memory_space<vmem>>[vector<16xi32>, vector<16xi32>], vector<16xf32>,
      %add3A_289 = arith.addi %add3A_254, %and3A_284 : vector<16xi32>
      tpu.vector_store_idx %arg8[%add3A_289], %gather3A_288 : memref<32768xf32, #tpu.memory_space<vmem>>[vector<16xi32>], vector<16xf32>,
      %add3A_290 = arith.constant 3 : i32
      %add3A_291 = vector.broadcast %add3A_290 : i32 to vector<16xi32>
      %add3A_292 = arith.addi %iota3A, %add3A_291 : vector<16xi32>
      %and3A_293 = arith.constant 15 : i32
      %and3A_294 = vector.broadcast %and3A_293 : i32 to vector<16xi32>
      %and3A_295 = arith.andi %add3A_292, %and3A_294 : vector<16xi32>
      %add3A_296 = arith.addi %add3A_257, %and3A_295 : vector<16xi32>
      %gather3A_297 = tpu.vector_load_idx %arg6[%add3A_296, %iota3A] : memref<1024x32xf32, #tpu.memory_space<vmem>>[vector<16xi32>, vector<16xi32>], vector<16xf32>,
      %add3A_298 = arith.addi %add3A_252, %and3A_295 : vector<16xi32>
      tpu.vector_store_idx %arg8[%add3A_298], %gather3A_297 : memref<32768xf32, #tpu.memory_space<vmem>>[vector<16xi32>], vector<16xf32>,
      %gather3A_299 = tpu.vector_load_idx %arg6[%add3A_296, %add3A_5] : memref<1024x32xf32, #tpu.memory_space<vmem>>[vector<16xi32>, vector<16xi32>], vector<16xf32>,
      %add3A_300 = arith.addi %add3A_254, %and3A_295 : vector<16xi32>
      tpu.vector_store_idx %arg8[%add3A_300], %gather3A_299 : memref<32768xf32, #tpu.memory_space<vmem>>[vector<16xi32>], vector<16xf32>,
      %add3A_301 = arith.constant 4 : i32
      %add3A_302 = vector.broadcast %add3A_301 : i32 to vector<16xi32>
      %add3A_303 = arith.addi %iota3A, %add3A_302 : vector<16xi32>
      %and3A_304 = arith.constant 15 : i32
      %and3A_305 = vector.broadcast %and3A_304 : i32 to vector<16xi32>
      %and3A_306 = arith.andi %add3A_303, %and3A_305 : vector<16xi32>
      %add3A_307 = arith.addi %add3A_257, %and3A_306 : vector<16xi32>
      %gather3A_308 = tpu.vector_load_idx %arg6[%add3A_307, %iota3A] : memref<1024x32xf32, #tpu.memory_space<vmem>>[vector<16xi32>, vector<16xi32>], vector<16xf32>,
      %add3A_309 = arith.addi %add3A_252, %and3A_306 : vector<16xi32>
      tpu.vector_store_idx %arg8[%add3A_309], %gather3A_308 : memref<32768xf32, #tpu.memory_space<vmem>>[vector<16xi32>], vector<16xf32>,
      %gather3A_310 = tpu.vector_load_idx %arg6[%add3A_307, %add3A_5] : memref<1024x32xf32, #tpu.memory_space<vmem>>[vector<16xi32>, vector<16xi32>], vector<16xf32>,
      %add3A_311 = arith.addi %add3A_254, %and3A_306 : vector<16xi32>
      tpu.vector_store_idx %arg8[%add3A_311], %gather3A_310 : memref<32768xf32, #tpu.memory_space<vmem>>[vector<16xi32>], vector<16xf32>,
      %add3A_312 = arith.constant 5 : i32
      %add3A_313 = vector.broadcast %add3A_312 : i32 to vector<16xi32>
      %add3A_314 = arith.addi %iota3A, %add3A_313 : vector<16xi32>
      %and3A_315 = arith.constant 15 : i32
      %and3A_316 = vector.broadcast %and3A_315 : i32 to vector<16xi32>
      %and3A_317 = arith.andi %add3A_314, %and3A_316 : vector<16xi32>
      %add3A_318 = arith.addi %add3A_257, %and3A_317 : vector<16xi32>
      %gather3A_319 = tpu.vector_load_idx %arg6[%add3A_318, %iota3A] : memref<1024x32xf32, #tpu.memory_space<vmem>>[vector<16xi32>, vector<16xi32>], vector<16xf32>,
      %add3A_320 = arith.addi %add3A_252, %and3A_317 : vector<16xi32>
      tpu.vector_store_idx %arg8[%add3A_320], %gather3A_319 : memref<32768xf32, #tpu.memory_space<vmem>>[vector<16xi32>], vector<16xf32>,
      %gather3A_321 = tpu.vector_load_idx %arg6[%add3A_318, %add3A_5] : memref<1024x32xf32, #tpu.memory_space<vmem>>[vector<16xi32>, vector<16xi32>], vector<16xf32>,
      %add3A_322 = arith.addi %add3A_254, %and3A_317 : vector<16xi32>
      tpu.vector_store_idx %arg8[%add3A_322], %gather3A_321 : memref<32768xf32, #tpu.memory_space<vmem>>[vector<16xi32>], vector<16xf32>,
      %add3A_323 = arith.constant 6 : i32
      %add3A_324 = vector.broadcast %add3A_323 : i32 to vector<16xi32>
      %add3A_325 = arith.addi %iota3A, %add3A_324 : vector<16xi32>
      %and3A_326 = arith.constant 15 : i32
      %and3A_327 = vector.broadcast %and3A_326 : i32 to vector<16xi32>
      %and3A_328 = arith.andi %add3A_325, %and3A_327 : vector<16xi32>
      %add3A_329 = arith.addi %add3A_257, %and3A_328 : vector<16xi32>
      %gather3A_330 = tpu.vector_load_idx %arg6[%add3A_329, %iota3A] : memref<1024x32xf32, #tpu.memory_space<vmem>>[vector<16xi32>, vector<16xi32>], vector<16xf32>,
      %add3A_331 = arith.addi %add3A_252, %and3A_328 : vector<16xi32>
      tpu.vector_store_idx %arg8[%add3A_331], %gather3A_330 : memref<32768xf32, #tpu.memory_space<vmem>>[vector<16xi32>], vector<16xf32>,
      %gather3A_332 = tpu.vector_load_idx %arg6[%add3A_329, %add3A_5] : memref<1024x32xf32, #tpu.memory_space<vmem>>[vector<16xi32>, vector<16xi32>], vector<16xf32>,
      %add3A_333 = arith.addi %add3A_254, %and3A_328 : vector<16xi32>
      tpu.vector_store_idx %arg8[%add3A_333], %gather3A_332 : memref<32768xf32, #tpu.memory_space<vmem>>[vector<16xi32>], vector<16xf32>,
      %add3A_334 = arith.constant 7 : i32
      %add3A_335 = vector.broadcast %add3A_334 : i32 to vector<16xi32>
      %add3A_336 = arith.addi %iota3A, %add3A_335 : vector<16xi32>
      %and3A_337 = arith.constant 15 : i32
      %and3A_338 = vector.broadcast %and3A_337 : i32 to vector<16xi32>
      %and3A_339 = arith.andi %add3A_336, %and3A_338 : vector<16xi32>
      %add3A_340 = arith.addi %add3A_257, %and3A_339 : vector<16xi32>
      %gather3A_341 = tpu.vector_load_idx %arg6[%add3A_340, %iota3A] : memref<1024x32xf32, #tpu.memory_space<vmem>>[vector<16xi32>, vector<16xi32>], vector<16xf32>,
      %add3A_342 = arith.addi %add3A_252, %and3A_339 : vector<16xi32>
      tpu.vector_store_idx %arg8[%add3A_342], %gather3A_341 : memref<32768xf32, #tpu.memory_space<vmem>>[vector<16xi32>], vector<16xf32>,
      %gather3A_343 = tpu.vector_load_idx %arg6[%add3A_340, %add3A_5] : memref<1024x32xf32, #tpu.memory_space<vmem>>[vector<16xi32>, vector<16xi32>], vector<16xf32>,
      %add3A_344 = arith.addi %add3A_254, %and3A_339 : vector<16xi32>
      tpu.vector_store_idx %arg8[%add3A_344], %gather3A_343 : memref<32768xf32, #tpu.memory_space<vmem>>[vector<16xi32>], vector<16xf32>,
      %add3A_345 = arith.constant 8 : i32
      %add3A_346 = vector.broadcast %add3A_345 : i32 to vector<16xi32>
      %add3A_347 = arith.addi %iota3A, %add3A_346 : vector<16xi32>
      %and3A_348 = arith.constant 15 : i32
      %and3A_349 = vector.broadcast %and3A_348 : i32 to vector<16xi32>
      %and3A_350 = arith.andi %add3A_347, %and3A_349 : vector<16xi32>
      %add3A_351 = arith.addi %add3A_257, %and3A_350 : vector<16xi32>
      %gather3A_352 = tpu.vector_load_idx %arg6[%add3A_351, %iota3A] : memref<1024x32xf32, #tpu.memory_space<vmem>>[vector<16xi32>, vector<16xi32>], vector<16xf32>,
      %add3A_353 = arith.addi %add3A_252, %and3A_350 : vector<16xi32>
      tpu.vector_store_idx %arg8[%add3A_353], %gather3A_352 : memref<32768xf32, #tpu.memory_space<vmem>>[vector<16xi32>], vector<16xf32>,
      %gather3A_354 = tpu.vector_load_idx %arg6[%add3A_351, %add3A_5] : memref<1024x32xf32, #tpu.memory_space<vmem>>[vector<16xi32>, vector<16xi32>], vector<16xf32>,
      %add3A_355 = arith.addi %add3A_254, %and3A_350 : vector<16xi32>
      tpu.vector_store_idx %arg8[%add3A_355], %gather3A_354 : memref<32768xf32, #tpu.memory_space<vmem>>[vector<16xi32>], vector<16xf32>,
      %add3A_356 = arith.constant 9 : i32
      %add3A_357 = vector.broadcast %add3A_356 : i32 to vector<16xi32>
      %add3A_358 = arith.addi %iota3A, %add3A_357 : vector<16xi32>
      %and3A_359 = arith.constant 15 : i32
      %and3A_360 = vector.broadcast %and3A_359 : i32 to vector<16xi32>
      %and3A_361 = arith.andi %add3A_358, %and3A_360 : vector<16xi32>
      %add3A_362 = arith.addi %add3A_257, %and3A_361 : vector<16xi32>
      %gather3A_363 = tpu.vector_load_idx %arg6[%add3A_362, %iota3A] : memref<1024x32xf32, #tpu.memory_space<vmem>>[vector<16xi32>, vector<16xi32>], vector<16xf32>,
      %add3A_364 = arith.addi %add3A_252, %and3A_361 : vector<16xi32>
      tpu.vector_store_idx %arg8[%add3A_364], %gather3A_363 : memref<32768xf32, #tpu.memory_space<vmem>>[vector<16xi32>], vector<16xf32>,
      %gather3A_365 = tpu.vector_load_idx %arg6[%add3A_362, %add3A_5] : memref<1024x32xf32, #tpu.memory_space<vmem>>[vector<16xi32>, vector<16xi32>], vector<16xf32>,
      %add3A_366 = arith.addi %add3A_254, %and3A_361 : vector<16xi32>
      tpu.vector_store_idx %arg8[%add3A_366], %gather3A_365 : memref<32768xf32, #tpu.memory_space<vmem>>[vector<16xi32>], vector<16xf32>,
      %add3A_367 = arith.constant 10 : i32
      %add3A_368 = vector.broadcast %add3A_367 : i32 to vector<16xi32>
      %add3A_369 = arith.addi %iota3A, %add3A_368 : vector<16xi32>
      %and3A_370 = arith.constant 15 : i32
      %and3A_371 = vector.broadcast %and3A_370 : i32 to vector<16xi32>
      %and3A_372 = arith.andi %add3A_369, %and3A_371 : vector<16xi32>
      %add3A_373 = arith.addi %add3A_257, %and3A_372 : vector<16xi32>
      %gather3A_374 = tpu.vector_load_idx %arg6[%add3A_373, %iota3A] : memref<1024x32xf32, #tpu.memory_space<vmem>>[vector<16xi32>, vector<16xi32>], vector<16xf32>,
      %add3A_375 = arith.addi %add3A_252, %and3A_372 : vector<16xi32>
      tpu.vector_store_idx %arg8[%add3A_375], %gather3A_374 : memref<32768xf32, #tpu.memory_space<vmem>>[vector<16xi32>], vector<16xf32>,
      %gather3A_376 = tpu.vector_load_idx %arg6[%add3A_373, %add3A_5] : memref<1024x32xf32, #tpu.memory_space<vmem>>[vector<16xi32>, vector<16xi32>], vector<16xf32>,
      %add3A_377 = arith.addi %add3A_254, %and3A_372 : vector<16xi32>
      tpu.vector_store_idx %arg8[%add3A_377], %gather3A_376 : memref<32768xf32, #tpu.memory_space<vmem>>[vector<16xi32>], vector<16xf32>,
      %add3A_378 = arith.constant 11 : i32
      %add3A_379 = vector.broadcast %add3A_378 : i32 to vector<16xi32>
      %add3A_380 = arith.addi %iota3A, %add3A_379 : vector<16xi32>
      %and3A_381 = arith.constant 15 : i32
      %and3A_382 = vector.broadcast %and3A_381 : i32 to vector<16xi32>
      %and3A_383 = arith.andi %add3A_380, %and3A_382 : vector<16xi32>
      %add3A_384 = arith.addi %add3A_257, %and3A_383 : vector<16xi32>
      %gather3A_385 = tpu.vector_load_idx %arg6[%add3A_384, %iota3A] : memref<1024x32xf32, #tpu.memory_space<vmem>>[vector<16xi32>, vector<16xi32>], vector<16xf32>,
      %add3A_386 = arith.addi %add3A_252, %and3A_383 : vector<16xi32>
      tpu.vector_store_idx %arg8[%add3A_386], %gather3A_385 : memref<32768xf32, #tpu.memory_space<vmem>>[vector<16xi32>], vector<16xf32>,
      %gather3A_387 = tpu.vector_load_idx %arg6[%add3A_384, %add3A_5] : memref<1024x32xf32, #tpu.memory_space<vmem>>[vector<16xi32>, vector<16xi32>], vector<16xf32>,
      %add3A_388 = arith.addi %add3A_254, %and3A_383 : vector<16xi32>
      tpu.vector_store_idx %arg8[%add3A_388], %gather3A_387 : memref<32768xf32, #tpu.memory_space<vmem>>[vector<16xi32>], vector<16xf32>,
      %add3A_389 = arith.constant 12 : i32
      %add3A_390 = vector.broadcast %add3A_389 : i32 to vector<16xi32>
      %add3A_391 = arith.addi %iota3A, %add3A_390 : vector<16xi32>
      %and3A_392 = arith.constant 15 : i32
      %and3A_393 = vector.broadcast %and3A_392 : i32 to vector<16xi32>
      %and3A_394 = arith.andi %add3A_391, %and3A_393 : vector<16xi32>
      %add3A_395 = arith.addi %add3A_257, %and3A_394 : vector<16xi32>
      %gather3A_396 = tpu.vector_load_idx %arg6[%add3A_395, %iota3A] : memref<1024x32xf32, #tpu.memory_space<vmem>>[vector<16xi32>, vector<16xi32>], vector<16xf32>,
      %add3A_397 = arith.addi %add3A_252, %and3A_394 : vector<16xi32>
      tpu.vector_store_idx %arg8[%add3A_397], %gather3A_396 : memref<32768xf32, #tpu.memory_space<vmem>>[vector<16xi32>], vector<16xf32>,
      %gather3A_398 = tpu.vector_load_idx %arg6[%add3A_395, %add3A_5] : memref<1024x32xf32, #tpu.memory_space<vmem>>[vector<16xi32>, vector<16xi32>], vector<16xf32>,
      %add3A_399 = arith.addi %add3A_254, %and3A_394 : vector<16xi32>
      tpu.vector_store_idx %arg8[%add3A_399], %gather3A_398 : memref<32768xf32, #tpu.memory_space<vmem>>[vector<16xi32>], vector<16xf32>,
      %add3A_400 = arith.constant 13 : i32
      %add3A_401 = vector.broadcast %add3A_400 : i32 to vector<16xi32>
      %add3A_402 = arith.addi %iota3A, %add3A_401 : vector<16xi32>
      %and3A_403 = arith.constant 15 : i32
      %and3A_404 = vector.broadcast %and3A_403 : i32 to vector<16xi32>
      %and3A_405 = arith.andi %add3A_402, %and3A_404 : vector<16xi32>
      %add3A_406 = arith.addi %add3A_257, %and3A_405 : vector<16xi32>
      %gather3A_407 = tpu.vector_load_idx %arg6[%add3A_406, %iota3A] : memref<1024x32xf32, #tpu.memory_space<vmem>>[vector<16xi32>, vector<16xi32>], vector<16xf32>,
      %add3A_408 = arith.addi %add3A_252, %and3A_405 : vector<16xi32>
      tpu.vector_store_idx %arg8[%add3A_408], %gather3A_407 : memref<32768xf32, #tpu.memory_space<vmem>>[vector<16xi32>], vector<16xf32>,
      %gather3A_409 = tpu.vector_load_idx %arg6[%add3A_406, %add3A_5] : memref<1024x32xf32, #tpu.memory_space<vmem>>[vector<16xi32>, vector<16xi32>], vector<16xf32>,
      %add3A_410 = arith.addi %add3A_254, %and3A_405 : vector<16xi32>
      tpu.vector_store_idx %arg8[%add3A_410], %gather3A_409 : memref<32768xf32, #tpu.memory_space<vmem>>[vector<16xi32>], vector<16xf32>,
      %add3A_411 = arith.constant 14 : i32
      %add3A_412 = vector.broadcast %add3A_411 : i32 to vector<16xi32>
      %add3A_413 = arith.addi %iota3A, %add3A_412 : vector<16xi32>
      %and3A_414 = arith.constant 15 : i32
      %and3A_415 = vector.broadcast %and3A_414 : i32 to vector<16xi32>
      %and3A_416 = arith.andi %add3A_413, %and3A_415 : vector<16xi32>
      %add3A_417 = arith.addi %add3A_257, %and3A_416 : vector<16xi32>
      %gather3A_418 = tpu.vector_load_idx %arg6[%add3A_417, %iota3A] : memref<1024x32xf32, #tpu.memory_space<vmem>>[vector<16xi32>, vector<16xi32>], vector<16xf32>,
      %add3A_419 = arith.addi %add3A_252, %and3A_416 : vector<16xi32>
      tpu.vector_store_idx %arg8[%add3A_419], %gather3A_418 : memref<32768xf32, #tpu.memory_space<vmem>>[vector<16xi32>], vector<16xf32>,
      %gather3A_420 = tpu.vector_load_idx %arg6[%add3A_417, %add3A_5] : memref<1024x32xf32, #tpu.memory_space<vmem>>[vector<16xi32>, vector<16xi32>], vector<16xf32>,
      %add3A_421 = arith.addi %add3A_254, %and3A_416 : vector<16xi32>
      tpu.vector_store_idx %arg8[%add3A_421], %gather3A_420 : memref<32768xf32, #tpu.memory_space<vmem>>[vector<16xi32>], vector<16xf32>,
      %add3A_422 = arith.constant 15 : i32
      %add3A_423 = vector.broadcast %add3A_422 : i32 to vector<16xi32>
      %add3A_424 = arith.addi %iota3A, %add3A_423 : vector<16xi32>
      %and3A_425 = arith.constant 15 : i32
      %and3A_426 = vector.broadcast %and3A_425 : i32 to vector<16xi32>
      %and3A_427 = arith.andi %add3A_424, %and3A_426 : vector<16xi32>
      %add3A_428 = arith.addi %add3A_257, %and3A_427 : vector<16xi32>
      %gather3A_429 = tpu.vector_load_idx %arg6[%add3A_428, %iota3A] : memref<1024x32xf32, #tpu.memory_space<vmem>>[vector<16xi32>, vector<16xi32>], vector<16xf32>,
      %add3A_430 = arith.addi %add3A_252, %and3A_427 : vector<16xi32>
      tpu.vector_store_idx %arg8[%add3A_430], %gather3A_429 : memref<32768xf32, #tpu.memory_space<vmem>>[vector<16xi32>], vector<16xf32>,
      %gather3A_431 = tpu.vector_load_idx %arg6[%add3A_428, %add3A_5] : memref<1024x32xf32, #tpu.memory_space<vmem>>[vector<16xi32>, vector<16xi32>], vector<16xf32>,
      %add3A_432 = arith.addi %add3A_254, %and3A_427 : vector<16xi32>
      tpu.vector_store_idx %arg8[%add3A_432], %gather3A_431 : memref<32768xf32, #tpu.memory_space<vmem>>[vector<16xi32>], vector<16xf32>,
    }
    %scan3A_198 = arith.constant 64 : i32
    %add3A_199 = arith.constant 12288 : i32
    %add3A_200 = arith.addi %mul3A_2, %add3A_199 : i32
    %jit3A = arith.constant 16384 : i32
    %div3A = arith.divsi %add3A_200, %jit3A : i32
    %sign3A = arith.constant 0 : i32
    %sign3A_201 = arith.cmpi sgt, %add3A_200, %sign3A : i32
    %sign3A_202 = arith.extui %sign3A_201 : i1 to i32
    %sign3A_203 = arith.constant 0 : i32
    %sign3A_204 = arith.cmpi slt, %add3A_200, %sign3A_203 : i32
    %sign3A_205 = arith.extui %sign3A_204 : i1 to i32
    %sign3A_206 = arith.subi %sign3A_202, %sign3A_205 : i32
    %sign3A_207 = arith.constant 0 : i32
    %sign3A_208 = arith.cmpi sgt, %jit3A, %sign3A_207 : i32
    %sign3A_209 = arith.extui %sign3A_208 : i1 to i32
    %sign3A_210 = arith.constant 0 : i32
    %sign3A_211 = arith.cmpi slt, %jit3A, %sign3A_210 : i32
    %sign3A_212 = arith.extui %sign3A_211 : i1 to i32
    %sign3A_213 = arith.subi %sign3A_209, %sign3A_212 : i32
    %ne3A = arith.cmpi ne, %sign3A_206, %sign3A_213 : i32
    %rem3A = arith.remsi %add3A_200, %jit3A : i32
    %ne3A_214 = arith.constant 0 : i32
    %ne3A_215 = arith.cmpi ne, %rem3A, %ne3A_214 : i32
    %and3A_216 = arith.andi %ne3A, %ne3A_215 : i1
    %sub3A = arith.constant 1 : i32
    %sub3A_217 = arith.subi %div3A, %sub3A : i32
    %select_n3A = arith.select %and3A_216, %sub3A_217, %div3A : i32
    %jit3A_218 = arith.constant 16384 : i32
    %eq3A = arith.constant 0 : i32
    %eq3A_219 = arith.cmpi eq, %jit3A_218, %eq3A : i32
    %jit3A_220 = arith.constant 1 : i32
    %select_n3A_221 = arith.select %eq3A_219, %jit3A_220, %jit3A_218 : i32
    %rem3A_222 = arith.remsi %add3A_200, %select_n3A_221 : i32
    %ne3A_223 = arith.constant 0 : i32
    %ne3A_224 = arith.cmpi ne, %rem3A_222, %ne3A_223 : i32
    %lt3A = arith.constant 0 : i32
    %lt3A_225 = arith.cmpi slt, %rem3A_222, %lt3A : i32
    %lt3A_226 = arith.constant 0 : i32
    %lt3A_227 = arith.cmpi slt, %select_n3A_221, %lt3A_226 : i32
    %ne3A_228 = arith.xori %lt3A_225, %lt3A_227 : i1
    %and3A_229 = arith.andi %ne3A_228, %ne3A_224 : i1
    %add3A_230 = arith.addi %rem3A_222, %select_n3A_221 : i32
    %select_n3A_231 = arith.select %and3A_229, %add3A_230, %rem3A_222 : i32
    %mul3A_232 = arith.constant 8 : i32
    %mul3A_233 = arith.muli %select_n3A_231, %mul3A_232 : i32
    %add3A_234 = arith.constant 0 : i32
    %add3A_235 = arith.addi %add3A_234, %mul3A_233 : i32
    "tpu.region"() ({
      %run_scoped3A = tpu.sem_alloc : memref<!tpu.dma_semaphore, #tpu.memory_space<semaphore_mem>>
      %dma_start3A_242 = arith.constant 0 : i32
      %dma_start3A_243 = tpu.memref_slice %arg8[%dma_start3A_242] : memref<32768xf32, #tpu.memory_space<vmem>> -> memref<8192xf32, #tpu.memory_space<vmem>>
      %dma_start3A_244 = tpu.memref_slice %arg4[%select_n3A, %add3A_235] : memref<26x524288xf32, #tpu.memory_space<hbm>> -> memref<1x8192xf32, #tpu.memory_space<hbm>>
      %dma_start3A_245 = tpu.memref_squeeze %dma_start3A_244 : memref<1x8192xf32, #tpu.memory_space<hbm>> -> memref<8192xf32, #tpu.memory_space<hbm>>
      %dma_start3A_246 = tpu.memref_slice %arg4[%select_n3A, %add3A_235] : memref<26x524288xf32, #tpu.memory_space<hbm>> -> memref<1x8192xf32, #tpu.memory_space<hbm>>
      %dma_start3A_247 = tpu.memref_squeeze %dma_start3A_246 : memref<1x8192xf32, #tpu.memory_space<hbm>> -> memref<8192xf32, #tpu.memory_space<hbm>>
      %dma_start3A_248 = arith.constant 0 : i32
      %dma_start3A_249 = tpu.memref_slice %arg8[%dma_start3A_248] : memref<32768xf32, #tpu.memory_space<vmem>> -> memref<8192xf32, #tpu.memory_space<vmem>>
      tpu.enqueue_dma source(%dma_start3A_249 : memref<8192xf32, #tpu.memory_space<vmem>>) target(%dma_start3A_247 : memref<8192xf32, #tpu.memory_space<hbm>>) target_semaphore(%run_scoped3A : memref<!tpu.dma_semaphore, #tpu.memory_space<semaphore_mem>>)
      %dma_wait3A_250 = arith.constant 0 : i32
      %dma_wait3A_251 = tpu.memref_slice %arg8[%dma_wait3A_250] : memref<32768xf32, #tpu.memory_space<vmem>> -> memref<8192xf32, #tpu.memory_space<vmem>>
      %dma_wait3A_252 = tpu.memref_slice %arg4[%select_n3A, %add3A_235] : memref<26x524288xf32, #tpu.memory_space<hbm>> -> memref<1x8192xf32, #tpu.memory_space<hbm>>
      %dma_wait3A_253 = tpu.memref_squeeze %dma_wait3A_252 : memref<1x8192xf32, #tpu.memory_space<hbm>> -> memref<8192xf32, #tpu.memory_space<hbm>>
      %dma_wait3A_254 = tpu.memref_slice %arg4[%select_n3A, %add3A_235] : memref<26x524288xf32, #tpu.memory_space<hbm>> -> memref<1x8192xf32, #tpu.memory_space<hbm>>
      %dma_wait3A_255 = tpu.memref_squeeze %dma_wait3A_254 : memref<1x8192xf32, #tpu.memory_space<hbm>> -> memref<8192xf32, #tpu.memory_space<hbm>>
      %dma_wait3A_256 = arith.constant 0 : i32
      %dma_wait3A_257 = tpu.memref_slice %arg8[%dma_wait3A_256] : memref<32768xf32, #tpu.memory_space<vmem>> -> memref<8192xf32, #tpu.memory_space<vmem>>
      tpu.wait_dma2 semaphore(%run_scoped3A : memref<!tpu.dma_semaphore, #tpu.memory_space<semaphore_mem>>) src(%dma_wait3A_257 : memref<8192xf32, #tpu.memory_space<vmem>>) dst(%dma_wait3A_255 : memref<8192xf32, #tpu.memory_space<hbm>>)
      tpu.yield
    }) : () -> ()
    %add3A_236 = arith.constant 131072 : i32
    %add3A_237 = arith.addi %add3A_236, %mul3A_233 : i32
    "tpu.region"() ({
      %run_scoped3A = tpu.sem_alloc : memref<!tpu.dma_semaphore, #tpu.memory_space<semaphore_mem>>
      %dma_start3A_242 = arith.constant 8192 : i32
      %dma_start3A_243 = tpu.memref_slice %arg8[%dma_start3A_242] : memref<32768xf32, #tpu.memory_space<vmem>> -> memref<8192xf32, #tpu.memory_space<vmem>>
      %dma_start3A_244 = tpu.memref_slice %arg4[%select_n3A, %add3A_237] : memref<26x524288xf32, #tpu.memory_space<hbm>> -> memref<1x8192xf32, #tpu.memory_space<hbm>>
      %dma_start3A_245 = tpu.memref_squeeze %dma_start3A_244 : memref<1x8192xf32, #tpu.memory_space<hbm>> -> memref<8192xf32, #tpu.memory_space<hbm>>
      %dma_start3A_246 = tpu.memref_slice %arg4[%select_n3A, %add3A_237] : memref<26x524288xf32, #tpu.memory_space<hbm>> -> memref<1x8192xf32, #tpu.memory_space<hbm>>
      %dma_start3A_247 = tpu.memref_squeeze %dma_start3A_246 : memref<1x8192xf32, #tpu.memory_space<hbm>> -> memref<8192xf32, #tpu.memory_space<hbm>>
      %dma_start3A_248 = arith.constant 8192 : i32
      %dma_start3A_249 = tpu.memref_slice %arg8[%dma_start3A_248] : memref<32768xf32, #tpu.memory_space<vmem>> -> memref<8192xf32, #tpu.memory_space<vmem>>
      tpu.enqueue_dma source(%dma_start3A_249 : memref<8192xf32, #tpu.memory_space<vmem>>) target(%dma_start3A_247 : memref<8192xf32, #tpu.memory_space<hbm>>) target_semaphore(%run_scoped3A : memref<!tpu.dma_semaphore, #tpu.memory_space<semaphore_mem>>)
      %dma_wait3A_250 = arith.constant 8192 : i32
      %dma_wait3A_251 = tpu.memref_slice %arg8[%dma_wait3A_250] : memref<32768xf32, #tpu.memory_space<vmem>> -> memref<8192xf32, #tpu.memory_space<vmem>>
      %dma_wait3A_252 = tpu.memref_slice %arg4[%select_n3A, %add3A_237] : memref<26x524288xf32, #tpu.memory_space<hbm>> -> memref<1x8192xf32, #tpu.memory_space<hbm>>
      %dma_wait3A_253 = tpu.memref_squeeze %dma_wait3A_252 : memref<1x8192xf32, #tpu.memory_space<hbm>> -> memref<8192xf32, #tpu.memory_space<hbm>>
      %dma_wait3A_254 = tpu.memref_slice %arg4[%select_n3A, %add3A_237] : memref<26x524288xf32, #tpu.memory_space<hbm>> -> memref<1x8192xf32, #tpu.memory_space<hbm>>
      %dma_wait3A_255 = tpu.memref_squeeze %dma_wait3A_254 : memref<1x8192xf32, #tpu.memory_space<hbm>> -> memref<8192xf32, #tpu.memory_space<hbm>>
      %dma_wait3A_256 = arith.constant 8192 : i32
      %dma_wait3A_257 = tpu.memref_slice %arg8[%dma_wait3A_256] : memref<32768xf32, #tpu.memory_space<vmem>> -> memref<8192xf32, #tpu.memory_space<vmem>>
      tpu.wait_dma2 semaphore(%run_scoped3A : memref<!tpu.dma_semaphore, #tpu.memory_space<semaphore_mem>>) src(%dma_wait3A_257 : memref<8192xf32, #tpu.memory_space<vmem>>) dst(%dma_wait3A_255 : memref<8192xf32, #tpu.memory_space<hbm>>)
      tpu.yield
    }) : () -> ()
    %add3A_238 = arith.constant 262144 : i32
    %add3A_239 = arith.addi %add3A_238, %mul3A_233 : i32
    "tpu.region"() ({
      %run_scoped3A = tpu.sem_alloc : memref<!tpu.dma_semaphore, #tpu.memory_space<semaphore_mem>>
      %dma_start3A_242 = arith.constant 16384 : i32
      %dma_start3A_243 = tpu.memref_slice %arg8[%dma_start3A_242] : memref<32768xf32, #tpu.memory_space<vmem>> -> memref<8192xf32, #tpu.memory_space<vmem>>
      %dma_start3A_244 = tpu.memref_slice %arg4[%select_n3A, %add3A_239] : memref<26x524288xf32, #tpu.memory_space<hbm>> -> memref<1x8192xf32, #tpu.memory_space<hbm>>
      %dma_start3A_245 = tpu.memref_squeeze %dma_start3A_244 : memref<1x8192xf32, #tpu.memory_space<hbm>> -> memref<8192xf32, #tpu.memory_space<hbm>>
      %dma_start3A_246 = tpu.memref_slice %arg4[%select_n3A, %add3A_239] : memref<26x524288xf32, #tpu.memory_space<hbm>> -> memref<1x8192xf32, #tpu.memory_space<hbm>>
      %dma_start3A_247 = tpu.memref_squeeze %dma_start3A_246 : memref<1x8192xf32, #tpu.memory_space<hbm>> -> memref<8192xf32, #tpu.memory_space<hbm>>
      %dma_start3A_248 = arith.constant 16384 : i32
      %dma_start3A_249 = tpu.memref_slice %arg8[%dma_start3A_248] : memref<32768xf32, #tpu.memory_space<vmem>> -> memref<8192xf32, #tpu.memory_space<vmem>>
      tpu.enqueue_dma source(%dma_start3A_249 : memref<8192xf32, #tpu.memory_space<vmem>>) target(%dma_start3A_247 : memref<8192xf32, #tpu.memory_space<hbm>>) target_semaphore(%run_scoped3A : memref<!tpu.dma_semaphore, #tpu.memory_space<semaphore_mem>>)
      %dma_wait3A_250 = arith.constant 16384 : i32
      %dma_wait3A_251 = tpu.memref_slice %arg8[%dma_wait3A_250] : memref<32768xf32, #tpu.memory_space<vmem>> -> memref<8192xf32, #tpu.memory_space<vmem>>
      %dma_wait3A_252 = tpu.memref_slice %arg4[%select_n3A, %add3A_239] : memref<26x524288xf32, #tpu.memory_space<hbm>> -> memref<1x8192xf32, #tpu.memory_space<hbm>>
      %dma_wait3A_253 = tpu.memref_squeeze %dma_wait3A_252 : memref<1x8192xf32, #tpu.memory_space<hbm>> -> memref<8192xf32, #tpu.memory_space<hbm>>
      %dma_wait3A_254 = tpu.memref_slice %arg4[%select_n3A, %add3A_239] : memref<26x524288xf32, #tpu.memory_space<hbm>> -> memref<1x8192xf32, #tpu.memory_space<hbm>>
      %dma_wait3A_255 = tpu.memref_squeeze %dma_wait3A_254 : memref<1x8192xf32, #tpu.memory_space<hbm>> -> memref<8192xf32, #tpu.memory_space<hbm>>
      %dma_wait3A_256 = arith.constant 16384 : i32
      %dma_wait3A_257 = tpu.memref_slice %arg8[%dma_wait3A_256] : memref<32768xf32, #tpu.memory_space<vmem>> -> memref<8192xf32, #tpu.memory_space<vmem>>
      tpu.wait_dma2 semaphore(%run_scoped3A : memref<!tpu.dma_semaphore, #tpu.memory_space<semaphore_mem>>) src(%dma_wait3A_257 : memref<8192xf32, #tpu.memory_space<vmem>>) dst(%dma_wait3A_255 : memref<8192xf32, #tpu.memory_space<hbm>>)
      tpu.yield
    }) : () -> ()
    %add3A_240 = arith.constant 393216 : i32
    %add3A_241 = arith.addi %add3A_240, %mul3A_233 : i32
    "tpu.region"() ({
      %run_scoped3A = tpu.sem_alloc : memref<!tpu.dma_semaphore, #tpu.memory_space<semaphore_mem>>
      %dma_start3A_242 = arith.constant 24576 : i32
      %dma_start3A_243 = tpu.memref_slice %arg8[%dma_start3A_242] : memref<32768xf32, #tpu.memory_space<vmem>> -> memref<8192xf32, #tpu.memory_space<vmem>>
      %dma_start3A_244 = tpu.memref_slice %arg4[%select_n3A, %add3A_241] : memref<26x524288xf32, #tpu.memory_space<hbm>> -> memref<1x8192xf32, #tpu.memory_space<hbm>>
      %dma_start3A_245 = tpu.memref_squeeze %dma_start3A_244 : memref<1x8192xf32, #tpu.memory_space<hbm>> -> memref<8192xf32, #tpu.memory_space<hbm>>
      %dma_start3A_246 = tpu.memref_slice %arg4[%select_n3A, %add3A_241] : memref<26x524288xf32, #tpu.memory_space<hbm>> -> memref<1x8192xf32, #tpu.memory_space<hbm>>
      %dma_start3A_247 = tpu.memref_squeeze %dma_start3A_246 : memref<1x8192xf32, #tpu.memory_space<hbm>> -> memref<8192xf32, #tpu.memory_space<hbm>>
      %dma_start3A_248 = arith.constant 24576 : i32
      %dma_start3A_249 = tpu.memref_slice %arg8[%dma_start3A_248] : memref<32768xf32, #tpu.memory_space<vmem>> -> memref<8192xf32, #tpu.memory_space<vmem>>
      tpu.enqueue_dma source(%dma_start3A_249 : memref<8192xf32, #tpu.memory_space<vmem>>) target(%dma_start3A_247 : memref<8192xf32, #tpu.memory_space<hbm>>) target_semaphore(%run_scoped3A : memref<!tpu.dma_semaphore, #tpu.memory_space<semaphore_mem>>)
      %dma_wait3A_250 = arith.constant 24576 : i32
      %dma_wait3A_251 = tpu.memref_slice %arg8[%dma_wait3A_250] : memref<32768xf32, #tpu.memory_space<vmem>> -> memref<8192xf32, #tpu.memory_space<vmem>>
      %dma_wait3A_252 = tpu.memref_slice %arg4[%select_n3A, %add3A_241] : memref<26x524288xf32, #tpu.memory_space<hbm>> -> memref<1x8192xf32, #tpu.memory_space<hbm>>
      %dma_wait3A_253 = tpu.memref_squeeze %dma_wait3A_252 : memref<1x8192xf32, #tpu.memory_space<hbm>> -> memref<8192xf32, #tpu.memory_space<hbm>>
      %dma_wait3A_254 = tpu.memref_slice %arg4[%select_n3A, %add3A_241] : memref<26x524288xf32, #tpu.memory_space<hbm>> -> memref<1x8192xf32, #tpu.memory_space<hbm>>
      %dma_wait3A_255 = tpu.memref_squeeze %dma_wait3A_254 : memref<1x8192xf32, #tpu.memory_space<hbm>> -> memref<8192xf32, #tpu.memory_space<hbm>>
      %dma_wait3A_256 = arith.constant 24576 : i32
      %dma_wait3A_257 = tpu.memref_slice %arg8[%dma_wait3A_256] : memref<32768xf32, #tpu.memory_space<vmem>> -> memref<8192xf32, #tpu.memory_space<vmem>>
      tpu.wait_dma2 semaphore(%run_scoped3A : memref<!tpu.dma_semaphore, #tpu.memory_space<semaphore_mem>>) src(%dma_wait3A_257 : memref<8192xf32, #tpu.memory_space<vmem>>) dst(%dma_wait3A_255 : memref<8192xf32, #tpu.memory_space<hbm>>)
      tpu.yield
    }) : () -> ()
    return
  }
}

module attributes {stable_mosaic.version = 14 : i64} {
  func.func @_mlp_body(%arg0: i32, %arg1: memref<32x16384xf32, #tpu.memory_space<vmem>>, %arg2: memref<256x256xf32, #tpu.memory_space<vmem>>, %arg3: memref<256x1xf32, #tpu.memory_space<vmem>>, %arg4: memref<256x256xf32, #tpu.memory_space<vmem>>, %arg5: memref<256x1xf32, #tpu.memory_space<vmem>>, %arg6: memref<4096x128xf32, #tpu.memory_space<vmem>>) attributes {dimension_semantics = [#tpu.dimension_semantics<arbitrary>], iteration_bounds = array<i64: 62>, scalar_prefetch = 0 : i64, scratch_operands = 0 : i64, tpu.core_type = #tpu.core_type<tc>, window_params = [{transform_indices = @transform_0, window_bounds = array<i64: 32, 16384>}, {pipeline_mode = #tpu.pipeline_mode<synchronous>, transform_indices = @transform_1, window_bounds = array<i64: 256, 256>}, {pipeline_mode = #tpu.pipeline_mode<synchronous>, transform_indices = @transform_2, window_bounds = array<i64: 256, 1>}, {pipeline_mode = #tpu.pipeline_mode<synchronous>, transform_indices = @transform_3, window_bounds = array<i64: 256, 256>}, {pipeline_mode = #tpu.pipeline_mode<synchronous>, transform_indices = @transform_4, window_bounds = array<i64: 256, 1>}, {transform_indices = @transform_5, window_bounds = array<i64: 4096, 128>}]} {
    %get3A = arith.constant 0 : index
    %get3A_0 = arith.constant 0 : index
    %get3A_1 = vector.load %arg1[%get3A, %get3A_0] : memref<32x16384xf32, #tpu.memory_space<vmem>>, vector<32x16384xf32>
    %slice3A = vector.extract_strided_slice %get3A_1 {offsets = [0, 0], sizes = [32, 2048], strides = [1, 1]} : vector<32x16384xf32> to vector<32x2048xf32>
    %slice3A_2 = vector.extract_strided_slice %get3A_1 {offsets = [0, 2048], sizes = [32, 2048], strides = [1, 1]} : vector<32x16384xf32> to vector<32x2048xf32>
    %slice3A_3 = vector.extract_strided_slice %get3A_1 {offsets = [0, 4096], sizes = [32, 2048], strides = [1, 1]} : vector<32x16384xf32> to vector<32x2048xf32>
    %slice3A_4 = vector.extract_strided_slice %get3A_1 {offsets = [0, 6144], sizes = [32, 2048], strides = [1, 1]} : vector<32x16384xf32> to vector<32x2048xf32>
    %slice3A_5 = vector.extract_strided_slice %get3A_1 {offsets = [0, 8192], sizes = [32, 2048], strides = [1, 1]} : vector<32x16384xf32> to vector<32x2048xf32>
    %slice3A_6 = vector.extract_strided_slice %get3A_1 {offsets = [0, 10240], sizes = [32, 2048], strides = [1, 1]} : vector<32x16384xf32> to vector<32x2048xf32>
    %slice3A_7 = vector.extract_strided_slice %get3A_1 {offsets = [0, 12288], sizes = [32, 2048], strides = [1, 1]} : vector<32x16384xf32> to vector<32x2048xf32>
    %slice3A_8 = vector.extract_strided_slice %get3A_1 {offsets = [0, 14336], sizes = [32, 2048], strides = [1, 1]} : vector<32x16384xf32> to vector<32x2048xf32>
    %concatenate3A = tpu.concatenate %slice3A, %slice3A_2, %slice3A_3, %slice3A_4, %slice3A_5, %slice3A_6, %slice3A_7, %slice3A_8 in 0 : vector<32x2048xf32>, vector<32x2048xf32>, vector<32x2048xf32>, vector<32x2048xf32>, vector<32x2048xf32>, vector<32x2048xf32>, vector<32x2048xf32>, vector<32x2048xf32> -> vector<256x2048xf32>
    %get3A_9 = arith.constant 0 : index
    %get3A_10 = arith.constant 0 : index
    %get3A_11 = vector.load %arg2[%get3A_9, %get3A_10] : memref<256x256xf32, #tpu.memory_space<vmem>>, vector<256x256xf32>
    %dot_general3A = arith.constant dense<0.000000e+00> : vector<256x2048xf32>
    %dot_general3A_12 = tpu.matmul %get3A_11, %concatenate3A, %dot_general3A {dimension_numbers = #tpu.dot_dimension_numbers<[1], [0], [0], [1], [0, 0, 1, 1], [], []>, transpose_lhs_hint = false} : vector<256x256xf32>, vector<256x2048xf32>, vector<256x2048xf32> -> vector<256x2048xf32>
    %get3A_13 = arith.constant 0 : index
    %get3A_14 = arith.constant 0 : index
    %get3A_15 = vector.load %arg3[%get3A_13, %get3A_14] : memref<256x1xf32, #tpu.memory_space<vmem>>, vector<256x1xf32>
    %add3A = vector.broadcast %get3A_15 : vector<256x1xf32> to vector<256x2048xf32>
    %add3A_16 = arith.addf %dot_general3A_12, %add3A : vector<256x2048xf32>
    %mul3A = arith.constant 5.000000e-01 : f32
    %mul3A_17 = vector.broadcast %mul3A : f32 to vector<256x2048xf32>
    %mul3A_18 = arith.mulf %mul3A_17, %add3A_16 : vector<256x2048xf32>
    %mul3A_19 = arith.constant 0.707106769 : f32
    %mul3A_20 = vector.broadcast %mul3A_19 : f32 to vector<256x2048xf32>
    %mul3A_21 = arith.mulf %add3A_16, %mul3A_20 : vector<256x2048xf32>
    %erf3A = math.erf %mul3A_21 : vector<256x2048xf32>
    %add3A_22 = arith.constant 1.000000e+00 : f32
    %add3A_23 = vector.broadcast %add3A_22 : f32 to vector<256x2048xf32>
    %add3A_24 = arith.addf %add3A_23, %erf3A : vector<256x2048xf32>
    %mul3A_25 = arith.mulf %mul3A_18, %add3A_24 : vector<256x2048xf32>
    %get3A_26 = arith.constant 0 : index
    %get3A_27 = arith.constant 0 : index
    %get3A_28 = vector.load %arg4[%get3A_26, %get3A_27] : memref<256x256xf32, #tpu.memory_space<vmem>>, vector<256x256xf32>
    %dot_general3A_29 = arith.constant dense<0.000000e+00> : vector<256x2048xf32>
    %dot_general3A_30 = tpu.matmul %get3A_28, %mul3A_25, %dot_general3A_29 {dimension_numbers = #tpu.dot_dimension_numbers<[1], [0], [0], [1], [0, 0, 1, 1], [], []>, transpose_lhs_hint = false} : vector<256x256xf32>, vector<256x2048xf32>, vector<256x2048xf32> -> vector<256x2048xf32>
    %get3A_31 = arith.constant 0 : index
    %get3A_32 = arith.constant 0 : index
    %get3A_33 = vector.load %arg5[%get3A_31, %get3A_32] : memref<256x1xf32, #tpu.memory_space<vmem>>, vector<256x1xf32>
    %add3A_34 = vector.broadcast %get3A_33 : vector<256x1xf32> to vector<256x2048xf32>
    %add3A_35 = arith.addf %dot_general3A_30, %add3A_34 : vector<256x2048xf32>
    %slice3A_36 = vector.extract_strided_slice %add3A_35 {offsets = [0, 0], sizes = [128, 2048], strides = [1, 1]} : vector<256x2048xf32> to vector<128x2048xf32>
    %transpose3A = tpu.transpose %slice3A_36, [1, 0] : vector<128x2048xf32> -> vector<2048x128xf32>
    %slice3A_37 = vector.extract_strided_slice %add3A_35 {offsets = [128, 0], sizes = [128, 2048], strides = [1, 1]} : vector<256x2048xf32> to vector<128x2048xf32>
    %transpose3A_38 = tpu.transpose %slice3A_37, [1, 0] : vector<128x2048xf32> -> vector<2048x128xf32>
    %concatenate3A_39 = tpu.concatenate %transpose3A, %transpose3A_38 in 0 : vector<2048x128xf32>, vector<2048x128xf32> -> vector<4096x128xf32>
    %swap3A = arith.constant 0 : index
    %swap3A_40 = arith.constant 0 : index
    %swap3A_41 = vector.load %arg6[%swap3A, %swap3A_40] : memref<4096x128xf32, #tpu.memory_space<vmem>>, vector<4096x128xf32>
    tpu.vector_store %arg6[%swap3A, %swap3A_40], %concatenate3A_39 {strides = array<i32>} : memref<4096x128xf32, #tpu.memory_space<vmem>>, vector<4096x128xf32>,
    return
  }
  func.func @transform_0(%arg0: i32) -> (i32, i32) {
    %c0_i32 = arith.constant 0 : i32
    %c0_i32_0 = arith.constant 0 : i32
    return %c0_i32, %arg0 : i32, i32
  }
  func.func @transform_1(%arg0: i32) -> (i32, i32) {
    %c0_i32 = arith.constant 0 : i32
    %c0_i32_0 = arith.constant 0 : i32
    %c0_i32_1 = arith.constant 0 : i32
    return %c0_i32, %c0_i32_0 : i32, i32
  }
  func.func @transform_2(%arg0: i32) -> (i32, i32) {
    %c0_i32 = arith.constant 0 : i32
    %c0_i32_0 = arith.constant 0 : i32
    %c0_i32_1 = arith.constant 0 : i32
    return %c0_i32, %c0_i32_0 : i32, i32
  }
  func.func @transform_3(%arg0: i32) -> (i32, i32) {
    %c0_i32 = arith.constant 0 : i32
    %c0_i32_0 = arith.constant 0 : i32
    %c0_i32_1 = arith.constant 0 : i32
    return %c0_i32, %c0_i32_0 : i32, i32
  }
  func.func @transform_4(%arg0: i32) -> (i32, i32) {
    %c0_i32 = arith.constant 0 : i32
    %c0_i32_0 = arith.constant 0 : i32
    %c0_i32_1 = arith.constant 0 : i32
    return %c0_i32, %c0_i32_0 : i32, i32
  }
  func.func @transform_5(%arg0: i32) -> (i32, i32) {
    %c0_i32 = arith.constant 0 : i32
    %c0_i32_0 = arith.constant 0 : i32
    return %arg0, %c0_i32 : i32, i32
  }
}

</mosaic_0001>

<sc_bundles>
// kernel: kernel.4.cloned.1.call-start
scs
__scs_entry_jumppad:
0x0: {  	(pc) =	sbr.rel $0x88, $3  }
0x1: {  	(tag) =	ssettag $0x0;
	lr =	simm.s32 $0x1  }
0x2: {  	[smem:$0x3F99] =	sst lr;
	_ =	strace $0xD0000000  }
0x3: {  	_ = 	snop  }
0x4: {  	_ = 	snop  }
0x5: {  	_ = 	snop  }
0x6: {  	_ = 	snop  }
0x7: {  	_ = 	snop  }
__scs_overlays_trampoline_lowered:
0x8: {  	[smem:$0x3FA8] =	sst s0  }
0x9: {  	[smem:$0x3FA9] =	sst s1  }
0xa: {  	[smem:$0x3FAA] =	sst s2  }
0xb: {  	[smem:$0x3FAB] =	sst s3  }
0xc: {  	[smem:$0x3FAC] =	sst s4  }
0xd: {  	[smem:$0x3FAD] =	sst s5  }
0xe: {  	[smem:$0x3FAE] =	sst s6  }
0xf: {  	[smem:$0x3FAF] =	sst s7  }
0x10: {  	[smem:$0x3FB0] =	sst s8  }
0x11: {  	[smem:$0x3FB1] =	sst s9;
	s0 =	simm.s32 @!p0 $0x0  }
0x12: {  	s1 =	sld [smem:$0x3F97];
	s0 =	simm.s32 @p0 $0x1  }
0x13: {  	[smem:$0x3FB2] =	sst s0;
	s0 =	simm.s32 @!p1 $0x0  }
0x14: {  	s2 =	sld [smem:$0x3F96];
	s0 =	simm.s32 @p1 $0x1  }
0x15: {  	[smem:$0x3FB3] =	sst s0;
	s0 =	simm.s32 @!p2 $0x0  }
0x16: {  	s3 =	sld [smem:$0x3FDB];
	s0 =	simm.s32 @p2 $0x1  }
0x17: {  	s4 =	simm.s32 $0x1BF5;
	[smem:$0x3FB5] =	sst s0  }
0x18: {  	s0 =	sld [smem:$0x3F98];
	_ =	swait.ge [sflag:s4], $0x0  }
0x19: {  	s7 =	sld [smem:$0x3F99]  }
0x1a: {  	s8 =	sadd.s32 $0xFFFFE003, lr  }
0x1b: {  	s9 =	sadd.s32 $0xFFFFFEF7, lr;
	s5 =	simm.s32 $0xFFFFFFFF;
	p2 =	slt.u32 s8, $0xFFFFF086  }
0x1c: {  	p1 =	slt.u32 s9, $0xF7A;
	s5 =	simm.s32 @!p2 $0x0  }
0x1d: {  	s5 =	simm.s32 @p1 $0x1;
	p0 =	seq.s32 s7, s2  }
0x1e: {  	s7 =	smul.u32 @!p0 $0xF7A, s2;
	p2 =	seq.s32 @!p0 s5, $0x0  }
0x1f: {  	s9 =	smul.u32 $0xF7A, s1;
	s8 =	simm.s32 @!p0 $0x1BF5;
	p2 =	por !p2, p0  }
0x20: {  	[sflag:s8] =	ssyncset.s32 @!p0 $0xFFFFF086;
	s6 =	sadd.s32 @!p0 s3, s7;
	s7 =	simm.s32 @!p0 $0x108  }
0x21: {  	s3 =	sadd.s32 s3, s9;
	s6 =	sadd.s32 @!p0 $0x88, s6;
	s7 =	simm.s32 @p2 $0x1082  }
0x22: {  	[simem:s7], [sflag:s8] =	dma.local @!p0 [hbm:s6], $0xF7A  }
0x23: {  	s9 =	sor.u32 $0xD0000000, s2;
	s6 =	simm.s32 $0x108;
	_ =	swait.ge @!p0 [sflag:s8], $0x0  }
0x24: {  	s3 =	sadd.s32 $0x88, s3;
	s6 =	simm.s32 @!p1 $0x1082;
	[sflag:s4] =	ssyncset.s32 $0xFFFFF086  }
0x25: {  	[simem:s6], [sflag:s4] =	dma.local [hbm:s3], $0xF7A  }
0x26: {  	[smem:$0x3F99] =	sst s1;
	(tag) =	ssettag s2;
	_ =	strace s9  }
0x27: {  	s1 =	sld [smem:$0x3FA9]  }
0x28: {  	s2 =	sld [smem:$0x3FAA]  }
0x29: {  	s4 =	sld [smem:$0x3FAC]  }
0x2a: {  	p0 =	seq.s32 s5, $0x0;
	s5 =	sld [smem:$0x3FAD]  }
0x2b: {  	s6 =	sld [smem:$0x3FAE]  }
0x2c: {  	s7 =	sld [smem:$0x3FAF]  }
0x2d: {  	s3 =	simm.s32 $0x108;
	s8 =	sld [smem:$0x3FB0]  }
0x2e: {  	s3 =	simm.s32 @!p0 $0x1082;
	s9 =	sld [smem:$0x3FB1]  }
0x2f: {  	lr =	sadd.s32 s0, s3;
	s0 =	sld [smem:$0x3FA8]  }
0x30: {  	s3 =	sld [smem:$0x3FAB]  }
0x31: {  	[smem:$0x3FB4] =	sst s10  }
0x32: {  	s10 =	sld [smem:$0x3FB2];
	_ =	sdelay $0x3  }
0x33: {  	p0 =	seq.s32 s10, $0x1;
	s10 =	sld [smem:$0x3FB4];
	_ =	sdelay $0x3  }
0x34: {  	[smem:$0x3FB4] =	sst s10  }
0x35: {  	s10 =	sld [smem:$0x3FB3];
	_ =	sdelay $0x3  }
0x36: {  	p1 =	seq.s32 s10, $0x1;
	s10 =	sld [smem:$0x3FB4];
	_ =	sdelay $0x3  }
0x37: {  	[smem:$0x3FB4] =	sst s10  }
0x38: {  	s10 =	sld [smem:$0x3FB5]  }
0x39: {  	_ = 	snop;
	(pc) =	sbr.ind lr, $3  }
0x3a: {  	_ = 	snop  }
0x3b: {  	_ = 	snop  }
0x3c: {  	p2 =	seq.s32 s10, $0x1;
	s10 =	sld [smem:$0x3FB4]  }
0x3d: {  	_ =	shalt  }
0x3e: {  	_ =	shalt  }
0x3f: {  	_ =	shalt  }
0x40: {  	_ =	shalt  }
0x41: {  	_ =	shalt  }
0x42: {  	_ =	shalt  }
0x43: {  	_ =	shalt  }
0x44: {  	_ =	shalt  }
0x45: {  	_ =	shalt  }
0x46: {  	_ =	shalt  }
0x47: {  	_ =	shalt  }
0x48: {  	_ =	shalt  }
0x49: {  	_ =	shalt  }
0x4a: {  	_ =	shalt  }
0x4b: {  	_ =	shalt  }
0x4c: {  	_ =	shalt  }
0x4d: {  	_ =	shalt  }
0x4e: {  	_ =	shalt  }
0x4f: {  	_ =	shalt  }
0x50: {  	_ =	shalt  }
0x51: {  	_ =	shalt  }
0x52: {  	_ =	shalt  }
0x53: {  	_ =	shalt  }
0x54: {  	_ =	shalt  }
0x55: {  	_ =	shalt  }
0x56: {  	_ =	shalt  }
0x57: {  	_ =	shalt  }
0x58: {  	_ =	shalt  }
0x59: {  	_ =	shalt  }
0x5a: {  	_ =	shalt  }
0x5b: {  	_ =	shalt  }
0x5c: {  	_ =	shalt  }
0x5d: {  	_ =	shalt  }
0x5e: {  	_ =	shalt  }
0x5f: {  	_ =	shalt  }
0x60: {  	_ =	shalt  }
0x61: {  	_ =	shalt  }
0x62: {  	_ =	shalt  }
0x63: {  	_ =	shalt  }
0x64: {  	_ =	shalt  }
0x65: {  	_ =	shalt  }
0x66: {  	_ =	shalt  }
0x67: {  	_ =	shalt  }
0x68: {  	_ =	shalt  }
0x69: {  	_ =	shalt  }
0x6a: {  	_ =	shalt  }
0x6b: {  	_ =	shalt  }
0x6c: {  	_ =	shalt  }
0x6d: {  	_ =	shalt  }
0x6e: {  	_ =	shalt  }
0x6f: {  	_ =	shalt  }
0x70: {  	_ =	shalt  }
0x71: {  	_ =	shalt  }
0x72: {  	_ =	shalt  }
0x73: {  	_ =	shalt  }
0x74: {  	_ =	shalt  }
0x75: {  	_ =	shalt  }
0x76: {  	_ =	shalt  }
0x77: {  	_ =	shalt  }
0x78: {  	_ =	shalt  }
0x79: {  	_ =	shalt  }
0x7a: {  	_ =	shalt  }
0x7b: {  	_ =	shalt  }
0x7c: {  	_ =	shalt  }
0x7d: {  	_ =	shalt  }
0x7e: {  	_ =	shalt  }
0x7f: {  	_ =	shalt  }
0x80: {  	_ =	shalt  }
0x81: {  	_ =	shalt  }
0x82: {  	_ =	shalt  }
0x83: {  	_ =	shalt  }
0x84: {  	_ =	shalt  }
0x85: {  	_ =	shalt  }
0x86: {  	_ =	shalt  }
0x87: {  	_ =	shalt  }
.Lfunc_end0:
.L_simem_size_0:
called_computation_lowered:
.L_overlay_start_0:
0x88: {  	s2 =	sld [smem:$0x3FD9]  }
0x89: {  	s3 =	sld [smem:$0x3FFE];
	_ =	sdelay $0x1  }
0x8a: {  	s1 =	srdreg.scid  }
0x8b: {  	s0 =	sand.u32 $0x1, s1  }
0x8c: {  	s17 =	sshll.u32 s0, $0xA;
	s2 =	sadd.s32 s3, s2  }
0x8d: {  	s2 =	sadd.s32 s2, s17  }
0x8e: {  	[smem:$0x3FC0] =	sst s2  }
0x8f: {  	_ = 	snop  }
0x90: {  	s2 =	sld [smem:$0x3FD0];
	(tm) =	ssettm $0x1  }
0x91: {  	s18 =	sld [smem:$0x3FFB];
	_ =	sdelay $0x3  }
0x92: {  	_ =	strace s18  }
0x93: {  	s3 =	sld [smem:$0x3FFC];
	_ =	sdelay $0x3  }
0x94: {  	_ =	strace s3  }
0x95: {  	s3 =	sld [smem:$0x3FFD];
	_ =	sdelay $0x3  }
0x96: {  	_ =	strace s3  }
0x97: {  	_ =	strace $0x8FFFFFFF  }
0x98: {  	s19 =	sld [smem:$0x3FDB];
	_ =	sdelay $0x1  }
0x99: {  	s4 =	simm.s32 $_scs_section_size  }
0x9a: {  	s5 =	simm.s32 $_size__tile_overlayer_lowered;
	s6 =	simm.s32 $_tile_overlayer_lowered  }
0x9b: {  	s22 =	simm.s32 $0x1BFF;
	s21 =	sshll.u32 s6, $0x1;
	s3 =	sadd.s32 s4, s19  }
0x9c: {  	s7 =	simm.s32 $0x0;
	s20 =	sshll.u32 s5, $0x1;
	s5 =	sadd.s32 s21, s3  }
0x9d: {  	[timem:s7], [sflag:s22] =	dma.local [hbm:s5], s20  }
0x9e: {  	_ =	swait.ge [sflag:s22], s20  }
0x9f: {  	s4 =	ssub.s32 $0x0, s20;
	[sflag:s22] =	ssyncset.done $0x0  }
0xa0: {  	[sflag:s22] =	ssyncadd.s32 s4;
	_ =	sdelay $0x1  }
0xa1: {  	s23 =	simm.s32 $0x1B8B  }
0xa2: {  	_ =	swait.ge [sflag:s23], $0x1  }
0xa3: {  	[sflag:s23] =	ssyncset.done $0x0  }
0xa4: {  	s25 =	simm.s32 $0x1B8E;
	s24 =	sld [smem:$0x3FFE];
	[sflag:s23] =	ssyncadd.s32 $0xFFFFFFFF  }
0xa5: {  	s26 =	simm.s32 $execute0_lowered;
	[smem:$0x3FD2] =	sst s25  }
0xa6: {  	s5 =	sshll.u32 s26, $0x1;
	_ =	strace $0x80000046;
	[dreg:$0x1] =	wrdreg $0xFFFFFFFF  }
0xa7: {  	s28 =	simm.s32 $_size_execute0_lowered;
	s3 =	sadd.s32 s3, s5;
	[dreg:$0x0] =	wrdreg $0x0  }
0xa8: {  	s5 =	sshll.u32 s28, $0x1;
	[dreg:$0x2] =	wrdreg s3  }
0xa9: {  	[dreg:$0x3] =	wrdreg s5  }
0xaa: {  	[dreg:$0x4] =	wrdreg $0xC0  }
0xab: {  	_ =	task [dreg:s7], $0x5FFFF  }
0xac: {  	[dreg:$0x1] =	wrdreg $0xFFFFFFFF  }
0xad: {  	[dreg:$0x0] =	wrdreg $0x60  }
0xae: {  	[dreg:$0x2] =	wrdreg s24  }
0xaf: {  	[dreg:$0x3] =	wrdreg s2  }
0xb0: {  	[dreg:$0x4] =	wrdreg $0x9  }
0xb1: {  	_ =	task.clear_ibuf [dreg:s7], $0x5FFFF;
	_ =	strace $0x90000046  }
0xb2: {  	s29 =	simm.s32 $0x9;
	_ =	strace $0x80000048  }
0xb3: {  	_ =	swait.ge [sflag:s29], $0x1  }
0xb4: {  	[sflag:s29] =	ssyncadd.s32 $0xFFFFFFFF  }
0xb5: {  	_ =	strace $0x90000048  }
0xb6: {  	_ =	sfence  }
0xb7: {  	s30 =	sld [smem:$0x0];
	_ =	sdelay $0x2  }
0xb8: {  	s31 =	sshll.u32 s1, $0xD;
	s1 =	sshrl.u32 s1, $0x2  }
0xb9: {  	s3 =	sand.u32 $0x4000, s31;
	s1 =	sadd.s32 s1, s30  }
0xba: {  	s0 =	sor.u32 s3, s0;
	s1 =	sshll.u32 s1, $0x11  }
0xbb: {  	s0 =	sor.u32 s1, s0  }
0xbc: {  	s0 =	sadd.s32 $0x8F2B, s0  }
0xbd: {  	[sflag:s0] =	ssyncadd.remote.s32 $0x1  }
0xbe: {  	_ =	sfence.sel $0xFFFF  }
0xbf: {  	[dreg:$0x0] =	wrdreg $0xFFFFFFFF;
	(pc) =	sbr.abs _section_cstart, $3  }
0xc0: {  	[dreg:$0x1] =	wrdreg $0xFFFFFFFF  }
0xc1: {  	_ =	task.clear_ibuf [dreg:s7], $0x2FFFF;
	_ =	strace $0x9FFFFFFF  }
0xc2: {  	(tm) =	ssettm $0x7FFFFFFF  }
0xc3: {  	_ =	shalt  }
tec
execute0_lowered:
.L_overlay_start_1:
0x0: {  	(tag) =	ssettag $0x1  }
0x1: {  	v0 =	vimm.s32 $0x60402000  }
0x2: {  	v1 =	vimm.s32 $0xE0C0A080;
	vm5 =	vcmask $0x1F10;
	v12 =	vimm.s32 $0x100  }
0x3: {  	vm9 =	vcmask $0x704;
	vm8 =	vcmask $0xB08;
	vm7 =	vcmask $0xF0C  }
0x4: {  	vm6 =	vcmask $0x1310;
	vm4 =	vcmask $0x1714;
	v3 =	vimm.s32 $0x160  }
0x5: {  	vm3 =	vcmask $0x1B18;
	vm2 =	vcmask $0x1F1C;
	v6 =	vimm.s32 $0x40200000  }
0x6: {  	v7 =	vimm.s32 $0x40200060;
	v8 =	vimm.s32 $0x1C0;
	vm10 =	vcmask $0x300  }
0x7: {  	vm0 =	vcmask $0x1F14;
	v9 =	vimm.s32 $0xC0A080E0;
	vm1 =	vcmask $0x1304  }
0x8: {  	vm11 =	vcmask $0x2314;
	vm12 =	vcmask $0x1708;
	vm13 =	vcmask $0x2718  }
0x9: {  	vm14 =	vcmask $0xF00;
	vm15 =	vcmask $0x1B10;
	v18 =	vimm.s32 $0x2381  }
0xa: {  	v19 =	vimm.s32 $0x6381;
	v20 =	vimm.s32 $0x2382;
	v21 =	vimm.s32 $0x6382  }
0xb: {  	v22 =	vimm.s32 $0x2383;
	v23 =	vimm.s32 $0x6383;
	v24 =	vimm.s32 $0x2384  }
0xc: {  	v25 =	vimm.s32 $0x6384;
	v26 =	vimm.s32 $0x2385;
	v27 =	vimm.s32 $0x6385  }
0xd: {  	v28 =	vimm.s32 $0x2386;
	v29 =	vimm.s32 $0x6386;
	v30 =	vimm.s32 $0x2387  }
0xe: {  	v31 =	vimm.s32 $0x6387;
	v32 =	vimm.s32 $0x2388;
	v33 =	vimm.s32 $0x6388  }
0xf: {  	v34 =	vimm.s32 $0x2389;
	v35 =	vimm.s32 $0x6389;
	v36 =	vimm.s32 $0x238A  }
0x10: {  	v37 =	vimm.s32 $0x638A;
	v38 =	vimm.s32 $0x238B;
	v39 =	vimm.s32 $0x638B  }
0x11: {  	v40 =	vimm.s32 $0x238C;
	v41 =	vimm.s32 $0x638C;
	v42 =	vimm.s32 $0x238D  }
0x12: {  	v43 =	vimm.s32 $0x638D;
	v45 =	vimm.s32 $0x238E;
	v48 =	vimm.s32 $0x638E  }
0x13: {  	v49 =	vimm.s32 $0xC0A08060;
	v0 =	vunpack.c.0.s8.s32 v0;
	v1 =	vunpack.c.0.s8.s32 v1  }
0x14: {  	v5 =	vsel vm9, $0x180, v3;
	v6 =	vunpack.c.0.s8.s32 v6;
	v7 =	vunpack.c.0.s8.s32 v7  }
0x15: {  	v8 =	vsel vm10, $0x1E0, v8;
	v3 =	vsel vm10, $0x180, v3;
	v18 =	vsel vm10, $0x2, v18  }
0x16: {  	v19 =	vsel vm10, $0x4002, v19;
	v20 =	vsel vm10, $0x3, v20;
	v21 =	vsel vm10, $0x4003, v21  }
0x17: {  	v22 =	vsel vm10, $0x4, v22;
	v23 =	vsel vm10, $0x4004, v23;
	v24 =	vsel vm10, $0x5, v24  }
0x18: {  	v25 =	vsel vm10, $0x4005, v25;
	v26 =	vsel vm10, $0x6, v26;
	v27 =	vsel vm10, $0x4006, v27  }
0x19: {  	v28 =	vsel vm10, $0x7, v28;
	v29 =	vsel vm10, $0x4007, v29;
	v30 =	vsel vm10, $0x8, v30  }
0x1a: {  	v31 =	vsel vm10, $0x4008, v31;
	v32 =	vsel vm10, $0x9, v32;
	v33 =	vsel vm10, $0x4009, v33  }
0x1b: {  	v34 =	vsel vm10, $0xA, v34;
	v35 =	vsel vm10, $0x400A, v35;
	v36 =	vsel vm10, $0xB, v36  }
0x1c: {  	v37 =	vsel vm10, $0x400B, v37;
	v38 =	vsel vm10, $0xC, v38;
	v39 =	vsel vm10, $0x400C, v39  }
0x1d: {  	v40 =	vsel vm10, $0xD, v40;
	v41 =	vsel vm10, $0x400D, v41;
	v42 =	vsel vm10, $0xE, v42  }
0x1e: {  	v43 =	vsel vm10, $0x400E, v43;
	v45 =	vsel vm10, $0xF, v45;
	v48 =	vsel vm10, $0x400F, v48  }
0x1f: {  	v49 =	vunpack.c.0.s8.s32 v49;
	v5 =	vsel vm8, $0x1A0, v5;
	v3 =	vsel vm9, $0x1A0, v3  }
0x20: {  	v18 =	vsel vm9, $0x83, v18;
	v19 =	vsel vm9, $0x4083, v19;
	v20 =	vsel vm9, $0x84, v20  }
0x21: {  	v21 =	vsel vm9, $0x4084, v21;
	v22 =	vsel vm9, $0x85, v22;
	v23 =	vsel vm9, $0x4085, v23  }
0x22: {  	v24 =	vsel vm9, $0x86, v24;
	v25 =	vsel vm9, $0x4086, v25;
	v26 =	vsel vm9, $0x87, v26  }
0x23: {  	v27 =	vsel vm9, $0x4087, v27;
	v28 =	vsel vm9, $0x88, v28;
	v29 =	vsel vm9, $0x4088, v29  }
0x24: {  	v30 =	vsel vm9, $0x89, v30;
	v31 =	vsel vm9, $0x4089, v31;
	v32 =	vsel vm9, $0x8A, v32  }
0x25: {  	v33 =	vsel vm9, $0x408A, v33;
	v34 =	vsel vm9, $0x8B, v34;
	v35 =	vsel vm9, $0x408B, v35  }
0x26: {  	v36 =	vsel vm9, $0x8C, v36;
	v37 =	vsel vm9, $0x408C, v37;
	v38 =	vsel vm9, $0x8D, v38  }
0x27: {  	v39 =	vsel vm9, $0x408D, v39;
	v40 =	vsel vm9, $0x8E, v40;
	v41 =	vsel vm9, $0x408E, v41  }
0x28: {  	v42 =	vsel vm9, $0x8F, v42;
	v43 =	vsel vm9, $0x408F, v43;
	v45 =	vsel vm9, $0x80, v45  }
0x29: {  	v48 =	vsel vm9, $0x4080, v48;
	v2 =	vand.u32 $0xFF, v0;
	v10 =	vand.u32 $0xFF, v1  }
0x2a: {  	v1 =	vimm.s32 $0x180;
	v5 =	vsel vm7, $0x1C0, v5;
	v11 =	vand.u32 $0xFF, v7  }
0x2b: {  	v7 =	vunpack.c.0.s8.s32 v9;
	v3 =	vsel vm8, $0x1C0, v3;
	v18 =	vsel vm8, $0x104, v18  }
0x2c: {  	v19 =	vsel vm8, $0x4104, v19;
	v20 =	vsel vm8, $0x105, v20;
	v21 =	vsel vm8, $0x4105, v21  }
0x2d: {  	v22 =	vsel vm8, $0x106, v22;
	v23 =	vsel vm8, $0x4106, v23;
	v24 =	vsel vm8, $0x107, v24  }
0x2e: {  	v25 =	vsel vm8, $0x4107, v25;
	v26 =	vsel vm8, $0x108, v26;
	v27 =	vsel vm8, $0x4108, v27  }
0x2f: {  	v28 =	vsel vm8, $0x109, v28;
	v29 =	vsel vm8, $0x4109, v29;
	v30 =	vsel vm8, $0x10A, v30  }
0x30: {  	v31 =	vsel vm8, $0x410A, v31;
	v32 =	vsel vm8, $0x10B, v32;
	v33 =	vsel vm8, $0x410B, v33  }
0x31: {  	v34 =	vsel vm8, $0x10C, v34;
	v35 =	vsel vm8, $0x410C, v35;
	v36 =	vsel vm8, $0x10D, v36  }
0x32: {  	v37 =	vsel vm8, $0x410D, v37;
	v38 =	vsel vm8, $0x10E, v38;
	v39 =	vsel vm8, $0x410E, v39  }
0x33: {  	v40 =	vsel vm8, $0x10F, v40;
	v41 =	vsel vm8, $0x410F, v41;
	v42 =	vsel vm8, $0x100, v42  }
0x34: {  	v43 =	vsel vm8, $0x4100, v43;
	v45 =	vsel vm8, $0x101, v45;
	v48 =	vsel vm8, $0x4101, v48  }
0x35: {  	v49 =	vand.u32 $0xFF, v49;
	v44 =	vsel vm5, v10, v2;
	v4 =	vsel vm9, $0x1A0, v1  }
0x36: {  	v5 =	vsel vm6, $0x1E0, v5;
	v1 =	vsel vm10, $0x1A0, v1;
	v18 =	vsel vm7, $0x185, v18  }
0x37: {  	v19 =	vsel vm7, $0x4185, v19;
	v20 =	vsel vm7, $0x186, v20;
	v21 =	vsel vm7, $0x4186, v21  }
0x38: {  	v22 =	vsel vm7, $0x187, v22;
	v23 =	vsel vm7, $0x4187, v23;
	v24 =	vsel vm7, $0x188, v24  }
0x39: {  	v25 =	vsel vm7, $0x4188, v25;
	v26 =	vsel vm7, $0x189, v26;
	v27 =	vsel vm7, $0x4189, v27  }
0x3a: {  	v28 =	vsel vm7, $0x18A, v28;
	v29 =	vsel vm7, $0x418A, v29;
	v30 =	vsel vm7, $0x18B, v30  }
0x3b: {  	v31 =	vsel vm7, $0x418B, v31;
	v32 =	vsel vm7, $0x18C, v32;
	v33 =	vsel vm7, $0x418C, v33  }
0x3c: {  	v34 =	vsel vm7, $0x18D, v34;
	v35 =	vsel vm7, $0x418D, v35;
	v36 =	vsel vm7, $0x18E, v36  }
0x3d: {  	v37 =	vsel vm7, $0x418E, v37;
	v38 =	vsel vm7, $0x18F, v38;
	v39 =	vsel vm7, $0x418F, v39  }
0x3e: {  	v40 =	vsel vm7, $0x180, v40;
	v41 =	vsel vm7, $0x4180, v41;
	v42 =	vsel vm7, $0x181, v42  }
0x3f: {  	v43 =	vsel vm7, $0x4181, v43;
	v45 =	vsel vm7, $0x182, v45;
	v48 =	vsel vm7, $0x4182, v48  }
0x40: {  	v49 =	vsel vm6, $0xE0, v49;
	v4 =	vsel vm8, $0x1C0, v4;
	v47 =	vsel vm0, v6, v5  }
0x41: {  	v5 =	vimm.s32 $0x20006040;
	vm0 =	vcmask $0x2B28;
	v6 =	vimm.s32 $0x604020  }
0x42: {  	v1 =	vsel vm9, $0x1C0, v1;
	v18 =	vsel vm6, $0x206, v18;
	v19 =	vsel vm6, $0x4206, v19  }
0x43: {  	v20 =	vsel vm6, $0x207, v20;
	v21 =	vsel vm6, $0x4207, v21;
	v22 =	vsel vm6, $0x208, v22  }
0x44: {  	v23 =	vsel vm6, $0x4208, v23;
	v24 =	vsel vm6, $0x209, v24;
	v25 =	vsel vm6, $0x4209, v25  }
0x45: {  	v26 =	vsel vm6, $0x20A, v26;
	v27 =	vsel vm6, $0x420A, v27;
	v28 =	vsel vm6, $0x20B, v28  }
0x46: {  	v29 =	vsel vm6, $0x420B, v29;
	v30 =	vsel vm6, $0x20C, v30;
	v31 =	vsel vm6, $0x420C, v31  }
0x47: {  	v32 =	vsel vm6, $0x20D, v32;
	v33 =	vsel vm6, $0x420D, v33;
	v34 =	vsel vm6, $0x20E, v34  }
0x48: {  	v35 =	vsel vm6, $0x420E, v35;
	v36 =	vsel vm6, $0x20F, v36;
	v37 =	vsel vm6, $0x420F, v37  }
0x49: {  	v38 =	vsel vm6, $0x200, v38;
	v39 =	vsel vm6, $0x4200, v39;
	v40 =	vsel vm6, $0x201, v40  }
0x4a: {  	v41 =	vsel vm6, $0x4201, v41;
	v42 =	vsel vm6, $0x202, v42;
	v43 =	vsel vm6, $0x4202, v43  }
0x4b: {  	v45 =	vsel vm6, $0x203, v45;
	v48 =	vsel vm6, $0x4203, v48;
	v49 =	vsel vm4, $0x100, v49  }
0x4c: {  	v4 =	vsel vm7, $0x1E0, v4;
	v5 =	vunpack.c.0.s8.s32 v5;
	v6 =	vunpack.c.0.s8.s32 v6  }
0x4d: {  	v1 =	vsel vm8, $0x1E0, v1;
	v18 =	vsel vm4, $0x287, v18;
	v19 =	vsel vm4, $0x4287, v19  }
0x4e: {  	v20 =	vsel vm4, $0x288, v20;
	v21 =	vsel vm4, $0x4288, v21;
	v22 =	vsel vm4, $0x289, v22  }
0x4f: {  	v23 =	vsel vm4, $0x4289, v23;
	v24 =	vsel vm4, $0x28A, v24;
	v25 =	vsel vm4, $0x428A, v25  }
0x50: {  	v26 =	vsel vm4, $0x28B, v26;
	v27 =	vsel vm4, $0x428B, v27;
	v28 =	vsel vm4, $0x28C, v28  }
0x51: {  	v29 =	vsel vm4, $0x428C, v29;
	v30 =	vsel vm4, $0x28D, v30;
	v31 =	vsel vm4, $0x428D, v31  }
0x52: {  	v32 =	vsel vm4, $0x28E, v32;
	v33 =	vsel vm4, $0x428E, v33;
	v34 =	vsel vm4, $0x28F, v34  }
0x53: {  	v35 =	vsel vm4, $0x428F, v35;
	v36 =	vsel vm4, $0x280, v36;
	v37 =	vsel vm4, $0x4280, v37  }
0x54: {  	v38 =	vsel vm4, $0x281, v38;
	v39 =	vsel vm4, $0x4281, v39;
	v40 =	vsel vm4, $0x282, v40  }
0x55: {  	v41 =	vsel vm4, $0x4282, v41;
	v42 =	vsel vm4, $0x283, v42;
	v43 =	vsel vm4, $0x4283, v43  }
0x56: {  	v45 =	vsel vm4, $0x284, v45;
	v48 =	vsel vm4, $0x4284, v48;
	v50 =	vsel vm3, $0x120, v49  }
0x57: {  	v46 =	vsel vm5, v0, v4;
	v0 =	vsel vm1, v11, v8;
	v4 =	vand.u32 $0xFF, v7  }
0x58: {  	vm1 =	vcmask $0x2724;
	v18 =	vsel vm3, $0x308, v18;
	v19 =	vsel vm3, $0x4308, v19  }
0x59: {  	v20 =	vsel vm3, $0x309, v20;
	v21 =	vsel vm3, $0x4309, v21;
	v22 =	vsel vm3, $0x30A, v22  }
0x5a: {  	v23 =	vsel vm3, $0x430A, v23;
	v24 =	vsel vm3, $0x30B, v24;
	v25 =	vsel vm3, $0x430B, v25  }
0x5b: {  	v26 =	vsel vm3, $0x30C, v26;
	v27 =	vsel vm3, $0x430C, v27;
	v28 =	vsel vm3, $0x30D, v28  }
0x5c: {  	v29 =	vsel vm3, $0x430D, v29;
	v30 =	vsel vm3, $0x30E, v30;
	v31 =	vsel vm3, $0x430E, v31  }
0x5d: {  	v32 =	vsel vm3, $0x30F, v32;
	v33 =	vsel vm3, $0x430F, v33;
	v34 =	vsel vm3, $0x300, v34  }
0x5e: {  	v35 =	vsel vm3, $0x4300, v35;
	v36 =	vsel vm3, $0x301, v36;
	v37 =	vsel vm3, $0x4301, v37  }
0x5f: {  	v38 =	vsel vm3, $0x302, v38;
	v39 =	vsel vm3, $0x4302, v39;
	v40 =	vsel vm3, $0x303, v40  }
0x60: {  	v41 =	vsel vm3, $0x4303, v41;
	v42 =	vsel vm3, $0x304, v42;
	v43 =	vsel vm3, $0x4304, v43  }
0x61: {  	v51 =	vsel vm3, $0x305, v45;
	v52 =	vsel vm3, $0x4305, v48;
	v48 =	vsel vm2, $0x140, v50  }
0x62: {  	v8 =	vsel vm11, v4, v0;
	v0 =	vimm.s32 $0x1A0;
	v9 =	vand.u32 $0xFF, v5  }
0x63: {  	v5 =	vimm.s32 $0xA080E0C0;
	v13 =	vand.u32 $0xFF, v6;
	v61 =	vsel vm2, $0x381, v34  }
0x64: {  	v62 =	vsel vm2, $0x4381, v35;
	v63 =	vsel vm2, $0x382, v36;
	v50 =	vsel vm2, $0x4382, v37  }
0x65: {  	v53 =	vsel vm2, $0x383, v38;
	v54 =	vsel vm2, $0x4383, v39;
	v55 =	vsel vm2, $0x384, v40  }
0x66: {  	v56 =	vsel vm2, $0x4384, v41;
	v57 =	vsel vm2, $0x385, v42;
	v58 =	vsel vm2, $0x4385, v43  }
0x67: {  	v59 =	vsel vm2, $0x386, v51;
	v60 =	vsel vm2, $0x4386, v52;
	v0 =	vsel vm10, $0x1C0, v0  }
0x68: {  	v5 =	vunpack.c.0.s8.s32 v5;
	v8 =	vsel vm1, $0x100, v8;
	v0 =	vsel vm9, $0x1E0, v0  }
0x69: {  	v47 =	vcombine.low v48, v47;
	v8 =	vsel vm0, $0x120, v8;
	v0 =	vsel vm12, v9, v0  }
0x6a: {  	v7 =	vand.u32 $0xFF, v5;
	vm12 =	vcmask $0x1B0C;
	v5 =	vimm.s32 $0x80E0C0A0  }
0x6b: {  	v1 =	vsel vm12, v13, v1;
	v5 =	vunpack.c.0.s8.s32 v5;
	v6 =	vsel vm13, v7, v0  }
0x6c: {  	v0 =	vsel vm7, $0x1E0, v3;
	v3 =	vimm.s32 $0x140;
	vm12 =	vcmask $0x2F20  }
0x6d: {  	v0 =	vsel vm5, v2, v0;
	v2 =	vsel vm10, $0x160, v3;
	vm5 =	vcmask $0x2B1C  }
0x6e: {  	v6 =	vsel vm0, $0x100, v6;
	v14 =	vand.u32 $0xFF, v5;
	v2 =	vsel vm9, $0x180, v2  }
0x6f: {  	v5 =	vimm.s32 $0x120;
	v3 =	vsel vm12, v10, v0;
	vm12 =	vcmask $0x3324  }
0x70: {  	v10 =	vsel vm6, $0x100, v10;
	v0 =	vsel vm8, $0x1A0, v2;
	v2 =	vsel vm10, $0x140, v5  }
0x71: {  	v5 =	vsel vm5, v14, v1;
	v10 =	vsel vm4, $0x120, v10;
	v0 =	vsel vm7, $0x1C0, v0  }
0x72: {  	v2 =	vsel vm9, $0x160, v2;
	v10 =	vsel vm3, $0x140, v10;
	v0 =	vsel vm6, $0x1E0, v0  }
0x73: {  	v1 =	vsel vm8, $0x180, v2;
	v2 =	vsel vm10, $0x120, v12;
	v12 =	vsel vm9, $0x120, v12  }
0x74: {  	v49 =	vsel vm2, $0x160, v10;
	v0 =	vsel vm11, v11, v0;
	v1 =	vsel vm7, $0x1A0, v1  }
0x75: {  	v15 =	vsel vm9, $0x140, v2;
	vm11 =	vcmask $0x3728;
	v12 =	vsel vm8, $0x140, v12  }
0x76: {  	v46 =	vcombine.low v49, v46;
	v1 =	vsel vm6, $0x1C0, v1;
	v2 =	vsel vm12, v4, v0  }
0x77: {  	v4 =	vimm.s32 $0xC0;
	v12 =	vsel vm7, $0x160, v12;
	v0 =	vsel vm4, $0x1E0, v1  }
0x78: {  	v1 =	vsel vm8, $0x160, v15;
	v4 =	vsel vm10, $0xE0, v4;
	v15 =	vimm.s32 $0xE0C0A0  }
0x79: {  	v12 =	vsel vm6, $0x180, v12;
	v0 =	vsel vm13, v9, v0;
	v1 =	vsel vm7, $0x180, v1  }
0x7a: {  	v15 =	vunpack.c.0.s8.s32 v15;
	vm13 =	vcmask $0xB00;
	v12 =	vsel vm4, $0x1A0, v12  }
0x7b: {  	v1 =	vsel vm6, $0x1A0, v1;
	v7 =	vsel vm11, v7, v0;
	v12 =	vsel vm3, $0x1C0, v12  }
0x7c: {  	v0 =	vsel vm4, $0x1C0, v1;
	v1 =	vsel vm9, $0x100, v4;
	v4 =	vimm.s32 $0xA0  }
0x7d: {  	v15 =	vand.u32 $0xFF, v15;
	v45 =	vsel vm2, $0x1E0, v12;
	v0 =	vsel vm3, $0x1E0, v0  }
0x7e: {  	v1 =	vsel vm8, $0x120, v1;
	v4 =	vsel vm10, $0xC0, v4;
	v16 =	vnsel vm13, $0x80, v15  }
0x7f: {  	vm13 =	vcmask $0x3330;
	v44 =	vcombine.low v45, v44;
	v45 =	vlaneseq.u32  }
0x80: {  	v1 =	vsel vm7, $0x140, v1;
	v4 =	vsel vm9, $0xE0, v4;
	v0 =	vsel vm5, v13, v0  }
0x81: {  	v16 =	vsel vm7, $0x100, v16;
	vm5 =	vcmask $0x2320;
	v3 =	vsel vm13, $0x100, v3  }
0x82: {  	v48 =	vmul.u32 $0x20, v45;
	v49 =	vor.u32 $0x10, v45;
	v1 =	vsel vm6, $0x160, v1  }
0x83: {  	v4 =	vsel vm8, $0x100, v4;
	v16 =	vsel vm6, $0x120, v16;
	v34 =	vsel vm5, $0x2003, v63  }
0x84: {  	v35 =	vsel vm5, $0x6003, v50;
	v36 =	vsel vm5, $0x2004, v53;
	v37 =	vsel vm5, $0x6004, v54  }
0x85: {  	v38 =	vsel vm5, $0x2005, v55;
	v39 =	vsel vm5, $0x6005, v56;
	v40 =	vsel vm5, $0x2006, v57  }
0x86: {  	v41 =	vsel vm5, $0x6006, v58;
	v42 =	vsel vm5, $0x2007, v59;
	v43 =	vsel vm5, $0x6007, v60  }
0x87: {  	v1 =	vsel vm4, $0x180, v1;
	v4 =	vsel vm7, $0x120, v4;
	v16 =	vsel vm4, $0x140, v16  }
0x88: {  	v34 =	vsel vm1, $0x2084, v34;
	v35 =	vsel vm1, $0x6084, v35;
	v36 =	vsel vm1, $0x2085, v36  }
0x89: {  	v37 =	vsel vm1, $0x6085, v37;
	v38 =	vsel vm1, $0x2086, v38;
	v39 =	vsel vm1, $0x6086, v39  }
0x8a: {  	v40 =	vsel vm1, $0x2087, v40;
	v41 =	vsel vm1, $0x6087, v41;
	v42 =	vsel vm1, $0x2088, v42  }
0x8b: {  	v43 =	vsel vm1, $0x6088, v43;
	v1 =	vsel vm3, $0x1A0, v1;
	v4 =	vsel vm6, $0x140, v4  }
0x8c: {  	v34 =	vsel vm0, $0x2105, v34;
	v35 =	vsel vm0, $0x6105, v35;
	v36 =	vsel vm0, $0x2106, v36  }
0x8d: {  	v37 =	vsel vm0, $0x6106, v37;
	v38 =	vsel vm0, $0x2107, v38;
	v39 =	vsel vm0, $0x6107, v39  }
0x8e: {  	v40 =	vsel vm0, $0x2108, v40;
	v41 =	vsel vm0, $0x6108, v41;
	v4 =	vsel vm4, $0x160, v4  }
0x8f: {  	v42 =	vsel vm0, $0x2109, v42;
	v1 =	vsel vm2, $0x1C0, v1;
	v4 =	vsel vm3, $0x180, v4  }
0x90: {  	v43 =	vsel vm0, $0x6109, v43;
	v1 =	vsel vm5, $0x1E0, v1;
	v17 =	vsel vm2, $0x1A0, v4  }
0x91: {  	v4 =	vsel vm12, v11, v1;
	v11 =	vsel vm3, $0x160, v16;
	vm12 =	vcmask $0x3B2C  }
0x92: {  	v16 =	vimm.s32 $0xA0806040;
	v1 =	vsel vm5, $0x1C0, v17;
	v11 =	vsel vm2, $0x180, v11  }
0x93: {  	v17 =	vimm.s32 $0x80604020;
	v16 =	vunpack.c.0.s8.s32 v16;
	v11 =	vsel vm5, $0x1A0, v11  }
0x94: {  	v1 =	vsel vm1, $0x1E0, v1;
	v17 =	vunpack.c.0.s8.s32 v17;
	v11 =	vsel vm1, $0x1C0, v11  }
0x95: {  	v0 =	vsel vm12, v14, v0;
	v9 =	vsel vm11, v9, v1;
	v1 =	vsel vm0, $0x1E0, v11  }
0x96: {  	v11 =	vand.u32 $0xFF, v16;
	v14 =	vand.u32 $0xFF, v17;
	v16 =	vimm.s32 $0x638F  }
0x97: {  	v17 =	vimm.s32 $0x6380;
	v1 =	vsel vm12, v13, v1;
	v13 =	vnsel vm14, $0x20, v11  }
0x98: {  	v11 =	vnsel vm14, $0x0, v14;
	v14 =	vimm.s32 $0x238F;
	v17 =	vsel vm10, $0x4001, v17  }
0x99: {  	vm12 =	vcmask $0x2F2C;
	vm14 =	vcmask $0x3734;
	v11 =	vsel vm15, v15, v11  }
0x9a: {  	v14 =	vsel vm10, $0x0, v14;
	v15 =	vsel vm10, $0x4000, v16;
	v16 =	vimm.s32 $0x2380  }
0x9b: {  	v17 =	vsel vm9, $0x4082, v17;
	v13 =	vsel vm6, $0xC0, v13;
	v8 =	vsel vm12, $0x140, v8  }
0x9c: {  	v6 =	vsel vm12, $0x120, v6;
	v5 =	vsel vm12, $0x100, v5;
	v34 =	vsel vm12, $0x2186, v34  }
0x9d: {  	v35 =	vsel vm12, $0x6186, v35;
	v36 =	vsel vm12, $0x2187, v36;
	v37 =	vsel vm12, $0x6187, v37  }
0x9e: {  	v38 =	vsel vm12, $0x2188, v38;
	v39 =	vsel vm12, $0x6188, v39;
	v40 =	vsel vm12, $0x2189, v40  }
0x9f: {  	v41 =	vsel vm12, $0x6189, v41;
	v42 =	vsel vm12, $0x218A, v42;
	v43 =	vsel vm12, $0x618A, v43  }
0xa0: {  	v63 =	vsel vm14, $0x80, v4;
	vm15 =	vcmask $0x3B38;
	v16 =	vsel vm10, $0x1, v16  }
0xa1: {  	v14 =	vsel vm9, $0x81, v14;
	v15 =	vsel vm9, $0x4081, v15;
	v17 =	vsel vm8, $0x4103, v17  }
0xa2: {  	v13 =	vsel vm4, $0xE0, v13;
	v11 =	vsel vm2, $0x100, v11;
	v8 =	vsel vm13, $0x160, v8  }
0xa3: {  	v6 =	vsel vm13, $0x140, v6;
	v5 =	vsel vm13, $0x120, v5;
	v34 =	vsel vm13, $0x2207, v34  }
0xa4: {  	v35 =	vsel vm13, $0x6207, v35;
	v36 =	vsel vm13, $0x2208, v36;
	v37 =	vsel vm13, $0x6208, v37  }
0xa5: {  	v38 =	vsel vm13, $0x2209, v38;
	v39 =	vsel vm13, $0x6209, v39;
	v40 =	vsel vm13, $0x220A, v40  }
0xa6: {  	v41 =	vsel vm13, $0x620A, v41;
	v42 =	vsel vm13, $0x220B, v42;
	v43 =	vsel vm13, $0x620B, v43  }
0xa7: {  	v7 =	vsel vm15, $0x100, v7;
	v9 =	vsel vm15, $0x80, v9;
	v16 =	vsel vm9, $0x82, v16  }
0xa8: {  	v14 =	vsel vm8, $0x102, v14;
	v15 =	vsel vm8, $0x4102, v15;
	v17 =	vsel vm7, $0x4184, v17  }
0xa9: {  	v13 =	vsel vm3, $0x100, v13;
	v11 =	vsel vm5, $0x120, v11;
	v8 =	vsel vm14, $0x180, v8  }
0xaa: {  	v6 =	vsel vm14, $0x160, v6;
	v5 =	vsel vm14, $0x140, v5;
	v34 =	vsel vm14, $0x2288, v34  }
0xab: {  	v35 =	vsel vm14, $0x6288, v35;
	v36 =	vsel vm14, $0x2289, v36;
	v37 =	vsel vm14, $0x6289, v37  }
0xac: {  	v38 =	vsel vm14, $0x228A, v38;
	v39 =	vsel vm14, $0x628A, v39;
	v40 =	vsel vm14, $0x228B, v40  }
0xad: {  	v41 =	vsel vm14, $0x628B, v41;
	v42 =	vsel vm14, $0x228C, v42;
	v43 =	vsel vm14, $0x628C, v43  }
0xae: {  	v16 =	vsel vm8, $0x103, v16;
	v14 =	vsel vm7, $0x183, v14;
	v15 =	vsel vm7, $0x4183, v15  }
0xaf: {  	v17 =	vsel vm6, $0x4205, v17;
	v10 =	vsel vm2, $0x120, v13;
	v11 =	vsel vm1, $0x140, v11  }
0xb0: {  	v4 =	vsel vm15, $0x160, v5;
	v34 =	vsel vm15, $0x2309, v34;
	v35 =	vsel vm15, $0x6309, v35  }
0xb1: {  	v36 =	vsel vm15, $0x230A, v36;
	v37 =	vsel vm15, $0x630A, v37;
	v38 =	vsel vm15, $0x230B, v38  }
0xb2: {  	v39 =	vsel vm15, $0x630B, v39;
	v40 =	vsel vm15, $0x230C, v40;
	v41 =	vsel vm15, $0x630C, v41  }
0xb3: {  	v42 =	vsel vm15, $0x230D, v42;
	v43 =	vsel vm15, $0x630D, v43;
	v16 =	vsel vm7, $0x184, v16  }
0xb4: {  	v14 =	vsel vm6, $0x204, v14;
	v15 =	vsel vm6, $0x4204, v15;
	v17 =	vsel vm4, $0x4286, v17  }
0xb5: {  	v10 =	vsel vm5, $0x140, v10;
	v11 =	vsel vm0, $0x160, v11;
	v16 =	vsel vm6, $0x205, v16  }
0xb6: {  	v14 =	vsel vm4, $0x285, v14;
	v15 =	vsel vm4, $0x4285, v15;
	v17 =	vsel vm3, $0x4307, v17  }
0xb7: {  	v10 =	vsel vm1, $0x160, v10;
	v11 =	vsel vm12, $0x180, v11;
	v16 =	vsel vm4, $0x286, v16  }
0xb8: {  	v14 =	vsel vm3, $0x306, v14;
	v15 =	vsel vm3, $0x4306, v15;
	v10 =	vsel vm0, $0x180, v10  }
0xb9: {  	v11 =	vsel vm13, $0x1A0, v11;
	v16 =	vsel vm3, $0x307, v16;
	v12 =	vsel vm2, $0x387, v14  }
0xba: {  	v13 =	vsel vm2, $0x4387, v15;
	v15 =	vsel vm2, $0x4388, v17;
	v17 =	vsel vm2, $0x4389, v19  }
0xbb: {  	v19 =	vsel vm2, $0x438A, v21;
	v21 =	vsel vm2, $0x438B, v23;
	v23 =	vsel vm2, $0x438C, v25  }
0xbc: {  	v25 =	vsel vm2, $0x438D, v27;
	v27 =	vsel vm2, $0x438E, v29;
	v29 =	vsel vm2, $0x438F, v31  }
0xbd: {  	v31 =	vsel vm2, $0x4380, v33;
	v33 =	vsel vm5, $0x6002, v62;
	v10 =	vsel vm12, $0x1A0, v10  }
0xbe: {  	v62 =	vsel vm14, $0x100, v2;
	v11 =	vsel vm14, $0x1C0, v11;
	v2 =	vsel vm15, $0x1A0, v8  }
0xbf: {  	v8 =	vsel vm15, $0xA0, v63;
	v14 =	vsel vm2, $0x388, v16;
	v16 =	vsel vm2, $0x389, v18  }
0xc0: {  	v18 =	vsel vm2, $0x38A, v20;
	v20 =	vsel vm2, $0x38B, v22;
	v22 =	vsel vm2, $0x38C, v24  }
0xc1: {  	v24 =	vsel vm2, $0x38D, v26;
	v26 =	vsel vm2, $0x38E, v28;
	v28 =	vsel vm2, $0x38F, v30  }
0xc2: {  	v30 =	vsel vm2, $0x380, v32;
	v12 =	vsel vm5, $0x2008, v12;
	v13 =	vsel vm5, $0x6008, v13  }
0xc3: {  	v15 =	vsel vm5, $0x6009, v15;
	v17 =	vsel vm5, $0x600A, v17;
	v19 =	vsel vm5, $0x600B, v19  }
0xc4: {  	v21 =	vsel vm5, $0x600C, v21;
	v23 =	vsel vm5, $0x600D, v23;
	v25 =	vsel vm5, $0x600E, v25  }
0xc5: {  	v27 =	vsel vm5, $0x600F, v27;
	v29 =	vsel vm5, $0x6000, v29;
	v31 =	vsel vm5, $0x6001, v31  }
0xc6: {  	v32 =	vsel vm5, $0x2002, v61;
	v33 =	vsel vm1, $0x6083, v33;
	v10 =	vsel vm13, $0x1C0, v10  }
0xc7: {  	v61 =	vsel vm14, $0x120, v3;
	v3 =	vsel vm15, $0x180, v6;
	v6 =	vsel vm15, $0x120, v62  }
0xc8: {  	v11 =	vsel vm15, $0x1E0, v11;
	v14 =	vsel vm5, $0x2009, v14;
	v16 =	vsel vm5, $0x200A, v16  }
0xc9: {  	v18 =	vsel vm5, $0x200B, v18;
	v20 =	vsel vm5, $0x200C, v20;
	v22 =	vsel vm5, $0x200D, v22  }
0xca: {  	v24 =	vsel vm5, $0x200E, v24;
	v26 =	vsel vm5, $0x200F, v26;
	v28 =	vsel vm5, $0x2000, v28  }
0xcb: {  	v30 =	vsel vm5, $0x2001, v30;
	v12 =	vsel vm1, $0x2089, v12;
	v13 =	vsel vm1, $0x6089, v13  }
0xcc: {  	v15 =	vsel vm1, $0x608A, v15;
	v17 =	vsel vm1, $0x608B, v17;
	v19 =	vsel vm1, $0x608C, v19  }
0xcd: {  	v21 =	vsel vm1, $0x608D, v21;
	v23 =	vsel vm1, $0x608E, v23;
	v25 =	vsel vm1, $0x608F, v25  }
0xce: {  	v27 =	vsel vm1, $0x6080, v27;
	v29 =	vsel vm1, $0x6081, v29;
	v31 =	vsel vm1, $0x6082, v31  }
0xcf: {  	v32 =	vsel vm1, $0x2083, v32;
	v33 =	vsel vm0, $0x6104, v33;
	v10 =	vsel vm14, $0x1E0, v10  }
0xd0: {  	v5 =	vsel vm15, $0x140, v61;
	v14 =	vsel vm1, $0x208A, v14;
	v16 =	vsel vm1, $0x208B, v16  }
0xd1: {  	v18 =	vsel vm1, $0x208C, v18;
	v20 =	vsel vm1, $0x208D, v20;
	v22 =	vsel vm1, $0x208E, v22  }
0xd2: {  	v24 =	vsel vm1, $0x208F, v24;
	v26 =	vsel vm1, $0x2080, v26;
	v28 =	vsel vm1, $0x2081, v28  }
0xd3: {  	v30 =	vsel vm1, $0x2082, v30;
	v12 =	vsel vm0, $0x210A, v12;
	v13 =	vsel vm0, $0x610A, v13  }
0xd4: {  	v15 =	vsel vm0, $0x610B, v15;
	v17 =	vsel vm0, $0x610C, v17;
	v19 =	vsel vm0, $0x610D, v19  }
0xd5: {  	v21 =	vsel vm0, $0x610E, v21;
	v23 =	vsel vm0, $0x610F, v23;
	v25 =	vsel vm0, $0x6100, v25  }
0xd6: {  	v27 =	vsel vm0, $0x6101, v27;
	v29 =	vsel vm0, $0x6102, v29;
	v31 =	vsel vm0, $0x6103, v31  }
0xd7: {  	v32 =	vsel vm0, $0x2104, v32;
	v33 =	vsel vm12, $0x6185, v33;
	v10 =	vsel vm15, $0x0, v10  }
0xd8: {  	v14 =	vsel vm0, $0x210B, v14;
	v16 =	vsel vm0, $0x210C, v16;
	v18 =	vsel vm0, $0x210D, v18  }
0xd9: {  	v20 =	vsel vm0, $0x210E, v20;
	v22 =	vsel vm0, $0x210F, v22;
	v24 =	vsel vm0, $0x2100, v24  }
0xda: {  	v26 =	vsel vm0, $0x2101, v26;
	v28 =	vsel vm0, $0x2102, v28;
	v30 =	vsel vm0, $0x2103, v30  }
0xdb: {  	v12 =	vsel vm12, $0x218B, v12;
	v13 =	vsel vm12, $0x618B, v13;
	v15 =	vsel vm12, $0x618C, v15  }
0xdc: {  	v17 =	vsel vm12, $0x618D, v17;
	v19 =	vsel vm12, $0x618E, v19;
	v21 =	vsel vm12, $0x618F, v21  }
0xdd: {  	v23 =	vsel vm12, $0x6180, v23;
	v25 =	vsel vm12, $0x6181, v25;
	v27 =	vsel vm12, $0x6182, v27  }
0xde: {  	v29 =	vsel vm12, $0x6183, v29;
	v31 =	vsel vm12, $0x6184, v31;
	v32 =	vsel vm12, $0x2185, v32  }
0xdf: {  	v33 =	vsel vm13, $0x6206, v33;
	v14 =	vsel vm12, $0x218C, v14;
	v16 =	vsel vm12, $0x218D, v16  }
0xe0: {  	v18 =	vsel vm12, $0x218E, v18;
	v20 =	vsel vm12, $0x218F, v20;
	v22 =	vsel vm12, $0x2180, v22  }
0xe1: {  	v24 =	vsel vm12, $0x2181, v24;
	v26 =	vsel vm12, $0x2182, v26;
	v28 =	vsel vm12, $0x2183, v28  }
0xe2: {  	v30 =	vsel vm12, $0x2184, v30;
	v12 =	vsel vm13, $0x220C, v12;
	v13 =	vsel vm13, $0x620C, v13  }
0xe3: {  	v15 =	vsel vm13, $0x620D, v15;
	v17 =	vsel vm13, $0x620E, v17;
	v19 =	vsel vm13, $0x620F, v19  }
0xe4: {  	v21 =	vsel vm13, $0x6200, v21;
	v23 =	vsel vm13, $0x6201, v23;
	v25 =	vsel vm13, $0x6202, v25  }
0xe5: {  	s0 =	srdreg.scid;
	s5 =	rddreg [dreg:$0x0];
	v27 =	vsel vm13, $0x6203, v27;
	v29 =	vsel vm13, $0x6204, v29;
	v31 =	vsel vm13, $0x6205, v31  }
0xe6: {  	s1 =	stileid.u32;
	s2 =	rddreg [dreg:$0x1];
	v32 =	vsel vm13, $0x2206, v32;
	v33 =	vsel vm14, $0x6287, v33;
	v14 =	vsel vm13, $0x220D, v14  }
0xe7: {  	s4 =	simm.s32 $0x0;
	s12 =	simm.s32 $0x3;
	s13 =	simm.s32 $0x80;
	v16 =	vsel vm13, $0x220E, v16;
	v18 =	vsel vm13, $0x220F, v18;
	v20 =	vsel vm13, $0x2200, v20  }
0xe8: {  	s14 =	simm.s32 $0x3400;
	s15 =	simm.s32 $0x4400;
	s17 =	simm.s32 $0x5400;
	v22 =	vsel vm13, $0x2201, v22;
	v24 =	vsel vm13, $0x2202, v24;
	v26 =	vsel vm13, $0x2203, v26  }
0xe9: {  	s19 =	simm.s32 $0x6400;
	s21 =	simm.s32 $0x7400;
	s23 =	simm.s32 $0x8400;
	v28 =	vsel vm13, $0x2204, v28;
	v30 =	vsel vm13, $0x2205, v30;
	v12 =	vsel vm14, $0x228D, v12  }
0xea: {  	s25 =	simm.s32 $0x9400;
	s28 =	simm.s32 $0xA400;
	s29 =	simm.s32 $0xB400;
	v13 =	vsel vm14, $0x628D, v13;
	v15 =	vsel vm14, $0x628E, v15;
	v17 =	vsel vm14, $0x628F, v17  }
0xeb: {  	s16 =	simm.s32 $0x10400;
	s0 =	sand.u32 $0x1, s0;
	s1 =	sshll.u32 s1, $0x1;
	v19 =	vsel vm14, $0x6280, v19;
	v21 =	vsel vm14, $0x6281, v21;
	v23 =	vsel vm14, $0x6282, v23  }
0xec: {  	s18 =	simm.s32 $0x11400;
	s20 =	simm.s32 $0x12400;
	s1 =	sor.u32 s0, s1;
	v25 =	vsel vm14, $0x6283, v25;
	v27 =	vsel vm14, $0x6284, v27;
	v29 =	vsel vm14, $0x6285, v29  }
0xed: {  	s22 =	simm.s32 $0x1;
	s0 =	ssub.s32 $0x2, s0;
	s3 =	smul.u32 $0x3400, s1;
	v31 =	vsel vm14, $0x6286, v31;
	v32 =	vsel vm14, $0x2287, v32;
	v33 =	vsel vm15, $0x6308, v33  }
0xee: {  	s24 =	simm.s32 $0x13400;
	[smem:$0x7FF] =	sst s4;
	s8 =	sshrl.u32 s0, $0x1;
	v14 =	vsel vm14, $0x228E, v14;
	v16 =	vsel vm14, $0x228F, v16;
	v18 =	vsel vm14, $0x2280, v18  }
0xef: {  	_ =	strace $0x80000047;
	s0 =	ssub.s32 s0, s8;
	s1 =	sadd.s32 $0x3000, s3;
	v20 =	vsel vm14, $0x2281, v20;
	v22 =	vsel vm14, $0x2282, v22;
	v24 =	vsel vm14, $0x2283, v24  }
0xf0: {  	s6 =	sshrl.u32 s3, $0x3;
	s0 =	smax.u32 s0, $0x1;
	s7 =	sshll.u32 s1, $0x2;
	v26 =	vsel vm14, $0x2284, v26;
	v28 =	vsel vm14, $0x2285, v28;
	v30 =	vsel vm14, $0x2286, v30  }
0xf1: {  	s1 =	sand.u32 $0x3C00, s1;
	s6 =	sadd.s32 s6, s5;
	s7 =	sand.u32 $0x3F0000, s7;
	v12 =	vsel vm15, $0x230E, v12;
	v13 =	vsel vm15, $0x630E, v13;
	v15 =	vsel vm15, $0x630F, v15  }
0xf2: {  	[dreg:$0x8] =	wrdreg s0;
	s6 =	sadd.s32 $0xC00, s6;
	s1 =	sor.u32 s1, s7;
	v17 =	vsel vm15, $0x6300, v17;
	v19 =	vsel vm15, $0x6301, v19;
	v21 =	vsel vm15, $0x6302, v21  }
0xf3: {  	s26 =	simm.s32 $0x15400;
	[dreg:$0x4] =	wrdreg s6;
	s1 =	sadd.s32 s2, s1;
	v23 =	vsel vm15, $0x6303, v23;
	v25 =	vsel vm15, $0x6304, v25;
	v27 =	vsel vm15, $0x6305, v27  }
0xf4: {  	s9 =	simm.s32 $0x2;
	s30 =	sadd.s32 $0x4000, s1;
	[dreg:$0x3] =	wrdreg s1;
	v29 =	vsel vm15, $0x6306, v29;
	v31 =	vsel vm15, $0x6307, v31;
	v32 =	vsel vm15, $0x2308, v32  }
0xf5: {  	s8 =	simm.s32 $0x19400;
	s31 =	sadd.s32 $0x8000, s1;
	[dreg:$0x5] =	wrdreg s30;
	v14 =	vsel vm15, $0x230F, v14;
	v16 =	vsel vm15, $0x2300, v16;
	v18 =	vsel vm15, $0x2301, v18  }
0xf6: {  	s5 =	sadd.s32 $0xDC00, s5;
	s1 =	sadd.s32 $0xC000, s1;
	[dreg:$0x6] =	wrdreg s31;
	v20 =	vsel vm15, $0x2302, v20;
	v22 =	vsel vm15, $0x2303, v22;
	v24 =	vsel vm15, $0x2304, v24  }
0xf7: {  	s7 =	simm.s32 $0x17400;
	[dreg:$0x7] =	wrdreg s1;
	s1 =	simm.s32 $0x0;
	v26 =	vsel vm15, $0x2305, v26;
	v28 =	vsel vm15, $0x2306, v28;
	v30 =	vsel vm15, $0x2307, v30  }
.LBB2_1:
0xf8: {  	[dreg:$0x9] =	wrdreg s1  }
0xf9: {  	s0 =	rddreg [dreg:$0x4]  }
0xfa: {  	[tilespmem:s4], [sflag:$0x3] =	stream.linear.gather [hbm4b:s0+s4], $0x3400, $0x38;
	[tilespmem:$0x1B400] =	vst v63  }
0xfb: {  	_ =	swait.ge [sflag:s12], $0x3400  }
0xfc: {  	[sflag:s12] =	ssyncset.done $0x0  }
0xfd: {  	[sflag:s12] =	ssyncadd.s32 $0xFFFFCC00  }
0xfe: {  	[tilespmem:s14], [sflag:$0x1] =	stream.indirect.gather [hbm4b:s5+s13], $0x20, s4, s13, $0xb8;
	[tilespmem:$0x1B400] =	vst v63  }
0xff: {  	_ = 	snop  }
0x100: {  	[tilespmem:s15], [sflag:$0x1] =	stream.indirect.gather [hbm4b:s5+s13], $0x20, s13, s13, $0xb8;
	[tilespmem:$0x1B400] =	vst v63  }
0x101: {  	s1 =	simm.s32 $0x100  }
0x102: {  	[tilespmem:s17], [sflag:$0x1] =	stream.indirect.gather [hbm4b:s5+s13], $0x20, s1, s13, $0xb8;
	[tilespmem:$0x1B400] =	vst v63  }
0x103: {  	s6 =	simm.s32 $0x180  }
0x104: {  	[tilespmem:s19], [sflag:$0x1] =	stream.indirect.gather [hbm4b:s5+s13], $0x20, s6, s13, $0xb8;
	[tilespmem:$0x1B400] =	vst v63  }
0x105: {  	s10 =	simm.s32 $0x200  }
0x106: {  	[tilespmem:s21], [sflag:$0x1] =	stream.indirect.gather [hbm4b:s5+s13], $0x20, s10, s13, $0xb8;
	[tilespmem:$0x1B400] =	vst v63  }
0x107: {  	s11 =	simm.s32 $0x280  }
0x108: {  	[tilespmem:s23], [sflag:$0x1] =	stream.indirect.gather [hbm4b:s5+s13], $0x20, s11, s13, $0xb8;
	[tilespmem:$0x1B400] =	vst v63  }
0x109: {  	s30 =	simm.s32 $0x300  }
0x10a: {  	[tilespmem:s25], [sflag:$0x1] =	stream.indirect.gather [hbm4b:s5+s13], $0x20, s30, s13, $0xb8;
	[tilespmem:$0x1B400] =	vst v63  }
0x10b: {  	s31 =	simm.s32 $0x380;
	s11 =	simm.s32 $0x0  }
0x10c: {  	[tilespmem:s28], [sflag:$0x1] =	stream.indirect.gather [hbm4b:s5+s13], $0x20, s31, s13, $0xb8;
	[tilespmem:$0x1B400] =	vst v63  }
.LBB2_2:
0x10d: {  	s1 =	sshllo.u32 s11, $0x1  }
0x10e: {  	s6 =	sshll.u32 s1, $0xA  }
0x10f: {  	s1 =	sand.u32 $0x3FFFFC00, s6  }
0x110: {  	[tilespmem:s29], [sflag:$0x2] =	stream.indirect.gather [hbm4b:s5+s13], $0x20, s1, s13, $0xb8;
	[tilespmem:$0x1B400] =	vst v63  }
0x111: {  	s0 =	simm.s32 $0xC400;
	s10 =	sor.u32 $0x80, s1  }
0x112: {  	[tilespmem:s0], [sflag:$0x2] =	stream.indirect.gather [hbm4b:s5+s13], $0x20, s10, s13, $0xb8;
	[tilespmem:$0x1B400] =	vst v63  }
0x113: {  	s10 =	sor.u32 $0x100, s1;
	s0 =	simm.s32 $0xD400  }
0x114: {  	[tilespmem:s0], [sflag:$0x2] =	stream.indirect.gather [hbm4b:s5+s13], $0x20, s10, s13, $0xb8;
	[tilespmem:$0x1B400] =	vst v63  }
0x115: {  	s10 =	sor.u32 $0x180, s1;
	s0 =	simm.s32 $0xE400  }
0x116: {  	[tilespmem:s0], [sflag:$0x2] =	stream.indirect.gather [hbm4b:s5+s13], $0x20, s10, s13, $0xb8;
	[tilespmem:$0x1B400] =	vst v63  }
0x117: {  	s10 =	sor.u32 $0x200, s1;
	s0 =	simm.s32 $0xF400  }
0x118: {  	[tilespmem:s0], [sflag:$0x2] =	stream.indirect.gather [hbm4b:s5+s13], $0x20, s10, s13, $0xb8;
	[tilespmem:$0x1B400] =	vst v63  }
0x119: {  	s0 =	sor.u32 $0x280, s1  }
0x11a: {  	[tilespmem:s16], [sflag:$0x2] =	stream.indirect.gather [hbm4b:s5+s13], $0x20, s0, s13, $0xb8;
	[tilespmem:$0x1B400] =	vst v63  }
0x11b: {  	s0 =	sor.u32 $0x300, s1  }
0x11c: {  	[tilespmem:s18], [sflag:$0x2] =	stream.indirect.gather [hbm4b:s5+s13], $0x20, s0, s13, $0xb8;
	[tilespmem:$0x1B400] =	vst v63  }
0x11d: {  	s1 =	sor.u32 $0x380, s1  }
0x11e: {  	[tilespmem:s20], [sflag:$0x2] =	stream.indirect.gather [hbm4b:s5+s13], $0x20, s1, s13, $0xb8;
	[tilespmem:$0x1B400] =	vst v63  }
0x11f: {  	_ =	swait.ge [sflag:s22], $0x1000  }
0x120: {  	[sflag:s22] =	ssyncset.done $0x0  }
0x121: {  	[sflag:s22] =	ssyncadd.s32 $0xFFFFF000  }
0x122: {  	_ =	swait.ge [sflag:s22], $0x1000  }
0x123: {  	[sflag:s22] =	ssyncset.done $0x0  }
0x124: {  	[sflag:s22] =	ssyncadd.s32 $0xFFFFF000  }
0x125: {  	_ =	swait.ge [sflag:s22], $0x1000  }
0x126: {  	[sflag:s22] =	ssyncset.done $0x0  }
0x127: {  	[sflag:s22] =	ssyncadd.s32 $0xFFFFF000  }
0x128: {  	_ =	swait.ge [sflag:s22], $0x1000  }
0x129: {  	[sflag:s22] =	ssyncset.done $0x0  }
0x12a: {  	[sflag:s22] =	ssyncadd.s32 $0xFFFFF000  }
0x12b: {  	_ =	swait.ge [sflag:s22], $0x1000  }
0x12c: {  	[sflag:s22] =	ssyncset.done $0x0  }
0x12d: {  	[sflag:s22] =	ssyncadd.s32 $0xFFFFF000  }
0x12e: {  	s10 =	simm.s32 $0x0;
	_ =	swait.ge [sflag:s22], $0x1000  }
0x12f: {  	v50 =	vmov s10;
	[sflag:s22] =	ssyncset.done $0x0  }
0x130: {  	v50 =	vshll.u32 v50, $0x5;
	[sflag:s22] =	ssyncadd.s32 $0xFFFFF000  }
0x131: {  	v51 =	vor.u32 v48, v50;
	_ =	swait.ge [sflag:s22], $0x1000  }
0x132: {  	v52 =	vor.u32 v45, v51;
	[sflag:s22] =	ssyncset.done $0x0  }
0x133: {  	[sflag:s22] =	ssyncadd.s32 $0xFFFFF000  }
0x134: {  	_ =	swait.ge [sflag:s22], $0x1000  }
0x135: {  	s30 =	sand.u32 $0x70, s10;
	s0 =	sand.u32 $0x1C00, s10;
	[sflag:s22] =	ssyncset.done $0x0  }
0x136: {  	s30 =	sor.u32 s30, s0;
	[sflag:s22] =	ssyncadd.s32 $0xFFFFF000  }
0x137: {  	v53 =	vor.u32 s30, v12;
	v52 =	vld.idx.msk [tilespmem:v52+s14+$0x0], $0xffff  }
0x138: {  	v51 =	vor.u32 v49, v51;
	_ =	sdelay $0x3  }
0x139: {  	[tilespmem:v53+s24+$0x0] =	vst.idx.msk $0xffff, v52  }
0x13a: {  	v63 =	vor.u32 v11, v50;
	v62 =	vor.u32 s30, v13;
	v51 =	vld.idx.msk [tilespmem:v51+s14+$0x0], $0xffff  }
0x13b: {  	v54 =	vor.u32 v45, v63;
	_ =	sdelay $0x3  }
0x13c: {  	[tilespmem:v62+s24+$0x0] =	vst.idx.msk $0xffff, v51  }
0x13d: {  	v56 =	vor.u32 s30, v14;
	v51 =	vld.idx.msk [tilespmem:v54+s14+$0x0], $0xffff  }
0x13e: {  	v53 =	vor.u32 v49, v63;
	_ =	sdelay $0x3  }
0x13f: {  	[tilespmem:v56+s24+$0x0] =	vst.idx.msk $0xffff, v51  }
0x140: {  	v58 =	vor.u32 v10, v50;
	v57 =	vor.u32 s30, v15;
	v51 =	vld.idx.msk [tilespmem:v53+s14+$0x0], $0xffff  }
0x141: {  	v59 =	vor.u32 v45, v58;
	_ =	sdelay $0x3  }
0x142: {  	[tilespmem:v57+s24+$0x0] =	vst.idx.msk $0xffff, v51  }
0x143: {  	v60 =	vor.u32 s30, v16;
	v51 =	vld.idx.msk [tilespmem:v59+s14+$0x0], $0xffff  }
0x144: {  	v53 =	vor.u32 v49, v58;
	_ =	sdelay $0x3  }
0x145: {  	[tilespmem:v60+s24+$0x0] =	vst.idx.msk $0xffff, v51  }
0x146: {  	v61 =	vor.u32 s30, v17;
	v62 =	vor.u32 v47, v50;
	v51 =	vld.idx.msk [tilespmem:v53+s14+$0x0], $0xffff  }
0x147: {  	v63 =	vor.u32 v45, v62;
	_ =	sdelay $0x3  }
0x148: {  	[tilespmem:v61+s24+$0x0] =	vst.idx.msk $0xffff, v51  }
0x149: {  	v56 =	vor.u32 s30, v18;
	v51 =	vld.idx.msk [tilespmem:v63+s14+$0x0], $0xffff  }
0x14a: {  	v53 =	vor.u32 v49, v62;
	_ =	sdelay $0x3  }
0x14b: {  	[tilespmem:v56+s24+$0x0] =	vst.idx.msk $0xffff, v51  }
0x14c: {  	v58 =	vor.u32 v46, v50;
	v57 =	vor.u32 s30, v19;
	v51 =	vld.idx.msk [tilespmem:v53+s14+$0x0], $0xffff  }
0x14d: {  	v59 =	vor.u32 v45, v58;
	_ =	sdelay $0x3  }
0x14e: {  	[tilespmem:v57+s24+$0x0] =	vst.idx.msk $0xffff, v51  }
0x14f: {  	v60 =	vor.u32 s30, v20;
	v51 =	vld.idx.msk [tilespmem:v59+s14+$0x0], $0xffff  }
0x150: {  	v53 =	vor.u32 v49, v58;
	_ =	sdelay $0x3  }
0x151: {  	[tilespmem:v60+s24+$0x0] =	vst.idx.msk $0xffff, v51  }
0x152: {  	v62 =	vor.u32 v1, v50;
	v61 =	vor.u32 s30, v21;
	v51 =	vld.idx.msk [tilespmem:v53+s14+$0x0], $0xffff  }
0x153: {  	v63 =	vor.u32 v45, v62;
	_ =	sdelay $0x3  }
0x154: {  	[tilespmem:v61+s24+$0x0] =	vst.idx.msk $0xffff, v51  }
0x155: {  	v56 =	vor.u32 s30, v22;
	v51 =	vld.idx.msk [tilespmem:v63+s14+$0x0], $0xffff  }
0x156: {  	v53 =	vor.u32 v49, v62;
	_ =	sdelay $0x3  }
0x157: {  	[tilespmem:v56+s24+$0x0] =	vst.idx.msk $0xffff, v51  }
0x158: {  	v58 =	vor.u32 v9, v50;
	v57 =	vor.u32 s30, v23;
	v51 =	vld.idx.msk [tilespmem:v53+s14+$0x0], $0xffff  }
0x159: {  	v59 =	vor.u32 v45, v58;
	_ =	sdelay $0x3  }
0x15a: {  	[tilespmem:v57+s24+$0x0] =	vst.idx.msk $0xffff, v51  }
0x15b: {  	v60 =	vor.u32 s30, v24;
	v51 =	vld.idx.msk [tilespmem:v59+s14+$0x0], $0xffff  }
0x15c: {  	v53 =	vor.u32 v49, v58;
	_ =	sdelay $0x3  }
0x15d: {  	[tilespmem:v60+s24+$0x0] =	vst.idx.msk $0xffff, v51  }
0x15e: {  	v62 =	vor.u32 v8, v50;
	v61 =	vor.u32 s30, v25;
	v51 =	vld.idx.msk [tilespmem:v53+s14+$0x0], $0xffff  }
0x15f: {  	v63 =	vor.u32 v45, v62;
	_ =	sdelay $0x3  }
0x160: {  	[tilespmem:v61+s24+$0x0] =	vst.idx.msk $0xffff, v51  }
0x161: {  	v56 =	vor.u32 s30, v26;
	v51 =	vld.idx.msk [tilespmem:v63+s14+$0x0], $0xffff  }
0x162: {  	v53 =	vor.u32 v49, v62;
	_ =	sdelay $0x3  }
0x163: {  	[tilespmem:v56+s24+$0x0] =	vst.idx.msk $0xffff, v51  }
0x164: {  	v58 =	vor.u32 v44, v50;
	v57 =	vor.u32 s30, v27;
	v51 =	vld.idx.msk [tilespmem:v53+s14+$0x0], $0xffff  }
0x165: {  	v59 =	vor.u32 v45, v58;
	_ =	sdelay $0x3  }
0x166: {  	[tilespmem:v57+s24+$0x0] =	vst.idx.msk $0xffff, v51  }
0x167: {  	v60 =	vor.u32 s30, v28;
	v51 =	vld.idx.msk [tilespmem:v59+s14+$0x0], $0xffff  }
0x168: {  	v53 =	vor.u32 v49, v58;
	_ =	sdelay $0x3  }
0x169: {  	[tilespmem:v60+s24+$0x0] =	vst.idx.msk $0xffff, v51  }
0x16a: {  	v62 =	vor.u32 v0, v50;
	v61 =	vor.u32 s30, v29;
	v51 =	vld.idx.msk [tilespmem:v53+s14+$0x0], $0xffff  }
0x16b: {  	v63 =	vor.u32 v45, v62;
	_ =	sdelay $0x3  }
0x16c: {  	[tilespmem:v61+s24+$0x0] =	vst.idx.msk $0xffff, v51  }
0x16d: {  	v56 =	vor.u32 s30, v30;
	v51 =	vld.idx.msk [tilespmem:v63+s14+$0x0], $0xffff  }
0x16e: {  	v53 =	vor.u32 v49, v62;
	_ =	sdelay $0x3  }
0x16f: {  	[tilespmem:v56+s24+$0x0] =	vst.idx.msk $0xffff, v51  }
0x170: {  	v58 =	vor.u32 v7, v50;
	v57 =	vor.u32 s30, v31;
	v51 =	vld.idx.msk [tilespmem:v53+s14+$0x0], $0xffff  }
0x171: {  	v59 =	vor.u32 v45, v58;
	_ =	sdelay $0x3  }
0x172: {  	[tilespmem:v57+s24+$0x0] =	vst.idx.msk $0xffff, v51  }
0x173: {  	v60 =	vor.u32 s30, v32;
	v51 =	vld.idx.msk [tilespmem:v59+s14+$0x0], $0xffff  }
0x174: {  	v53 =	vor.u32 v49, v58;
	_ =	sdelay $0x3  }
0x175: {  	[tilespmem:v60+s24+$0x0] =	vst.idx.msk $0xffff, v51  }
0x176: {  	v62 =	vor.u32 v6, v50;
	v61 =	vor.u32 s30, v33;
	v51 =	vld.idx.msk [tilespmem:v53+s14+$0x0], $0xffff  }
0x177: {  	v63 =	vor.u32 v45, v62;
	_ =	sdelay $0x3  }
0x178: {  	[tilespmem:v61+s24+$0x0] =	vst.idx.msk $0xffff, v51  }
0x179: {  	v56 =	vor.u32 s30, v34;
	v51 =	vld.idx.msk [tilespmem:v63+s14+$0x0], $0xffff  }
0x17a: {  	v53 =	vor.u32 v49, v62;
	_ =	sdelay $0x3  }
0x17b: {  	[tilespmem:v56+s24+$0x0] =	vst.idx.msk $0xffff, v51  }
0x17c: {  	v58 =	vor.u32 v5, v50;
	v57 =	vor.u32 s30, v35;
	v51 =	vld.idx.msk [tilespmem:v53+s14+$0x0], $0xffff  }
0x17d: {  	v59 =	vor.u32 v45, v58;
	_ =	sdelay $0x3  }
0x17e: {  	[tilespmem:v57+s24+$0x0] =	vst.idx.msk $0xffff, v51  }
0x17f: {  	v60 =	vor.u32 s30, v36;
	v51 =	vld.idx.msk [tilespmem:v59+s14+$0x0], $0xffff  }
0x180: {  	v53 =	vor.u32 v49, v58;
	_ =	sdelay $0x3  }
0x181: {  	[tilespmem:v60+s24+$0x0] =	vst.idx.msk $0xffff, v51  }
0x182: {  	v62 =	vor.u32 v4, v50;
	v61 =	vor.u32 s30, v37;
	v51 =	vld.idx.msk [tilespmem:v53+s14+$0x0], $0xffff  }
0x183: {  	v63 =	vor.u32 v45, v62;
	_ =	sdelay $0x3  }
0x184: {  	[tilespmem:v61+s24+$0x0] =	vst.idx.msk $0xffff, v51  }
0x185: {  	v56 =	vor.u32 s30, v38;
	v51 =	vld.idx.msk [tilespmem:v63+s14+$0x0], $0xffff  }
0x186: {  	v53 =	vor.u32 v49, v62;
	_ =	sdelay $0x3  }
0x187: {  	[tilespmem:v56+s24+$0x0] =	vst.idx.msk $0xffff, v51  }
0x188: {  	v58 =	vor.u32 v3, v50;
	v57 =	vor.u32 s30, v39;
	v51 =	vld.idx.msk [tilespmem:v53+s14+$0x0], $0xffff  }
0x189: {  	v59 =	vor.u32 v45, v58;
	_ =	sdelay $0x3  }
0x18a: {  	[tilespmem:v57+s24+$0x0] =	vst.idx.msk $0xffff, v51  }
0x18b: {  	v60 =	vor.u32 s30, v40;
	v51 =	vld.idx.msk [tilespmem:v59+s14+$0x0], $0xffff  }
0x18c: {  	v53 =	vor.u32 v49, v58;
	_ =	sdelay $0x3  }
0x18d: {  	[tilespmem:v60+s24+$0x0] =	vst.idx.msk $0xffff, v51  }
0x18e: {  	v50 =	vor.u32 v2, v50;
	v61 =	vor.u32 s30, v41;
	v51 =	vld.idx.msk [tilespmem:v53+s14+$0x0], $0xffff  }
0x18f: {  	v62 =	vor.u32 v45, v50;
	_ =	sdelay $0x3  }
0x190: {  	[tilespmem:v61+s24+$0x0] =	vst.idx.msk $0xffff, v51  }
0x191: {  	v63 =	vor.u32 s30, v42;
	v52 =	vld.idx.msk [tilespmem:v62+s14+$0x0], $0xffff  }
0x192: {  	v51 =	vor.u32 v49, v50;
	_ =	sdelay $0x2  }
0x193: {  	s31 =	simm.s32 $0x10  }
0x194: {  	s1 =	simm.s32 $0x20;
	v50 =	vmov s31;
	[tilespmem:v63+s24+$0x0] =	vst.idx.msk $0xffff, v52  }
.LBB2_3:
0x195: {  	p0 =	sne.s32 s1, $0x3F0;
	v50 =	vshll.u32 v50, $0x5;
	v51 =	vld.idx.msk [tilespmem:v51+s14+$0x0], $0xffff  }
0x196: {  	v53 =	vor.u32 s30, v43;
	v52 =	vor.u32 v48, v50  }
0x197: {  	v54 =	vor.u32 v45, v52;
	_ =	sdelay $0x2  }
0x198: {  	s10 =	sadd.s32 $0x80, s10  }
0x199: {  	s0 =	sand.u32 $0x70, s31;
	s31 =	smov.u32 s1;
	s30 =	sand.u32 $0x1C00, s10;
	[tilespmem:v53+s24+$0x0] =	vst.idx.msk $0xffff, v51  }
0x19a: {  	s30 =	sor.u32 s0, s30;
	v51 =	vld.idx.msk [tilespmem:v54+s14+$0x0], $0xffff  }
0x19b: {  	v53 =	vor.u32 s30, v12  }
0x19c: {  	v52 =	vor.u32 v49, v52;
	_ =	sdelay $0x3  }
0x19d: {  	[tilespmem:v53+s24+$0x0] =	vst.idx.msk $0xffff, v51  }
0x19e: {  	v51 =	vld.idx.msk [tilespmem:v52+s14+$0x0], $0xffff  }
0x19f: {  	v53 =	vor.u32 v11, v50;
	v52 =	vor.u32 s30, v13  }
0x1a0: {  	v54 =	vor.u32 v45, v53;
	_ =	sdelay $0x3  }
0x1a1: {  	[tilespmem:v52+s24+$0x0] =	vst.idx.msk $0xffff, v51  }
0x1a2: {  	v51 =	vld.idx.msk [tilespmem:v54+s14+$0x0], $0xffff  }
0x1a3: {  	v52 =	vor.u32 s30, v14  }
0x1a4: {  	v53 =	vor.u32 v49, v53;
	_ =	sdelay $0x3  }
0x1a5: {  	[tilespmem:v52+s24+$0x0] =	vst.idx.msk $0xffff, v51  }
0x1a6: {  	v51 =	vld.idx.msk [tilespmem:v53+s14+$0x0], $0xffff  }
0x1a7: {  	v52 =	vor.u32 s30, v15;
	v53 =	vor.u32 v10, v50  }
0x1a8: {  	v54 =	vor.u32 v45, v53;
	_ =	sdelay $0x3  }
0x1a9: {  	[tilespmem:v52+s24+$0x0] =	vst.idx.msk $0xffff, v51  }
0x1aa: {  	v51 =	vld.idx.msk [tilespmem:v54+s14+$0x0], $0xffff  }
0x1ab: {  	v52 =	vor.u32 s30, v16  }
0x1ac: {  	v53 =	vor.u32 v49, v53;
	_ =	sdelay $0x3  }
0x1ad: {  	[tilespmem:v52+s24+$0x0] =	vst.idx.msk $0xffff, v51  }
0x1ae: {  	v51 =	vld.idx.msk [tilespmem:v53+s14+$0x0], $0xffff  }
0x1af: {  	v52 =	vor.u32 s30, v17;
	v53 =	vor.u32 v47, v50  }
0x1b0: {  	v54 =	vor.u32 v45, v53;
	_ =	sdelay $0x3  }
0x1b1: {  	[tilespmem:v52+s24+$0x0] =	vst.idx.msk $0xffff, v51  }
0x1b2: {  	v51 =	vld.idx.msk [tilespmem:v54+s14+$0x0], $0xffff  }
0x1b3: {  	v52 =	vor.u32 s30, v18  }
0x1b4: {  	v53 =	vor.u32 v49, v53;
	_ =	sdelay $0x3  }
0x1b5: {  	[tilespmem:v52+s24+$0x0] =	vst.idx.msk $0xffff, v51  }
0x1b6: {  	v51 =	vld.idx.msk [tilespmem:v53+s14+$0x0], $0xffff  }
0x1b7: {  	v52 =	vor.u32 s30, v19;
	v53 =	vor.u32 v46, v50  }
0x1b8: {  	v54 =	vor.u32 v45, v53;
	_ =	sdelay $0x3  }
0x1b9: {  	[tilespmem:v52+s24+$0x0] =	vst.idx.msk $0xffff, v51  }
0x1ba: {  	v51 =	vld.idx.msk [tilespmem:v54+s14+$0x0], $0xffff  }
0x1bb: {  	v52 =	vor.u32 s30, v20  }
0x1bc: {  	v53 =	vor.u32 v49, v53;
	_ =	sdelay $0x3  }
0x1bd: {  	[tilespmem:v52+s24+$0x0] =	vst.idx.msk $0xffff, v51  }
0x1be: {  	v51 =	vld.idx.msk [tilespmem:v53+s14+$0x0], $0xffff  }
0x1bf: {  	v52 =	vor.u32 s30, v21;
	v53 =	vor.u32 v1, v50  }
0x1c0: {  	v54 =	vor.u32 v45, v53;
	_ =	sdelay $0x3  }
0x1c1: {  	[tilespmem:v52+s24+$0x0] =	vst.idx.msk $0xffff, v51  }
0x1c2: {  	v51 =	vld.idx.msk [tilespmem:v54+s14+$0x0], $0xffff  }
0x1c3: {  	v52 =	vor.u32 s30, v22  }
0x1c4: {  	v53 =	vor.u32 v49, v53;
	_ =	sdelay $0x3  }
0x1c5: {  	[tilespmem:v52+s24+$0x0] =	vst.idx.msk $0xffff, v51  }
0x1c6: {  	v51 =	vld.idx.msk [tilespmem:v53+s14+$0x0], $0xffff  }
0x1c7: {  	v52 =	vor.u32 s30, v23;
	v53 =	vor.u32 v9, v50  }
0x1c8: {  	v54 =	vor.u32 v45, v53;
	_ =	sdelay $0x3  }
0x1c9: {  	[tilespmem:v52+s24+$0x0] =	vst.idx.msk $0xffff, v51  }
0x1ca: {  	v51 =	vld.idx.msk [tilespmem:v54+s14+$0x0], $0xffff  }
0x1cb: {  	v52 =	vor.u32 s30, v24  }
0x1cc: {  	v53 =	vor.u32 v49, v53;
	_ =	sdelay $0x3  }
0x1cd: {  	[tilespmem:v52+s24+$0x0] =	vst.idx.msk $0xffff, v51  }
0x1ce: {  	v51 =	vld.idx.msk [tilespmem:v53+s14+$0x0], $0xffff  }
0x1cf: {  	v52 =	vor.u32 s30, v25;
	v53 =	vor.u32 v8, v50  }
0x1d0: {  	v54 =	vor.u32 v45, v53;
	_ =	sdelay $0x3  }
0x1d1: {  	[tilespmem:v52+s24+$0x0] =	vst.idx.msk $0xffff, v51  }
0x1d2: {  	v51 =	vld.idx.msk [tilespmem:v54+s14+$0x0], $0xffff  }
0x1d3: {  	v52 =	vor.u32 s30, v26  }
0x1d4: {  	v53 =	vor.u32 v49, v53;
	_ =	sdelay $0x3  }
0x1d5: {  	[tilespmem:v52+s24+$0x0] =	vst.idx.msk $0xffff, v51  }
0x1d6: {  	v51 =	vld.idx.msk [tilespmem:v53+s14+$0x0], $0xffff  }
0x1d7: {  	v52 =	vor.u32 s30, v27;
	v53 =	vor.u32 v44, v50  }
0x1d8: {  	v54 =	vor.u32 v45, v53;
	_ =	sdelay $0x3  }
0x1d9: {  	[tilespmem:v52+s24+$0x0] =	vst.idx.msk $0xffff, v51  }
0x1da: {  	v51 =	vld.idx.msk [tilespmem:v54+s14+$0x0], $0xffff  }
0x1db: {  	v52 =	vor.u32 s30, v28  }
0x1dc: {  	v53 =	vor.u32 v49, v53;
	_ =	sdelay $0x3  }
0x1dd: {  	[tilespmem:v52+s24+$0x0] =	vst.idx.msk $0xffff, v51  }
0x1de: {  	v51 =	vld.idx.msk [tilespmem:v53+s14+$0x0], $0xffff  }
0x1df: {  	v52 =	vor.u32 s30, v29;
	v53 =	vor.u32 v0, v50  }
0x1e0: {  	v54 =	vor.u32 v45, v53;
	_ =	sdelay $0x3  }
0x1e1: {  	[tilespmem:v52+s24+$0x0] =	vst.idx.msk $0xffff, v51  }
0x1e2: {  	v51 =	vld.idx.msk [tilespmem:v54+s14+$0x0], $0xffff  }
0x1e3: {  	v52 =	vor.u32 s30, v30  }
0x1e4: {  	v53 =	vor.u32 v49, v53;
	_ =	sdelay $0x3  }
0x1e5: {  	[tilespmem:v52+s24+$0x0] =	vst.idx.msk $0xffff, v51  }
0x1e6: {  	v51 =	vld.idx.msk [tilespmem:v53+s14+$0x0], $0xffff  }
0x1e7: {  	v52 =	vor.u32 s30, v31;
	v53 =	vor.u32 v7, v50  }
0x1e8: {  	v54 =	vor.u32 v45, v53;
	_ =	sdelay $0x3  }
0x1e9: {  	[tilespmem:v52+s24+$0x0] =	vst.idx.msk $0xffff, v51  }
0x1ea: {  	v51 =	vld.idx.msk [tilespmem:v54+s14+$0x0], $0xffff  }
0x1eb: {  	v52 =	vor.u32 s30, v32  }
0x1ec: {  	v53 =	vor.u32 v49, v53;
	_ =	sdelay $0x3  }
0x1ed: {  	[tilespmem:v52+s24+$0x0] =	vst.idx.msk $0xffff, v51  }
0x1ee: {  	v51 =	vld.idx.msk [tilespmem:v53+s14+$0x0], $0xffff  }
0x1ef: {  	v52 =	vor.u32 s30, v33;
	v53 =	vor.u32 v6, v50  }
0x1f0: {  	v54 =	vor.u32 v45, v53;
	_ =	sdelay $0x3  }
0x1f1: {  	[tilespmem:v52+s24+$0x0] =	vst.idx.msk $0xffff, v51  }
0x1f2: {  	v51 =	vld.idx.msk [tilespmem:v54+s14+$0x0], $0xffff  }
0x1f3: {  	v52 =	vor.u32 s30, v34  }
0x1f4: {  	v53 =	vor.u32 v49, v53;
	_ =	sdelay $0x3  }
0x1f5: {  	[tilespmem:v52+s24+$0x0] =	vst.idx.msk $0xffff, v51  }
0x1f6: {  	v51 =	vld.idx.msk [tilespmem:v53+s14+$0x0], $0xffff  }
0x1f7: {  	v52 =	vor.u32 s30, v35;
	v53 =	vor.u32 v5, v50  }
0x1f8: {  	v54 =	vor.u32 v45, v53;
	_ =	sdelay $0x3  }
0x1f9: {  	[tilespmem:v52+s24+$0x0] =	vst.idx.msk $0xffff, v51  }
0x1fa: {  	v51 =	vld.idx.msk [tilespmem:v54+s14+$0x0], $0xffff  }
0x1fb: {  	v52 =	vor.u32 s30, v36  }
0x1fc: {  	v53 =	vor.u32 v49, v53;
	_ =	sdelay $0x3  }
0x1fd: {  	[tilespmem:v52+s24+$0x0] =	vst.idx.msk $0xffff, v51  }
0x1fe: {  	v51 =	vld.idx.msk [tilespmem:v53+s14+$0x0], $0xffff  }
0x1ff: {  	v52 =	vor.u32 s30, v37;
	v53 =	vor.u32 v4, v50  }
0x200: {  	v54 =	vor.u32 v45, v53;
	_ =	sdelay $0x3  }
0x201: {  	[tilespmem:v52+s24+$0x0] =	vst.idx.msk $0xffff, v51  }
0x202: {  	v51 =	vld.idx.msk [tilespmem:v54+s14+$0x0], $0xffff  }
0x203: {  	v52 =	vor.u32 s30, v38  }
0x204: {  	v53 =	vor.u32 v49, v53;
	_ =	sdelay $0x3  }
0x205: {  	[tilespmem:v52+s24+$0x0] =	vst.idx.msk $0xffff, v51  }
0x206: {  	v51 =	vld.idx.msk [tilespmem:v53+s14+$0x0], $0xffff  }
0x207: {  	v52 =	vor.u32 s30, v39;
	v53 =	vor.u32 v3, v50  }
0x208: {  	v54 =	vor.u32 v45, v53;
	_ =	sdelay $0x3  }
0x209: {  	[tilespmem:v52+s24+$0x0] =	vst.idx.msk $0xffff, v51  }
0x20a: {  	v51 =	vld.idx.msk [tilespmem:v54+s14+$0x0], $0xffff  }
0x20b: {  	v52 =	vor.u32 s30, v40  }
0x20c: {  	v53 =	vor.u32 v49, v53;
	_ =	sdelay $0x3  }
0x20d: {  	[tilespmem:v52+s24+$0x0] =	vst.idx.msk $0xffff, v51  }
0x20e: {  	v51 =	vld.idx.msk [tilespmem:v53+s14+$0x0], $0xffff  }
0x20f: {  	v50 =	vor.u32 v2, v50;
	v52 =	vor.u32 s30, v41  }
0x210: {  	v53 =	vor.u32 v45, v50;
	_ =	sdelay $0x3  }
0x211: {  	[tilespmem:v52+s24+$0x0] =	vst.idx.msk $0xffff, v51  }
0x212: {  	v52 =	vld.idx.msk [tilespmem:v53+s14+$0x0], $0xffff  }
0x213: {  	v53 =	vor.u32 s30, v42  }
.Ltmp0:
0x214: {  	v51 =	vor.u32 v49, v50;
	(pc) =	sbr.rel @p0 .LBB2_3-.Ltmp0, $2  }
0x215: {  	_ =	sdelay $0x2  }
0x216: {  	s1 =	sadd.s32 $0x10, s1;
	v50 =	vmov s31;
	[tilespmem:v53+s24+$0x0] =	vst.idx.msk $0xffff, v52  }
0x217: {  	_ =	sdelay $0x2  }
0x218: {  	v50 =	vshll.u32 v50, $0x5  }
0x219: {  	v51 =	vld.idx.msk [tilespmem:v51+s14+$0x0], $0xffff;
	v53 =	vor.u32 s30, v43;
	v52 =	vor.u32 v48, v50  }
0x21a: {  	v54 =	vor.u32 v45, v52;
	_ =	sdelay $0x1  }
0x21b: {  	s0 =	sadd.s32 $0x80, s10  }
0x21c: {  	s1 =	sand.u32 $0x70, s31;
	s0 =	sand.u32 $0x1C00, s0  }
0x21d: {  	s1 =	sor.u32 s1, s0;
	[tilespmem:v53+s24+$0x0] =	vst.idx.msk $0xffff, v51  }
0x21e: {  	v60 =	vor.u32 s1, v12;
	v51 =	vld.idx.msk [tilespmem:v54+s14+$0x0], $0xffff  }
0x21f: {  	v52 =	vor.u32 v49, v52;
	_ =	sdelay $0x3  }
0x220: {  	[tilespmem:v60+s24+$0x0] =	vst.idx.msk $0xffff, v51  }
0x221: {  	v62 =	vor.u32 v11, v50;
	v61 =	vor.u32 s1, v13;
	v51 =	vld.idx.msk [tilespmem:v52+s14+$0x0], $0xffff  }
0x222: {  	v63 =	vor.u32 v45, v62;
	_ =	sdelay $0x3  }
0x223: {  	[tilespmem:v61+s24+$0x0] =	vst.idx.msk $0xffff, v51  }
0x224: {  	v56 =	vor.u32 s1, v14;
	v51 =	vld.idx.msk [tilespmem:v63+s14+$0x0], $0xffff  }
0x225: {  	v53 =	vor.u32 v49, v62;
	_ =	sdelay $0x3  }
0x226: {  	[tilespmem:v56+s24+$0x0] =	vst.idx.msk $0xffff, v51  }
0x227: {  	v58 =	vor.u32 v10, v50;
	v57 =	vor.u32 s1, v15;
	v51 =	vld.idx.msk [tilespmem:v53+s14+$0x0], $0xffff  }
0x228: {  	v59 =	vor.u32 v45, v58;
	_ =	sdelay $0x3  }
0x229: {  	[tilespmem:v57+s24+$0x0] =	vst.idx.msk $0xffff, v51  }
0x22a: {  	v60 =	vor.u32 s1, v16;
	v51 =	vld.idx.msk [tilespmem:v59+s14+$0x0], $0xffff  }
0x22b: {  	v53 =	vor.u32 v49, v58;
	_ =	sdelay $0x3  }
0x22c: {  	[tilespmem:v60+s24+$0x0] =	vst.idx.msk $0xffff, v51  }
0x22d: {  	v62 =	vor.u32 v47, v50;
	v61 =	vor.u32 s1, v17;
	v51 =	vld.idx.msk [tilespmem:v53+s14+$0x0], $0xffff  }
0x22e: {  	v63 =	vor.u32 v45, v62;
	_ =	sdelay $0x3  }
0x22f: {  	[tilespmem:v61+s24+$0x0] =	vst.idx.msk $0xffff, v51  }
0x230: {  	v56 =	vor.u32 s1, v18;
	v51 =	vld.idx.msk [tilespmem:v63+s14+$0x0], $0xffff  }
0x231: {  	v53 =	vor.u32 v49, v62;
	_ =	sdelay $0x3  }
0x232: {  	[tilespmem:v56+s24+$0x0] =	vst.idx.msk $0xffff, v51  }
0x233: {  	v58 =	vor.u32 v46, v50;
	v57 =	vor.u32 s1, v19;
	v51 =	vld.idx.msk [tilespmem:v53+s14+$0x0], $0xffff  }
0x234: {  	v59 =	vor.u32 v45, v58;
	_ =	sdelay $0x3  }
0x235: {  	[tilespmem:v57+s24+$0x0] =	vst.idx.msk $0xffff, v51  }
0x236: {  	v60 =	vor.u32 s1, v20;
	v51 =	vld.idx.msk [tilespmem:v59+s14+$0x0], $0xffff  }
0x237: {  	v53 =	vor.u32 v49, v58;
	_ =	sdelay $0x3  }
0x238: {  	[tilespmem:v60+s24+$0x0] =	vst.idx.msk $0xffff, v51  }
0x239: {  	v62 =	vor.u32 v1, v50;
	v61 =	vor.u32 s1, v21;
	v51 =	vld.idx.msk [tilespmem:v53+s14+$0x0], $0xffff  }
0x23a: {  	v63 =	vor.u32 v45, v62;
	_ =	sdelay $0x3  }
0x23b: {  	[tilespmem:v61+s24+$0x0] =	vst.idx.msk $0xffff, v51  }
0x23c: {  	v56 =	vor.u32 s1, v22;
	v51 =	vld.idx.msk [tilespmem:v63+s14+$0x0], $0xffff  }
0x23d: {  	v53 =	vor.u32 v49, v62;
	_ =	sdelay $0x3  }
0x23e: {  	[tilespmem:v56+s24+$0x0] =	vst.idx.msk $0xffff, v51  }
0x23f: {  	v58 =	vor.u32 v9, v50;
	v57 =	vor.u32 s1, v23;
	v51 =	vld.idx.msk [tilespmem:v53+s14+$0x0], $0xffff  }
0x240: {  	v59 =	vor.u32 v45, v58;
	_ =	sdelay $0x3  }
0x241: {  	[tilespmem:v57+s24+$0x0] =	vst.idx.msk $0xffff, v51  }
0x242: {  	v60 =	vor.u32 s1, v24;
	v51 =	vld.idx.msk [tilespmem:v59+s14+$0x0], $0xffff  }
0x243: {  	v53 =	vor.u32 v49, v58;
	_ =	sdelay $0x3  }
0x244: {  	[tilespmem:v60+s24+$0x0] =	vst.idx.msk $0xffff, v51  }
0x245: {  	v62 =	vor.u32 v8, v50;
	v61 =	vor.u32 s1, v25;
	v51 =	vld.idx.msk [tilespmem:v53+s14+$0x0], $0xffff  }
0x246: {  	v63 =	vor.u32 v45, v62;
	_ =	sdelay $0x3  }
0x247: {  	[tilespmem:v61+s24+$0x0] =	vst.idx.msk $0xffff, v51  }
0x248: {  	v56 =	vor.u32 s1, v26;
	v51 =	vld.idx.msk [tilespmem:v63+s14+$0x0], $0xffff  }
0x249: {  	v53 =	vor.u32 v49, v62;
	_ =	sdelay $0x3  }
0x24a: {  	[tilespmem:v56+s24+$0x0] =	vst.idx.msk $0xffff, v51  }
0x24b: {  	v58 =	vor.u32 v44, v50;
	v57 =	vor.u32 s1, v27;
	v51 =	vld.idx.msk [tilespmem:v53+s14+$0x0], $0xffff  }
0x24c: {  	v59 =	vor.u32 v45, v58;
	_ =	sdelay $0x3  }
0x24d: {  	[tilespmem:v57+s24+$0x0] =	vst.idx.msk $0xffff, v51  }
0x24e: {  	v60 =	vor.u32 s1, v28;
	v51 =	vld.idx.msk [tilespmem:v59+s14+$0x0], $0xffff  }
0x24f: {  	v53 =	vor.u32 v49, v58;
	_ =	sdelay $0x3  }
0x250: {  	[tilespmem:v60+s24+$0x0] =	vst.idx.msk $0xffff, v51  }
0x251: {  	v62 =	vor.u32 v0, v50;
	v61 =	vor.u32 s1, v29;
	v51 =	vld.idx.msk [tilespmem:v53+s14+$0x0], $0xffff  }
0x252: {  	v63 =	vor.u32 v45, v62;
	_ =	sdelay $0x3  }
0x253: {  	[tilespmem:v61+s24+$0x0] =	vst.idx.msk $0xffff, v51  }
0x254: {  	v56 =	vor.u32 s1, v30;
	v51 =	vld.idx.msk [tilespmem:v63+s14+$0x0], $0xffff  }
0x255: {  	v53 =	vor.u32 v49, v62;
	_ =	sdelay $0x3  }
0x256: {  	[tilespmem:v56+s24+$0x0] =	vst.idx.msk $0xffff, v51  }
0x257: {  	v58 =	vor.u32 v7, v50;
	v57 =	vor.u32 s1, v31;
	v51 =	vld.idx.msk [tilespmem:v53+s14+$0x0], $0xffff  }
0x258: {  	v59 =	vor.u32 v45, v58;
	_ =	sdelay $0x3  }
0x259: {  	[tilespmem:v57+s24+$0x0] =	vst.idx.msk $0xffff, v51  }
0x25a: {  	v60 =	vor.u32 s1, v32;
	v51 =	vld.idx.msk [tilespmem:v59+s14+$0x0], $0xffff  }
0x25b: {  	v53 =	vor.u32 v49, v58;
	_ =	sdelay $0x3  }
0x25c: {  	[tilespmem:v60+s24+$0x0] =	vst.idx.msk $0xffff, v51  }
0x25d: {  	v62 =	vor.u32 v6, v50;
	v61 =	vor.u32 s1, v33;
	v51 =	vld.idx.msk [tilespmem:v53+s14+$0x0], $0xffff  }
0x25e: {  	v63 =	vor.u32 v45, v62;
	_ =	sdelay $0x3  }
0x25f: {  	[tilespmem:v61+s24+$0x0] =	vst.idx.msk $0xffff, v51  }
0x260: {  	v56 =	vor.u32 s1, v34;
	v51 =	vld.idx.msk [tilespmem:v63+s14+$0x0], $0xffff  }
0x261: {  	v53 =	vor.u32 v49, v62;
	_ =	sdelay $0x3  }
0x262: {  	[tilespmem:v56+s24+$0x0] =	vst.idx.msk $0xffff, v51  }
0x263: {  	v58 =	vor.u32 v5, v50;
	v57 =	vor.u32 s1, v35;
	v51 =	vld.idx.msk [tilespmem:v53+s14+$0x0], $0xffff  }
0x264: {  	v59 =	vor.u32 v45, v58;
	_ =	sdelay $0x3  }
0x265: {  	[tilespmem:v57+s24+$0x0] =	vst.idx.msk $0xffff, v51  }
0x266: {  	v60 =	vor.u32 s1, v36;
	v51 =	vld.idx.msk [tilespmem:v59+s14+$0x0], $0xffff  }
0x267: {  	v53 =	vor.u32 v49, v58;
	_ =	sdelay $0x3  }
0x268: {  	[tilespmem:v60+s24+$0x0] =	vst.idx.msk $0xffff, v51  }
0x269: {  	v62 =	vor.u32 v4, v50;
	v61 =	vor.u32 s1, v37;
	v51 =	vld.idx.msk [tilespmem:v53+s14+$0x0], $0xffff  }
0x26a: {  	v63 =	vor.u32 v45, v62;
	_ =	sdelay $0x3  }
0x26b: {  	[tilespmem:v61+s24+$0x0] =	vst.idx.msk $0xffff, v51  }
0x26c: {  	v56 =	vor.u32 s1, v38;
	v51 =	vld.idx.msk [tilespmem:v63+s14+$0x0], $0xffff  }
0x26d: {  	v53 =	vor.u32 v49, v62;
	_ =	sdelay $0x3  }
0x26e: {  	[tilespmem:v56+s24+$0x0] =	vst.idx.msk $0xffff, v51  }
0x26f: {  	v58 =	vor.u32 v3, v50;
	v57 =	vor.u32 s1, v39;
	v51 =	vld.idx.msk [tilespmem:v53+s14+$0x0], $0xffff  }
0x270: {  	v59 =	vor.u32 v45, v58;
	_ =	sdelay $0x3  }
0x271: {  	[tilespmem:v57+s24+$0x0] =	vst.idx.msk $0xffff, v51  }
0x272: {  	v60 =	vor.u32 s1, v40;
	v51 =	vld.idx.msk [tilespmem:v59+s14+$0x0], $0xffff  }
0x273: {  	v53 =	vor.u32 v49, v58;
	_ =	sdelay $0x3  }
0x274: {  	[tilespmem:v60+s24+$0x0] =	vst.idx.msk $0xffff, v51  }
0x275: {  	v50 =	vor.u32 v2, v50;
	v61 =	vor.u32 s1, v41;
	v51 =	vld.idx.msk [tilespmem:v53+s14+$0x0], $0xffff  }
0x276: {  	v62 =	vor.u32 v45, v50;
	_ =	sdelay $0x3  }
0x277: {  	[tilespmem:v61+s24+$0x0] =	vst.idx.msk $0xffff, v51  }
0x278: {  	v63 =	vor.u32 s1, v42;
	v51 =	vld.idx.msk [tilespmem:v62+s14+$0x0], $0xffff  }
0x279: {  	v50 =	vor.u32 v49, v50;
	_ =	sdelay $0x3  }
0x27a: {  	s0 =	sshll.u32 s11, $0xB;
	[tilespmem:v63+s24+$0x0] =	vst.idx.msk $0xffff, v51  }
0x27b: {  	v56 =	vor.u32 s1, v43;
	s1 =	sadd.s32 s3, s0;
	v50 =	vld.idx.msk [tilespmem:v50+s14+$0x0], $0xffff  }
0x27c: {  	s10 =	sshll.u32 s1, $0x3;
	s1 =	sshll.u32 s1, $0x5  }
0x27d: {  	s10 =	sand.u32 $0x1E000, s10;
	s1 =	sand.u32 $0x7FF80000, s1  }
0x27e: {  	s1 =	sor.u32 s10, s1  }
0x27f: {  	s1 =	sshrl.u32 s1, $0x3  }
0x280: {  	s10 =	simm.s32 $0x0;
	s1 =	sadd.s32 s2, s1;
	[tilespmem:v56+s24+$0x0] =	vst.idx.msk $0xffff, v50  }
0x281: {  	[hbm4b:s1+s10] =	stream.linear.scatter [tilespmem:s24], [sflag:$0x3], $0x2000, $0x38;
	[tilespmem:$0x1B400] =	vst v63  }
0x282: {  	_ =	swait.ge [sflag:s12], $0x2000  }
0x283: {  	[sflag:s12] =	ssyncset.done $0x0  }
0x284: {  	s30 =	sadd.s32 $0x4000, s1;
	[sflag:s12] =	ssyncadd.s32 $0xFFFFE000  }
0x285: {  	[hbm4b:s30+s10] =	stream.linear.scatter [tilespmem:s26], [sflag:$0x3], $0x2000, $0x38;
	[tilespmem:$0x1B400] =	vst v63  }
0x286: {  	_ =	swait.ge [sflag:s12], $0x2000  }
0x287: {  	[sflag:s12] =	ssyncset.done $0x0  }
0x288: {  	s30 =	sadd.s32 $0x8000, s1;
	[sflag:s12] =	ssyncadd.s32 $0xFFFFE000  }
0x289: {  	[hbm4b:s30+s10] =	stream.linear.scatter [tilespmem:s7], [sflag:$0x3], $0x2000, $0x38;
	[tilespmem:$0x1B400] =	vst v63  }
0x28a: {  	_ =	swait.ge [sflag:s12], $0x2000  }
0x28b: {  	[sflag:s12] =	ssyncset.done $0x0  }
0x28c: {  	s1 =	sadd.s32 $0xC000, s1;
	[sflag:s12] =	ssyncadd.s32 $0xFFFFE000  }
0x28d: {  	[hbm4b:s1+s10] =	stream.linear.scatter [tilespmem:s8], [sflag:$0x3], $0x2000, $0x38;
	[tilespmem:$0x1B400] =	vst v63  }
0x28e: {  	_ =	swait.ge [sflag:s12], $0x2000  }
0x28f: {  	s0 =	sand.u32 $0x3FFFF800, s0;
	[sflag:s12] =	ssyncset.done $0x0  }
0x290: {  	s1 =	sadd.s32 $0x800, s0;
	[sflag:s12] =	ssyncadd.s32 $0xFFFFE000  }
0x291: {  	[tilespmem:s14], [sflag:$0x1] =	stream.indirect.gather [hbm4b:s5+s13], $0x20, s1, s13, $0xb8;
	[tilespmem:$0x1B400] =	vst v63  }
0x292: {  	s1 =	sadd.s32 $0x880, s0  }
0x293: {  	[tilespmem:s15], [sflag:$0x1] =	stream.indirect.gather [hbm4b:s5+s13], $0x20, s1, s13, $0xb8;
	[tilespmem:$0x1B400] =	vst v63  }
0x294: {  	s1 =	sadd.s32 $0x900, s0  }
0x295: {  	[tilespmem:s17], [sflag:$0x1] =	stream.indirect.gather [hbm4b:s5+s13], $0x20, s1, s13, $0xb8;
	[tilespmem:$0x1B400] =	vst v63  }
0x296: {  	s1 =	sadd.s32 $0x980, s0  }
0x297: {  	[tilespmem:s19], [sflag:$0x1] =	stream.indirect.gather [hbm4b:s5+s13], $0x20, s1, s13, $0xb8;
	[tilespmem:$0x1B400] =	vst v63  }
0x298: {  	s1 =	sadd.s32 $0xA00, s0  }
0x299: {  	[tilespmem:s21], [sflag:$0x1] =	stream.indirect.gather [hbm4b:s5+s13], $0x20, s1, s13, $0xb8;
	[tilespmem:$0x1B400] =	vst v63  }
0x29a: {  	s1 =	sadd.s32 $0xA80, s0  }
0x29b: {  	[tilespmem:s23], [sflag:$0x1] =	stream.indirect.gather [hbm4b:s5+s13], $0x20, s1, s13, $0xb8;
	[tilespmem:$0x1B400] =	vst v63  }
0x29c: {  	s1 =	sadd.s32 $0xB00, s0  }
0x29d: {  	[tilespmem:s25], [sflag:$0x1] =	stream.indirect.gather [hbm4b:s5+s13], $0x20, s1, s13, $0xb8;
	[tilespmem:$0x1B400] =	vst v63  }
0x29e: {  	s0 =	sadd.s32 $0xB80, s0  }
0x29f: {  	[tilespmem:s28], [sflag:$0x1] =	stream.indirect.gather [hbm4b:s5+s13], $0x20, s0, s13, $0xb8;
	[tilespmem:$0x1B400] =	vst v63  }
0x2a0: {  	_ =	swait.ge [sflag:s9], $0x1000  }
0x2a1: {  	[sflag:s9] =	ssyncset.done $0x0  }
0x2a2: {  	[sflag:s9] =	ssyncadd.s32 $0xFFFFF000  }
0x2a3: {  	_ =	swait.ge [sflag:s9], $0x1000  }
0x2a4: {  	[sflag:s9] =	ssyncset.done $0x0  }
0x2a5: {  	[sflag:s9] =	ssyncadd.s32 $0xFFFFF000  }
0x2a6: {  	_ =	swait.ge [sflag:s9], $0x1000  }
0x2a7: {  	[sflag:s9] =	ssyncset.done $0x0  }
0x2a8: {  	[sflag:s9] =	ssyncadd.s32 $0xFFFFF000  }
0x2a9: {  	_ =	swait.ge [sflag:s9], $0x1000  }
0x2aa: {  	[sflag:s9] =	ssyncset.done $0x0  }
0x2ab: {  	[sflag:s9] =	ssyncadd.s32 $0xFFFFF000  }
0x2ac: {  	_ =	swait.ge [sflag:s9], $0x1000  }
0x2ad: {  	[sflag:s9] =	ssyncset.done $0x0  }
0x2ae: {  	[sflag:s9] =	ssyncadd.s32 $0xFFFFF000  }
0x2af: {  	_ =	swait.ge [sflag:s9], $0x1000  }
0x2b0: {  	v57 =	vmov s10;
	[sflag:s9] =	ssyncset.done $0x0  }
0x2b1: {  	v50 =	vshll.u32 v57, $0x5;
	[sflag:s9] =	ssyncadd.s32 $0xFFFFF000  }
0x2b2: {  	v58 =	vor.u32 v48, v50;
	_ =	swait.ge [sflag:s9], $0x1000  }
0x2b3: {  	v59 =	vor.u32 v45, v58;
	[sflag:s9] =	ssyncset.done $0x0  }
0x2b4: {  	[sflag:s9] =	ssyncadd.s32 $0xFFFFF000  }
0x2b5: {  	_ =	swait.ge [sflag:s9], $0x1000  }
0x2b6: {  	s1 =	sand.u32 $0x70, s10;
	s0 =	sand.u32 $0x1C00, s10;
	[sflag:s9] =	ssyncset.done $0x0  }
0x2b7: {  	s30 =	sor.u32 s1, s0;
	[sflag:s9] =	ssyncadd.s32 $0xFFFFF000  }
0x2b8: {  	v60 =	vor.u32 s30, v12;
	v52 =	vld.idx.msk [tilespmem:v59+s29+$0x0], $0xffff  }
0x2b9: {  	v51 =	vor.u32 v49, v58;
	_ =	sdelay $0x3  }
0x2ba: {  	[tilespmem:v60+s24+$0x0] =	vst.idx.msk $0xffff, v52  }
0x2bb: {  	v62 =	vor.u32 v11, v50;
	v61 =	vor.u32 s30, v13;
	v51 =	vld.idx.msk [tilespmem:v51+s29+$0x0], $0xffff  }
0x2bc: {  	v63 =	vor.u32 v45, v62;
	_ =	sdelay $0x3  }
0x2bd: {  	[tilespmem:v61+s24+$0x0] =	vst.idx.msk $0xffff, v51  }
0x2be: {  	v56 =	vor.u32 s30, v14;
	v51 =	vld.idx.msk [tilespmem:v63+s29+$0x0], $0xffff  }
0x2bf: {  	v53 =	vor.u32 v49, v62;
	_ =	sdelay $0x3  }
0x2c0: {  	[tilespmem:v56+s24+$0x0] =	vst.idx.msk $0xffff, v51  }
0x2c1: {  	v58 =	vor.u32 v10, v50;
	v57 =	vor.u32 s30, v15;
	v51 =	vld.idx.msk [tilespmem:v53+s29+$0x0], $0xffff  }
0x2c2: {  	v59 =	vor.u32 v45, v58;
	_ =	sdelay $0x3  }
0x2c3: {  	[tilespmem:v57+s24+$0x0] =	vst.idx.msk $0xffff, v51  }
0x2c4: {  	v60 =	vor.u32 s30, v16;
	v51 =	vld.idx.msk [tilespmem:v59+s29+$0x0], $0xffff  }
0x2c5: {  	v53 =	vor.u32 v49, v58;
	_ =	sdelay $0x3  }
0x2c6: {  	[tilespmem:v60+s24+$0x0] =	vst.idx.msk $0xffff, v51  }
0x2c7: {  	v62 =	vor.u32 v47, v50;
	v61 =	vor.u32 s30, v17;
	v51 =	vld.idx.msk [tilespmem:v53+s29+$0x0], $0xffff  }
0x2c8: {  	v63 =	vor.u32 v45, v62;
	_ =	sdelay $0x3  }
0x2c9: {  	[tilespmem:v61+s24+$0x0] =	vst.idx.msk $0xffff, v51  }
0x2ca: {  	v56 =	vor.u32 s30, v18;
	v51 =	vld.idx.msk [tilespmem:v63+s29+$0x0], $0xffff  }
0x2cb: {  	v53 =	vor.u32 v49, v62;
	_ =	sdelay $0x3  }
0x2cc: {  	[tilespmem:v56+s24+$0x0] =	vst.idx.msk $0xffff, v51  }
0x2cd: {  	v58 =	vor.u32 v46, v50;
	v57 =	vor.u32 s30, v19;
	v51 =	vld.idx.msk [tilespmem:v53+s29+$0x0], $0xffff  }
0x2ce: {  	v59 =	vor.u32 v45, v58;
	_ =	sdelay $0x3  }
0x2cf: {  	[tilespmem:v57+s24+$0x0] =	vst.idx.msk $0xffff, v51  }
0x2d0: {  	v60 =	vor.u32 s30, v20;
	v51 =	vld.idx.msk [tilespmem:v59+s29+$0x0], $0xffff  }
0x2d1: {  	v53 =	vor.u32 v49, v58;
	_ =	sdelay $0x3  }
0x2d2: {  	[tilespmem:v60+s24+$0x0] =	vst.idx.msk $0xffff, v51  }
0x2d3: {  	v62 =	vor.u32 v1, v50;
	v61 =	vor.u32 s30, v21;
	v51 =	vld.idx.msk [tilespmem:v53+s29+$0x0], $0xffff  }
0x2d4: {  	v63 =	vor.u32 v45, v62;
	_ =	sdelay $0x3  }
0x2d5: {  	[tilespmem:v61+s24+$0x0] =	vst.idx.msk $0xffff, v51  }
0x2d6: {  	v56 =	vor.u32 s30, v22;
	v51 =	vld.idx.msk [tilespmem:v63+s29+$0x0], $0xffff  }
0x2d7: {  	v53 =	vor.u32 v49, v62;
	_ =	sdelay $0x3  }
0x2d8: {  	[tilespmem:v56+s24+$0x0] =	vst.idx.msk $0xffff, v51  }
0x2d9: {  	v58 =	vor.u32 v9, v50;
	v57 =	vor.u32 s30, v23;
	v51 =	vld.idx.msk [tilespmem:v53+s29+$0x0], $0xffff  }
0x2da: {  	v59 =	vor.u32 v45, v58;
	_ =	sdelay $0x3  }
0x2db: {  	[tilespmem:v57+s24+$0x0] =	vst.idx.msk $0xffff, v51  }
0x2dc: {  	v60 =	vor.u32 s30, v24;
	v51 =	vld.idx.msk [tilespmem:v59+s29+$0x0], $0xffff  }
0x2dd: {  	v53 =	vor.u32 v49, v58;
	_ =	sdelay $0x3  }
0x2de: {  	[tilespmem:v60+s24+$0x0] =	vst.idx.msk $0xffff, v51  }
0x2df: {  	v62 =	vor.u32 v8, v50;
	v61 =	vor.u32 s30, v25;
	v51 =	vld.idx.msk [tilespmem:v53+s29+$0x0], $0xffff  }
0x2e0: {  	v63 =	vor.u32 v45, v62;
	_ =	sdelay $0x3  }
0x2e1: {  	[tilespmem:v61+s24+$0x0] =	vst.idx.msk $0xffff, v51  }
0x2e2: {  	v56 =	vor.u32 s30, v26;
	v51 =	vld.idx.msk [tilespmem:v63+s29+$0x0], $0xffff  }
0x2e3: {  	v53 =	vor.u32 v49, v62;
	_ =	sdelay $0x3  }
0x2e4: {  	[tilespmem:v56+s24+$0x0] =	vst.idx.msk $0xffff, v51  }
0x2e5: {  	v58 =	vor.u32 v44, v50;
	v57 =	vor.u32 s30, v27;
	v51 =	vld.idx.msk [tilespmem:v53+s29+$0x0], $0xffff  }
0x2e6: {  	v59 =	vor.u32 v45, v58;
	_ =	sdelay $0x3  }
0x2e7: {  	[tilespmem:v57+s24+$0x0] =	vst.idx.msk $0xffff, v51  }
0x2e8: {  	v60 =	vor.u32 s30, v28;
	v51 =	vld.idx.msk [tilespmem:v59+s29+$0x0], $0xffff  }
0x2e9: {  	v53 =	vor.u32 v49, v58;
	_ =	sdelay $0x3  }
0x2ea: {  	[tilespmem:v60+s24+$0x0] =	vst.idx.msk $0xffff, v51  }
0x2eb: {  	v62 =	vor.u32 v0, v50;
	v61 =	vor.u32 s30, v29;
	v51 =	vld.idx.msk [tilespmem:v53+s29+$0x0], $0xffff  }
0x2ec: {  	v63 =	vor.u32 v45, v62;
	_ =	sdelay $0x3  }
0x2ed: {  	[tilespmem:v61+s24+$0x0] =	vst.idx.msk $0xffff, v51  }
0x2ee: {  	v56 =	vor.u32 s30, v30;
	v51 =	vld.idx.msk [tilespmem:v63+s29+$0x0], $0xffff  }
0x2ef: {  	v53 =	vor.u32 v49, v62;
	_ =	sdelay $0x3  }
0x2f0: {  	[tilespmem:v56+s24+$0x0] =	vst.idx.msk $0xffff, v51  }
0x2f1: {  	v58 =	vor.u32 v7, v50;
	v57 =	vor.u32 s30, v31;
	v51 =	vld.idx.msk [tilespmem:v53+s29+$0x0], $0xffff  }
0x2f2: {  	v59 =	vor.u32 v45, v58;
	_ =	sdelay $0x3  }
0x2f3: {  	[tilespmem:v57+s24+$0x0] =	vst.idx.msk $0xffff, v51  }
0x2f4: {  	v60 =	vor.u32 s30, v32;
	v51 =	vld.idx.msk [tilespmem:v59+s29+$0x0], $0xffff  }
0x2f5: {  	v53 =	vor.u32 v49, v58;
	_ =	sdelay $0x3  }
0x2f6: {  	[tilespmem:v60+s24+$0x0] =	vst.idx.msk $0xffff, v51  }
0x2f7: {  	v62 =	vor.u32 v6, v50;
	v61 =	vor.u32 s30, v33;
	v51 =	vld.idx.msk [tilespmem:v53+s29+$0x0], $0xffff  }
0x2f8: {  	v63 =	vor.u32 v45, v62;
	_ =	sdelay $0x3  }
0x2f9: {  	[tilespmem:v61+s24+$0x0] =	vst.idx.msk $0xffff, v51  }
0x2fa: {  	v56 =	vor.u32 s30, v34;
	v51 =	vld.idx.msk [tilespmem:v63+s29+$0x0], $0xffff  }
0x2fb: {  	v53 =	vor.u32 v49, v62;
	_ =	sdelay $0x3  }
0x2fc: {  	[tilespmem:v56+s24+$0x0] =	vst.idx.msk $0xffff, v51  }
0x2fd: {  	v58 =	vor.u32 v5, v50;
	v57 =	vor.u32 s30, v35;
	v51 =	vld.idx.msk [tilespmem:v53+s29+$0x0], $0xffff  }
0x2fe: {  	v59 =	vor.u32 v45, v58;
	_ =	sdelay $0x3  }
0x2ff: {  	[tilespmem:v57+s24+$0x0] =	vst.idx.msk $0xffff, v51  }
0x300: {  	v60 =	vor.u32 s30, v36;
	v51 =	vld.idx.msk [tilespmem:v59+s29+$0x0], $0xffff  }
0x301: {  	v53 =	vor.u32 v49, v58;
	_ =	sdelay $0x3  }
0x302: {  	[tilespmem:v60+s24+$0x0] =	vst.idx.msk $0xffff, v51  }
0x303: {  	v62 =	vor.u32 v4, v50;
	v61 =	vor.u32 s30, v37;
	v51 =	vld.idx.msk [tilespmem:v53+s29+$0x0], $0xffff  }
0x304: {  	v63 =	vor.u32 v45, v62;
	_ =	sdelay $0x3  }
0x305: {  	[tilespmem:v61+s24+$0x0] =	vst.idx.msk $0xffff, v51  }
0x306: {  	v56 =	vor.u32 s30, v38;
	v51 =	vld.idx.msk [tilespmem:v63+s29+$0x0], $0xffff  }
0x307: {  	v53 =	vor.u32 v49, v62;
	_ =	sdelay $0x3  }
0x308: {  	[tilespmem:v56+s24+$0x0] =	vst.idx.msk $0xffff, v51  }
0x309: {  	v58 =	vor.u32 v3, v50;
	v57 =	vor.u32 s30, v39;
	v51 =	vld.idx.msk [tilespmem:v53+s29+$0x0], $0xffff  }
0x30a: {  	v59 =	vor.u32 v45, v58;
	_ =	sdelay $0x3  }
0x30b: {  	[tilespmem:v57+s24+$0x0] =	vst.idx.msk $0xffff, v51  }
0x30c: {  	v60 =	vor.u32 s30, v40;
	v51 =	vld.idx.msk [tilespmem:v59+s29+$0x0], $0xffff  }
0x30d: {  	v53 =	vor.u32 v49, v58;
	_ =	sdelay $0x3  }
0x30e: {  	[tilespmem:v60+s24+$0x0] =	vst.idx.msk $0xffff, v51  }
0x30f: {  	v50 =	vor.u32 v2, v50;
	v61 =	vor.u32 s30, v41;
	v51 =	vld.idx.msk [tilespmem:v53+s29+$0x0], $0xffff  }
0x310: {  	v62 =	vor.u32 v45, v50;
	_ =	sdelay $0x3  }
0x311: {  	[tilespmem:v61+s24+$0x0] =	vst.idx.msk $0xffff, v51  }
0x312: {  	v63 =	vor.u32 s30, v42;
	v52 =	vld.idx.msk [tilespmem:v62+s29+$0x0], $0xffff  }
0x313: {  	v51 =	vor.u32 v49, v50;
	_ =	sdelay $0x2  }
0x314: {  	s31 =	simm.s32 $0x10  }
0x315: {  	s1 =	simm.s32 $0x20;
	v50 =	vmov s31;
	[tilespmem:v63+s24+$0x0] =	vst.idx.msk $0xffff, v52  }
.LBB2_5:
0x316: {  	p0 =	sne.s32 s1, $0x3F0;
	v50 =	vshll.u32 v50, $0x5;
	v51 =	vld.idx.msk [tilespmem:v51+s29+$0x0], $0xffff  }
0x317: {  	v53 =	vor.u32 s30, v43;
	v52 =	vor.u32 v48, v50  }
0x318: {  	v54 =	vor.u32 v45, v52;
	_ =	sdelay $0x2  }
0x319: {  	s10 =	sadd.s32 $0x80, s10  }
0x31a: {  	s30 =	sand.u32 $0x70, s31;
	s31 =	smov.u32 s1;
	s0 =	sand.u32 $0x1C00, s10;
	[tilespmem:v53+s24+$0x0] =	vst.idx.msk $0xffff, v51  }
0x31b: {  	s30 =	sor.u32 s30, s0;
	v51 =	vld.idx.msk [tilespmem:v54+s29+$0x0], $0xffff  }
0x31c: {  	v53 =	vor.u32 s30, v12  }
0x31d: {  	v52 =	vor.u32 v49, v52;
	_ =	sdelay $0x3  }
0x31e: {  	[tilespmem:v53+s24+$0x0] =	vst.idx.msk $0xffff, v51  }
0x31f: {  	v51 =	vld.idx.msk [tilespmem:v52+s29+$0x0], $0xffff  }
0x320: {  	v53 =	vor.u32 v11, v50;
	v52 =	vor.u32 s30, v13  }
0x321: {  	v54 =	vor.u32 v45, v53;
	_ =	sdelay $0x3  }
0x322: {  	[tilespmem:v52+s24+$0x0] =	vst.idx.msk $0xffff, v51  }
0x323: {  	v51 =	vld.idx.msk [tilespmem:v54+s29+$0x0], $0xffff  }
0x324: {  	v52 =	vor.u32 s30, v14  }
0x325: {  	v53 =	vor.u32 v49, v53;
	_ =	sdelay $0x3  }
0x326: {  	[tilespmem:v52+s24+$0x0] =	vst.idx.msk $0xffff, v51  }
0x327: {  	v51 =	vld.idx.msk [tilespmem:v53+s29+$0x0], $0xffff  }
0x328: {  	v52 =	vor.u32 s30, v15;
	v53 =	vor.u32 v10, v50  }
0x329: {  	v54 =	vor.u32 v45, v53;
	_ =	sdelay $0x3  }
0x32a: {  	[tilespmem:v52+s24+$0x0] =	vst.idx.msk $0xffff, v51  }
0x32b: {  	v51 =	vld.idx.msk [tilespmem:v54+s29+$0x0], $0xffff  }
0x32c: {  	v52 =	vor.u32 s30, v16  }
0x32d: {  	v53 =	vor.u32 v49, v53;
	_ =	sdelay $0x3  }
0x32e: {  	[tilespmem:v52+s24+$0x0] =	vst.idx.msk $0xffff, v51  }
0x32f: {  	v51 =	vld.idx.msk [tilespmem:v53+s29+$0x0], $0xffff  }
0x330: {  	v52 =	vor.u32 s30, v17;
	v53 =	vor.u32 v47, v50  }
0x331: {  	v54 =	vor.u32 v45, v53;
	_ =	sdelay $0x3  }
0x332: {  	[tilespmem:v52+s24+$0x0] =	vst.idx.msk $0xffff, v51  }
0x333: {  	v51 =	vld.idx.msk [tilespmem:v54+s29+$0x0], $0xffff  }
0x334: {  	v52 =	vor.u32 s30, v18  }
0x335: {  	v53 =	vor.u32 v49, v53;
	_ =	sdelay $0x3  }
0x336: {  	[tilespmem:v52+s24+$0x0] =	vst.idx.msk $0xffff, v51  }
0x337: {  	v51 =	vld.idx.msk [tilespmem:v53+s29+$0x0], $0xffff  }
0x338: {  	v52 =	vor.u32 s30, v19;
	v53 =	vor.u32 v46, v50  }
0x339: {  	v54 =	vor.u32 v45, v53;
	_ =	sdelay $0x3  }
0x33a: {  	[tilespmem:v52+s24+$0x0] =	vst.idx.msk $0xffff, v51  }
0x33b: {  	v51 =	vld.idx.msk [tilespmem:v54+s29+$0x0], $0xffff  }
0x33c: {  	v52 =	vor.u32 s30, v20  }
0x33d: {  	v53 =	vor.u32 v49, v53;
	_ =	sdelay $0x3  }
0x33e: {  	[tilespmem:v52+s24+$0x0] =	vst.idx.msk $0xffff, v51  }
0x33f: {  	v51 =	vld.idx.msk [tilespmem:v53+s29+$0x0], $0xffff  }
0x340: {  	v52 =	vor.u32 s30, v21;
	v53 =	vor.u32 v1, v50  }
0x341: {  	v54 =	vor.u32 v45, v53;
	_ =	sdelay $0x3  }
0x342: {  	[tilespmem:v52+s24+$0x0] =	vst.idx.msk $0xffff, v51  }
0x343: {  	v51 =	vld.idx.msk [tilespmem:v54+s29+$0x0], $0xffff  }
0x344: {  	v52 =	vor.u32 s30, v22  }
0x345: {  	v53 =	vor.u32 v49, v53;
	_ =	sdelay $0x3  }
0x346: {  	[tilespmem:v52+s24+$0x0] =	vst.idx.msk $0xffff, v51  }
0x347: {  	v51 =	vld.idx.msk [tilespmem:v53+s29+$0x0], $0xffff  }
0x348: {  	v52 =	vor.u32 s30, v23;
	v53 =	vor.u32 v9, v50  }
0x349: {  	v54 =	vor.u32 v45, v53;
	_ =	sdelay $0x3  }
0x34a: {  	[tilespmem:v52+s24+$0x0] =	vst.idx.msk $0xffff, v51  }
0x34b: {  	v51 =	vld.idx.msk [tilespmem:v54+s29+$0x0], $0xffff  }
0x34c: {  	v52 =	vor.u32 s30, v24  }
0x34d: {  	v53 =	vor.u32 v49, v53;
	_ =	sdelay $0x3  }
0x34e: {  	[tilespmem:v52+s24+$0x0] =	vst.idx.msk $0xffff, v51  }
0x34f: {  	v51 =	vld.idx.msk [tilespmem:v53+s29+$0x0], $0xffff  }
0x350: {  	v52 =	vor.u32 s30, v25;
	v53 =	vor.u32 v8, v50  }
0x351: {  	v54 =	vor.u32 v45, v53;
	_ =	sdelay $0x3  }
0x352: {  	[tilespmem:v52+s24+$0x0] =	vst.idx.msk $0xffff, v51  }
0x353: {  	v51 =	vld.idx.msk [tilespmem:v54+s29+$0x0], $0xffff  }
0x354: {  	v52 =	vor.u32 s30, v26  }
0x355: {  	v53 =	vor.u32 v49, v53;
	_ =	sdelay $0x3  }
0x356: {  	[tilespmem:v52+s24+$0x0] =	vst.idx.msk $0xffff, v51  }
0x357: {  	v51 =	vld.idx.msk [tilespmem:v53+s29+$0x0], $0xffff  }
0x358: {  	v52 =	vor.u32 s30, v27;
	v53 =	vor.u32 v44, v50  }
0x359: {  	v54 =	vor.u32 v45, v53;
	_ =	sdelay $0x3  }
0x35a: {  	[tilespmem:v52+s24+$0x0] =	vst.idx.msk $0xffff, v51  }
0x35b: {  	v51 =	vld.idx.msk [tilespmem:v54+s29+$0x0], $0xffff  }
0x35c: {  	v52 =	vor.u32 s30, v28  }
0x35d: {  	v53 =	vor.u32 v49, v53;
	_ =	sdelay $0x3  }
0x35e: {  	[tilespmem:v52+s24+$0x0] =	vst.idx.msk $0xffff, v51  }
0x35f: {  	v51 =	vld.idx.msk [tilespmem:v53+s29+$0x0], $0xffff  }
0x360: {  	v52 =	vor.u32 s30, v29;
	v53 =	vor.u32 v0, v50  }
0x361: {  	v54 =	vor.u32 v45, v53;
	_ =	sdelay $0x3  }
0x362: {  	[tilespmem:v52+s24+$0x0] =	vst.idx.msk $0xffff, v51  }
0x363: {  	v51 =	vld.idx.msk [tilespmem:v54+s29+$0x0], $0xffff  }
0x364: {  	v52 =	vor.u32 s30, v30  }
0x365: {  	v53 =	vor.u32 v49, v53;
	_ =	sdelay $0x3  }
0x366: {  	[tilespmem:v52+s24+$0x0] =	vst.idx.msk $0xffff, v51  }
0x367: {  	v51 =	vld.idx.msk [tilespmem:v53+s29+$0x0], $0xffff  }
0x368: {  	v52 =	vor.u32 s30, v31;
	v53 =	vor.u32 v7, v50  }
0x369: {  	v54 =	vor.u32 v45, v53;
	_ =	sdelay $0x3  }
0x36a: {  	[tilespmem:v52+s24+$0x0] =	vst.idx.msk $0xffff, v51  }
0x36b: {  	v51 =	vld.idx.msk [tilespmem:v54+s29+$0x0], $0xffff  }
0x36c: {  	v52 =	vor.u32 s30, v32  }
0x36d: {  	v53 =	vor.u32 v49, v53;
	_ =	sdelay $0x3  }
0x36e: {  	[tilespmem:v52+s24+$0x0] =	vst.idx.msk $0xffff, v51  }
0x36f: {  	v51 =	vld.idx.msk [tilespmem:v53+s29+$0x0], $0xffff  }
0x370: {  	v52 =	vor.u32 s30, v33;
	v53 =	vor.u32 v6, v50  }
0x371: {  	v54 =	vor.u32 v45, v53;
	_ =	sdelay $0x3  }
0x372: {  	[tilespmem:v52+s24+$0x0] =	vst.idx.msk $0xffff, v51  }
0x373: {  	v51 =	vld.idx.msk [tilespmem:v54+s29+$0x0], $0xffff  }
0x374: {  	v52 =	vor.u32 s30, v34  }
0x375: {  	v53 =	vor.u32 v49, v53;
	_ =	sdelay $0x3  }
0x376: {  	[tilespmem:v52+s24+$0x0] =	vst.idx.msk $0xffff, v51  }
0x377: {  	v51 =	vld.idx.msk [tilespmem:v53+s29+$0x0], $0xffff  }
0x378: {  	v52 =	vor.u32 s30, v35;
	v53 =	vor.u32 v5, v50  }
0x379: {  	v54 =	vor.u32 v45, v53;
	_ =	sdelay $0x3  }
0x37a: {  	[tilespmem:v52+s24+$0x0] =	vst.idx.msk $0xffff, v51  }
0x37b: {  	v51 =	vld.idx.msk [tilespmem:v54+s29+$0x0], $0xffff  }
0x37c: {  	v52 =	vor.u32 s30, v36  }
0x37d: {  	v53 =	vor.u32 v49, v53;
	_ =	sdelay $0x3  }
0x37e: {  	[tilespmem:v52+s24+$0x0] =	vst.idx.msk $0xffff, v51  }
0x37f: {  	v51 =	vld.idx.msk [tilespmem:v53+s29+$0x0], $0xffff  }
0x380: {  	v52 =	vor.u32 s30, v37;
	v53 =	vor.u32 v4, v50  }
0x381: {  	v54 =	vor.u32 v45, v53;
	_ =	sdelay $0x3  }
0x382: {  	[tilespmem:v52+s24+$0x0] =	vst.idx.msk $0xffff, v51  }
0x383: {  	v51 =	vld.idx.msk [tilespmem:v54+s29+$0x0], $0xffff  }
0x384: {  	v52 =	vor.u32 s30, v38  }
0x385: {  	v53 =	vor.u32 v49, v53;
	_ =	sdelay $0x3  }
0x386: {  	[tilespmem:v52+s24+$0x0] =	vst.idx.msk $0xffff, v51  }
0x387: {  	v51 =	vld.idx.msk [tilespmem:v53+s29+$0x0], $0xffff  }
0x388: {  	v52 =	vor.u32 s30, v39;
	v53 =	vor.u32 v3, v50  }
0x389: {  	v54 =	vor.u32 v45, v53;
	_ =	sdelay $0x3  }
0x38a: {  	[tilespmem:v52+s24+$0x0] =	vst.idx.msk $0xffff, v51  }
0x38b: {  	v51 =	vld.idx.msk [tilespmem:v54+s29+$0x0], $0xffff  }
0x38c: {  	v52 =	vor.u32 s30, v40  }
0x38d: {  	v53 =	vor.u32 v49, v53;
	_ =	sdelay $0x3  }
0x38e: {  	[tilespmem:v52+s24+$0x0] =	vst.idx.msk $0xffff, v51  }
0x38f: {  	v51 =	vld.idx.msk [tilespmem:v53+s29+$0x0], $0xffff  }
0x390: {  	v50 =	vor.u32 v2, v50;
	v52 =	vor.u32 s30, v41  }
0x391: {  	v53 =	vor.u32 v45, v50;
	_ =	sdelay $0x3  }
0x392: {  	[tilespmem:v52+s24+$0x0] =	vst.idx.msk $0xffff, v51  }
0x393: {  	v52 =	vld.idx.msk [tilespmem:v53+s29+$0x0], $0xffff  }
0x394: {  	v53 =	vor.u32 s30, v42  }
.Ltmp1:
0x395: {  	v51 =	vor.u32 v49, v50;
	(pc) =	sbr.rel @p0 .LBB2_5-.Ltmp1, $2  }
0x396: {  	_ =	sdelay $0x2  }
0x397: {  	s1 =	sadd.s32 $0x10, s1;
	v50 =	vmov s31;
	[tilespmem:v53+s24+$0x0] =	vst.idx.msk $0xffff, v52  }
0x398: {  	_ =	sdelay $0x2  }
0x399: {  	v50 =	vshll.u32 v50, $0x5  }
0x39a: {  	v51 =	vld.idx.msk [tilespmem:v51+s29+$0x0], $0xffff;
	v53 =	vor.u32 s30, v43;
	v52 =	vor.u32 v48, v50  }
0x39b: {  	v54 =	vor.u32 v45, v52;
	_ =	sdelay $0x1  }
0x39c: {  	s0 =	sadd.s32 $0x80, s10  }
0x39d: {  	s1 =	sand.u32 $0x70, s31;
	s0 =	sand.u32 $0x1C00, s0  }
0x39e: {  	s1 =	sor.u32 s1, s0;
	[tilespmem:v53+s24+$0x0] =	vst.idx.msk $0xffff, v51  }
0x39f: {  	v56 =	vor.u32 s1, v12;
	v51 =	vld.idx.msk [tilespmem:v54+s29+$0x0], $0xffff  }
0x3a0: {  	v52 =	vor.u32 v49, v52;
	_ =	sdelay $0x3  }
0x3a1: {  	[tilespmem:v56+s24+$0x0] =	vst.idx.msk $0xffff, v51  }
0x3a2: {  	v58 =	vor.u32 v11, v50;
	v57 =	vor.u32 s1, v13;
	v51 =	vld.idx.msk [tilespmem:v52+s29+$0x0], $0xffff  }
0x3a3: {  	v59 =	vor.u32 v45, v58;
	_ =	sdelay $0x3  }
0x3a4: {  	[tilespmem:v57+s24+$0x0] =	vst.idx.msk $0xffff, v51  }
0x3a5: {  	v60 =	vor.u32 s1, v14;
	v51 =	vld.idx.msk [tilespmem:v59+s29+$0x0], $0xffff  }
0x3a6: {  	v53 =	vor.u32 v49, v58;
	_ =	sdelay $0x3  }
0x3a7: {  	[tilespmem:v60+s24+$0x0] =	vst.idx.msk $0xffff, v51  }
0x3a8: {  	v62 =	vor.u32 v10, v50;
	v61 =	vor.u32 s1, v15;
	v51 =	vld.idx.msk [tilespmem:v53+s29+$0x0], $0xffff  }
0x3a9: {  	v63 =	vor.u32 v45, v62;
	_ =	sdelay $0x3  }
0x3aa: {  	[tilespmem:v61+s24+$0x0] =	vst.idx.msk $0xffff, v51  }
0x3ab: {  	v56 =	vor.u32 s1, v16;
	v51 =	vld.idx.msk [tilespmem:v63+s29+$0x0], $0xffff  }
0x3ac: {  	v53 =	vor.u32 v49, v62;
	_ =	sdelay $0x3  }
0x3ad: {  	[tilespmem:v56+s24+$0x0] =	vst.idx.msk $0xffff, v51  }
0x3ae: {  	v58 =	vor.u32 v47, v50;
	v57 =	vor.u32 s1, v17;
	v51 =	vld.idx.msk [tilespmem:v53+s29+$0x0], $0xffff  }
0x3af: {  	v59 =	vor.u32 v45, v58;
	_ =	sdelay $0x3  }
0x3b0: {  	[tilespmem:v57+s24+$0x0] =	vst.idx.msk $0xffff, v51  }
0x3b1: {  	v60 =	vor.u32 s1, v18;
	v51 =	vld.idx.msk [tilespmem:v59+s29+$0x0], $0xffff  }
0x3b2: {  	v53 =	vor.u32 v49, v58;
	_ =	sdelay $0x3  }
0x3b3: {  	[tilespmem:v60+s24+$0x0] =	vst.idx.msk $0xffff, v51  }
0x3b4: {  	v62 =	vor.u32 v46, v50;
	v61 =	vor.u32 s1, v19;
	v51 =	vld.idx.msk [tilespmem:v53+s29+$0x0], $0xffff  }
0x3b5: {  	v63 =	vor.u32 v45, v62;
	_ =	sdelay $0x3  }
0x3b6: {  	[tilespmem:v61+s24+$0x0] =	vst.idx.msk $0xffff, v51  }
0x3b7: {  	v56 =	vor.u32 s1, v20;
	v51 =	vld.idx.msk [tilespmem:v63+s29+$0x0], $0xffff  }
0x3b8: {  	v53 =	vor.u32 v49, v62;
	_ =	sdelay $0x3  }
0x3b9: {  	[tilespmem:v56+s24+$0x0] =	vst.idx.msk $0xffff, v51  }
0x3ba: {  	v58 =	vor.u32 v1, v50;
	v57 =	vor.u32 s1, v21;
	v51 =	vld.idx.msk [tilespmem:v53+s29+$0x0], $0xffff  }
0x3bb: {  	v59 =	vor.u32 v45, v58;
	_ =	sdelay $0x3  }
0x3bc: {  	[tilespmem:v57+s24+$0x0] =	vst.idx.msk $0xffff, v51  }
0x3bd: {  	v60 =	vor.u32 s1, v22;
	v51 =	vld.idx.msk [tilespmem:v59+s29+$0x0], $0xffff  }
0x3be: {  	v53 =	vor.u32 v49, v58;
	_ =	sdelay $0x3  }
0x3bf: {  	[tilespmem:v60+s24+$0x0] =	vst.idx.msk $0xffff, v51  }
0x3c0: {  	v62 =	vor.u32 v9, v50;
	v61 =	vor.u32 s1, v23;
	v51 =	vld.idx.msk [tilespmem:v53+s29+$0x0], $0xffff  }
0x3c1: {  	v63 =	vor.u32 v45, v62;
	_ =	sdelay $0x3  }
0x3c2: {  	[tilespmem:v61+s24+$0x0] =	vst.idx.msk $0xffff, v51  }
0x3c3: {  	v56 =	vor.u32 s1, v24;
	v51 =	vld.idx.msk [tilespmem:v63+s29+$0x0], $0xffff  }
0x3c4: {  	v53 =	vor.u32 v49, v62;
	_ =	sdelay $0x3  }
0x3c5: {  	[tilespmem:v56+s24+$0x0] =	vst.idx.msk $0xffff, v51  }
0x3c6: {  	v58 =	vor.u32 v8, v50;
	v57 =	vor.u32 s1, v25;
	v51 =	vld.idx.msk [tilespmem:v53+s29+$0x0], $0xffff  }
0x3c7: {  	v59 =	vor.u32 v45, v58;
	_ =	sdelay $0x3  }
0x3c8: {  	[tilespmem:v57+s24+$0x0] =	vst.idx.msk $0xffff, v51  }
0x3c9: {  	v60 =	vor.u32 s1, v26;
	v51 =	vld.idx.msk [tilespmem:v59+s29+$0x0], $0xffff  }
0x3ca: {  	v53 =	vor.u32 v49, v58;
	_ =	sdelay $0x3  }
0x3cb: {  	[tilespmem:v60+s24+$0x0] =	vst.idx.msk $0xffff, v51  }
0x3cc: {  	v62 =	vor.u32 v44, v50;
	v61 =	vor.u32 s1, v27;
	v51 =	vld.idx.msk [tilespmem:v53+s29+$0x0], $0xffff  }
0x3cd: {  	v63 =	vor.u32 v45, v62;
	_ =	sdelay $0x3  }
0x3ce: {  	[tilespmem:v61+s24+$0x0] =	vst.idx.msk $0xffff, v51  }
0x3cf: {  	v56 =	vor.u32 s1, v28;
	v51 =	vld.idx.msk [tilespmem:v63+s29+$0x0], $0xffff  }
0x3d0: {  	v53 =	vor.u32 v49, v62;
	_ =	sdelay $0x3  }
0x3d1: {  	[tilespmem:v56+s24+$0x0] =	vst.idx.msk $0xffff, v51  }
0x3d2: {  	v58 =	vor.u32 v0, v50;
	v57 =	vor.u32 s1, v29;
	v51 =	vld.idx.msk [tilespmem:v53+s29+$0x0], $0xffff  }
0x3d3: {  	v59 =	vor.u32 v45, v58;
	_ =	sdelay $0x3  }
0x3d4: {  	[tilespmem:v57+s24+$0x0] =	vst.idx.msk $0xffff, v51  }
0x3d5: {  	v60 =	vor.u32 s1, v30;
	v51 =	vld.idx.msk [tilespmem:v59+s29+$0x0], $0xffff  }
0x3d6: {  	v53 =	vor.u32 v49, v58;
	_ =	sdelay $0x3  }
0x3d7: {  	[tilespmem:v60+s24+$0x0] =	vst.idx.msk $0xffff, v51  }
0x3d8: {  	v62 =	vor.u32 v7, v50;
	v61 =	vor.u32 s1, v31;
	v51 =	vld.idx.msk [tilespmem:v53+s29+$0x0], $0xffff  }
0x3d9: {  	v63 =	vor.u32 v45, v62;
	_ =	sdelay $0x3  }
0x3da: {  	[tilespmem:v61+s24+$0x0] =	vst.idx.msk $0xffff, v51  }
0x3db: {  	v57 =	vor.u32 s1, v32;
	v51 =	vld.idx.msk [tilespmem:v63+s29+$0x0], $0xffff  }
0x3dc: {  	v53 =	vor.u32 v49, v62;
	_ =	sdelay $0x3  }
0x3dd: {  	[tilespmem:v57+s24+$0x0] =	vst.idx.msk $0xffff, v51  }
0x3de: {  	v58 =	vor.u32 s1, v33;
	v59 =	vor.u32 v6, v50;
	v51 =	vld.idx.msk [tilespmem:v53+s29+$0x0], $0xffff  }
0x3df: {  	v60 =	vor.u32 v45, v59;
	_ =	sdelay $0x3  }
0x3e0: {  	[tilespmem:v58+s24+$0x0] =	vst.idx.msk $0xffff, v51  }
0x3e1: {  	v61 =	vor.u32 s1, v34;
	v51 =	vld.idx.msk [tilespmem:v60+s29+$0x0], $0xffff  }
0x3e2: {  	v53 =	vor.u32 v49, v59;
	_ =	sdelay $0x3  }
0x3e3: {  	[tilespmem:v61+s24+$0x0] =	vst.idx.msk $0xffff, v51  }
0x3e4: {  	v62 =	vor.u32 s1, v35;
	v63 =	vor.u32 v5, v50;
	v51 =	vld.idx.msk [tilespmem:v53+s29+$0x0], $0xffff  }
0x3e5: {  	v57 =	vor.u32 v45, v63;
	_ =	sdelay $0x3  }
0x3e6: {  	[tilespmem:v62+s24+$0x0] =	vst.idx.msk $0xffff, v51  }
0x3e7: {  	v58 =	vor.u32 s1, v36;
	v51 =	vld.idx.msk [tilespmem:v57+s29+$0x0], $0xffff  }
0x3e8: {  	v53 =	vor.u32 v49, v63;
	_ =	sdelay $0x3  }
0x3e9: {  	[tilespmem:v58+s24+$0x0] =	vst.idx.msk $0xffff, v51  }
0x3ea: {  	v59 =	vor.u32 s1, v37;
	v60 =	vor.u32 v4, v50;
	v51 =	vld.idx.msk [tilespmem:v53+s29+$0x0], $0xffff  }
0x3eb: {  	v61 =	vor.u32 v45, v60;
	_ =	sdelay $0x3  }
0x3ec: {  	[tilespmem:v59+s24+$0x0] =	vst.idx.msk $0xffff, v51  }
0x3ed: {  	v62 =	vor.u32 s1, v38;
	v51 =	vld.idx.msk [tilespmem:v61+s29+$0x0], $0xffff  }
0x3ee: {  	v53 =	vor.u32 v49, v60;
	_ =	sdelay $0x3  }
0x3ef: {  	[tilespmem:v62+s24+$0x0] =	vst.idx.msk $0xffff, v51  }
0x3f0: {  	v63 =	vor.u32 s1, v39;
	v57 =	vor.u32 v3, v50;
	v51 =	vld.idx.msk [tilespmem:v53+s29+$0x0], $0xffff  }
0x3f1: {  	v58 =	vor.u32 v45, v57;
	_ =	sdelay $0x3  }
0x3f2: {  	[tilespmem:v63+s24+$0x0] =	vst.idx.msk $0xffff, v51  }
0x3f3: {  	v59 =	vor.u32 s1, v40;
	v51 =	vld.idx.msk [tilespmem:v58+s29+$0x0], $0xffff  }
0x3f4: {  	v53 =	vor.u32 v49, v57;
	_ =	sdelay $0x3  }
0x3f5: {  	[tilespmem:v59+s24+$0x0] =	vst.idx.msk $0xffff, v51  }
0x3f6: {  	v50 =	vor.u32 v2, v50;
	v60 =	vor.u32 s1, v41;
	v51 =	vld.idx.msk [tilespmem:v53+s29+$0x0], $0xffff  }
0x3f7: {  	v61 =	vor.u32 v45, v50;
	_ =	sdelay $0x3  }
0x3f8: {  	[tilespmem:v60+s24+$0x0] =	vst.idx.msk $0xffff, v51  }
0x3f9: {  	v62 =	vor.u32 s1, v42;
	v51 =	vld.idx.msk [tilespmem:v61+s29+$0x0], $0xffff  }
0x3fa: {  	v50 =	vor.u32 v49, v50;
	_ =	sdelay $0x3  }
0x3fb: {  	[tilespmem:v62+s24+$0x0] =	vst.idx.msk $0xffff, v51  }
0x3fc: {  	s6 =	sadd.s32 s3, s6;
	v63 =	vor.u32 s1, v43;
	v50 =	vld.idx.msk [tilespmem:v50+s29+$0x0], $0xffff  }
0x3fd: {  	s10 =	sshll.u32 s6, $0x3;
	s0 =	sshll.u32 s6, $0x5  }
0x3fe: {  	s0 =	sand.u32 $0x7FF80000, s0;
	s1 =	sand.u32 $0x1E000, s10  }
0x3ff: {  	s0 =	sor.u32 s1, s0  }
0x400: {  	s0 =	sshrl.u32 s0, $0x3  }
0x401: {  	s0 =	sadd.s32 s2, s0;
	[tilespmem:v63+s24+$0x0] =	vst.idx.msk $0xffff, v50  }
0x402: {  	[hbm4b:s0+s4] =	stream.linear.scatter [tilespmem:s24], [sflag:$0x3], $0x2000, $0x38;
	[tilespmem:$0x1B400] =	vst v63  }
0x403: {  	_ =	swait.ge [sflag:s12], $0x2000  }
0x404: {  	[sflag:s12] =	ssyncset.done $0x0  }
0x405: {  	s30 =	sadd.s32 $0x4000, s0;
	[sflag:s12] =	ssyncadd.s32 $0xFFFFE000  }
0x406: {  	[hbm4b:s30+s4] =	stream.linear.scatter [tilespmem:s26], [sflag:$0x3], $0x2000, $0x38;
	[tilespmem:$0x1B400] =	vst v63  }
0x407: {  	_ =	swait.ge [sflag:s12], $0x2000  }
0x408: {  	[sflag:s12] =	ssyncset.done $0x0  }
0x409: {  	s31 =	sadd.s32 $0x8000, s0;
	[sflag:s12] =	ssyncadd.s32 $0xFFFFE000  }
0x40a: {  	[hbm4b:s31+s4] =	stream.linear.scatter [tilespmem:s7], [sflag:$0x3], $0x2000, $0x38;
	[tilespmem:$0x1B400] =	vst v63  }
0x40b: {  	s11 =	sadd.s32 $0x1, s11;
	_ =	swait.ge [sflag:s12], $0x2000  }
0x40c: {  	p0 =	sne.s32 s11, $0x6;
	[sflag:s12] =	ssyncset.done $0x0  }
.Ltmp2:
0x40d: {  	s0 =	sadd.s32 $0xC000, s0;
	[sflag:s12] =	ssyncadd.s32 $0xFFFFE000;
	(pc) =	sbr.rel @p0 .LBB2_2-.Ltmp2, $4  }
0x40e: {  	[hbm4b:s0+s4] =	stream.linear.scatter [tilespmem:s8], [sflag:$0x3], $0x2000, $0x38;
	[tilespmem:$0x1B400] =	vst v63  }
0x40f: {  	_ =	swait.ge [sflag:s12], $0x2000  }
0x410: {  	[sflag:s12] =	ssyncset.done $0x0  }
0x411: {  	[sflag:s12] =	ssyncadd.s32 $0xFFFFE000  }
0x412: {  	_ =	swait.ge [sflag:s22], $0x1000  }
0x413: {  	[sflag:s22] =	ssyncset.done $0x0  }
0x414: {  	[sflag:s22] =	ssyncadd.s32 $0xFFFFF000  }
0x415: {  	_ =	swait.ge [sflag:s22], $0x1000  }
0x416: {  	[sflag:s22] =	ssyncset.done $0x0  }
0x417: {  	[sflag:s22] =	ssyncadd.s32 $0xFFFFF000  }
0x418: {  	_ =	swait.ge [sflag:s22], $0x1000  }
0x419: {  	[sflag:s22] =	ssyncset.done $0x0  }
0x41a: {  	[sflag:s22] =	ssyncadd.s32 $0xFFFFF000  }
0x41b: {  	_ =	swait.ge [sflag:s22], $0x1000  }
0x41c: {  	[sflag:s22] =	ssyncset.done $0x0  }
0x41d: {  	[sflag:s22] =	ssyncadd.s32 $0xFFFFF000  }
0x41e: {  	_ =	swait.ge [sflag:s22], $0x1000  }
0x41f: {  	[sflag:s22] =	ssyncset.done $0x0  }
0x420: {  	[sflag:s22] =	ssyncadd.s32 $0xFFFFF000  }
0x421: {  	s6 =	simm.s32 $0x0;
	_ =	swait.ge [sflag:s22], $0x1000  }
0x422: {  	v50 =	vmov s6;
	[sflag:s22] =	ssyncset.done $0x0  }
0x423: {  	v50 =	vshll.u32 v50, $0x5;
	[sflag:s22] =	ssyncadd.s32 $0xFFFFF000  }
0x424: {  	v51 =	vor.u32 v48, v50;
	_ =	swait.ge [sflag:s22], $0x1000  }
0x425: {  	v52 =	vor.u32 v45, v51;
	[sflag:s22] =	ssyncset.done $0x0  }
0x426: {  	[sflag:s22] =	ssyncadd.s32 $0xFFFFF000  }
0x427: {  	_ =	swait.ge [sflag:s22], $0x1000  }
0x428: {  	s0 =	sand.u32 $0x1C00, s6;
	s1 =	sand.u32 $0x70, s6;
	[sflag:s22] =	ssyncset.done $0x0  }
0x429: {  	s10 =	sor.u32 s1, s0;
	[sflag:s22] =	ssyncadd.s32 $0xFFFFF000  }
0x42a: {  	v53 =	vor.u32 s10, v12;
	v52 =	vld.idx.msk [tilespmem:v52+s14+$0x0], $0xffff  }
0x42b: {  	v51 =	vor.u32 v49, v51;
	_ =	sdelay $0x3  }
0x42c: {  	[tilespmem:v53+s24+$0x0] =	vst.idx.msk $0xffff, v52  }
0x42d: {  	v62 =	vor.u32 s10, v13;
	v63 =	vor.u32 v11, v50;
	v51 =	vld.idx.msk [tilespmem:v51+s14+$0x0], $0xffff  }
0x42e: {  	v54 =	vor.u32 v45, v63;
	_ =	sdelay $0x3  }
0x42f: {  	[tilespmem:v62+s24+$0x0] =	vst.idx.msk $0xffff, v51  }
0x430: {  	v56 =	vor.u32 s10, v14;
	v51 =	vld.idx.msk [tilespmem:v54+s14+$0x0], $0xffff  }
0x431: {  	v53 =	vor.u32 v49, v63;
	_ =	sdelay $0x3  }
0x432: {  	[tilespmem:v56+s24+$0x0] =	vst.idx.msk $0xffff, v51  }
0x433: {  	v57 =	vor.u32 s10, v15;
	v58 =	vor.u32 v10, v50;
	v51 =	vld.idx.msk [tilespmem:v53+s14+$0x0], $0xffff  }
0x434: {  	v59 =	vor.u32 v45, v58;
	_ =	sdelay $0x3  }
0x435: {  	[tilespmem:v57+s24+$0x0] =	vst.idx.msk $0xffff, v51  }
0x436: {  	v60 =	vor.u32 s10, v16;
	v51 =	vld.idx.msk [tilespmem:v59+s14+$0x0], $0xffff  }
0x437: {  	v53 =	vor.u32 v49, v58;
	_ =	sdelay $0x3  }
0x438: {  	[tilespmem:v60+s24+$0x0] =	vst.idx.msk $0xffff, v51  }
0x439: {  	v61 =	vor.u32 s10, v17;
	v62 =	vor.u32 v47, v50;
	v51 =	vld.idx.msk [tilespmem:v53+s14+$0x0], $0xffff  }
0x43a: {  	v63 =	vor.u32 v45, v62;
	_ =	sdelay $0x3  }
0x43b: {  	[tilespmem:v61+s24+$0x0] =	vst.idx.msk $0xffff, v51  }
0x43c: {  	v56 =	vor.u32 s10, v18;
	v51 =	vld.idx.msk [tilespmem:v63+s14+$0x0], $0xffff  }
0x43d: {  	v53 =	vor.u32 v49, v62;
	_ =	sdelay $0x3  }
0x43e: {  	[tilespmem:v56+s24+$0x0] =	vst.idx.msk $0xffff, v51  }
0x43f: {  	v58 =	vor.u32 v46, v50;
	v57 =	vor.u32 s10, v19;
	v51 =	vld.idx.msk [tilespmem:v53+s14+$0x0], $0xffff  }
0x440: {  	v59 =	vor.u32 v45, v58;
	_ =	sdelay $0x3  }
0x441: {  	[tilespmem:v57+s24+$0x0] =	vst.idx.msk $0xffff, v51  }
0x442: {  	v60 =	vor.u32 s10, v20;
	v51 =	vld.idx.msk [tilespmem:v59+s14+$0x0], $0xffff  }
0x443: {  	v53 =	vor.u32 v49, v58;
	_ =	sdelay $0x3  }
0x444: {  	[tilespmem:v60+s24+$0x0] =	vst.idx.msk $0xffff, v51  }
0x445: {  	v62 =	vor.u32 v1, v50;
	v61 =	vor.u32 s10, v21;
	v51 =	vld.idx.msk [tilespmem:v53+s14+$0x0], $0xffff  }
0x446: {  	v63 =	vor.u32 v45, v62;
	_ =	sdelay $0x3  }
0x447: {  	[tilespmem:v61+s24+$0x0] =	vst.idx.msk $0xffff, v51  }
0x448: {  	v56 =	vor.u32 s10, v22;
	v51 =	vld.idx.msk [tilespmem:v63+s14+$0x0], $0xffff  }
0x449: {  	v53 =	vor.u32 v49, v62;
	_ =	sdelay $0x3  }
0x44a: {  	[tilespmem:v56+s24+$0x0] =	vst.idx.msk $0xffff, v51  }
0x44b: {  	v58 =	vor.u32 v9, v50;
	v57 =	vor.u32 s10, v23;
	v51 =	vld.idx.msk [tilespmem:v53+s14+$0x0], $0xffff  }
0x44c: {  	v59 =	vor.u32 v45, v58;
	_ =	sdelay $0x3  }
0x44d: {  	[tilespmem:v57+s24+$0x0] =	vst.idx.msk $0xffff, v51  }
0x44e: {  	v60 =	vor.u32 s10, v24;
	v51 =	vld.idx.msk [tilespmem:v59+s14+$0x0], $0xffff  }
0x44f: {  	v53 =	vor.u32 v49, v58;
	_ =	sdelay $0x3  }
0x450: {  	[tilespmem:v60+s24+$0x0] =	vst.idx.msk $0xffff, v51  }
0x451: {  	v62 =	vor.u32 v8, v50;
	v61 =	vor.u32 s10, v25;
	v51 =	vld.idx.msk [tilespmem:v53+s14+$0x0], $0xffff  }
0x452: {  	v63 =	vor.u32 v45, v62;
	_ =	sdelay $0x3  }
0x453: {  	[tilespmem:v61+s24+$0x0] =	vst.idx.msk $0xffff, v51  }
0x454: {  	v56 =	vor.u32 s10, v26;
	v51 =	vld.idx.msk [tilespmem:v63+s14+$0x0], $0xffff  }
0x455: {  	v53 =	vor.u32 v49, v62;
	_ =	sdelay $0x3  }
0x456: {  	[tilespmem:v56+s24+$0x0] =	vst.idx.msk $0xffff, v51  }
0x457: {  	v58 =	vor.u32 v44, v50;
	v57 =	vor.u32 s10, v27;
	v51 =	vld.idx.msk [tilespmem:v53+s14+$0x0], $0xffff  }
0x458: {  	v59 =	vor.u32 v45, v58;
	_ =	sdelay $0x3  }
0x459: {  	[tilespmem:v57+s24+$0x0] =	vst.idx.msk $0xffff, v51  }
0x45a: {  	v60 =	vor.u32 s10, v28;
	v51 =	vld.idx.msk [tilespmem:v59+s14+$0x0], $0xffff  }
0x45b: {  	v53 =	vor.u32 v49, v58;
	_ =	sdelay $0x3  }
0x45c: {  	[tilespmem:v60+s24+$0x0] =	vst.idx.msk $0xffff, v51  }
0x45d: {  	v62 =	vor.u32 v0, v50;
	v61 =	vor.u32 s10, v29;
	v51 =	vld.idx.msk [tilespmem:v53+s14+$0x0], $0xffff  }
0x45e: {  	v63 =	vor.u32 v45, v62;
	_ =	sdelay $0x3  }
0x45f: {  	[tilespmem:v61+s24+$0x0] =	vst.idx.msk $0xffff, v51  }
0x460: {  	v56 =	vor.u32 s10, v30;
	v51 =	vld.idx.msk [tilespmem:v63+s14+$0x0], $0xffff  }
0x461: {  	v53 =	vor.u32 v49, v62;
	_ =	sdelay $0x3  }
0x462: {  	[tilespmem:v56+s24+$0x0] =	vst.idx.msk $0xffff, v51  }
0x463: {  	v58 =	vor.u32 v7, v50;
	v57 =	vor.u32 s10, v31;
	v51 =	vld.idx.msk [tilespmem:v53+s14+$0x0], $0xffff  }
0x464: {  	v59 =	vor.u32 v45, v58;
	_ =	sdelay $0x3  }
0x465: {  	[tilespmem:v57+s24+$0x0] =	vst.idx.msk $0xffff, v51  }
0x466: {  	v60 =	vor.u32 s10, v32;
	v51 =	vld.idx.msk [tilespmem:v59+s14+$0x0], $0xffff  }
0x467: {  	v53 =	vor.u32 v49, v58;
	_ =	sdelay $0x3  }
0x468: {  	[tilespmem:v60+s24+$0x0] =	vst.idx.msk $0xffff, v51  }
0x469: {  	v62 =	vor.u32 v6, v50;
	v61 =	vor.u32 s10, v33;
	v51 =	vld.idx.msk [tilespmem:v53+s14+$0x0], $0xffff  }
0x46a: {  	v63 =	vor.u32 v45, v62;
	_ =	sdelay $0x3  }
0x46b: {  	[tilespmem:v61+s24+$0x0] =	vst.idx.msk $0xffff, v51  }
0x46c: {  	v56 =	vor.u32 s10, v34;
	v51 =	vld.idx.msk [tilespmem:v63+s14+$0x0], $0xffff  }
0x46d: {  	v53 =	vor.u32 v49, v62;
	_ =	sdelay $0x3  }
0x46e: {  	[tilespmem:v56+s24+$0x0] =	vst.idx.msk $0xffff, v51  }
0x46f: {  	v58 =	vor.u32 v5, v50;
	v57 =	vor.u32 s10, v35;
	v51 =	vld.idx.msk [tilespmem:v53+s14+$0x0], $0xffff  }
0x470: {  	v59 =	vor.u32 v45, v58;
	_ =	sdelay $0x3  }
0x471: {  	[tilespmem:v57+s24+$0x0] =	vst.idx.msk $0xffff, v51  }
0x472: {  	v60 =	vor.u32 s10, v36;
	v51 =	vld.idx.msk [tilespmem:v59+s14+$0x0], $0xffff  }
0x473: {  	v53 =	vor.u32 v49, v58;
	_ =	sdelay $0x3  }
0x474: {  	[tilespmem:v60+s24+$0x0] =	vst.idx.msk $0xffff, v51  }
0x475: {  	v62 =	vor.u32 v4, v50;
	v61 =	vor.u32 s10, v37;
	v51 =	vld.idx.msk [tilespmem:v53+s14+$0x0], $0xffff  }
0x476: {  	v63 =	vor.u32 v45, v62;
	_ =	sdelay $0x3  }
0x477: {  	[tilespmem:v61+s24+$0x0] =	vst.idx.msk $0xffff, v51  }
0x478: {  	v56 =	vor.u32 s10, v38;
	v51 =	vld.idx.msk [tilespmem:v63+s14+$0x0], $0xffff  }
0x479: {  	v53 =	vor.u32 v49, v62;
	_ =	sdelay $0x3  }
0x47a: {  	[tilespmem:v56+s24+$0x0] =	vst.idx.msk $0xffff, v51  }
0x47b: {  	v58 =	vor.u32 v3, v50;
	v57 =	vor.u32 s10, v39;
	v51 =	vld.idx.msk [tilespmem:v53+s14+$0x0], $0xffff  }
0x47c: {  	v59 =	vor.u32 v45, v58;
	_ =	sdelay $0x3  }
0x47d: {  	[tilespmem:v57+s24+$0x0] =	vst.idx.msk $0xffff, v51  }
0x47e: {  	v60 =	vor.u32 s10, v40;
	v51 =	vld.idx.msk [tilespmem:v59+s14+$0x0], $0xffff  }
0x47f: {  	v53 =	vor.u32 v49, v58;
	_ =	sdelay $0x3  }
0x480: {  	[tilespmem:v60+s24+$0x0] =	vst.idx.msk $0xffff, v51  }
0x481: {  	v50 =	vor.u32 v2, v50;
	v61 =	vor.u32 s10, v41;
	v51 =	vld.idx.msk [tilespmem:v53+s14+$0x0], $0xffff  }
0x482: {  	v62 =	vor.u32 v45, v50;
	_ =	sdelay $0x3  }
0x483: {  	[tilespmem:v61+s24+$0x0] =	vst.idx.msk $0xffff, v51  }
0x484: {  	v63 =	vor.u32 s10, v42;
	v52 =	vld.idx.msk [tilespmem:v62+s14+$0x0], $0xffff  }
0x485: {  	v51 =	vor.u32 v49, v50;
	_ =	sdelay $0x2  }
0x486: {  	s11 =	simm.s32 $0x10  }
0x487: {  	s1 =	simm.s32 $0x20;
	v50 =	vmov s11;
	[tilespmem:v63+s24+$0x0] =	vst.idx.msk $0xffff, v52  }
.LBB2_8:
0x488: {  	p0 =	sne.s32 s1, $0x3F0;
	v50 =	vshll.u32 v50, $0x5;
	v51 =	vld.idx.msk [tilespmem:v51+s14+$0x0], $0xffff  }
0x489: {  	v53 =	vor.u32 s10, v43;
	v52 =	vor.u32 v48, v50  }
0x48a: {  	v54 =	vor.u32 v45, v52;
	_ =	sdelay $0x2  }
0x48b: {  	s6 =	sadd.s32 $0x80, s6  }
0x48c: {  	s10 =	sand.u32 $0x70, s11;
	s11 =	smov.u32 s1;
	s0 =	sand.u32 $0x1C00, s6;
	[tilespmem:v53+s24+$0x0] =	vst.idx.msk $0xffff, v51  }
0x48d: {  	s10 =	sor.u32 s10, s0;
	v51 =	vld.idx.msk [tilespmem:v54+s14+$0x0], $0xffff  }
0x48e: {  	v53 =	vor.u32 s10, v12  }
0x48f: {  	v52 =	vor.u32 v49, v52;
	_ =	sdelay $0x3  }
0x490: {  	[tilespmem:v53+s24+$0x0] =	vst.idx.msk $0xffff, v51  }
0x491: {  	v51 =	vld.idx.msk [tilespmem:v52+s14+$0x0], $0xffff  }
0x492: {  	v53 =	vor.u32 v11, v50;
	v52 =	vor.u32 s10, v13  }
0x493: {  	v54 =	vor.u32 v45, v53;
	_ =	sdelay $0x3  }
0x494: {  	[tilespmem:v52+s24+$0x0] =	vst.idx.msk $0xffff, v51  }
0x495: {  	v51 =	vld.idx.msk [tilespmem:v54+s14+$0x0], $0xffff  }
0x496: {  	v52 =	vor.u32 s10, v14  }
0x497: {  	v53 =	vor.u32 v49, v53;
	_ =	sdelay $0x3  }
0x498: {  	[tilespmem:v52+s24+$0x0] =	vst.idx.msk $0xffff, v51  }
0x499: {  	v51 =	vld.idx.msk [tilespmem:v53+s14+$0x0], $0xffff  }
0x49a: {  	v52 =	vor.u32 s10, v15;
	v53 =	vor.u32 v10, v50  }
0x49b: {  	v54 =	vor.u32 v45, v53;
	_ =	sdelay $0x3  }
0x49c: {  	[tilespmem:v52+s24+$0x0] =	vst.idx.msk $0xffff, v51  }
0x49d: {  	v51 =	vld.idx.msk [tilespmem:v54+s14+$0x0], $0xffff  }
0x49e: {  	v52 =	vor.u32 s10, v16  }
0x49f: {  	v53 =	vor.u32 v49, v53;
	_ =	sdelay $0x3  }
0x4a0: {  	[tilespmem:v52+s24+$0x0] =	vst.idx.msk $0xffff, v51  }
0x4a1: {  	v51 =	vld.idx.msk [tilespmem:v53+s14+$0x0], $0xffff  }
0x4a2: {  	v52 =	vor.u32 s10, v17;
	v53 =	vor.u32 v47, v50  }
0x4a3: {  	v54 =	vor.u32 v45, v53;
	_ =	sdelay $0x3  }
0x4a4: {  	[tilespmem:v52+s24+$0x0] =	vst.idx.msk $0xffff, v51  }
0x4a5: {  	v51 =	vld.idx.msk [tilespmem:v54+s14+$0x0], $0xffff  }
0x4a6: {  	v52 =	vor.u32 s10, v18  }
0x4a7: {  	v53 =	vor.u32 v49, v53;
	_ =	sdelay $0x3  }
0x4a8: {  	[tilespmem:v52+s24+$0x0] =	vst.idx.msk $0xffff, v51  }
0x4a9: {  	v51 =	vld.idx.msk [tilespmem:v53+s14+$0x0], $0xffff  }
0x4aa: {  	v52 =	vor.u32 s10, v19;
	v53 =	vor.u32 v46, v50  }
0x4ab: {  	v54 =	vor.u32 v45, v53;
	_ =	sdelay $0x3  }
0x4ac: {  	[tilespmem:v52+s24+$0x0] =	vst.idx.msk $0xffff, v51  }
0x4ad: {  	v51 =	vld.idx.msk [tilespmem:v54+s14+$0x0], $0xffff  }
0x4ae: {  	v52 =	vor.u32 s10, v20  }
0x4af: {  	v53 =	vor.u32 v49, v53;
	_ =	sdelay $0x3  }
0x4b0: {  	[tilespmem:v52+s24+$0x0] =	vst.idx.msk $0xffff, v51  }
0x4b1: {  	v51 =	vld.idx.msk [tilespmem:v53+s14+$0x0], $0xffff  }
0x4b2: {  	v52 =	vor.u32 s10, v21;
	v53 =	vor.u32 v1, v50  }
0x4b3: {  	v54 =	vor.u32 v45, v53;
	_ =	sdelay $0x3  }
0x4b4: {  	[tilespmem:v52+s24+$0x0] =	vst.idx.msk $0xffff, v51  }
0x4b5: {  	v51 =	vld.idx.msk [tilespmem:v54+s14+$0x0], $0xffff  }
0x4b6: {  	v52 =	vor.u32 s10, v22  }
0x4b7: {  	v53 =	vor.u32 v49, v53;
	_ =	sdelay $0x3  }
0x4b8: {  	[tilespmem:v52+s24+$0x0] =	vst.idx.msk $0xffff, v51  }
0x4b9: {  	v51 =	vld.idx.msk [tilespmem:v53+s14+$0x0], $0xffff  }
0x4ba: {  	v52 =	vor.u32 s10, v23;
	v53 =	vor.u32 v9, v50  }
0x4bb: {  	v54 =	vor.u32 v45, v53;
	_ =	sdelay $0x3  }
0x4bc: {  	[tilespmem:v52+s24+$0x0] =	vst.idx.msk $0xffff, v51  }
0x4bd: {  	v51 =	vld.idx.msk [tilespmem:v54+s14+$0x0], $0xffff  }
0x4be: {  	v52 =	vor.u32 s10, v24  }
0x4bf: {  	v53 =	vor.u32 v49, v53;
	_ =	sdelay $0x3  }
0x4c0: {  	[tilespmem:v52+s24+$0x0] =	vst.idx.msk $0xffff, v51  }
0x4c1: {  	v51 =	vld.idx.msk [tilespmem:v53+s14+$0x0], $0xffff  }
0x4c2: {  	v52 =	vor.u32 s10, v25;
	v53 =	vor.u32 v8, v50  }
0x4c3: {  	v54 =	vor.u32 v45, v53;
	_ =	sdelay $0x3  }
0x4c4: {  	[tilespmem:v52+s24+$0x0] =	vst.idx.msk $0xffff, v51  }
0x4c5: {  	v51 =	vld.idx.msk [tilespmem:v54+s14+$0x0], $0xffff  }
0x4c6: {  	v52 =	vor.u32 s10, v26  }
0x4c7: {  	v53 =	vor.u32 v49, v53;
	_ =	sdelay $0x3  }
0x4c8: {  	[tilespmem:v52+s24+$0x0] =	vst.idx.msk $0xffff, v51  }
0x4c9: {  	v51 =	vld.idx.msk [tilespmem:v53+s14+$0x0], $0xffff  }
0x4ca: {  	v52 =	vor.u32 s10, v27;
	v53 =	vor.u32 v44, v50  }
0x4cb: {  	v54 =	vor.u32 v45, v53;
	_ =	sdelay $0x3  }
0x4cc: {  	[tilespmem:v52+s24+$0x0] =	vst.idx.msk $0xffff, v51  }
0x4cd: {  	v51 =	vld.idx.msk [tilespmem:v54+s14+$0x0], $0xffff  }
0x4ce: {  	v52 =	vor.u32 s10, v28  }
0x4cf: {  	v53 =	vor.u32 v49, v53;
	_ =	sdelay $0x3  }
0x4d0: {  	[tilespmem:v52+s24+$0x0] =	vst.idx.msk $0xffff, v51  }
0x4d1: {  	v51 =	vld.idx.msk [tilespmem:v53+s14+$0x0], $0xffff  }
0x4d2: {  	v52 =	vor.u32 s10, v29;
	v53 =	vor.u32 v0, v50  }
0x4d3: {  	v54 =	vor.u32 v45, v53;
	_ =	sdelay $0x3  }
0x4d4: {  	[tilespmem:v52+s24+$0x0] =	vst.idx.msk $0xffff, v51  }
0x4d5: {  	v51 =	vld.idx.msk [tilespmem:v54+s14+$0x0], $0xffff  }
0x4d6: {  	v52 =	vor.u32 s10, v30  }
0x4d7: {  	v53 =	vor.u32 v49, v53;
	_ =	sdelay $0x3  }
0x4d8: {  	[tilespmem:v52+s24+$0x0] =	vst.idx.msk $0xffff, v51  }
0x4d9: {  	v51 =	vld.idx.msk [tilespmem:v53+s14+$0x0], $0xffff  }
0x4da: {  	v52 =	vor.u32 s10, v31;
	v53 =	vor.u32 v7, v50  }
0x4db: {  	v54 =	vor.u32 v45, v53;
	_ =	sdelay $0x3  }
0x4dc: {  	[tilespmem:v52+s24+$0x0] =	vst.idx.msk $0xffff, v51  }
0x4dd: {  	v51 =	vld.idx.msk [tilespmem:v54+s14+$0x0], $0xffff  }
0x4de: {  	v52 =	vor.u32 s10, v32  }
0x4df: {  	v53 =	vor.u32 v49, v53;
	_ =	sdelay $0x3  }
0x4e0: {  	[tilespmem:v52+s24+$0x0] =	vst.idx.msk $0xffff, v51  }
0x4e1: {  	v51 =	vld.idx.msk [tilespmem:v53+s14+$0x0], $0xffff  }
0x4e2: {  	v52 =	vor.u32 s10, v33;
	v53 =	vor.u32 v6, v50  }
0x4e3: {  	v54 =	vor.u32 v45, v53;
	_ =	sdelay $0x3  }
0x4e4: {  	[tilespmem:v52+s24+$0x0] =	vst.idx.msk $0xffff, v51  }
0x4e5: {  	v51 =	vld.idx.msk [tilespmem:v54+s14+$0x0], $0xffff  }
0x4e6: {  	v52 =	vor.u32 s10, v34  }
0x4e7: {  	v53 =	vor.u32 v49, v53;
	_ =	sdelay $0x3  }
0x4e8: {  	[tilespmem:v52+s24+$0x0] =	vst.idx.msk $0xffff, v51  }
0x4e9: {  	v51 =	vld.idx.msk [tilespmem:v53+s14+$0x0], $0xffff  }
0x4ea: {  	v52 =	vor.u32 s10, v35;
	v53 =	vor.u32 v5, v50  }
0x4eb: {  	v54 =	vor.u32 v45, v53;
	_ =	sdelay $0x3  }
0x4ec: {  	[tilespmem:v52+s24+$0x0] =	vst.idx.msk $0xffff, v51  }
0x4ed: {  	v51 =	vld.idx.msk [tilespmem:v54+s14+$0x0], $0xffff  }
0x4ee: {  	v52 =	vor.u32 s10, v36  }
0x4ef: {  	v53 =	vor.u32 v49, v53;
	_ =	sdelay $0x3  }
0x4f0: {  	[tilespmem:v52+s24+$0x0] =	vst.idx.msk $0xffff, v51  }
0x4f1: {  	v51 =	vld.idx.msk [tilespmem:v53+s14+$0x0], $0xffff  }
0x4f2: {  	v52 =	vor.u32 s10, v37;
	v53 =	vor.u32 v4, v50  }
0x4f3: {  	v54 =	vor.u32 v45, v53;
	_ =	sdelay $0x3  }
0x4f4: {  	[tilespmem:v52+s24+$0x0] =	vst.idx.msk $0xffff, v51  }
0x4f5: {  	v51 =	vld.idx.msk [tilespmem:v54+s14+$0x0], $0xffff  }
0x4f6: {  	v52 =	vor.u32 s10, v38  }
0x4f7: {  	v53 =	vor.u32 v49, v53;
	_ =	sdelay $0x3  }
0x4f8: {  	[tilespmem:v52+s24+$0x0] =	vst.idx.msk $0xffff, v51  }
0x4f9: {  	v51 =	vld.idx.msk [tilespmem:v53+s14+$0x0], $0xffff  }
0x4fa: {  	v52 =	vor.u32 s10, v39;
	v53 =	vor.u32 v3, v50  }
0x4fb: {  	v54 =	vor.u32 v45, v53;
	_ =	sdelay $0x3  }
0x4fc: {  	[tilespmem:v52+s24+$0x0] =	vst.idx.msk $0xffff, v51  }
0x4fd: {  	v51 =	vld.idx.msk [tilespmem:v54+s14+$0x0], $0xffff  }
0x4fe: {  	v52 =	vor.u32 s10, v40  }
0x4ff: {  	v53 =	vor.u32 v49, v53;
	_ =	sdelay $0x3  }
0x500: {  	[tilespmem:v52+s24+$0x0] =	vst.idx.msk $0xffff, v51  }
0x501: {  	v51 =	vld.idx.msk [tilespmem:v53+s14+$0x0], $0xffff  }
0x502: {  	v50 =	vor.u32 v2, v50;
	v52 =	vor.u32 s10, v41  }
0x503: {  	v53 =	vor.u32 v45, v50;
	_ =	sdelay $0x3  }
0x504: {  	[tilespmem:v52+s24+$0x0] =	vst.idx.msk $0xffff, v51  }
0x505: {  	v52 =	vld.idx.msk [tilespmem:v53+s14+$0x0], $0xffff  }
0x506: {  	v53 =	vor.u32 s10, v42  }
.Ltmp3:
0x507: {  	v51 =	vor.u32 v49, v50;
	(pc) =	sbr.rel @p0 .LBB2_8-.Ltmp3, $2  }
0x508: {  	_ =	sdelay $0x2  }
0x509: {  	s1 =	sadd.s32 $0x10, s1;
	v50 =	vmov s11;
	[tilespmem:v53+s24+$0x0] =	vst.idx.msk $0xffff, v52  }
0x50a: {  	_ =	sdelay $0x2  }
0x50b: {  	v50 =	vshll.u32 v50, $0x5  }
0x50c: {  	v51 =	vld.idx.msk [tilespmem:v51+s14+$0x0], $0xffff;
	v53 =	vor.u32 s10, v43;
	v52 =	vor.u32 v48, v50  }
0x50d: {  	v54 =	vor.u32 v45, v52;
	_ =	sdelay $0x1  }
0x50e: {  	s0 =	sadd.s32 $0x80, s6  }
0x50f: {  	s1 =	sand.u32 $0x70, s11;
	s0 =	sand.u32 $0x1C00, s0  }
0x510: {  	s1 =	sor.u32 s1, s0;
	[tilespmem:v53+s24+$0x0] =	vst.idx.msk $0xffff, v51  }
0x511: {  	v56 =	vor.u32 s1, v12;
	v51 =	vld.idx.msk [tilespmem:v54+s14+$0x0], $0xffff  }
0x512: {  	v52 =	vor.u32 v49, v52;
	_ =	sdelay $0x3  }
0x513: {  	[tilespmem:v56+s24+$0x0] =	vst.idx.msk $0xffff, v51  }
0x514: {  	v58 =	vor.u32 v11, v50;
	v57 =	vor.u32 s1, v13;
	v51 =	vld.idx.msk [tilespmem:v52+s14+$0x0], $0xffff  }
0x515: {  	v59 =	vor.u32 v45, v58;
	_ =	sdelay $0x3  }
0x516: {  	[tilespmem:v57+s24+$0x0] =	vst.idx.msk $0xffff, v51  }
0x517: {  	v60 =	vor.u32 s1, v14;
	v51 =	vld.idx.msk [tilespmem:v59+s14+$0x0], $0xffff  }
0x518: {  	v53 =	vor.u32 v49, v58;
	_ =	sdelay $0x3  }
0x519: {  	[tilespmem:v60+s24+$0x0] =	vst.idx.msk $0xffff, v51  }
0x51a: {  	v62 =	vor.u32 v10, v50;
	v61 =	vor.u32 s1, v15;
	v51 =	vld.idx.msk [tilespmem:v53+s14+$0x0], $0xffff  }
0x51b: {  	v63 =	vor.u32 v45, v62;
	_ =	sdelay $0x3  }
0x51c: {  	[tilespmem:v61+s24+$0x0] =	vst.idx.msk $0xffff, v51  }
0x51d: {  	v56 =	vor.u32 s1, v16;
	v51 =	vld.idx.msk [tilespmem:v63+s14+$0x0], $0xffff  }
0x51e: {  	v53 =	vor.u32 v49, v62;
	_ =	sdelay $0x3  }
0x51f: {  	[tilespmem:v56+s24+$0x0] =	vst.idx.msk $0xffff, v51  }
0x520: {  	v58 =	vor.u32 v47, v50;
	v57 =	vor.u32 s1, v17;
	v51 =	vld.idx.msk [tilespmem:v53+s14+$0x0], $0xffff  }
0x521: {  	v59 =	vor.u32 v45, v58;
	_ =	sdelay $0x3  }
0x522: {  	[tilespmem:v57+s24+$0x0] =	vst.idx.msk $0xffff, v51  }
0x523: {  	v60 =	vor.u32 s1, v18;
	v51 =	vld.idx.msk [tilespmem:v59+s14+$0x0], $0xffff  }
0x524: {  	v53 =	vor.u32 v49, v58;
	_ =	sdelay $0x3  }
0x525: {  	[tilespmem:v60+s24+$0x0] =	vst.idx.msk $0xffff, v51  }
0x526: {  	v62 =	vor.u32 v46, v50;
	v61 =	vor.u32 s1, v19;
	v51 =	vld.idx.msk [tilespmem:v53+s14+$0x0], $0xffff  }
0x527: {  	v63 =	vor.u32 v45, v62;
	_ =	sdelay $0x3  }
0x528: {  	[tilespmem:v61+s24+$0x0] =	vst.idx.msk $0xffff, v51  }
0x529: {  	v56 =	vor.u32 s1, v20;
	v51 =	vld.idx.msk [tilespmem:v63+s14+$0x0], $0xffff  }
0x52a: {  	v53 =	vor.u32 v49, v62;
	_ =	sdelay $0x3  }
0x52b: {  	[tilespmem:v56+s24+$0x0] =	vst.idx.msk $0xffff, v51  }
0x52c: {  	v58 =	vor.u32 v1, v50;
	v57 =	vor.u32 s1, v21;
	v51 =	vld.idx.msk [tilespmem:v53+s14+$0x0], $0xffff  }
0x52d: {  	v59 =	vor.u32 v45, v58;
	_ =	sdelay $0x3  }
0x52e: {  	[tilespmem:v57+s24+$0x0] =	vst.idx.msk $0xffff, v51  }
0x52f: {  	v60 =	vor.u32 s1, v22;
	v51 =	vld.idx.msk [tilespmem:v59+s14+$0x0], $0xffff  }
0x530: {  	v53 =	vor.u32 v49, v58;
	_ =	sdelay $0x3  }
0x531: {  	[tilespmem:v60+s24+$0x0] =	vst.idx.msk $0xffff, v51  }
0x532: {  	v62 =	vor.u32 v9, v50;
	v61 =	vor.u32 s1, v23;
	v51 =	vld.idx.msk [tilespmem:v53+s14+$0x0], $0xffff  }
0x533: {  	v63 =	vor.u32 v45, v62;
	_ =	sdelay $0x3  }
0x534: {  	[tilespmem:v61+s24+$0x0] =	vst.idx.msk $0xffff, v51  }
0x535: {  	v56 =	vor.u32 s1, v24;
	v51 =	vld.idx.msk [tilespmem:v63+s14+$0x0], $0xffff  }
0x536: {  	v53 =	vor.u32 v49, v62;
	_ =	sdelay $0x3  }
0x537: {  	[tilespmem:v56+s24+$0x0] =	vst.idx.msk $0xffff, v51  }
0x538: {  	v58 =	vor.u32 v8, v50;
	v57 =	vor.u32 s1, v25;
	v51 =	vld.idx.msk [tilespmem:v53+s14+$0x0], $0xffff  }
0x539: {  	v59 =	vor.u32 v45, v58;
	_ =	sdelay $0x3  }
0x53a: {  	[tilespmem:v57+s24+$0x0] =	vst.idx.msk $0xffff, v51  }
0x53b: {  	v60 =	vor.u32 s1, v26;
	v51 =	vld.idx.msk [tilespmem:v59+s14+$0x0], $0xffff  }
0x53c: {  	v53 =	vor.u32 v49, v58;
	_ =	sdelay $0x3  }
0x53d: {  	[tilespmem:v60+s24+$0x0] =	vst.idx.msk $0xffff, v51  }
0x53e: {  	v62 =	vor.u32 v44, v50;
	v61 =	vor.u32 s1, v27;
	v51 =	vld.idx.msk [tilespmem:v53+s14+$0x0], $0xffff  }
0x53f: {  	v63 =	vor.u32 v45, v62;
	_ =	sdelay $0x3  }
0x540: {  	[tilespmem:v61+s24+$0x0] =	vst.idx.msk $0xffff, v51  }
0x541: {  	v56 =	vor.u32 s1, v28;
	v51 =	vld.idx.msk [tilespmem:v63+s14+$0x0], $0xffff  }
0x542: {  	v53 =	vor.u32 v49, v62;
	_ =	sdelay $0x3  }
0x543: {  	[tilespmem:v56+s24+$0x0] =	vst.idx.msk $0xffff, v51  }
0x544: {  	v58 =	vor.u32 v0, v50;
	v57 =	vor.u32 s1, v29;
	v51 =	vld.idx.msk [tilespmem:v53+s14+$0x0], $0xffff  }
0x545: {  	v59 =	vor.u32 v45, v58;
	_ =	sdelay $0x3  }
0x546: {  	[tilespmem:v57+s24+$0x0] =	vst.idx.msk $0xffff, v51  }
0x547: {  	v60 =	vor.u32 s1, v30;
	v51 =	vld.idx.msk [tilespmem:v59+s14+$0x0], $0xffff  }
0x548: {  	v53 =	vor.u32 v49, v58;
	_ =	sdelay $0x3  }
0x549: {  	[tilespmem:v60+s24+$0x0] =	vst.idx.msk $0xffff, v51  }
0x54a: {  	v62 =	vor.u32 v7, v50;
	v61 =	vor.u32 s1, v31;
	v51 =	vld.idx.msk [tilespmem:v53+s14+$0x0], $0xffff  }
0x54b: {  	v63 =	vor.u32 v45, v62;
	_ =	sdelay $0x3  }
0x54c: {  	[tilespmem:v61+s24+$0x0] =	vst.idx.msk $0xffff, v51  }
0x54d: {  	v57 =	vor.u32 s1, v32;
	v51 =	vld.idx.msk [tilespmem:v63+s14+$0x0], $0xffff  }
0x54e: {  	v53 =	vor.u32 v49, v62;
	_ =	sdelay $0x3  }
0x54f: {  	[tilespmem:v57+s24+$0x0] =	vst.idx.msk $0xffff, v51  }
0x550: {  	v58 =	vor.u32 s1, v33;
	v59 =	vor.u32 v6, v50;
	v51 =	vld.idx.msk [tilespmem:v53+s14+$0x0], $0xffff  }
0x551: {  	v60 =	vor.u32 v45, v59;
	_ =	sdelay $0x3  }
0x552: {  	[tilespmem:v58+s24+$0x0] =	vst.idx.msk $0xffff, v51  }
0x553: {  	v61 =	vor.u32 s1, v34;
	v51 =	vld.idx.msk [tilespmem:v60+s14+$0x0], $0xffff  }
0x554: {  	v53 =	vor.u32 v49, v59;
	_ =	sdelay $0x3  }
0x555: {  	[tilespmem:v61+s24+$0x0] =	vst.idx.msk $0xffff, v51  }
0x556: {  	v62 =	vor.u32 s1, v35;
	v63 =	vor.u32 v5, v50;
	v51 =	vld.idx.msk [tilespmem:v53+s14+$0x0], $0xffff  }
0x557: {  	v57 =	vor.u32 v45, v63;
	_ =	sdelay $0x3  }
0x558: {  	[tilespmem:v62+s24+$0x0] =	vst.idx.msk $0xffff, v51  }
0x559: {  	v58 =	vor.u32 s1, v36;
	v51 =	vld.idx.msk [tilespmem:v57+s14+$0x0], $0xffff  }
0x55a: {  	v53 =	vor.u32 v49, v63;
	_ =	sdelay $0x3  }
0x55b: {  	[tilespmem:v58+s24+$0x0] =	vst.idx.msk $0xffff, v51  }
0x55c: {  	v59 =	vor.u32 s1, v37;
	v60 =	vor.u32 v4, v50;
	v51 =	vld.idx.msk [tilespmem:v53+s14+$0x0], $0xffff  }
0x55d: {  	v61 =	vor.u32 v45, v60;
	_ =	sdelay $0x3  }
0x55e: {  	[tilespmem:v59+s24+$0x0] =	vst.idx.msk $0xffff, v51  }
0x55f: {  	v62 =	vor.u32 s1, v38;
	v51 =	vld.idx.msk [tilespmem:v61+s14+$0x0], $0xffff  }
0x560: {  	v53 =	vor.u32 v49, v60;
	_ =	sdelay $0x3  }
0x561: {  	[tilespmem:v62+s24+$0x0] =	vst.idx.msk $0xffff, v51  }
0x562: {  	v63 =	vor.u32 s1, v39;
	v57 =	vor.u32 v3, v50;
	v51 =	vld.idx.msk [tilespmem:v53+s14+$0x0], $0xffff  }
0x563: {  	v58 =	vor.u32 v45, v57;
	_ =	sdelay $0x3  }
0x564: {  	[tilespmem:v63+s24+$0x0] =	vst.idx.msk $0xffff, v51  }
0x565: {  	v59 =	vor.u32 s1, v40;
	v51 =	vld.idx.msk [tilespmem:v58+s14+$0x0], $0xffff  }
0x566: {  	v53 =	vor.u32 v49, v57;
	_ =	sdelay $0x3  }
0x567: {  	[tilespmem:v59+s24+$0x0] =	vst.idx.msk $0xffff, v51  }
0x568: {  	v50 =	vor.u32 v2, v50;
	v60 =	vor.u32 s1, v41;
	v51 =	vld.idx.msk [tilespmem:v53+s14+$0x0], $0xffff  }
0x569: {  	v61 =	vor.u32 v45, v50;
	_ =	sdelay $0x3  }
0x56a: {  	[tilespmem:v60+s24+$0x0] =	vst.idx.msk $0xffff, v51  }
0x56b: {  	v62 =	vor.u32 s1, v42;
	v51 =	vld.idx.msk [tilespmem:v61+s14+$0x0], $0xffff  }
0x56c: {  	v50 =	vor.u32 v49, v50;
	_ =	sdelay $0x3  }
0x56d: {  	[tilespmem:v62+s24+$0x0] =	vst.idx.msk $0xffff, v51  }
0x56e: {  	v63 =	vor.u32 s1, v43;
	v50 =	vld.idx.msk [tilespmem:v50+s14+$0x0], $0xffff;
	_ =	sdelay $0x4  }
0x56f: {  	s1 =	rddreg [dreg:$0x3];
	[tilespmem:v63+s24+$0x0] =	vst.idx.msk $0xffff, v50  }
0x570: {  	[hbm4b:s1+s4] =	stream.linear.scatter [tilespmem:s24], [sflag:$0x3], $0x2000, $0x38;
	[tilespmem:$0x1B400] =	vst v63  }
0x571: {  	_ =	swait.ge [sflag:s12], $0x2000  }
0x572: {  	[sflag:s12] =	ssyncset.done $0x0  }
0x573: {  	s6 =	rddreg [dreg:$0x5];
	[sflag:s12] =	ssyncadd.s32 $0xFFFFE000  }
0x574: {  	[hbm4b:s6+s4] =	stream.linear.scatter [tilespmem:s26], [sflag:$0x3], $0x2000, $0x38;
	[tilespmem:$0x1B400] =	vst v63  }
0x575: {  	_ =	swait.ge [sflag:s12], $0x2000  }
0x576: {  	[sflag:s12] =	ssyncset.done $0x0  }
0x577: {  	s10 =	rddreg [dreg:$0x6];
	[sflag:s12] =	ssyncadd.s32 $0xFFFFE000  }
0x578: {  	[hbm4b:s10+s4] =	stream.linear.scatter [tilespmem:s7], [sflag:$0x3], $0x2000, $0x38;
	[tilespmem:$0x1B400] =	vst v63  }
0x579: {  	_ =	swait.ge [sflag:s12], $0x2000  }
0x57a: {  	[sflag:s12] =	ssyncset.done $0x0  }
0x57b: {  	s11 =	rddreg [dreg:$0x7];
	[sflag:s12] =	ssyncadd.s32 $0xFFFFE000  }
0x57c: {  	[hbm4b:s11+s4] =	stream.linear.scatter [tilespmem:s8], [sflag:$0x3], $0x2000, $0x38;
	[tilespmem:$0x1B400] =	vst v63  }
0x57d: {  	_ =	swait.ge [sflag:s12], $0x2000  }
0x57e: {  	s30 =	rddreg [dreg:$0x9]  }
0x57f: {  	s31 =	rddreg [dreg:$0x8];
	s1 =	sadd.s32 $0x1, s30  }
0x580: {  	p0 =	sne.s32 s1, s31  }
.Ltmp4:
0x581: {  	_ = 	snop;
	(pc) =	sbr.rel @p0 .LBB2_1-.Ltmp4, $3  }
0x582: {  	_ =	sdelay $0x1  }
0x583: {  	[sflag:s12] =	ssyncset.done $0x0  }
0x584: {  	[sflag:s12] =	ssyncadd.s32 $0xFFFFE000  }
0x585: {  	_ =	sfence.sel $0x180000  }
0x586: {  	[bflag:$0x0] =	sbarrier.arrive $0xFFFF  }
0x587: {  	_ =	strace $0x90000047  }
0x588: {  	s0 =	stileid.u32;
	[bflag:$0x2] =	sbarrier.arrive $0xFFFF  }
0x589: {  	p0 =	sne.s32 s0, $0x0;
	s0 =	rddreg [dreg:$0x2]  }
0x58a: {  	s0 =	sadd.s32 @!p0 $0x100000, s0  }
0x58b: {  	[sflag:s0] =	ssyncadd.tile.s32 @!p0 $0x1;
	_ =	shalt  }
.Lfunc_end2:
_tile_overlayer_lowered:
.L_overlay_start_2:
0x58c: {  	(tag) =	ssettag $0x2  }
0x58d: {  	s0 =	rddreg [dreg:$0x0];
	s2 =	stileid.u32  }
0x58e: {  	s1 =	rddreg [dreg:$0x1];
	p0 =	sne.s32 s2, $0x0  }
0x58f: {  	s3 =	rddreg [dreg:$0x2];
	[bflag:$0x3] =	sbarrier.arrive $0xFFFF;
	s2 =	simm.s32 @!p0 $0x1C03  }
0x590: {  	[timem:s3], [sflag:s2] =	dma.local @!p0 [hbm:s0], s1  }
0x591: {  	s0 =	simm.s32 @!p0 $0x3  }
0x592: {  	_ =	swait.ge @!p0 [sflag:s0], s1  }
0x593: {  	s1 =	ssub.s32 @!p0 $0x0, s1;
	[sflag:s0] =	ssyncset.done @!p0 $0x0  }
0x594: {  	[sflag:s0] =	ssyncadd.s32 @!p0 s1  }
0x595: {  	[bflag:$0x3] =	sbarrier.arrive $0xFFFF  }
0x596: {  	_ =	shalt  }

</sc_bundles>
